<compile_context>
chip_gen: v7x
topology: tpu7x:2x2x1
jax: 0.10.2.dev20260603
libtpu: 0.0.44.dev20260713+nightly
codegen_flags: <defaults>
</compile_context>

<pallas_src>
import functools

import jax
import jax.numpy as jnp
from jax import lax
from jax.experimental import pallas as pl
from jax.experimental.pallas import tpu as pltpu
from jax.experimental.pallas import tpu_sc as plsc

S = 2048
D = 1024
H = 16
DH = 64
E = 8
K = 2
F = 512
EPS = 1e-6

TQ = 256
TM = 256
NPAD = 6144
NT = NPAD // TM


def _rms(x, g):
    v = jnp.mean(x * x, axis=-1, keepdims=True)
    return x * lax.rsqrt(v + EPS) * g


def _qkv_kernel(h_ref, g_ref, w_ref, qkv_ref):
    x = _rms(h_ref[...], g_ref[...])
    qkv_ref[...] = jnp.dot(x.astype(jnp.bfloat16), w_ref[...].astype(jnp.bfloat16),
                           preferred_element_type=jnp.float32).astype(jnp.bfloat16)


def _qkv(hidden, gamma, Wqkv_b):
    return pl.pallas_call(
        _qkv_kernel,
        grid=(S // TQ,),
        in_specs=[
            pl.BlockSpec((TQ, D), lambda i: (i, 0)),
            pl.BlockSpec((1, D), lambda i: (0, 0)),
            pl.BlockSpec((D, 3 * D), lambda i: (0, 0)),
        ],
        out_specs=pl.BlockSpec((TQ, 3 * D), lambda i: (i, 0)),
        out_shape=jax.ShapeDtypeStruct((S, 3 * D), jnp.bfloat16),    )(hidden, gamma, Wqkv_b)


def _attn_kernel(q_ref, kv_ref, o_ref):
    qb = pl.program_id(0)
    rows = qb * TQ + lax.broadcasted_iota(jnp.int32, (TQ, S), 0)
    cols = lax.broadcasted_iota(jnp.int32, (TQ, S), 1)
    causal = cols <= rows
    outs = []
    for h in range(H):
        q = q_ref[:, h * DH:(h + 1) * DH]
        k = kv_ref[:, D + h * DH:D + (h + 1) * DH]
        v = kv_ref[:, 2 * D + h * DH:2 * D + (h + 1) * DH]
        s = lax.dot_general(q, k, (((1,), (1,)), ((), ())),
                            preferred_element_type=jnp.float32)
        s = s * (1.0 / 8.0)
        s = jnp.where(causal, s, jnp.finfo(jnp.float32).min)
        m = jnp.max(s, axis=-1, keepdims=True)
        p = jnp.exp(s - m)
        l = jnp.sum(p, axis=-1, keepdims=True)
        outs.append(jnp.dot(p.astype(jnp.bfloat16), v,
                            preferred_element_type=jnp.float32) / l)
    o_ref[...] = jnp.concatenate(outs, axis=1).astype(jnp.bfloat16)


def _attn(qkv):
    return pl.pallas_call(
        _attn_kernel,
        grid=(S // TQ,),
        in_specs=[
            pl.BlockSpec((TQ, 3 * D), lambda qb: (qb, 0)),
            pl.BlockSpec((S, 3 * D), lambda qb: (0, 0)),
        ],
        out_specs=pl.BlockSpec((TQ, D), lambda qb: (qb, 0)),
        out_shape=jax.ShapeDtypeStruct((S, D), jnp.bfloat16),    )(qkv, qkv)


def _oproj_kernel(a_ref, res_ref, wo_ref, g_ref, wg_ref,
                  h2_ref, hn_ref, sel_ref, w_ref, rank_ref, cnt_ref, run_ref):
    step = pl.program_id(0)

    @pl.when(step == 0)
    def _init():
        run_ref[...] = jnp.zeros_like(run_ref)

    o = jnp.dot(a_ref[...].astype(jnp.bfloat16), wo_ref[...].astype(jnp.bfloat16),
                preferred_element_type=jnp.float32)
    h2 = res_ref[...] + o
    h2_ref[...] = h2
    hn = _rms(h2, g_ref[...])
    hn_ref[...] = hn
    logits = jnp.dot(hn.astype(jnp.bfloat16), wg_ref[...].astype(jnp.bfloat16),
                     preferred_element_type=jnp.float32)
    m = jnp.max(logits, axis=-1, keepdims=True)
    p = jnp.exp(logits - m)
    probs = p / jnp.sum(p, axis=-1, keepdims=True)
    idx = lax.broadcasted_iota(jnp.int32, (TQ, E), 1)
    m1 = jnp.max(probs, axis=-1, keepdims=True)
    i1 = jnp.min(jnp.where(probs == m1, idx, E), axis=-1, keepdims=True)
    probs2 = jnp.where(idx == i1, -1.0, probs)
    m2 = jnp.max(probs2, axis=-1, keepdims=True)
    i2 = jnp.min(jnp.where(probs2 == m2, idx, E), axis=-1, keepdims=True)
    tot = m1 + m2
    w1 = m1 / tot
    w2 = m2 / tot
    sel_ref[...] = jnp.where(idx == 0, i1, jnp.where(idx == 1, i2, 0))
    w_ref[...] = jnp.where(idx == 0, w1, jnp.where(idx == 1, w2, 0.0))

    oh1 = (idx == i1).astype(jnp.float32)
    oh2 = (idx == i2).astype(jnp.float32)
    oh = (oh1 + oh2).astype(jnp.bfloat16)
    r = lax.broadcasted_iota(jnp.int32, (TQ, TQ), 0)
    c = lax.broadcasted_iota(jnp.int32, (TQ, TQ), 1)
    tri = (c < r).astype(jnp.bfloat16)
    excl = jnp.dot(tri, oh, preferred_element_type=jnp.float32)
    run = run_ref[...]
    rank1 = jnp.sum((excl + run) * oh1, axis=-1, keepdims=True)
    rank2 = jnp.sum((excl + run) * oh2, axis=-1, keepdims=True)
    rank_ref[...] = jnp.where(idx == 0, rank1, jnp.where(idx == 1, rank2, 0.0))
    new_run = run + jnp.sum(oh1 + oh2, axis=0, keepdims=True)
    run_ref[...] = new_run
    cnt_ref[...] = new_run


def _oproj_router(attn, hidden, Wo_b, gamma, Wg):
    return pl.pallas_call(
        _oproj_kernel,
        grid=(S // TQ,),
        in_specs=[
            pl.BlockSpec((TQ, D), lambda i: (i, 0)),
            pl.BlockSpec((TQ, D), lambda i: (i, 0)),
            pl.BlockSpec((D, D), lambda i: (0, 0)),
            pl.BlockSpec((1, D), lambda i: (0, 0)),
            pl.BlockSpec((D, E), lambda i: (0, 0)),
        ],
        out_specs=[
            pl.BlockSpec((TQ, D), lambda i: (i, 0)),
            pl.BlockSpec((TQ, D), lambda i: (i, 0)),
            pl.BlockSpec((TQ, E), lambda i: (i, 0)),
            pl.BlockSpec((TQ, E), lambda i: (i, 0)),
            pl.BlockSpec((TQ, E), lambda i: (i, 0)),
            pl.BlockSpec((1, E), lambda i: (0, 0)),
        ],
        out_shape=[
            jax.ShapeDtypeStruct((S, D), jnp.float32),
            jax.ShapeDtypeStruct((S, D), jnp.float32),
            jax.ShapeDtypeStruct((S, E), jnp.int32),
            jax.ShapeDtypeStruct((S, E), jnp.float32),
            jax.ShapeDtypeStruct((S, E), jnp.float32),
            jax.ShapeDtypeStruct((1, E), jnp.float32),
        ],
        scratch_shapes=[pltpu.VMEM((1, E), jnp.float32)],    )(attn, hidden, Wo_b, gamma, Wg)


def _gmm_kernel(te_ref, fill_ref, xs_ref, w1_ref, w2_ref, ys_ref):
    del te_ref
    t = pl.program_id(0)
    x = xs_ref[...].astype(jnp.bfloat16)
    gu = jnp.dot(x, w1_ref[...].astype(jnp.bfloat16),
                 preferred_element_type=jnp.float32)
    g = gu[:, :F]
    u = gu[:, F:]
    act = (g / (1.0 + jnp.exp(-g))) * u
    y = jnp.dot(act.astype(jnp.bfloat16), w2_ref[...].astype(jnp.bfloat16),
                preferred_element_type=jnp.float32)
    valid = lax.broadcasted_iota(jnp.int32, (TM, 1), 0) < fill_ref[t]
    ys_ref[...] = jnp.where(valid, y, 0.0)


def _gmm(tile_expert, tile_fill, xs, W1_b, W2_b):
    grid_spec = pltpu.PrefetchScalarGridSpec(
        num_scalar_prefetch=2,
        grid=(NT,),
        in_specs=[
            pl.BlockSpec((TM, D), lambda t, te, fl: (t, 0)),
            pl.BlockSpec((D, 2 * F), lambda t, te, fl: (te[t], 0)),
            pl.BlockSpec((F, D), lambda t, te, fl: (te[t], 0)),
        ],
        out_specs=pl.BlockSpec((TM, D), lambda t, te, fl: (t, 0)),
    )
    return pl.pallas_call(
        _gmm_kernel,
        grid_spec=grid_spec,
        out_shape=jax.ShapeDtypeStruct((NPAD, D), jnp.float32),    )(tile_expert, tile_fill, xs,
      W1_b.reshape(E * D, 2 * F), W2_b.reshape(E * F, D))


def _routing_plan(sel, rank, counts):
    counts_i = counts.reshape(E).astype(jnp.int32)
    gpad = ((counts_i + TM - 1) // TM) * TM
    startp = jnp.concatenate([jnp.zeros((1,), jnp.int32),
                              jnp.cumsum(gpad)[:-1].astype(jnp.int32)])
    pos0 = startp[sel[:, 0]] + rank[:, 0].astype(jnp.int32)
    pos1 = startp[sel[:, 1]] + rank[:, 1].astype(jnp.int32)
    tstart = jnp.arange(NT, dtype=jnp.int32) * TM
    te = jnp.sum(tstart[:, None] >= startp[None, :], axis=1) - 1
    te = jnp.clip(te, 0, E - 1).astype(jnp.int32)
    fill = jnp.clip(counts_i[te] - (tstart - startp[te]), 0, TM).astype(jnp.int32)
    return pos0, pos1, te, fill


NC = 2
NS = 16
NW = NC * NS
CHUNK = S // NW
CB = 32


def _dispatch_sc(hn, pos0, pos1):
    mesh = plsc.VectorSubcoreMesh(core_axis_name="c", subcore_axis_name="s")

    @functools.partial(
        pl.kernel, mesh=mesh,
        out_type=jax.ShapeDtypeStruct((NPAD, D), jnp.float32),
        scratch_types=[pltpu.VMEM((CHUNK,), jnp.int32),
                       pltpu.VMEM((CHUNK,), jnp.int32),
                       pltpu.VMEM((CHUNK, D), jnp.float32),
                       pltpu.SemaphoreType.DMA],
    )
    def k(hn_hbm, p0_hbm, p1_hbm, xs_hbm, i0_v, i1_v, rows_v, sem):
        wid = lax.axis_index("s") * NC + lax.axis_index("c")
        base = wid * CHUNK
        pltpu.sync_copy(p0_hbm.at[pl.ds(base, CHUNK)], i0_v)
        pltpu.sync_copy(p1_hbm.at[pl.ds(base, CHUNK)], i1_v)
        pltpu.sync_copy(hn_hbm.at[pl.ds(base, CHUNK)], rows_v)
        c0 = pltpu.async_copy(rows_v, xs_hbm.at[i0_v], sem)
        c1 = pltpu.async_copy(rows_v, xs_hbm.at[i1_v], sem)
        c0.wait()
        c1.wait()

    return k(hn, pos0, pos1)


def _combine_sc(h2, ys, pos0, pos1, w0, w1):
    mesh = plsc.VectorSubcoreMesh(core_axis_name="c", subcore_axis_name="s")

    @functools.partial(
        pl.kernel, mesh=mesh,
        out_type=jax.ShapeDtypeStruct((S, D), jnp.float32),
        scratch_types=[pltpu.VMEM((CB,), jnp.int32),
                       pltpu.VMEM((CB,), jnp.int32),
                       pltpu.VMEM((CB, 16), jnp.float32),
                       pltpu.VMEM((CB, 16), jnp.float32),
                       pltpu.VMEM((CB, D), jnp.float32),
                       pltpu.VMEM((CB, D), jnp.float32),
                       pltpu.VMEM((CB, D), jnp.float32),
                       pltpu.SemaphoreType.DMA],
    )
    def k(h2_hbm, ys_hbm, p0_hbm, p1_hbm, w0_hbm, w1_hbm, out_hbm,
          i0_v, i1_v, w0_v, w1_v, a_v, b_v, c_v, sem):
        wid = lax.axis_index("s") * NC + lax.axis_index("c")
        for sub in range(CHUNK // CB):
            base = wid * CHUNK + sub * CB
            pltpu.sync_copy(p0_hbm.at[pl.ds(base, CB)], i0_v)
            pltpu.sync_copy(p1_hbm.at[pl.ds(base, CB)], i1_v)
            pltpu.sync_copy(w0_hbm.at[pl.ds(base, CB)], w0_v)
            pltpu.sync_copy(w1_hbm.at[pl.ds(base, CB)], w1_v)
            g0 = pltpu.async_copy(ys_hbm.at[i0_v], a_v, sem)
            g1 = pltpu.async_copy(ys_hbm.at[i1_v], b_v, sem)
            pltpu.sync_copy(h2_hbm.at[pl.ds(base, CB)], c_v)
            g0.wait()
            g1.wait()

            def body(i, carry):
                wa = w0_v[i, :]
                wb = w1_v[i, :]
                for j in range(0, D, 16):
                    c_v[i, pl.ds(j, 16)] = (c_v[i, pl.ds(j, 16)]
                                            + wa * a_v[i, pl.ds(j, 16)]
                                            + wb * b_v[i, pl.ds(j, 16)])
                return carry

            lax.fori_loop(0, CB, body, 0)
            pltpu.sync_copy(c_v, out_hbm.at[pl.ds(base, CB)])

    return k(h2, ys, pos0, pos1, w0, w1)


def kernel(hidden_states, pre_ln_gamma, post_ln_gamma, Wqkv, Wo, Wg, W1, W2):
    Wqkv_b = Wqkv
    Wo_b = Wo
    W1_b = W1
    W2_b = W2

    qkv = _qkv(hidden_states, pre_ln_gamma.reshape(1, D), Wqkv_b)
    attn = _attn(qkv)
    h2, hn, sel, w, rank, counts = _oproj_router(attn, hidden_states, Wo_b,
                                                 post_ln_gamma.reshape(1, D), Wg)
    pos0, pos1, te, fill = _routing_plan(sel, rank, counts)
    xs = _dispatch_sc(hn, pos0, pos1)
    ys = _gmm(te, fill, xs, W1_b, W2_b)
    w0x = jnp.broadcast_to(w[:, 0:1], (S, 16))
    w1x = jnp.broadcast_to(w[:, 1:2], (S, 16))
    out = _combine_sc(h2, ys, pos0, pos1, w0x, w1x)
    return out

# --- scband reference (transcript-rebuilt; emitter-appended) ---
"""Pipeline reference for scband-tbstars2-mo-edecoder-layer-45457933860925 (READ-ONLY COPY).

The authoritative reference and input builder live on the scoring server;
editing this copy changes nothing except your own understanding.
"""

import jax, jax.numpy as jnp
import numpy as np

S = 2048   # sequence_length (tokens, 2D token-major like the torch module)
D = 1024   # hidden_size
H = 16     # head_num
DH = 64    # size_per_head
E = 8      # expert_num
K = 2      # moe_k (top_k)
F = 512    # moe_inter_padding_size (ffn_dim)
EPS = 1e-6


def setup_inputs(seed: int = 0) -> dict:
    key = jax.random.key(seed)
    ks = jax.random.split(key, 8)
    def nrm(k, shape, sc=0.02):
        return jax.random.normal(k, shape, dtype=jnp.float32) * sc
    return {
        "hidden_states": jax.random.normal(ks[0], (S, D), dtype=jnp.float32),
        "pre_ln_gamma": jnp.ones((D,), jnp.float32),
        "post_ln_gamma": jnp.ones((D,), jnp.float32),
        "Wqkv": nrm(ks[1], (D, 3 * D)),
        "Wo": nrm(ks[2], (D, D)),
        "Wg": nrm(ks[3], (D, E)),   # router gate (no bias)
        "W1": nrm(ks[4], (E, D, 2 * F)),  # fused gate+up per expert
        "W2": nrm(ks[5], (E, F, D)),      # down proj per expert
    }


def _rmsnorm(x, g):
    v = jnp.mean(x * x, axis=-1, keepdims=True)
    return x * jax.lax.rsqrt(v + EPS) * g


def _attention(h, Wqkv, Wo):
    qkv = h @ Wqkv
    q, k, v = jnp.split(qkv, 3, axis=-1)
    q = q.reshape(S, H, DH).transpose(1, 0, 2)
    k = k.reshape(S, H, DH).transpose(1, 0, 2)
    v = v.reshape(S, H, DH).transpose(1, 0, 2)
    scores = jnp.einsum('hqd,hkd->hqk', q, k) / jnp.sqrt(jnp.float32(DH))
    mask = jnp.tril(jnp.ones((S, S), dtype=bool))
    scores = jnp.where(mask[None, :, :], scores, jnp.finfo(jnp.float32).min)
    p = jax.nn.softmax(scores, axis=-1)
    o = jnp.einsum('hqk,hkd->hqd', p, v)
    o = o.transpose(1, 0, 2).reshape(S, D)
    return o @ Wo


def _moe_block(hn, Wg, W1, W2):
    # gate -> fp32 router logits -> softmax -> top-k select -> renormalize
    router_logits = hn @ Wg
    router_logits_fp32 = router_logits.astype(jnp.float32)
    probs = jax.nn.softmax(router_logits_fp32, axis=-1)
    routing_weights, selected_experts = jax.lax.top_k(probs, K)
    routing_weights = routing_weights / jnp.sum(routing_weights, axis=-1, keepdims=True)
    # scatter routing weights into dense [S, E] combine matrix
    w_full = jnp.zeros((S, E), jnp.float32).at[jnp.arange(S)[:, None], selected_experts].add(routing_weights)
    final = jnp.zeros((S, D), jnp.float32)
    for e in range(E):
        gu = hn @ W1[e]
        g_part, u_part = jnp.split(gu, 2, axis=-1)
        eo = (jax.nn.silu(g_part) * u_part) @ W2[e]
        final = final + w_full[:, e:e + 1] * eo
    return final, router_logits


def reference(hidden_states, pre_ln_gamma, post_ln_gamma, Wqkv, Wo, Wg, W1, W2):
    residual = hidden_states
    h = _rmsnorm(hidden_states, pre_ln_gamma)
    h = _attention(h, Wqkv, Wo)
    h = residual + h
    residual = h
    hn = _rmsnorm(h, post_ln_gamma)
    experts_output, router_logits = _moe_block(hn, Wg, W1, W2)
    out = residual + experts_output
    return out

if __name__ == "__main__":
    import jax
    _d = setup_inputs()
    print(jax.jit(kernel)(*tuple(_d.values())))

</pallas_src>

<mosaic_0001>
#map = affine_map<(d0, d1) -> (0, 0)>
#map1 = affine_map<(d0, d1) -> (0)>
module attributes {stable_mosaic.version = 14 : i64} {
  func.func @k(%arg0: i32, %arg1: i32, %arg2: memref<2048x1024xf32, #tpu.memory_space<hbm>>, %arg3: memref<6144x1024xf32, #tpu.memory_space<hbm>>, %arg4: memref<2048xi32, #tpu.memory_space<hbm>>, %arg5: memref<2048xi32, #tpu.memory_space<hbm>>, %arg6: memref<2048x16xf32, #tpu.memory_space<hbm>>, %arg7: memref<2048x16xf32, #tpu.memory_space<hbm>>, %arg8: memref<2048x1024xf32, #tpu.memory_space<hbm>>, %arg9: memref<32xi32, #tpu.memory_space<vmem>>, %arg10: memref<32xi32, #tpu.memory_space<vmem>>, %arg11: memref<32x16xf32, #tpu.memory_space<vmem>>, %arg12: memref<32x16xf32, #tpu.memory_space<vmem>>, %arg13: memref<32x1024xf32, #tpu.memory_space<vmem>>, %arg14: memref<32x1024xf32, #tpu.memory_space<vmem>>, %arg15: memref<32x1024xf32, #tpu.memory_space<vmem>>, %arg16: memref<!tpu.dma_semaphore, #tpu.memory_space<semaphore_mem>>) attributes {dimension_semantics = [#tpu.dimension_semantics<core_parallel>, #tpu.dimension_semantics<subcore_parallel>], iteration_bounds = array<i64: 2, 16>, scalar_prefetch = 0 : i64, scratch_operands = 8 : i64, tpu.core_type = #tpu.core_type<sc_vector_subcore>, window_params = [{transform_indices = #map}, {transform_indices = #map}, {transform_indices = #map1}, {transform_indices = #map1}, {transform_indices = #map}, {transform_indices = #map}, {transform_indices = #map}]} {
    %mul3A = arith.constant 2 : i32
    %mul3A_0 = arith.muli %arg1, %mul3A : i32
    %add3A = arith.addi %mul3A_0, %arg0 : i32
    %mul3A_1 = arith.constant 64 : i32
    %mul3A_2 = arith.muli %add3A, %mul3A_1 : i32
    %add3A_3 = arith.constant 0 : i32
    %add3A_4 = arith.addi %mul3A_2, %add3A_3 : i32
    "tpu.region"() ({
      %run_scoped3A = tpu.sem_alloc : memref<!tpu.dma_semaphore, #tpu.memory_space<semaphore_mem>>
      %dma_start3A_42 = tpu.memref_slice %arg4[%add3A_4] : memref<2048xi32, #tpu.memory_space<hbm>> -> memref<32xi32, #tpu.memory_space<hbm>>
      %dma_start3A_43 = tpu.memref_slice %arg4[%add3A_4] : memref<2048xi32, #tpu.memory_space<hbm>> -> memref<32xi32, #tpu.memory_space<hbm>>
      tpu.enqueue_dma source(%dma_start3A_43 : memref<32xi32, #tpu.memory_space<hbm>>) target(%arg9 : memref<32xi32, #tpu.memory_space<vmem>>) target_semaphore(%run_scoped3A : memref<!tpu.dma_semaphore, #tpu.memory_space<semaphore_mem>>)
      %dma_wait3A_44 = tpu.memref_slice %arg4[%add3A_4] : memref<2048xi32, #tpu.memory_space<hbm>> -> memref<32xi32, #tpu.memory_space<hbm>>
      %dma_wait3A_45 = tpu.memref_slice %arg4[%add3A_4] : memref<2048xi32, #tpu.memory_space<hbm>> -> memref<32xi32, #tpu.memory_space<hbm>>
      tpu.wait_dma2 semaphore(%run_scoped3A : memref<!tpu.dma_semaphore, #tpu.memory_space<semaphore_mem>>) src(%dma_wait3A_45 : memref<32xi32, #tpu.memory_space<hbm>>) dst(%arg9 : memref<32xi32, #tpu.memory_space<vmem>>)
      tpu.yield
    }) : () -> ()
    "tpu.region"() ({
      %run_scoped3A = tpu.sem_alloc : memref<!tpu.dma_semaphore, #tpu.memory_space<semaphore_mem>>
      %dma_start3A_42 = tpu.memref_slice %arg5[%add3A_4] : memref<2048xi32, #tpu.memory_space<hbm>> -> memref<32xi32, #tpu.memory_space<hbm>>
      %dma_start3A_43 = tpu.memref_slice %arg5[%add3A_4] : memref<2048xi32, #tpu.memory_space<hbm>> -> memref<32xi32, #tpu.memory_space<hbm>>
      tpu.enqueue_dma source(%dma_start3A_43 : memref<32xi32, #tpu.memory_space<hbm>>) target(%arg10 : memref<32xi32, #tpu.memory_space<vmem>>) target_semaphore(%run_scoped3A : memref<!tpu.dma_semaphore, #tpu.memory_space<semaphore_mem>>)
      %dma_wait3A_44 = tpu.memref_slice %arg5[%add3A_4] : memref<2048xi32, #tpu.memory_space<hbm>> -> memref<32xi32, #tpu.memory_space<hbm>>
      %dma_wait3A_45 = tpu.memref_slice %arg5[%add3A_4] : memref<2048xi32, #tpu.memory_space<hbm>> -> memref<32xi32, #tpu.memory_space<hbm>>
      tpu.wait_dma2 semaphore(%run_scoped3A : memref<!tpu.dma_semaphore, #tpu.memory_space<semaphore_mem>>) src(%dma_wait3A_45 : memref<32xi32, #tpu.memory_space<hbm>>) dst(%arg10 : memref<32xi32, #tpu.memory_space<vmem>>)
      tpu.yield
    }) : () -> ()
    "tpu.region"() ({
      %run_scoped3A = tpu.sem_alloc : memref<!tpu.dma_semaphore, #tpu.memory_space<semaphore_mem>>
      %dma_start3A_42 = arith.constant 0 : i32
      %dma_start3A_43 = tpu.memref_slice %arg6[%add3A_4, %dma_start3A_42] : memref<2048x16xf32, #tpu.memory_space<hbm>> -> memref<32x16xf32, #tpu.memory_space<hbm>>
      %dma_start3A_44 = arith.constant 0 : i32
      %dma_start3A_45 = tpu.memref_slice %arg6[%add3A_4, %dma_start3A_44] : memref<2048x16xf32, #tpu.memory_space<hbm>> -> memref<32x16xf32, #tpu.memory_space<hbm>>
      tpu.enqueue_dma source(%dma_start3A_45 : memref<32x16xf32, #tpu.memory_space<hbm>>) target(%arg11 : memref<32x16xf32, #tpu.memory_space<vmem>>) target_semaphore(%run_scoped3A : memref<!tpu.dma_semaphore, #tpu.memory_space<semaphore_mem>>)
      %dma_wait3A_46 = arith.constant 0 : i32
      %dma_wait3A_47 = tpu.memref_slice %arg6[%add3A_4, %dma_wait3A_46] : memref<2048x16xf32, #tpu.memory_space<hbm>> -> memref<32x16xf32, #tpu.memory_space<hbm>>
      %dma_wait3A_48 = arith.constant 0 : i32
      %dma_wait3A_49 = tpu.memref_slice %arg6[%add3A_4, %dma_wait3A_48] : memref<2048x16xf32, #tpu.memory_space<hbm>> -> memref<32x16xf32, #tpu.memory_space<hbm>>
      tpu.wait_dma2 semaphore(%run_scoped3A : memref<!tpu.dma_semaphore, #tpu.memory_space<semaphore_mem>>) src(%dma_wait3A_49 : memref<32x16xf32, #tpu.memory_space<hbm>>) dst(%arg11 : memref<32x16xf32, #tpu.memory_space<vmem>>)
      tpu.yield
    }) : () -> ()
    "tpu.region"() ({
      %run_scoped3A = tpu.sem_alloc : memref<!tpu.dma_semaphore, #tpu.memory_space<semaphore_mem>>
      %dma_start3A_42 = arith.constant 0 : i32
      %dma_start3A_43 = tpu.memref_slice %arg7[%add3A_4, %dma_start3A_42] : memref<2048x16xf32, #tpu.memory_space<hbm>> -> memref<32x16xf32, #tpu.memory_space<hbm>>
      %dma_start3A_44 = arith.constant 0 : i32
      %dma_start3A_45 = tpu.memref_slice %arg7[%add3A_4, %dma_start3A_44] : memref<2048x16xf32, #tpu.memory_space<hbm>> -> memref<32x16xf32, #tpu.memory_space<hbm>>
      tpu.enqueue_dma source(%dma_start3A_45 : memref<32x16xf32, #tpu.memory_space<hbm>>) target(%arg12 : memref<32x16xf32, #tpu.memory_space<vmem>>) target_semaphore(%run_scoped3A : memref<!tpu.dma_semaphore, #tpu.memory_space<semaphore_mem>>)
      %dma_wait3A_46 = arith.constant 0 : i32
      %dma_wait3A_47 = tpu.memref_slice %arg7[%add3A_4, %dma_wait3A_46] : memref<2048x16xf32, #tpu.memory_space<hbm>> -> memref<32x16xf32, #tpu.memory_space<hbm>>
      %dma_wait3A_48 = arith.constant 0 : i32
      %dma_wait3A_49 = tpu.memref_slice %arg7[%add3A_4, %dma_wait3A_48] : memref<2048x16xf32, #tpu.memory_space<hbm>> -> memref<32x16xf32, #tpu.memory_space<hbm>>
      tpu.wait_dma2 semaphore(%run_scoped3A : memref<!tpu.dma_semaphore, #tpu.memory_space<semaphore_mem>>) src(%dma_wait3A_49 : memref<32x16xf32, #tpu.memory_space<hbm>>) dst(%arg12 : memref<32x16xf32, #tpu.memory_space<vmem>>)
      tpu.yield
    }) : () -> ()
    %dma_start3A = arith.constant 0 : i32
    %dma_start3A_5 = arith.constant 0 : i32
    %dma_start3A_6 = tpu.memref_slice %arg3[%dma_start3A, %dma_start3A_5] : memref<6144x1024xf32, #tpu.memory_space<hbm>> -> memref<6144x1024xf32, #tpu.memory_space<hbm>>
    tpu.enqueue_indirect_dma source(%dma_start3A_6 : memref<6144x1024xf32, #tpu.memory_space<hbm>>) target(%arg13 : memref<32x1024xf32, #tpu.memory_space<vmem>>) offsets(%arg9 : memref<32xi32, #tpu.memory_space<vmem>>) semaphore(%arg16 : memref<!tpu.dma_semaphore, #tpu.memory_space<semaphore_mem>>)
    %dma_start3A_7 = arith.constant 0 : i32
    %dma_start3A_8 = arith.constant 0 : i32
    %dma_start3A_9 = tpu.memref_slice %arg3[%dma_start3A_7, %dma_start3A_8] : memref<6144x1024xf32, #tpu.memory_space<hbm>> -> memref<6144x1024xf32, #tpu.memory_space<hbm>>
    tpu.enqueue_indirect_dma source(%dma_start3A_9 : memref<6144x1024xf32, #tpu.memory_space<hbm>>) target(%arg14 : memref<32x1024xf32, #tpu.memory_space<vmem>>) offsets(%arg10 : memref<32xi32, #tpu.memory_space<vmem>>) semaphore(%arg16 : memref<!tpu.dma_semaphore, #tpu.memory_space<semaphore_mem>>)
    "tpu.region"() ({
      %run_scoped3A = tpu.sem_alloc : memref<!tpu.dma_semaphore, #tpu.memory_space<semaphore_mem>>
      %dma_start3A_42 = arith.constant 0 : i32
      %dma_start3A_43 = tpu.memref_slice %arg2[%add3A_4, %dma_start3A_42] : memref<2048x1024xf32, #tpu.memory_space<hbm>> -> memref<32x1024xf32, #tpu.memory_space<hbm>>
      %dma_start3A_44 = arith.constant 0 : i32
      %dma_start3A_45 = tpu.memref_slice %arg2[%add3A_4, %dma_start3A_44] : memref<2048x1024xf32, #tpu.memory_space<hbm>> -> memref<32x1024xf32, #tpu.memory_space<hbm>>
      tpu.enqueue_dma source(%dma_start3A_45 : memref<32x1024xf32, #tpu.memory_space<hbm>>) target(%arg15 : memref<32x1024xf32, #tpu.memory_space<vmem>>) target_semaphore(%run_scoped3A : memref<!tpu.dma_semaphore, #tpu.memory_space<semaphore_mem>>)
      %dma_wait3A_46 = arith.constant 0 : i32
      %dma_wait3A_47 = tpu.memref_slice %arg2[%add3A_4, %dma_wait3A_46] : memref<2048x1024xf32, #tpu.memory_space<hbm>> -> memref<32x1024xf32, #tpu.memory_space<hbm>>
      %dma_wait3A_48 = arith.constant 0 : i32
      %dma_wait3A_49 = tpu.memref_slice %arg2[%add3A_4, %dma_wait3A_48] : memref<2048x1024xf32, #tpu.memory_space<hbm>> -> memref<32x1024xf32, #tpu.memory_space<hbm>>
      tpu.wait_dma2 semaphore(%run_scoped3A : memref<!tpu.dma_semaphore, #tpu.memory_space<semaphore_mem>>) src(%dma_wait3A_49 : memref<32x1024xf32, #tpu.memory_space<hbm>>) dst(%arg15 : memref<32x1024xf32, #tpu.memory_space<vmem>>)
      tpu.yield
    }) : () -> ()
    %dma_wait3A = arith.constant 0 : i32
    %dma_wait3A_10 = arith.constant 0 : i32
    %dma_wait3A_11 = tpu.memref_slice %arg3[%dma_wait3A, %dma_wait3A_10] : memref<6144x1024xf32, #tpu.memory_space<hbm>> -> memref<6144x1024xf32, #tpu.memory_space<hbm>>
    tpu.wait_indirect_dma semaphore(%arg16 : memref<!tpu.dma_semaphore, #tpu.memory_space<semaphore_mem>>) src(%dma_wait3A_11 : memref<6144x1024xf32, #tpu.memory_space<hbm>>) dst(%arg13 : memref<32x1024xf32, #tpu.memory_space<vmem>>)
    %dma_wait3A_12 = arith.constant 0 : i32
    %dma_wait3A_13 = arith.constant 0 : i32
    %dma_wait3A_14 = tpu.memref_slice %arg3[%dma_wait3A_12, %dma_wait3A_13] : memref<6144x1024xf32, #tpu.memory_space<hbm>> -> memref<6144x1024xf32, #tpu.memory_space<hbm>>
    tpu.wait_indirect_dma semaphore(%arg16 : memref<!tpu.dma_semaphore, #tpu.memory_space<semaphore_mem>>) src(%dma_wait3A_14 : memref<6144x1024xf32, #tpu.memory_space<hbm>>) dst(%arg14 : memref<32x1024xf32, #tpu.memory_space<vmem>>)
    %scan3A = arith.constant 0 : i32
    %scan3A_15 = arith.constant 0 : i32
    %scan3A_16 = arith.constant 32 : i32
    %scan3A_17 = arith.addi %scan3A_15, %scan3A_16 : i32
    %scan3A_18 = arith.constant 1 : i32
    scf.for %scan3A_42 = %scan3A_15 to %scan3A_17 step %scan3A_18  : i32 {
      %get3A = arith.index_cast %scan3A_42 : i32 to index
      %get3A_43 = arith.constant 0 : index
      %get3A_44 = tpu.vector_load %arg11[%get3A, %get3A_43] {strides = array<i32>} : memref<32x16xf32, #tpu.memory_space<vmem>>, vector<1x16xf32>,
      %get3A_45 = vector.shape_cast %get3A_44 : vector<1x16xf32> to vector<16xf32>
      %get3A_46 = arith.index_cast %scan3A_42 : i32 to index
      %get3A_47 = arith.constant 0 : index
      %get3A_48 = tpu.vector_load %arg12[%get3A_46, %get3A_47] {strides = array<i32>} : memref<32x16xf32, #tpu.memory_space<vmem>>, vector<1x16xf32>,
      %get3A_49 = vector.shape_cast %get3A_48 : vector<1x16xf32> to vector<16xf32>
      %get3A_50 = arith.index_cast %scan3A_42 : i32 to index
      %get3A_51 = arith.constant 0 : index
      %get3A_52 = tpu.vector_load %arg15[%get3A_50, %get3A_51] {strides = array<i32>} : memref<32x1024xf32, #tpu.memory_space<vmem>>, vector<1x16xf32>,
      %get3A_53 = vector.shape_cast %get3A_52 : vector<1x16xf32> to vector<16xf32>
      %get3A_54 = arith.index_cast %scan3A_42 : i32 to index
      %get3A_55 = arith.constant 0 : index
      %get3A_56 = tpu.vector_load %arg13[%get3A_54, %get3A_55] {strides = array<i32>} : memref<32x1024xf32, #tpu.memory_space<vmem>>, vector<1x16xf32>,
      %get3A_57 = vector.shape_cast %get3A_56 : vector<1x16xf32> to vector<16xf32>
      %mul3A_58 = arith.mulf %get3A_45, %get3A_57 : vector<16xf32>
      %add3A_59 = arith.addf %get3A_53, %mul3A_58 : vector<16xf32>
      %get3A_60 = arith.index_cast %scan3A_42 : i32 to index
      %get3A_61 = arith.constant 0 : index
      %get3A_62 = tpu.vector_load %arg14[%get3A_60, %get3A_61] {strides = array<i32>} : memref<32x1024xf32, #tpu.memory_space<vmem>>, vector<1x16xf32>,
      %get3A_63 = vector.shape_cast %get3A_62 : vector<1x16xf32> to vector<16xf32>
      %mul3A_64 = arith.mulf %get3A_49, %get3A_63 : vector<16xf32>
      %add3A_65 = arith.addf %add3A_59, %mul3A_64 : vector<16xf32>
      %swap3A = arith.index_cast %scan3A_42 : i32 to index
      %swap3A_66 = arith.constant 0 : index
      %swap3A_67 = tpu.vector_load %arg15[%swap3A, %swap3A_66] {strides = array<i32>} : memref<32x1024xf32, #tpu.memory_space<vmem>>, vector<1x16xf32>,
      %swap3A_68 = vector.shape_cast %swap3A_67 : vector<1x16xf32> to vector<16xf32>
      %swap3A_69 = vector.shape_cast %add3A_65 : vector<16xf32> to vector<1x16xf32>
      tpu.vector_store %arg15[%swap3A, %swap3A_66], %swap3A_69 {strides = array<i32>} : memref<32x1024xf32, #tpu.memory_space<vmem>>, vector<1x16xf32>,
      %get3A_70 = arith.index_cast %scan3A_42 : i32 to index
      %get3A_71 = arith.constant 16 : index
      %get3A_72 = tpu.vector_load %arg15[%get3A_70, %get3A_71] {strides = array<i32>} : memref<32x1024xf32, #tpu.memory_space<vmem>>, vector<1x16xf32>,
      %get3A_73 = vector.shape_cast %get3A_72 : vector<1x16xf32> to vector<16xf32>
      %get3A_74 = arith.index_cast %scan3A_42 : i32 to index
      %get3A_75 = arith.constant 16 : index
      %get3A_76 = tpu.vector_load %arg13[%get3A_74, %get3A_75] {strides = array<i32>} : memref<32x1024xf32, #tpu.memory_space<vmem>>, vector<1x16xf32>,
      %get3A_77 = vector.shape_cast %get3A_76 : vector<1x16xf32> to vector<16xf32>
      %mul3A_78 = arith.mulf %get3A_45, %get3A_77 : vector<16xf32>
      %add3A_79 = arith.addf %get3A_73, %mul3A_78 : vector<16xf32>
      %get3A_80 = arith.index_cast %scan3A_42 : i32 to index
      %get3A_81 = arith.constant 16 : index
      %get3A_82 = tpu.vector_load %arg14[%get3A_80, %get3A_81] {strides = array<i32>} : memref<32x1024xf32, #tpu.memory_space<vmem>>, vector<1x16xf32>,
      %get3A_83 = vector.shape_cast %get3A_82 : vector<1x16xf32> to vector<16xf32>
      %mul3A_84 = arith.mulf %get3A_49, %get3A_83 : vector<16xf32>
      %add3A_85 = arith.addf %add3A_79, %mul3A_84 : vector<16xf32>
      %swap3A_86 = arith.index_cast %scan3A_42 : i32 to index
      %swap3A_87 = arith.constant 16 : index
      %swap3A_88 = tpu.vector_load %arg15[%swap3A_86, %swap3A_87] {strides = array<i32>} : memref<32x1024xf32, #tpu.memory_space<vmem>>, vector<1x16xf32>,
      %swap3A_89 = vector.shape_cast %swap3A_88 : vector<1x16xf32> to vector<16xf32>
      %swap3A_90 = vector.shape_cast %add3A_85 : vector<16xf32> to vector<1x16xf32>
      tpu.vector_store %arg15[%swap3A_86, %swap3A_87], %swap3A_90 {strides = array<i32>} : memref<32x1024xf32, #tpu.memory_space<vmem>>, vector<1x16xf32>,
      %get3A_91 = arith.index_cast %scan3A_42 : i32 to index
      %get3A_92 = arith.constant 32 : index
      %get3A_93 = tpu.vector_load %arg15[%get3A_91, %get3A_92] {strides = array<i32>} : memref<32x1024xf32, #tpu.memory_space<vmem>>, vector<1x16xf32>,
      %get3A_94 = vector.shape_cast %get3A_93 : vector<1x16xf32> to vector<16xf32>
      %get3A_95 = arith.index_cast %scan3A_42 : i32 to index
      %get3A_96 = arith.constant 32 : index
      %get3A_97 = tpu.vector_load %arg13[%get3A_95, %get3A_96] {strides = array<i32>} : memref<32x1024xf32, #tpu.memory_space<vmem>>, vector<1x16xf32>,
      %get3A_98 = vector.shape_cast %get3A_97 : vector<1x16xf32> to vector<16xf32>
      %mul3A_99 = arith.mulf %get3A_45, %get3A_98 : vector<16xf32>
      %add3A_100 = arith.addf %get3A_94, %mul3A_99 : vector<16xf32>
      %get3A_101 = arith.index_cast %scan3A_42 : i32 to index
      %get3A_102 = arith.constant 32 : index
      %get3A_103 = tpu.vector_load %arg14[%get3A_101, %get3A_102] {strides = array<i32>} : memref<32x1024xf32, #tpu.memory_space<vmem>>, vector<1x16xf32>,
      %get3A_104 = vector.shape_cast %get3A_103 : vector<1x16xf32> to vector<16xf32>
      %mul3A_105 = arith.mulf %get3A_49, %get3A_104 : vector<16xf32>
      %add3A_106 = arith.addf %add3A_100, %mul3A_105 : vector<16xf32>
      %swap3A_107 = arith.index_cast %scan3A_42 : i32 to index
      %swap3A_108 = arith.constant 32 : index
      %swap3A_109 = tpu.vector_load %arg15[%swap3A_107, %swap3A_108] {strides = array<i32>} : memref<32x1024xf32, #tpu.memory_space<vmem>>, vector<1x16xf32>,
      %swap3A_110 = vector.shape_cast %swap3A_109 : vector<1x16xf32> to vector<16xf32>
      %swap3A_111 = vector.shape_cast %add3A_106 : vector<16xf32> to vector<1x16xf32>
      tpu.vector_store %arg15[%swap3A_107, %swap3A_108], %swap3A_111 {strides = array<i32>} : memref<32x1024xf32, #tpu.memory_space<vmem>>, vector<1x16xf32>,
      %get3A_112 = arith.index_cast %scan3A_42 : i32 to index
      %get3A_113 = arith.constant 48 : index
      %get3A_114 = tpu.vector_load %arg15[%get3A_112, %get3A_113] {strides = array<i32>} : memref<32x1024xf32, #tpu.memory_space<vmem>>, vector<1x16xf32>,
      %get3A_115 = vector.shape_cast %get3A_114 : vector<1x16xf32> to vector<16xf32>
      %get3A_116 = arith.index_cast %scan3A_42 : i32 to index
      %get3A_117 = arith.constant 48 : index
      %get3A_118 = tpu.vector_load %arg13[%get3A_116, %get3A_117] {strides = array<i32>} : memref<32x1024xf32, #tpu.memory_space<vmem>>, vector<1x16xf32>,
      %get3A_119 = vector.shape_cast %get3A_118 : vector<1x16xf32> to vector<16xf32>
      %mul3A_120 = arith.mulf %get3A_45, %get3A_119 : vector<16xf32>
      %add3A_121 = arith.addf %get3A_115, %mul3A_120 : vector<16xf32>
      %get3A_122 = arith.index_cast %scan3A_42 : i32 to index
      %get3A_123 = arith.constant 48 : index
      %get3A_124 = tpu.vector_load %arg14[%get3A_122, %get3A_123] {strides = array<i32>} : memref<32x1024xf32, #tpu.memory_space<vmem>>, vector<1x16xf32>,
      %get3A_125 = vector.shape_cast %get3A_124 : vector<1x16xf32> to vector<16xf32>
      %mul3A_126 = arith.mulf %get3A_49, %get3A_125 : vector<16xf32>
      %add3A_127 = arith.addf %add3A_121, %mul3A_126 : vector<16xf32>
      %swap3A_128 = arith.index_cast %scan3A_42 : i32 to index
      %swap3A_129 = arith.constant 48 : index
      %swap3A_130 = tpu.vector_load %arg15[%swap3A_128, %swap3A_129] {strides = array<i32>} : memref<32x1024xf32, #tpu.memory_space<vmem>>, vector<1x16xf32>,
      %swap3A_131 = vector.shape_cast %swap3A_130 : vector<1x16xf32> to vector<16xf32>
      %swap3A_132 = vector.shape_cast %add3A_127 : vector<16xf32> to vector<1x16xf32>
      tpu.vector_store %arg15[%swap3A_128, %swap3A_129], %swap3A_132 {strides = array<i32>} : memref<32x1024xf32, #tpu.memory_space<vmem>>, vector<1x16xf32>,
      %get3A_133 = arith.index_cast %scan3A_42 : i32 to index
      %get3A_134 = arith.constant 64 : index
      %get3A_135 = tpu.vector_load %arg15[%get3A_133, %get3A_134] {strides = array<i32>} : memref<32x1024xf32, #tpu.memory_space<vmem>>, vector<1x16xf32>,
      %get3A_136 = vector.shape_cast %get3A_135 : vector<1x16xf32> to vector<16xf32>
      %get3A_137 = arith.index_cast %scan3A_42 : i32 to index
      %get3A_138 = arith.constant 64 : index
      %get3A_139 = tpu.vector_load %arg13[%get3A_137, %get3A_138] {strides = array<i32>} : memref<32x1024xf32, #tpu.memory_space<vmem>>, vector<1x16xf32>,
      %get3A_140 = vector.shape_cast %get3A_139 : vector<1x16xf32> to vector<16xf32>
      %mul3A_141 = arith.mulf %get3A_45, %get3A_140 : vector<16xf32>
      %add3A_142 = arith.addf %get3A_136, %mul3A_141 : vector<16xf32>
      %get3A_143 = arith.index_cast %scan3A_42 : i32 to index
      %get3A_144 = arith.constant 64 : index
      %get3A_145 = tpu.vector_load %arg14[%get3A_143, %get3A_144] {strides = array<i32>} : memref<32x1024xf32, #tpu.memory_space<vmem>>, vector<1x16xf32>,
      %get3A_146 = vector.shape_cast %get3A_145 : vector<1x16xf32> to vector<16xf32>
      %mul3A_147 = arith.mulf %get3A_49, %get3A_146 : vector<16xf32>
      %add3A_148 = arith.addf %add3A_142, %mul3A_147 : vector<16xf32>
      %swap3A_149 = arith.index_cast %scan3A_42 : i32 to index
      %swap3A_150 = arith.constant 64 : index
      %swap3A_151 = tpu.vector_load %arg15[%swap3A_149, %swap3A_150] {strides = array<i32>} : memref<32x1024xf32, #tpu.memory_space<vmem>>, vector<1x16xf32>,
      %swap3A_152 = vector.shape_cast %swap3A_151 : vector<1x16xf32> to vector<16xf32>
      %swap3A_153 = vector.shape_cast %add3A_148 : vector<16xf32> to vector<1x16xf32>
      tpu.vector_store %arg15[%swap3A_149, %swap3A_150], %swap3A_153 {strides = array<i32>} : memref<32x1024xf32, #tpu.memory_space<vmem>>, vector<1x16xf32>,
      %get3A_154 = arith.index_cast %scan3A_42 : i32 to index
      %get3A_155 = arith.constant 80 : index
      %get3A_156 = tpu.vector_load %arg15[%get3A_154, %get3A_155] {strides = array<i32>} : memref<32x1024xf32, #tpu.memory_space<vmem>>, vector<1x16xf32>,
      %get3A_157 = vector.shape_cast %get3A_156 : vector<1x16xf32> to vector<16xf32>
      %get3A_158 = arith.index_cast %scan3A_42 : i32 to index
      %get3A_159 = arith.constant 80 : index
      %get3A_160 = tpu.vector_load %arg13[%get3A_158, %get3A_159] {strides = array<i32>} : memref<32x1024xf32, #tpu.memory_space<vmem>>, vector<1x16xf32>,
      %get3A_161 = vector.shape_cast %get3A_160 : vector<1x16xf32> to vector<16xf32>
      %mul3A_162 = arith.mulf %get3A_45, %get3A_161 : vector<16xf32>
      %add3A_163 = arith.addf %get3A_157, %mul3A_162 : vector<16xf32>
      %get3A_164 = arith.index_cast %scan3A_42 : i32 to index
      %get3A_165 = arith.constant 80 : index
      %get3A_166 = tpu.vector_load %arg14[%get3A_164, %get3A_165] {strides = array<i32>} : memref<32x1024xf32, #tpu.memory_space<vmem>>, vector<1x16xf32>,
      %get3A_167 = vector.shape_cast %get3A_166 : vector<1x16xf32> to vector<16xf32>
      %mul3A_168 = arith.mulf %get3A_49, %get3A_167 : vector<16xf32>
      %add3A_169 = arith.addf %add3A_163, %mul3A_168 : vector<16xf32>
      %swap3A_170 = arith.index_cast %scan3A_42 : i32 to index
      %swap3A_171 = arith.constant 80 : index
      %swap3A_172 = tpu.vector_load %arg15[%swap3A_170, %swap3A_171] {strides = array<i32>} : memref<32x1024xf32, #tpu.memory_space<vmem>>, vector<1x16xf32>,
      %swap3A_173 = vector.shape_cast %swap3A_172 : vector<1x16xf32> to vector<16xf32>
      %swap3A_174 = vector.shape_cast %add3A_169 : vector<16xf32> to vector<1x16xf32>
      tpu.vector_store %arg15[%swap3A_170, %swap3A_171], %swap3A_174 {strides = array<i32>} : memref<32x1024xf32, #tpu.memory_space<vmem>>, vector<1x16xf32>,
      %get3A_175 = arith.index_cast %scan3A_42 : i32 to index
      %get3A_176 = arith.constant 96 : index
      %get3A_177 = tpu.vector_load %arg15[%get3A_175, %get3A_176] {strides = array<i32>} : memref<32x1024xf32, #tpu.memory_space<vmem>>, vector<1x16xf32>,
      %get3A_178 = vector.shape_cast %get3A_177 : vector<1x16xf32> to vector<16xf32>
      %get3A_179 = arith.index_cast %scan3A_42 : i32 to index
      %get3A_180 = arith.constant 96 : index
      %get3A_181 = tpu.vector_load %arg13[%get3A_179, %get3A_180] {strides = array<i32>} : memref<32x1024xf32, #tpu.memory_space<vmem>>, vector<1x16xf32>,
      %get3A_182 = vector.shape_cast %get3A_181 : vector<1x16xf32> to vector<16xf32>
      %mul3A_183 = arith.mulf %get3A_45, %get3A_182 : vector<16xf32>
      %add3A_184 = arith.addf %get3A_178, %mul3A_183 : vector<16xf32>
      %get3A_185 = arith.index_cast %scan3A_42 : i32 to index
      %get3A_186 = arith.constant 96 : index
      %get3A_187 = tpu.vector_load %arg14[%get3A_185, %get3A_186] {strides = array<i32>} : memref<32x1024xf32, #tpu.memory_space<vmem>>, vector<1x16xf32>,
      %get3A_188 = vector.shape_cast %get3A_187 : vector<1x16xf32> to vector<16xf32>
      %mul3A_189 = arith.mulf %get3A_49, %get3A_188 : vector<16xf32>
      %add3A_190 = arith.addf %add3A_184, %mul3A_189 : vector<16xf32>
      %swap3A_191 = arith.index_cast %scan3A_42 : i32 to index
      %swap3A_192 = arith.constant 96 : index
      %swap3A_193 = tpu.vector_load %arg15[%swap3A_191, %swap3A_192] {strides = array<i32>} : memref<32x1024xf32, #tpu.memory_space<vmem>>, vector<1x16xf32>,
      %swap3A_194 = vector.shape_cast %swap3A_193 : vector<1x16xf32> to vector<16xf32>
      %swap3A_195 = vector.shape_cast %add3A_190 : vector<16xf32> to vector<1x16xf32>
      tpu.vector_store %arg15[%swap3A_191, %swap3A_192], %swap3A_195 {strides = array<i32>} : memref<32x1024xf32, #tpu.memory_space<vmem>>, vector<1x16xf32>,
      %get3A_196 = arith.index_cast %scan3A_42 : i32 to index
      %get3A_197 = arith.constant 112 : index
      %get3A_198 = tpu.vector_load %arg15[%get3A_196, %get3A_197] {strides = array<i32>} : memref<32x1024xf32, #tpu.memory_space<vmem>>, vector<1x16xf32>,
      %get3A_199 = vector.shape_cast %get3A_198 : vector<1x16xf32> to vector<16xf32>
      %get3A_200 = arith.index_cast %scan3A_42 : i32 to index
      %get3A_201 = arith.constant 112 : index
      %get3A_202 = tpu.vector_load %arg13[%get3A_200, %get3A_201] {strides = array<i32>} : memref<32x1024xf32, #tpu.memory_space<vmem>>, vector<1x16xf32>,
      %get3A_203 = vector.shape_cast %get3A_202 : vector<1x16xf32> to vector<16xf32>
      %mul3A_204 = arith.mulf %get3A_45, %get3A_203 : vector<16xf32>
      %add3A_205 = arith.addf %get3A_199, %mul3A_204 : vector<16xf32>
      %get3A_206 = arith.index_cast %scan3A_42 : i32 to index
      %get3A_207 = arith.constant 112 : index
      %get3A_208 = tpu.vector_load %arg14[%get3A_206, %get3A_207] {strides = array<i32>} : memref<32x1024xf32, #tpu.memory_space<vmem>>, vector<1x16xf32>,
      %get3A_209 = vector.shape_cast %get3A_208 : vector<1x16xf32> to vector<16xf32>
      %mul3A_210 = arith.mulf %get3A_49, %get3A_209 : vector<16xf32>
      %add3A_211 = arith.addf %add3A_205, %mul3A_210 : vector<16xf32>
      %swap3A_212 = arith.index_cast %scan3A_42 : i32 to index
      %swap3A_213 = arith.constant 112 : index
      %swap3A_214 = tpu.vector_load %arg15[%swap3A_212, %swap3A_213] {strides = array<i32>} : memref<32x1024xf32, #tpu.memory_space<vmem>>, vector<1x16xf32>,
      %swap3A_215 = vector.shape_cast %swap3A_214 : vector<1x16xf32> to vector<16xf32>
      %swap3A_216 = vector.shape_cast %add3A_211 : vector<16xf32> to vector<1x16xf32>
      tpu.vector_store %arg15[%swap3A_212, %swap3A_213], %swap3A_216 {strides = array<i32>} : memref<32x1024xf32, #tpu.memory_space<vmem>>, vector<1x16xf32>,
      %get3A_217 = arith.index_cast %scan3A_42 : i32 to index
      %get3A_218 = arith.constant 128 : index
      %get3A_219 = tpu.vector_load %arg15[%get3A_217, %get3A_218] {strides = array<i32>} : memref<32x1024xf32, #tpu.memory_space<vmem>>, vector<1x16xf32>,
      %get3A_220 = vector.shape_cast %get3A_219 : vector<1x16xf32> to vector<16xf32>
      %get3A_221 = arith.index_cast %scan3A_42 : i32 to index
      %get3A_222 = arith.constant 128 : index
      %get3A_223 = tpu.vector_load %arg13[%get3A_221, %get3A_222] {strides = array<i32>} : memref<32x1024xf32, #tpu.memory_space<vmem>>, vector<1x16xf32>,
      %get3A_224 = vector.shape_cast %get3A_223 : vector<1x16xf32> to vector<16xf32>
      %mul3A_225 = arith.mulf %get3A_45, %get3A_224 : vector<16xf32>
      %add3A_226 = arith.addf %get3A_220, %mul3A_225 : vector<16xf32>
      %get3A_227 = arith.index_cast %scan3A_42 : i32 to index
      %get3A_228 = arith.constant 128 : index
      %get3A_229 = tpu.vector_load %arg14[%get3A_227, %get3A_228] {strides = array<i32>} : memref<32x1024xf32, #tpu.memory_space<vmem>>, vector<1x16xf32>,
      %get3A_230 = vector.shape_cast %get3A_229 : vector<1x16xf32> to vector<16xf32>
      %mul3A_231 = arith.mulf %get3A_49, %get3A_230 : vector<16xf32>
      %add3A_232 = arith.addf %add3A_226, %mul3A_231 : vector<16xf32>
      %swap3A_233 = arith.index_cast %scan3A_42 : i32 to index
      %swap3A_234 = arith.constant 128 : index
      %swap3A_235 = tpu.vector_load %arg15[%swap3A_233, %swap3A_234] {strides = array<i32>} : memref<32x1024xf32, #tpu.memory_space<vmem>>, vector<1x16xf32>,
      %swap3A_236 = vector.shape_cast %swap3A_235 : vector<1x16xf32> to vector<16xf32>
      %swap3A_237 = vector.shape_cast %add3A_232 : vector<16xf32> to vector<1x16xf32>
      tpu.vector_store %arg15[%swap3A_233, %swap3A_234], %swap3A_237 {strides = array<i32>} : memref<32x1024xf32, #tpu.memory_space<vmem>>, vector<1x16xf32>,
      %get3A_238 = arith.index_cast %scan3A_42 : i32 to index
      %get3A_239 = arith.constant 144 : index
      %get3A_240 = tpu.vector_load %arg15[%get3A_238, %get3A_239] {strides = array<i32>} : memref<32x1024xf32, #tpu.memory_space<vmem>>, vector<1x16xf32>,
      %get3A_241 = vector.shape_cast %get3A_240 : vector<1x16xf32> to vector<16xf32>
      %get3A_242 = arith.index_cast %scan3A_42 : i32 to index
      %get3A_243 = arith.constant 144 : index
      %get3A_244 = tpu.vector_load %arg13[%get3A_242, %get3A_243] {strides = array<i32>} : memref<32x1024xf32, #tpu.memory_space<vmem>>, vector<1x16xf32>,
      %get3A_245 = vector.shape_cast %get3A_244 : vector<1x16xf32> to vector<16xf32>
      %mul3A_246 = arith.mulf %get3A_45, %get3A_245 : vector<16xf32>
      %add3A_247 = arith.addf %get3A_241, %mul3A_246 : vector<16xf32>
      %get3A_248 = arith.index_cast %scan3A_42 : i32 to index
      %get3A_249 = arith.constant 144 : index
      %get3A_250 = tpu.vector_load %arg14[%get3A_248, %get3A_249] {strides = array<i32>} : memref<32x1024xf32, #tpu.memory_space<vmem>>, vector<1x16xf32>,
      %get3A_251 = vector.shape_cast %get3A_250 : vector<1x16xf32> to vector<16xf32>
      %mul3A_252 = arith.mulf %get3A_49, %get3A_251 : vector<16xf32>
      %add3A_253 = arith.addf %add3A_247, %mul3A_252 : vector<16xf32>
      %swap3A_254 = arith.index_cast %scan3A_42 : i32 to index
      %swap3A_255 = arith.constant 144 : index
      %swap3A_256 = tpu.vector_load %arg15[%swap3A_254, %swap3A_255] {strides = array<i32>} : memref<32x1024xf32, #tpu.memory_space<vmem>>, vector<1x16xf32>,
      %swap3A_257 = vector.shape_cast %swap3A_256 : vector<1x16xf32> to vector<16xf32>
      %swap3A_258 = vector.shape_cast %add3A_253 : vector<16xf32> to vector<1x16xf32>
      tpu.vector_store %arg15[%swap3A_254, %swap3A_255], %swap3A_258 {strides = array<i32>} : memref<32x1024xf32, #tpu.memory_space<vmem>>, vector<1x16xf32>,
      %get3A_259 = arith.index_cast %scan3A_42 : i32 to index
      %get3A_260 = arith.constant 160 : index
      %get3A_261 = tpu.vector_load %arg15[%get3A_259, %get3A_260] {strides = array<i32>} : memref<32x1024xf32, #tpu.memory_space<vmem>>, vector<1x16xf32>,
      %get3A_262 = vector.shape_cast %get3A_261 : vector<1x16xf32> to vector<16xf32>
      %get3A_263 = arith.index_cast %scan3A_42 : i32 to index
      %get3A_264 = arith.constant 160 : index
      %get3A_265 = tpu.vector_load %arg13[%get3A_263, %get3A_264] {strides = array<i32>} : memref<32x1024xf32, #tpu.memory_space<vmem>>, vector<1x16xf32>,
      %get3A_266 = vector.shape_cast %get3A_265 : vector<1x16xf32> to vector<16xf32>
      %mul3A_267 = arith.mulf %get3A_45, %get3A_266 : vector<16xf32>
      %add3A_268 = arith.addf %get3A_262, %mul3A_267 : vector<16xf32>
      %get3A_269 = arith.index_cast %scan3A_42 : i32 to index
      %get3A_270 = arith.constant 160 : index
      %get3A_271 = tpu.vector_load %arg14[%get3A_269, %get3A_270] {strides = array<i32>} : memref<32x1024xf32, #tpu.memory_space<vmem>>, vector<1x16xf32>,
      %get3A_272 = vector.shape_cast %get3A_271 : vector<1x16xf32> to vector<16xf32>
      %mul3A_273 = arith.mulf %get3A_49, %get3A_272 : vector<16xf32>
      %add3A_274 = arith.addf %add3A_268, %mul3A_273 : vector<16xf32>
      %swap3A_275 = arith.index_cast %scan3A_42 : i32 to index
      %swap3A_276 = arith.constant 160 : index
      %swap3A_277 = tpu.vector_load %arg15[%swap3A_275, %swap3A_276] {strides = array<i32>} : memref<32x1024xf32, #tpu.memory_space<vmem>>, vector<1x16xf32>,
      %swap3A_278 = vector.shape_cast %swap3A_277 : vector<1x16xf32> to vector<16xf32>
      %swap3A_279 = vector.shape_cast %add3A_274 : vector<16xf32> to vector<1x16xf32>
      tpu.vector_store %arg15[%swap3A_275, %swap3A_276], %swap3A_279 {strides = array<i32>} : memref<32x1024xf32, #tpu.memory_space<vmem>>, vector<1x16xf32>,
      %get3A_280 = arith.index_cast %scan3A_42 : i32 to index
      %get3A_281 = arith.constant 176 : index
      %get3A_282 = tpu.vector_load %arg15[%get3A_280, %get3A_281] {strides = array<i32>} : memref<32x1024xf32, #tpu.memory_space<vmem>>, vector<1x16xf32>,
      %get3A_283 = vector.shape_cast %get3A_282 : vector<1x16xf32> to vector<16xf32>
      %get3A_284 = arith.index_cast %scan3A_42 : i32 to index
      %get3A_285 = arith.constant 176 : index
      %get3A_286 = tpu.vector_load %arg13[%get3A_284, %get3A_285] {strides = array<i32>} : memref<32x1024xf32, #tpu.memory_space<vmem>>, vector<1x16xf32>,
      %get3A_287 = vector.shape_cast %get3A_286 : vector<1x16xf32> to vector<16xf32>
      %mul3A_288 = arith.mulf %get3A_45, %get3A_287 : vector<16xf32>
      %add3A_289 = arith.addf %get3A_283, %mul3A_288 : vector<16xf32>
      %get3A_290 = arith.index_cast %scan3A_42 : i32 to index
      %get3A_291 = arith.constant 176 : index
      %get3A_292 = tpu.vector_load %arg14[%get3A_290, %get3A_291] {strides = array<i32>} : memref<32x1024xf32, #tpu.memory_space<vmem>>, vector<1x16xf32>,
      %get3A_293 = vector.shape_cast %get3A_292 : vector<1x16xf32> to vector<16xf32>
      %mul3A_294 = arith.mulf %get3A_49, %get3A_293 : vector<16xf32>
      %add3A_295 = arith.addf %add3A_289, %mul3A_294 : vector<16xf32>
      %swap3A_296 = arith.index_cast %scan3A_42 : i32 to index
      %swap3A_297 = arith.constant 176 : index
      %swap3A_298 = tpu.vector_load %arg15[%swap3A_296, %swap3A_297] {strides = array<i32>} : memref<32x1024xf32, #tpu.memory_space<vmem>>, vector<1x16xf32>,
      %swap3A_299 = vector.shape_cast %swap3A_298 : vector<1x16xf32> to vector<16xf32>
      %swap3A_300 = vector.shape_cast %add3A_295 : vector<16xf32> to vector<1x16xf32>
      tpu.vector_store %arg15[%swap3A_296, %swap3A_297], %swap3A_300 {strides = array<i32>} : memref<32x1024xf32, #tpu.memory_space<vmem>>, vector<1x16xf32>,
      %get3A_301 = arith.index_cast %scan3A_42 : i32 to index
      %get3A_302 = arith.constant 192 : index
      %get3A_303 = tpu.vector_load %arg15[%get3A_301, %get3A_302] {strides = array<i32>} : memref<32x1024xf32, #tpu.memory_space<vmem>>, vector<1x16xf32>,
      %get3A_304 = vector.shape_cast %get3A_303 : vector<1x16xf32> to vector<16xf32>
      %get3A_305 = arith.index_cast %scan3A_42 : i32 to index
      %get3A_306 = arith.constant 192 : index
      %get3A_307 = tpu.vector_load %arg13[%get3A_305, %get3A_306] {strides = array<i32>} : memref<32x1024xf32, #tpu.memory_space<vmem>>, vector<1x16xf32>,
      %get3A_308 = vector.shape_cast %get3A_307 : vector<1x16xf32> to vector<16xf32>
      %mul3A_309 = arith.mulf %get3A_45, %get3A_308 : vector<16xf32>
      %add3A_310 = arith.addf %get3A_304, %mul3A_309 : vector<16xf32>
      %get3A_311 = arith.index_cast %scan3A_42 : i32 to index
      %get3A_312 = arith.constant 192 : index
      %get3A_313 = tpu.vector_load %arg14[%get3A_311, %get3A_312] {strides = array<i32>} : memref<32x1024xf32, #tpu.memory_space<vmem>>, vector<1x16xf32>,
      %get3A_314 = vector.shape_cast %get3A_313 : vector<1x16xf32> to vector<16xf32>
      %mul3A_315 = arith.mulf %get3A_49, %get3A_314 : vector<16xf32>
      %add3A_316 = arith.addf %add3A_310, %mul3A_315 : vector<16xf32>
      %swap3A_317 = arith.index_cast %scan3A_42 : i32 to index
      %swap3A_318 = arith.constant 192 : index
      %swap3A_319 = tpu.vector_load %arg15[%swap3A_317, %swap3A_318] {strides = array<i32>} : memref<32x1024xf32, #tpu.memory_space<vmem>>, vector<1x16xf32>,
      %swap3A_320 = vector.shape_cast %swap3A_319 : vector<1x16xf32> to vector<16xf32>
      %swap3A_321 = vector.shape_cast %add3A_316 : vector<16xf32> to vector<1x16xf32>
      tpu.vector_store %arg15[%swap3A_317, %swap3A_318], %swap3A_321 {strides = array<i32>} : memref<32x1024xf32, #tpu.memory_space<vmem>>, vector<1x16xf32>,
      %get3A_322 = arith.index_cast %scan3A_42 : i32 to index
      %get3A_323 = arith.constant 208 : index
      %get3A_324 = tpu.vector_load %arg15[%get3A_322, %get3A_323] {strides = array<i32>} : memref<32x1024xf32, #tpu.memory_space<vmem>>, vector<1x16xf32>,
      %get3A_325 = vector.shape_cast %get3A_324 : vector<1x16xf32> to vector<16xf32>
      %get3A_326 = arith.index_cast %scan3A_42 : i32 to index
      %get3A_327 = arith.constant 208 : index
      %get3A_328 = tpu.vector_load %arg13[%get3A_326, %get3A_327] {strides = array<i32>} : memref<32x1024xf32, #tpu.memory_space<vmem>>, vector<1x16xf32>,
      %get3A_329 = vector.shape_cast %get3A_328 : vector<1x16xf32> to vector<16xf32>
      %mul3A_330 = arith.mulf %get3A_45, %get3A_329 : vector<16xf32>
      %add3A_331 = arith.addf %get3A_325, %mul3A_330 : vector<16xf32>
      %get3A_332 = arith.index_cast %scan3A_42 : i32 to index
      %get3A_333 = arith.constant 208 : index
      %get3A_334 = tpu.vector_load %arg14[%get3A_332, %get3A_333] {strides = array<i32>} : memref<32x1024xf32, #tpu.memory_space<vmem>>, vector<1x16xf32>,
      %get3A_335 = vector.shape_cast %get3A_334 : vector<1x16xf32> to vector<16xf32>
      %mul3A_336 = arith.mulf %get3A_49, %get3A_335 : vector<16xf32>
      %add3A_337 = arith.addf %add3A_331, %mul3A_336 : vector<16xf32>
      %swap3A_338 = arith.index_cast %scan3A_42 : i32 to index
      %swap3A_339 = arith.constant 208 : index
      %swap3A_340 = tpu.vector_load %arg15[%swap3A_338, %swap3A_339] {strides = array<i32>} : memref<32x1024xf32, #tpu.memory_space<vmem>>, vector<1x16xf32>,
      %swap3A_341 = vector.shape_cast %swap3A_340 : vector<1x16xf32> to vector<16xf32>
      %swap3A_342 = vector.shape_cast %add3A_337 : vector<16xf32> to vector<1x16xf32>
      tpu.vector_store %arg15[%swap3A_338, %swap3A_339], %swap3A_342 {strides = array<i32>} : memref<32x1024xf32, #tpu.memory_space<vmem>>, vector<1x16xf32>,
      %get3A_343 = arith.index_cast %scan3A_42 : i32 to index
      %get3A_344 = arith.constant 224 : index
      %get3A_345 = tpu.vector_load %arg15[%get3A_343, %get3A_344] {strides = array<i32>} : memref<32x1024xf32, #tpu.memory_space<vmem>>, vector<1x16xf32>,
      %get3A_346 = vector.shape_cast %get3A_345 : vector<1x16xf32> to vector<16xf32>
      %get3A_347 = arith.index_cast %scan3A_42 : i32 to index
      %get3A_348 = arith.constant 224 : index
      %get3A_349 = tpu.vector_load %arg13[%get3A_347, %get3A_348] {strides = array<i32>} : memref<32x1024xf32, #tpu.memory_space<vmem>>, vector<1x16xf32>,
      %get3A_350 = vector.shape_cast %get3A_349 : vector<1x16xf32> to vector<16xf32>
      %mul3A_351 = arith.mulf %get3A_45, %get3A_350 : vector<16xf32>
      %add3A_352 = arith.addf %get3A_346, %mul3A_351 : vector<16xf32>
      %get3A_353 = arith.index_cast %scan3A_42 : i32 to index
      %get3A_354 = arith.constant 224 : index
      %get3A_355 = tpu.vector_load %arg14[%get3A_353, %get3A_354] {strides = array<i32>} : memref<32x1024xf32, #tpu.memory_space<vmem>>, vector<1x16xf32>,
      %get3A_356 = vector.shape_cast %get3A_355 : vector<1x16xf32> to vector<16xf32>
      %mul3A_357 = arith.mulf %get3A_49, %get3A_356 : vector<16xf32>
      %add3A_358 = arith.addf %add3A_352, %mul3A_357 : vector<16xf32>
      %swap3A_359 = arith.index_cast %scan3A_42 : i32 to index
      %swap3A_360 = arith.constant 224 : index
      %swap3A_361 = tpu.vector_load %arg15[%swap3A_359, %swap3A_360] {strides = array<i32>} : memref<32x1024xf32, #tpu.memory_space<vmem>>, vector<1x16xf32>,
      %swap3A_362 = vector.shape_cast %swap3A_361 : vector<1x16xf32> to vector<16xf32>
      %swap3A_363 = vector.shape_cast %add3A_358 : vector<16xf32> to vector<1x16xf32>
      tpu.vector_store %arg15[%swap3A_359, %swap3A_360], %swap3A_363 {strides = array<i32>} : memref<32x1024xf32, #tpu.memory_space<vmem>>, vector<1x16xf32>,
      %get3A_364 = arith.index_cast %scan3A_42 : i32 to index
      %get3A_365 = arith.constant 240 : index
      %get3A_366 = tpu.vector_load %arg15[%get3A_364, %get3A_365] {strides = array<i32>} : memref<32x1024xf32, #tpu.memory_space<vmem>>, vector<1x16xf32>,
      %get3A_367 = vector.shape_cast %get3A_366 : vector<1x16xf32> to vector<16xf32>
      %get3A_368 = arith.index_cast %scan3A_42 : i32 to index
      %get3A_369 = arith.constant 240 : index
      %get3A_370 = tpu.vector_load %arg13[%get3A_368, %get3A_369] {strides = array<i32>} : memref<32x1024xf32, #tpu.memory_space<vmem>>, vector<1x16xf32>,
      %get3A_371 = vector.shape_cast %get3A_370 : vector<1x16xf32> to vector<16xf32>
      %mul3A_372 = arith.mulf %get3A_45, %get3A_371 : vector<16xf32>
      %add3A_373 = arith.addf %get3A_367, %mul3A_372 : vector<16xf32>
      %get3A_374 = arith.index_cast %scan3A_42 : i32 to index
      %get3A_375 = arith.constant 240 : index
      %get3A_376 = tpu.vector_load %arg14[%get3A_374, %get3A_375] {strides = array<i32>} : memref<32x1024xf32, #tpu.memory_space<vmem>>, vector<1x16xf32>,
      %get3A_377 = vector.shape_cast %get3A_376 : vector<1x16xf32> to vector<16xf32>
      %mul3A_378 = arith.mulf %get3A_49, %get3A_377 : vector<16xf32>
      %add3A_379 = arith.addf %add3A_373, %mul3A_378 : vector<16xf32>
      %swap3A_380 = arith.index_cast %scan3A_42 : i32 to index
      %swap3A_381 = arith.constant 240 : index
      %swap3A_382 = tpu.vector_load %arg15[%swap3A_380, %swap3A_381] {strides = array<i32>} : memref<32x1024xf32, #tpu.memory_space<vmem>>, vector<1x16xf32>,
      %swap3A_383 = vector.shape_cast %swap3A_382 : vector<1x16xf32> to vector<16xf32>
      %swap3A_384 = vector.shape_cast %add3A_379 : vector<16xf32> to vector<1x16xf32>
      tpu.vector_store %arg15[%swap3A_380, %swap3A_381], %swap3A_384 {strides = array<i32>} : memref<32x1024xf32, #tpu.memory_space<vmem>>, vector<1x16xf32>,
      %get3A_385 = arith.index_cast %scan3A_42 : i32 to index
      %get3A_386 = arith.constant 256 : index
      %get3A_387 = tpu.vector_load %arg15[%get3A_385, %get3A_386] {strides = array<i32>} : memref<32x1024xf32, #tpu.memory_space<vmem>>, vector<1x16xf32>,
      %get3A_388 = vector.shape_cast %get3A_387 : vector<1x16xf32> to vector<16xf32>
      %get3A_389 = arith.index_cast %scan3A_42 : i32 to index
      %get3A_390 = arith.constant 256 : index
      %get3A_391 = tpu.vector_load %arg13[%get3A_389, %get3A_390] {strides = array<i32>} : memref<32x1024xf32, #tpu.memory_space<vmem>>, vector<1x16xf32>,
      %get3A_392 = vector.shape_cast %get3A_391 : vector<1x16xf32> to vector<16xf32>
      %mul3A_393 = arith.mulf %get3A_45, %get3A_392 : vector<16xf32>
      %add3A_394 = arith.addf %get3A_388, %mul3A_393 : vector<16xf32>
      %get3A_395 = arith.index_cast %scan3A_42 : i32 to index
      %get3A_396 = arith.constant 256 : index
      %get3A_397 = tpu.vector_load %arg14[%get3A_395, %get3A_396] {strides = array<i32>} : memref<32x1024xf32, #tpu.memory_space<vmem>>, vector<1x16xf32>,
      %get3A_398 = vector.shape_cast %get3A_397 : vector<1x16xf32> to vector<16xf32>
      %mul3A_399 = arith.mulf %get3A_49, %get3A_398 : vector<16xf32>
      %add3A_400 = arith.addf %add3A_394, %mul3A_399 : vector<16xf32>
      %swap3A_401 = arith.index_cast %scan3A_42 : i32 to index
      %swap3A_402 = arith.constant 256 : index
      %swap3A_403 = tpu.vector_load %arg15[%swap3A_401, %swap3A_402] {strides = array<i32>} : memref<32x1024xf32, #tpu.memory_space<vmem>>, vector<1x16xf32>,
      %swap3A_404 = vector.shape_cast %swap3A_403 : vector<1x16xf32> to vector<16xf32>
      %swap3A_405 = vector.shape_cast %add3A_400 : vector<16xf32> to vector<1x16xf32>
      tpu.vector_store %arg15[%swap3A_401, %swap3A_402], %swap3A_405 {strides = array<i32>} : memref<32x1024xf32, #tpu.memory_space<vmem>>, vector<1x16xf32>,
      %get3A_406 = arith.index_cast %scan3A_42 : i32 to index
      %get3A_407 = arith.constant 272 : index
      %get3A_408 = tpu.vector_load %arg15[%get3A_406, %get3A_407] {strides = array<i32>} : memref<32x1024xf32, #tpu.memory_space<vmem>>, vector<1x16xf32>,
      %get3A_409 = vector.shape_cast %get3A_408 : vector<1x16xf32> to vector<16xf32>
      %get3A_410 = arith.index_cast %scan3A_42 : i32 to index
      %get3A_411 = arith.constant 272 : index
      %get3A_412 = tpu.vector_load %arg13[%get3A_410, %get3A_411] {strides = array<i32>} : memref<32x1024xf32, #tpu.memory_space<vmem>>, vector<1x16xf32>,
      %get3A_413 = vector.shape_cast %get3A_412 : vector<1x16xf32> to vector<16xf32>
      %mul3A_414 = arith.mulf %get3A_45, %get3A_413 : vector<16xf32>
      %add3A_415 = arith.addf %get3A_409, %mul3A_414 : vector<16xf32>
      %get3A_416 = arith.index_cast %scan3A_42 : i32 to index
      %get3A_417 = arith.constant 272 : index
      %get3A_418 = tpu.vector_load %arg14[%get3A_416, %get3A_417] {strides = array<i32>} : memref<32x1024xf32, #tpu.memory_space<vmem>>, vector<1x16xf32>,
      %get3A_419 = vector.shape_cast %get3A_418 : vector<1x16xf32> to vector<16xf32>
      %mul3A_420 = arith.mulf %get3A_49, %get3A_419 : vector<16xf32>
      %add3A_421 = arith.addf %add3A_415, %mul3A_420 : vector<16xf32>
      %swap3A_422 = arith.index_cast %scan3A_42 : i32 to index
      %swap3A_423 = arith.constant 272 : index
      %swap3A_424 = tpu.vector_load %arg15[%swap3A_422, %swap3A_423] {strides = array<i32>} : memref<32x1024xf32, #tpu.memory_space<vmem>>, vector<1x16xf32>,
      %swap3A_425 = vector.shape_cast %swap3A_424 : vector<1x16xf32> to vector<16xf32>
      %swap3A_426 = vector.shape_cast %add3A_421 : vector<16xf32> to vector<1x16xf32>
      tpu.vector_store %arg15[%swap3A_422, %swap3A_423], %swap3A_426 {strides = array<i32>} : memref<32x1024xf32, #tpu.memory_space<vmem>>, vector<1x16xf32>,
      %get3A_427 = arith.index_cast %scan3A_42 : i32 to index
      %get3A_428 = arith.constant 288 : index
      %get3A_429 = tpu.vector_load %arg15[%get3A_427, %get3A_428] {strides = array<i32>} : memref<32x1024xf32, #tpu.memory_space<vmem>>, vector<1x16xf32>,
      %get3A_430 = vector.shape_cast %get3A_429 : vector<1x16xf32> to vector<16xf32>
      %get3A_431 = arith.index_cast %scan3A_42 : i32 to index
      %get3A_432 = arith.constant 288 : index
      %get3A_433 = tpu.vector_load %arg13[%get3A_431, %get3A_432] {strides = array<i32>} : memref<32x1024xf32, #tpu.memory_space<vmem>>, vector<1x16xf32>,
      %get3A_434 = vector.shape_cast %get3A_433 : vector<1x16xf32> to vector<16xf32>
      %mul3A_435 = arith.mulf %get3A_45, %get3A_434 : vector<16xf32>
      %add3A_436 = arith.addf %get3A_430, %mul3A_435 : vector<16xf32>
      %get3A_437 = arith.index_cast %scan3A_42 : i32 to index
      %get3A_438 = arith.constant 288 : index
      %get3A_439 = tpu.vector_load %arg14[%get3A_437, %get3A_438] {strides = array<i32>} : memref<32x1024xf32, #tpu.memory_space<vmem>>, vector<1x16xf32>,
      %get3A_440 = vector.shape_cast %get3A_439 : vector<1x16xf32> to vector<16xf32>
      %mul3A_441 = arith.mulf %get3A_49, %get3A_440 : vector<16xf32>
      %add3A_442 = arith.addf %add3A_436, %mul3A_441 : vector<16xf32>
      %swap3A_443 = arith.index_cast %scan3A_42 : i32 to index
      %swap3A_444 = arith.constant 288 : index
      %swap3A_445 = tpu.vector_load %arg15[%swap3A_443, %swap3A_444] {strides = array<i32>} : memref<32x1024xf32, #tpu.memory_space<vmem>>, vector<1x16xf32>,
      %swap3A_446 = vector.shape_cast %swap3A_445 : vector<1x16xf32> to vector<16xf32>
      %swap3A_447 = vector.shape_cast %add3A_442 : vector<16xf32> to vector<1x16xf32>
      tpu.vector_store %arg15[%swap3A_443, %swap3A_444], %swap3A_447 {strides = array<i32>} : memref<32x1024xf32, #tpu.memory_space<vmem>>, vector<1x16xf32>,
      %get3A_448 = arith.index_cast %scan3A_42 : i32 to index
      %get3A_449 = arith.constant 304 : index
      %get3A_450 = tpu.vector_load %arg15[%get3A_448, %get3A_449] {strides = array<i32>} : memref<32x1024xf32, #tpu.memory_space<vmem>>, vector<1x16xf32>,
      %get3A_451 = vector.shape_cast %get3A_450 : vector<1x16xf32> to vector<16xf32>
      %get3A_452 = arith.index_cast %scan3A_42 : i32 to index
      %get3A_453 = arith.constant 304 : index
      %get3A_454 = tpu.vector_load %arg13[%get3A_452, %get3A_453] {strides = array<i32>} : memref<32x1024xf32, #tpu.memory_space<vmem>>, vector<1x16xf32>,
      %get3A_455 = vector.shape_cast %get3A_454 : vector<1x16xf32> to vector<16xf32>
      %mul3A_456 = arith.mulf %get3A_45, %get3A_455 : vector<16xf32>
      %add3A_457 = arith.addf %get3A_451, %mul3A_456 : vector<16xf32>
      %get3A_458 = arith.index_cast %scan3A_42 : i32 to index
      %get3A_459 = arith.constant 304 : index
      %get3A_460 = tpu.vector_load %arg14[%get3A_458, %get3A_459] {strides = array<i32>} : memref<32x1024xf32, #tpu.memory_space<vmem>>, vector<1x16xf32>,
      %get3A_461 = vector.shape_cast %get3A_460 : vector<1x16xf32> to vector<16xf32>
      %mul3A_462 = arith.mulf %get3A_49, %get3A_461 : vector<16xf32>
      %add3A_463 = arith.addf %add3A_457, %mul3A_462 : vector<16xf32>
      %swap3A_464 = arith.index_cast %scan3A_42 : i32 to index
      %swap3A_465 = arith.constant 304 : index
      %swap3A_466 = tpu.vector_load %arg15[%swap3A_464, %swap3A_465] {strides = array<i32>} : memref<32x1024xf32, #tpu.memory_space<vmem>>, vector<1x16xf32>,
      %swap3A_467 = vector.shape_cast %swap3A_466 : vector<1x16xf32> to vector<16xf32>
      %swap3A_468 = vector.shape_cast %add3A_463 : vector<16xf32> to vector<1x16xf32>
      tpu.vector_store %arg15[%swap3A_464, %swap3A_465], %swap3A_468 {strides = array<i32>} : memref<32x1024xf32, #tpu.memory_space<vmem>>, vector<1x16xf32>,
      %get3A_469 = arith.index_cast %scan3A_42 : i32 to index
      %get3A_470 = arith.constant 320 : index
      %get3A_471 = tpu.vector_load %arg15[%get3A_469, %get3A_470] {strides = array<i32>} : memref<32x1024xf32, #tpu.memory_space<vmem>>, vector<1x16xf32>,
      %get3A_472 = vector.shape_cast %get3A_471 : vector<1x16xf32> to vector<16xf32>
      %get3A_473 = arith.index_cast %scan3A_42 : i32 to index
      %get3A_474 = arith.constant 320 : index
      %get3A_475 = tpu.vector_load %arg13[%get3A_473, %get3A_474] {strides = array<i32>} : memref<32x1024xf32, #tpu.memory_space<vmem>>, vector<1x16xf32>,
      %get3A_476 = vector.shape_cast %get3A_475 : vector<1x16xf32> to vector<16xf32>
      %mul3A_477 = arith.mulf %get3A_45, %get3A_476 : vector<16xf32>
      %add3A_478 = arith.addf %get3A_472, %mul3A_477 : vector<16xf32>
      %get3A_479 = arith.index_cast %scan3A_42 : i32 to index
      %get3A_480 = arith.constant 320 : index
      %get3A_481 = tpu.vector_load %arg14[%get3A_479, %get3A_480] {strides = array<i32>} : memref<32x1024xf32, #tpu.memory_space<vmem>>, vector<1x16xf32>,
      %get3A_482 = vector.shape_cast %get3A_481 : vector<1x16xf32> to vector<16xf32>
      %mul3A_483 = arith.mulf %get3A_49, %get3A_482 : vector<16xf32>
      %add3A_484 = arith.addf %add3A_478, %mul3A_483 : vector<16xf32>
      %swap3A_485 = arith.index_cast %scan3A_42 : i32 to index
      %swap3A_486 = arith.constant 320 : index
      %swap3A_487 = tpu.vector_load %arg15[%swap3A_485, %swap3A_486] {strides = array<i32>} : memref<32x1024xf32, #tpu.memory_space<vmem>>, vector<1x16xf32>,
      %swap3A_488 = vector.shape_cast %swap3A_487 : vector<1x16xf32> to vector<16xf32>
      %swap3A_489 = vector.shape_cast %add3A_484 : vector<16xf32> to vector<1x16xf32>
      tpu.vector_store %arg15[%swap3A_485, %swap3A_486], %swap3A_489 {strides = array<i32>} : memref<32x1024xf32, #tpu.memory_space<vmem>>, vector<1x16xf32>,
      %get3A_490 = arith.index_cast %scan3A_42 : i32 to index
      %get3A_491 = arith.constant 336 : index
      %get3A_492 = tpu.vector_load %arg15[%get3A_490, %get3A_491] {strides = array<i32>} : memref<32x1024xf32, #tpu.memory_space<vmem>>, vector<1x16xf32>,
      %get3A_493 = vector.shape_cast %get3A_492 : vector<1x16xf32> to vector<16xf32>
      %get3A_494 = arith.index_cast %scan3A_42 : i32 to index
      %get3A_495 = arith.constant 336 : index
      %get3A_496 = tpu.vector_load %arg13[%get3A_494, %get3A_495] {strides = array<i32>} : memref<32x1024xf32, #tpu.memory_space<vmem>>, vector<1x16xf32>,
      %get3A_497 = vector.shape_cast %get3A_496 : vector<1x16xf32> to vector<16xf32>
      %mul3A_498 = arith.mulf %get3A_45, %get3A_497 : vector<16xf32>
      %add3A_499 = arith.addf %get3A_493, %mul3A_498 : vector<16xf32>
      %get3A_500 = arith.index_cast %scan3A_42 : i32 to index
      %get3A_501 = arith.constant 336 : index
      %get3A_502 = tpu.vector_load %arg14[%get3A_500, %get3A_501] {strides = array<i32>} : memref<32x1024xf32, #tpu.memory_space<vmem>>, vector<1x16xf32>,
      %get3A_503 = vector.shape_cast %get3A_502 : vector<1x16xf32> to vector<16xf32>
      %mul3A_504 = arith.mulf %get3A_49, %get3A_503 : vector<16xf32>
      %add3A_505 = arith.addf %add3A_499, %mul3A_504 : vector<16xf32>
      %swap3A_506 = arith.index_cast %scan3A_42 : i32 to index
      %swap3A_507 = arith.constant 336 : index
      %swap3A_508 = tpu.vector_load %arg15[%swap3A_506, %swap3A_507] {strides = array<i32>} : memref<32x1024xf32, #tpu.memory_space<vmem>>, vector<1x16xf32>,
      %swap3A_509 = vector.shape_cast %swap3A_508 : vector<1x16xf32> to vector<16xf32>
      %swap3A_510 = vector.shape_cast %add3A_505 : vector<16xf32> to vector<1x16xf32>
      tpu.vector_store %arg15[%swap3A_506, %swap3A_507], %swap3A_510 {strides = array<i32>} : memref<32x1024xf32, #tpu.memory_space<vmem>>, vector<1x16xf32>,
      %get3A_511 = arith.index_cast %scan3A_42 : i32 to index
      %get3A_512 = arith.constant 352 : index
      %get3A_513 = tpu.vector_load %arg15[%get3A_511, %get3A_512] {strides = array<i32>} : memref<32x1024xf32, #tpu.memory_space<vmem>>, vector<1x16xf32>,
      %get3A_514 = vector.shape_cast %get3A_513 : vector<1x16xf32> to vector<16xf32>
      %get3A_515 = arith.index_cast %scan3A_42 : i32 to index
      %get3A_516 = arith.constant 352 : index
      %get3A_517 = tpu.vector_load %arg13[%get3A_515, %get3A_516] {strides = array<i32>} : memref<32x1024xf32, #tpu.memory_space<vmem>>, vector<1x16xf32>,
      %get3A_518 = vector.shape_cast %get3A_517 : vector<1x16xf32> to vector<16xf32>
      %mul3A_519 = arith.mulf %get3A_45, %get3A_518 : vector<16xf32>
      %add3A_520 = arith.addf %get3A_514, %mul3A_519 : vector<16xf32>
      %get3A_521 = arith.index_cast %scan3A_42 : i32 to index
      %get3A_522 = arith.constant 352 : index
      %get3A_523 = tpu.vector_load %arg14[%get3A_521, %get3A_522] {strides = array<i32>} : memref<32x1024xf32, #tpu.memory_space<vmem>>, vector<1x16xf32>,
      %get3A_524 = vector.shape_cast %get3A_523 : vector<1x16xf32> to vector<16xf32>
      %mul3A_525 = arith.mulf %get3A_49, %get3A_524 : vector<16xf32>
      %add3A_526 = arith.addf %add3A_520, %mul3A_525 : vector<16xf32>
      %swap3A_527 = arith.index_cast %scan3A_42 : i32 to index
      %swap3A_528 = arith.constant 352 : index
      %swap3A_529 = tpu.vector_load %arg15[%swap3A_527, %swap3A_528] {strides = array<i32>} : memref<32x1024xf32, #tpu.memory_space<vmem>>, vector<1x16xf32>,
      %swap3A_530 = vector.shape_cast %swap3A_529 : vector<1x16xf32> to vector<16xf32>
      %swap3A_531 = vector.shape_cast %add3A_526 : vector<16xf32> to vector<1x16xf32>
      tpu.vector_store %arg15[%swap3A_527, %swap3A_528], %swap3A_531 {strides = array<i32>} : memref<32x1024xf32, #tpu.memory_space<vmem>>, vector<1x16xf32>,
      %get3A_532 = arith.index_cast %scan3A_42 : i32 to index
      %get3A_533 = arith.constant 368 : index
      %get3A_534 = tpu.vector_load %arg15[%get3A_532, %get3A_533] {strides = array<i32>} : memref<32x1024xf32, #tpu.memory_space<vmem>>, vector<1x16xf32>,
      %get3A_535 = vector.shape_cast %get3A_534 : vector<1x16xf32> to vector<16xf32>
      %get3A_536 = arith.index_cast %scan3A_42 : i32 to index
      %get3A_537 = arith.constant 368 : index
      %get3A_538 = tpu.vector_load %arg13[%get3A_536, %get3A_537] {strides = array<i32>} : memref<32x1024xf32, #tpu.memory_space<vmem>>, vector<1x16xf32>,
      %get3A_539 = vector.shape_cast %get3A_538 : vector<1x16xf32> to vector<16xf32>
      %mul3A_540 = arith.mulf %get3A_45, %get3A_539 : vector<16xf32>
      %add3A_541 = arith.addf %get3A_535, %mul3A_540 : vector<16xf32>
      %get3A_542 = arith.index_cast %scan3A_42 : i32 to index
      %get3A_543 = arith.constant 368 : index
      %get3A_544 = tpu.vector_load %arg14[%get3A_542, %get3A_543] {strides = array<i32>} : memref<32x1024xf32, #tpu.memory_space<vmem>>, vector<1x16xf32>,
      %get3A_545 = vector.shape_cast %get3A_544 : vector<1x16xf32> to vector<16xf32>
      %mul3A_546 = arith.mulf %get3A_49, %get3A_545 : vector<16xf32>
      %add3A_547 = arith.addf %add3A_541, %mul3A_546 : vector<16xf32>
      %swap3A_548 = arith.index_cast %scan3A_42 : i32 to index
      %swap3A_549 = arith.constant 368 : index
      %swap3A_550 = tpu.vector_load %arg15[%swap3A_548, %swap3A_549] {strides = array<i32>} : memref<32x1024xf32, #tpu.memory_space<vmem>>, vector<1x16xf32>,
      %swap3A_551 = vector.shape_cast %swap3A_550 : vector<1x16xf32> to vector<16xf32>
      %swap3A_552 = vector.shape_cast %add3A_547 : vector<16xf32> to vector<1x16xf32>
      tpu.vector_store %arg15[%swap3A_548, %swap3A_549], %swap3A_552 {strides = array<i32>} : memref<32x1024xf32, #tpu.memory_space<vmem>>, vector<1x16xf32>,
      %get3A_553 = arith.index_cast %scan3A_42 : i32 to index
      %get3A_554 = arith.constant 384 : index
      %get3A_555 = tpu.vector_load %arg15[%get3A_553, %get3A_554] {strides = array<i32>} : memref<32x1024xf32, #tpu.memory_space<vmem>>, vector<1x16xf32>,
      %get3A_556 = vector.shape_cast %get3A_555 : vector<1x16xf32> to vector<16xf32>
      %get3A_557 = arith.index_cast %scan3A_42 : i32 to index
      %get3A_558 = arith.constant 384 : index
      %get3A_559 = tpu.vector_load %arg13[%get3A_557, %get3A_558] {strides = array<i32>} : memref<32x1024xf32, #tpu.memory_space<vmem>>, vector<1x16xf32>,
      %get3A_560 = vector.shape_cast %get3A_559 : vector<1x16xf32> to vector<16xf32>
      %mul3A_561 = arith.mulf %get3A_45, %get3A_560 : vector<16xf32>
      %add3A_562 = arith.addf %get3A_556, %mul3A_561 : vector<16xf32>
      %get3A_563 = arith.index_cast %scan3A_42 : i32 to index
      %get3A_564 = arith.constant 384 : index
      %get3A_565 = tpu.vector_load %arg14[%get3A_563, %get3A_564] {strides = array<i32>} : memref<32x1024xf32, #tpu.memory_space<vmem>>, vector<1x16xf32>,
      %get3A_566 = vector.shape_cast %get3A_565 : vector<1x16xf32> to vector<16xf32>
      %mul3A_567 = arith.mulf %get3A_49, %get3A_566 : vector<16xf32>
      %add3A_568 = arith.addf %add3A_562, %mul3A_567 : vector<16xf32>
      %swap3A_569 = arith.index_cast %scan3A_42 : i32 to index
      %swap3A_570 = arith.constant 384 : index
      %swap3A_571 = tpu.vector_load %arg15[%swap3A_569, %swap3A_570] {strides = array<i32>} : memref<32x1024xf32, #tpu.memory_space<vmem>>, vector<1x16xf32>,
      %swap3A_572 = vector.shape_cast %swap3A_571 : vector<1x16xf32> to vector<16xf32>
      %swap3A_573 = vector.shape_cast %add3A_568 : vector<16xf32> to vector<1x16xf32>
      tpu.vector_store %arg15[%swap3A_569, %swap3A_570], %swap3A_573 {strides = array<i32>} : memref<32x1024xf32, #tpu.memory_space<vmem>>, vector<1x16xf32>,
      %get3A_574 = arith.index_cast %scan3A_42 : i32 to index
      %get3A_575 = arith.constant 400 : index
      %get3A_576 = tpu.vector_load %arg15[%get3A_574, %get3A_575] {strides = array<i32>} : memref<32x1024xf32, #tpu.memory_space<vmem>>, vector<1x16xf32>,
      %get3A_577 = vector.shape_cast %get3A_576 : vector<1x16xf32> to vector<16xf32>
      %get3A_578 = arith.index_cast %scan3A_42 : i32 to index
      %get3A_579 = arith.constant 400 : index
      %get3A_580 = tpu.vector_load %arg13[%get3A_578, %get3A_579] {strides = array<i32>} : memref<32x1024xf32, #tpu.memory_space<vmem>>, vector<1x16xf32>,
      %get3A_581 = vector.shape_cast %get3A_580 : vector<1x16xf32> to vector<16xf32>
      %mul3A_582 = arith.mulf %get3A_45, %get3A_581 : vector<16xf32>
      %add3A_583 = arith.addf %get3A_577, %mul3A_582 : vector<16xf32>
      %get3A_584 = arith.index_cast %scan3A_42 : i32 to index
      %get3A_585 = arith.constant 400 : index
      %get3A_586 = tpu.vector_load %arg14[%get3A_584, %get3A_585] {strides = array<i32>} : memref<32x1024xf32, #tpu.memory_space<vmem>>, vector<1x16xf32>,
      %get3A_587 = vector.shape_cast %get3A_586 : vector<1x16xf32> to vector<16xf32>
      %mul3A_588 = arith.mulf %get3A_49, %get3A_587 : vector<16xf32>
      %add3A_589 = arith.addf %add3A_583, %mul3A_588 : vector<16xf32>
      %swap3A_590 = arith.index_cast %scan3A_42 : i32 to index
      %swap3A_591 = arith.constant 400 : index
      %swap3A_592 = tpu.vector_load %arg15[%swap3A_590, %swap3A_591] {strides = array<i32>} : memref<32x1024xf32, #tpu.memory_space<vmem>>, vector<1x16xf32>,
      %swap3A_593 = vector.shape_cast %swap3A_592 : vector<1x16xf32> to vector<16xf32>
      %swap3A_594 = vector.shape_cast %add3A_589 : vector<16xf32> to vector<1x16xf32>
      tpu.vector_store %arg15[%swap3A_590, %swap3A_591], %swap3A_594 {strides = array<i32>} : memref<32x1024xf32, #tpu.memory_space<vmem>>, vector<1x16xf32>,
      %get3A_595 = arith.index_cast %scan3A_42 : i32 to index
      %get3A_596 = arith.constant 416 : index
      %get3A_597 = tpu.vector_load %arg15[%get3A_595, %get3A_596] {strides = array<i32>} : memref<32x1024xf32, #tpu.memory_space<vmem>>, vector<1x16xf32>,
      %get3A_598 = vector.shape_cast %get3A_597 : vector<1x16xf32> to vector<16xf32>
      %get3A_599 = arith.index_cast %scan3A_42 : i32 to index
      %get3A_600 = arith.constant 416 : index
      %get3A_601 = tpu.vector_load %arg13[%get3A_599, %get3A_600] {strides = array<i32>} : memref<32x1024xf32, #tpu.memory_space<vmem>>, vector<1x16xf32>,
      %get3A_602 = vector.shape_cast %get3A_601 : vector<1x16xf32> to vector<16xf32>
      %mul3A_603 = arith.mulf %get3A_45, %get3A_602 : vector<16xf32>
      %add3A_604 = arith.addf %get3A_598, %mul3A_603 : vector<16xf32>
      %get3A_605 = arith.index_cast %scan3A_42 : i32 to index
      %get3A_606 = arith.constant 416 : index
      %get3A_607 = tpu.vector_load %arg14[%get3A_605, %get3A_606] {strides = array<i32>} : memref<32x1024xf32, #tpu.memory_space<vmem>>, vector<1x16xf32>,
      %get3A_608 = vector.shape_cast %get3A_607 : vector<1x16xf32> to vector<16xf32>
      %mul3A_609 = arith.mulf %get3A_49, %get3A_608 : vector<16xf32>
      %add3A_610 = arith.addf %add3A_604, %mul3A_609 : vector<16xf32>
      %swap3A_611 = arith.index_cast %scan3A_42 : i32 to index
      %swap3A_612 = arith.constant 416 : index
      %swap3A_613 = tpu.vector_load %arg15[%swap3A_611, %swap3A_612] {strides = array<i32>} : memref<32x1024xf32, #tpu.memory_space<vmem>>, vector<1x16xf32>,
      %swap3A_614 = vector.shape_cast %swap3A_613 : vector<1x16xf32> to vector<16xf32>
      %swap3A_615 = vector.shape_cast %add3A_610 : vector<16xf32> to vector<1x16xf32>
      tpu.vector_store %arg15[%swap3A_611, %swap3A_612], %swap3A_615 {strides = array<i32>} : memref<32x1024xf32, #tpu.memory_space<vmem>>, vector<1x16xf32>,
      %get3A_616 = arith.index_cast %scan3A_42 : i32 to index
      %get3A_617 = arith.constant 432 : index
      %get3A_618 = tpu.vector_load %arg15[%get3A_616, %get3A_617] {strides = array<i32>} : memref<32x1024xf32, #tpu.memory_space<vmem>>, vector<1x16xf32>,
      %get3A_619 = vector.shape_cast %get3A_618 : vector<1x16xf32> to vector<16xf32>
      %get3A_620 = arith.index_cast %scan3A_42 : i32 to index
      %get3A_621 = arith.constant 432 : index
      %get3A_622 = tpu.vector_load %arg13[%get3A_620, %get3A_621] {strides = array<i32>} : memref<32x1024xf32, #tpu.memory_space<vmem>>, vector<1x16xf32>,
      %get3A_623 = vector.shape_cast %get3A_622 : vector<1x16xf32> to vector<16xf32>
      %mul3A_624 = arith.mulf %get3A_45, %get3A_623 : vector<16xf32>
      %add3A_625 = arith.addf %get3A_619, %mul3A_624 : vector<16xf32>
      %get3A_626 = arith.index_cast %scan3A_42 : i32 to index
      %get3A_627 = arith.constant 432 : index
      %get3A_628 = tpu.vector_load %arg14[%get3A_626, %get3A_627] {strides = array<i32>} : memref<32x1024xf32, #tpu.memory_space<vmem>>, vector<1x16xf32>,
      %get3A_629 = vector.shape_cast %get3A_628 : vector<1x16xf32> to vector<16xf32>
      %mul3A_630 = arith.mulf %get3A_49, %get3A_629 : vector<16xf32>
      %add3A_631 = arith.addf %add3A_625, %mul3A_630 : vector<16xf32>
      %swap3A_632 = arith.index_cast %scan3A_42 : i32 to index
      %swap3A_633 = arith.constant 432 : index
      %swap3A_634 = tpu.vector_load %arg15[%swap3A_632, %swap3A_633] {strides = array<i32>} : memref<32x1024xf32, #tpu.memory_space<vmem>>, vector<1x16xf32>,
      %swap3A_635 = vector.shape_cast %swap3A_634 : vector<1x16xf32> to vector<16xf32>
      %swap3A_636 = vector.shape_cast %add3A_631 : vector<16xf32> to vector<1x16xf32>
      tpu.vector_store %arg15[%swap3A_632, %swap3A_633], %swap3A_636 {strides = array<i32>} : memref<32x1024xf32, #tpu.memory_space<vmem>>, vector<1x16xf32>,
      %get3A_637 = arith.index_cast %scan3A_42 : i32 to index
      %get3A_638 = arith.constant 448 : index
      %get3A_639 = tpu.vector_load %arg15[%get3A_637, %get3A_638] {strides = array<i32>} : memref<32x1024xf32, #tpu.memory_space<vmem>>, vector<1x16xf32>,
      %get3A_640 = vector.shape_cast %get3A_639 : vector<1x16xf32> to vector<16xf32>
      %get3A_641 = arith.index_cast %scan3A_42 : i32 to index
      %get3A_642 = arith.constant 448 : index
      %get3A_643 = tpu.vector_load %arg13[%get3A_641, %get3A_642] {strides = array<i32>} : memref<32x1024xf32, #tpu.memory_space<vmem>>, vector<1x16xf32>,
      %get3A_644 = vector.shape_cast %get3A_643 : vector<1x16xf32> to vector<16xf32>
      %mul3A_645 = arith.mulf %get3A_45, %get3A_644 : vector<16xf32>
      %add3A_646 = arith.addf %get3A_640, %mul3A_645 : vector<16xf32>
      %get3A_647 = arith.index_cast %scan3A_42 : i32 to index
      %get3A_648 = arith.constant 448 : index
      %get3A_649 = tpu.vector_load %arg14[%get3A_647, %get3A_648] {strides = array<i32>} : memref<32x1024xf32, #tpu.memory_space<vmem>>, vector<1x16xf32>,
      %get3A_650 = vector.shape_cast %get3A_649 : vector<1x16xf32> to vector<16xf32>
      %mul3A_651 = arith.mulf %get3A_49, %get3A_650 : vector<16xf32>
      %add3A_652 = arith.addf %add3A_646, %mul3A_651 : vector<16xf32>
      %swap3A_653 = arith.index_cast %scan3A_42 : i32 to index
      %swap3A_654 = arith.constant 448 : index
      %swap3A_655 = tpu.vector_load %arg15[%swap3A_653, %swap3A_654] {strides = array<i32>} : memref<32x1024xf32, #tpu.memory_space<vmem>>, vector<1x16xf32>,
      %swap3A_656 = vector.shape_cast %swap3A_655 : vector<1x16xf32> to vector<16xf32>
      %swap3A_657 = vector.shape_cast %add3A_652 : vector<16xf32> to vector<1x16xf32>
      tpu.vector_store %arg15[%swap3A_653, %swap3A_654], %swap3A_657 {strides = array<i32>} : memref<32x1024xf32, #tpu.memory_space<vmem>>, vector<1x16xf32>,
      %get3A_658 = arith.index_cast %scan3A_42 : i32 to index
      %get3A_659 = arith.constant 464 : index
      %get3A_660 = tpu.vector_load %arg15[%get3A_658, %get3A_659] {strides = array<i32>} : memref<32x1024xf32, #tpu.memory_space<vmem>>, vector<1x16xf32>,
      %get3A_661 = vector.shape_cast %get3A_660 : vector<1x16xf32> to vector<16xf32>
      %get3A_662 = arith.index_cast %scan3A_42 : i32 to index
      %get3A_663 = arith.constant 464 : index
      %get3A_664 = tpu.vector_load %arg13[%get3A_662, %get3A_663] {strides = array<i32>} : memref<32x1024xf32, #tpu.memory_space<vmem>>, vector<1x16xf32>,
      %get3A_665 = vector.shape_cast %get3A_664 : vector<1x16xf32> to vector<16xf32>
      %mul3A_666 = arith.mulf %get3A_45, %get3A_665 : vector<16xf32>
      %add3A_667 = arith.addf %get3A_661, %mul3A_666 : vector<16xf32>
      %get3A_668 = arith.index_cast %scan3A_42 : i32 to index
      %get3A_669 = arith.constant 464 : index
      %get3A_670 = tpu.vector_load %arg14[%get3A_668, %get3A_669] {strides = array<i32>} : memref<32x1024xf32, #tpu.memory_space<vmem>>, vector<1x16xf32>,
      %get3A_671 = vector.shape_cast %get3A_670 : vector<1x16xf32> to vector<16xf32>
      %mul3A_672 = arith.mulf %get3A_49, %get3A_671 : vector<16xf32>
      %add3A_673 = arith.addf %add3A_667, %mul3A_672 : vector<16xf32>
      %swap3A_674 = arith.index_cast %scan3A_42 : i32 to index
      %swap3A_675 = arith.constant 464 : index
      %swap3A_676 = tpu.vector_load %arg15[%swap3A_674, %swap3A_675] {strides = array<i32>} : memref<32x1024xf32, #tpu.memory_space<vmem>>, vector<1x16xf32>,
      %swap3A_677 = vector.shape_cast %swap3A_676 : vector<1x16xf32> to vector<16xf32>
      %swap3A_678 = vector.shape_cast %add3A_673 : vector<16xf32> to vector<1x16xf32>
      tpu.vector_store %arg15[%swap3A_674, %swap3A_675], %swap3A_678 {strides = array<i32>} : memref<32x1024xf32, #tpu.memory_space<vmem>>, vector<1x16xf32>,
      %get3A_679 = arith.index_cast %scan3A_42 : i32 to index
      %get3A_680 = arith.constant 480 : index
      %get3A_681 = tpu.vector_load %arg15[%get3A_679, %get3A_680] {strides = array<i32>} : memref<32x1024xf32, #tpu.memory_space<vmem>>, vector<1x16xf32>,
      %get3A_682 = vector.shape_cast %get3A_681 : vector<1x16xf32> to vector<16xf32>
      %get3A_683 = arith.index_cast %scan3A_42 : i32 to index
      %get3A_684 = arith.constant 480 : index
      %get3A_685 = tpu.vector_load %arg13[%get3A_683, %get3A_684] {strides = array<i32>} : memref<32x1024xf32, #tpu.memory_space<vmem>>, vector<1x16xf32>,
      %get3A_686 = vector.shape_cast %get3A_685 : vector<1x16xf32> to vector<16xf32>
      %mul3A_687 = arith.mulf %get3A_45, %get3A_686 : vector<16xf32>
      %add3A_688 = arith.addf %get3A_682, %mul3A_687 : vector<16xf32>
      %get3A_689 = arith.index_cast %scan3A_42 : i32 to index
      %get3A_690 = arith.constant 480 : index
      %get3A_691 = tpu.vector_load %arg14[%get3A_689, %get3A_690] {strides = array<i32>} : memref<32x1024xf32, #tpu.memory_space<vmem>>, vector<1x16xf32>,
      %get3A_692 = vector.shape_cast %get3A_691 : vector<1x16xf32> to vector<16xf32>
      %mul3A_693 = arith.mulf %get3A_49, %get3A_692 : vector<16xf32>
      %add3A_694 = arith.addf %add3A_688, %mul3A_693 : vector<16xf32>
      %swap3A_695 = arith.index_cast %scan3A_42 : i32 to index
      %swap3A_696 = arith.constant 480 : index
      %swap3A_697 = tpu.vector_load %arg15[%swap3A_695, %swap3A_696] {strides = array<i32>} : memref<32x1024xf32, #tpu.memory_space<vmem>>, vector<1x16xf32>,
      %swap3A_698 = vector.shape_cast %swap3A_697 : vector<1x16xf32> to vector<16xf32>
      %swap3A_699 = vector.shape_cast %add3A_694 : vector<16xf32> to vector<1x16xf32>
      tpu.vector_store %arg15[%swap3A_695, %swap3A_696], %swap3A_699 {strides = array<i32>} : memref<32x1024xf32, #tpu.memory_space<vmem>>, vector<1x16xf32>,
      %get3A_700 = arith.index_cast %scan3A_42 : i32 to index
      %get3A_701 = arith.constant 496 : index
      %get3A_702 = tpu.vector_load %arg15[%get3A_700, %get3A_701] {strides = array<i32>} : memref<32x1024xf32, #tpu.memory_space<vmem>>, vector<1x16xf32>,
      %get3A_703 = vector.shape_cast %get3A_702 : vector<1x16xf32> to vector<16xf32>
      %get3A_704 = arith.index_cast %scan3A_42 : i32 to index
      %get3A_705 = arith.constant 496 : index
      %get3A_706 = tpu.vector_load %arg13[%get3A_704, %get3A_705] {strides = array<i32>} : memref<32x1024xf32, #tpu.memory_space<vmem>>, vector<1x16xf32>,
      %get3A_707 = vector.shape_cast %get3A_706 : vector<1x16xf32> to vector<16xf32>
      %mul3A_708 = arith.mulf %get3A_45, %get3A_707 : vector<16xf32>
      %add3A_709 = arith.addf %get3A_703, %mul3A_708 : vector<16xf32>
      %get3A_710 = arith.index_cast %scan3A_42 : i32 to index
      %get3A_711 = arith.constant 496 : index
      %get3A_712 = tpu.vector_load %arg14[%get3A_710, %get3A_711] {strides = array<i32>} : memref<32x1024xf32, #tpu.memory_space<vmem>>, vector<1x16xf32>,
      %get3A_713 = vector.shape_cast %get3A_712 : vector<1x16xf32> to vector<16xf32>
      %mul3A_714 = arith.mulf %get3A_49, %get3A_713 : vector<16xf32>
      %add3A_715 = arith.addf %add3A_709, %mul3A_714 : vector<16xf32>
      %swap3A_716 = arith.index_cast %scan3A_42 : i32 to index
      %swap3A_717 = arith.constant 496 : index
      %swap3A_718 = tpu.vector_load %arg15[%swap3A_716, %swap3A_717] {strides = array<i32>} : memref<32x1024xf32, #tpu.memory_space<vmem>>, vector<1x16xf32>,
      %swap3A_719 = vector.shape_cast %swap3A_718 : vector<1x16xf32> to vector<16xf32>
      %swap3A_720 = vector.shape_cast %add3A_715 : vector<16xf32> to vector<1x16xf32>
      tpu.vector_store %arg15[%swap3A_716, %swap3A_717], %swap3A_720 {strides = array<i32>} : memref<32x1024xf32, #tpu.memory_space<vmem>>, vector<1x16xf32>,
      %get3A_721 = arith.index_cast %scan3A_42 : i32 to index
      %get3A_722 = arith.constant 512 : index
      %get3A_723 = tpu.vector_load %arg15[%get3A_721, %get3A_722] {strides = array<i32>} : memref<32x1024xf32, #tpu.memory_space<vmem>>, vector<1x16xf32>,
      %get3A_724 = vector.shape_cast %get3A_723 : vector<1x16xf32> to vector<16xf32>
      %get3A_725 = arith.index_cast %scan3A_42 : i32 to index
      %get3A_726 = arith.constant 512 : index
      %get3A_727 = tpu.vector_load %arg13[%get3A_725, %get3A_726] {strides = array<i32>} : memref<32x1024xf32, #tpu.memory_space<vmem>>, vector<1x16xf32>,
      %get3A_728 = vector.shape_cast %get3A_727 : vector<1x16xf32> to vector<16xf32>
      %mul3A_729 = arith.mulf %get3A_45, %get3A_728 : vector<16xf32>
      %add3A_730 = arith.addf %get3A_724, %mul3A_729 : vector<16xf32>
      %get3A_731 = arith.index_cast %scan3A_42 : i32 to index
      %get3A_732 = arith.constant 512 : index
      %get3A_733 = tpu.vector_load %arg14[%get3A_731, %get3A_732] {strides = array<i32>} : memref<32x1024xf32, #tpu.memory_space<vmem>>, vector<1x16xf32>,
      %get3A_734 = vector.shape_cast %get3A_733 : vector<1x16xf32> to vector<16xf32>
      %mul3A_735 = arith.mulf %get3A_49, %get3A_734 : vector<16xf32>
      %add3A_736 = arith.addf %add3A_730, %mul3A_735 : vector<16xf32>
      %swap3A_737 = arith.index_cast %scan3A_42 : i32 to index
      %swap3A_738 = arith.constant 512 : index
      %swap3A_739 = tpu.vector_load %arg15[%swap3A_737, %swap3A_738] {strides = array<i32>} : memref<32x1024xf32, #tpu.memory_space<vmem>>, vector<1x16xf32>,
      %swap3A_740 = vector.shape_cast %swap3A_739 : vector<1x16xf32> to vector<16xf32>
      %swap3A_741 = vector.shape_cast %add3A_736 : vector<16xf32> to vector<1x16xf32>
      tpu.vector_store %arg15[%swap3A_737, %swap3A_738], %swap3A_741 {strides = array<i32>} : memref<32x1024xf32, #tpu.memory_space<vmem>>, vector<1x16xf32>,
      %get3A_742 = arith.index_cast %scan3A_42 : i32 to index
      %get3A_743 = arith.constant 528 : index
      %get3A_744 = tpu.vector_load %arg15[%get3A_742, %get3A_743] {strides = array<i32>} : memref<32x1024xf32, #tpu.memory_space<vmem>>, vector<1x16xf32>,
      %get3A_745 = vector.shape_cast %get3A_744 : vector<1x16xf32> to vector<16xf32>
      %get3A_746 = arith.index_cast %scan3A_42 : i32 to index
      %get3A_747 = arith.constant 528 : index
      %get3A_748 = tpu.vector_load %arg13[%get3A_746, %get3A_747] {strides = array<i32>} : memref<32x1024xf32, #tpu.memory_space<vmem>>, vector<1x16xf32>,
      %get3A_749 = vector.shape_cast %get3A_748 : vector<1x16xf32> to vector<16xf32>
      %mul3A_750 = arith.mulf %get3A_45, %get3A_749 : vector<16xf32>
      %add3A_751 = arith.addf %get3A_745, %mul3A_750 : vector<16xf32>
      %get3A_752 = arith.index_cast %scan3A_42 : i32 to index
      %get3A_753 = arith.constant 528 : index
      %get3A_754 = tpu.vector_load %arg14[%get3A_752, %get3A_753] {strides = array<i32>} : memref<32x1024xf32, #tpu.memory_space<vmem>>, vector<1x16xf32>,
      %get3A_755 = vector.shape_cast %get3A_754 : vector<1x16xf32> to vector<16xf32>
      %mul3A_756 = arith.mulf %get3A_49, %get3A_755 : vector<16xf32>
      %add3A_757 = arith.addf %add3A_751, %mul3A_756 : vector<16xf32>
      %swap3A_758 = arith.index_cast %scan3A_42 : i32 to index
      %swap3A_759 = arith.constant 528 : index
      %swap3A_760 = tpu.vector_load %arg15[%swap3A_758, %swap3A_759] {strides = array<i32>} : memref<32x1024xf32, #tpu.memory_space<vmem>>, vector<1x16xf32>,
      %swap3A_761 = vector.shape_cast %swap3A_760 : vector<1x16xf32> to vector<16xf32>
      %swap3A_762 = vector.shape_cast %add3A_757 : vector<16xf32> to vector<1x16xf32>
      tpu.vector_store %arg15[%swap3A_758, %swap3A_759], %swap3A_762 {strides = array<i32>} : memref<32x1024xf32, #tpu.memory_space<vmem>>, vector<1x16xf32>,
      %get3A_763 = arith.index_cast %scan3A_42 : i32 to index
      %get3A_764 = arith.constant 544 : index
      %get3A_765 = tpu.vector_load %arg15[%get3A_763, %get3A_764] {strides = array<i32>} : memref<32x1024xf32, #tpu.memory_space<vmem>>, vector<1x16xf32>,
      %get3A_766 = vector.shape_cast %get3A_765 : vector<1x16xf32> to vector<16xf32>
      %get3A_767 = arith.index_cast %scan3A_42 : i32 to index
      %get3A_768 = arith.constant 544 : index
      %get3A_769 = tpu.vector_load %arg13[%get3A_767, %get3A_768] {strides = array<i32>} : memref<32x1024xf32, #tpu.memory_space<vmem>>, vector<1x16xf32>,
      %get3A_770 = vector.shape_cast %get3A_769 : vector<1x16xf32> to vector<16xf32>
      %mul3A_771 = arith.mulf %get3A_45, %get3A_770 : vector<16xf32>
      %add3A_772 = arith.addf %get3A_766, %mul3A_771 : vector<16xf32>
      %get3A_773 = arith.index_cast %scan3A_42 : i32 to index
      %get3A_774 = arith.constant 544 : index
      %get3A_775 = tpu.vector_load %arg14[%get3A_773, %get3A_774] {strides = array<i32>} : memref<32x1024xf32, #tpu.memory_space<vmem>>, vector<1x16xf32>,
      %get3A_776 = vector.shape_cast %get3A_775 : vector<1x16xf32> to vector<16xf32>
      %mul3A_777 = arith.mulf %get3A_49, %get3A_776 : vector<16xf32>
      %add3A_778 = arith.addf %add3A_772, %mul3A_777 : vector<16xf32>
      %swap3A_779 = arith.index_cast %scan3A_42 : i32 to index
      %swap3A_780 = arith.constant 544 : index
      %swap3A_781 = tpu.vector_load %arg15[%swap3A_779, %swap3A_780] {strides = array<i32>} : memref<32x1024xf32, #tpu.memory_space<vmem>>, vector<1x16xf32>,
      %swap3A_782 = vector.shape_cast %swap3A_781 : vector<1x16xf32> to vector<16xf32>
      %swap3A_783 = vector.shape_cast %add3A_778 : vector<16xf32> to vector<1x16xf32>
      tpu.vector_store %arg15[%swap3A_779, %swap3A_780], %swap3A_783 {strides = array<i32>} : memref<32x1024xf32, #tpu.memory_space<vmem>>, vector<1x16xf32>,
      %get3A_784 = arith.index_cast %scan3A_42 : i32 to index
      %get3A_785 = arith.constant 560 : index
      %get3A_786 = tpu.vector_load %arg15[%get3A_784, %get3A_785] {strides = array<i32>} : memref<32x1024xf32, #tpu.memory_space<vmem>>, vector<1x16xf32>,
      %get3A_787 = vector.shape_cast %get3A_786 : vector<1x16xf32> to vector<16xf32>
      %get3A_788 = arith.index_cast %scan3A_42 : i32 to index
      %get3A_789 = arith.constant 560 : index
      %get3A_790 = tpu.vector_load %arg13[%get3A_788, %get3A_789] {strides = array<i32>} : memref<32x1024xf32, #tpu.memory_space<vmem>>, vector<1x16xf32>,
      %get3A_791 = vector.shape_cast %get3A_790 : vector<1x16xf32> to vector<16xf32>
      %mul3A_792 = arith.mulf %get3A_45, %get3A_791 : vector<16xf32>
      %add3A_793 = arith.addf %get3A_787, %mul3A_792 : vector<16xf32>
      %get3A_794 = arith.index_cast %scan3A_42 : i32 to index
      %get3A_795 = arith.constant 560 : index
      %get3A_796 = tpu.vector_load %arg14[%get3A_794, %get3A_795] {strides = array<i32>} : memref<32x1024xf32, #tpu.memory_space<vmem>>, vector<1x16xf32>,
      %get3A_797 = vector.shape_cast %get3A_796 : vector<1x16xf32> to vector<16xf32>
      %mul3A_798 = arith.mulf %get3A_49, %get3A_797 : vector<16xf32>
      %add3A_799 = arith.addf %add3A_793, %mul3A_798 : vector<16xf32>
      %swap3A_800 = arith.index_cast %scan3A_42 : i32 to index
      %swap3A_801 = arith.constant 560 : index
      %swap3A_802 = tpu.vector_load %arg15[%swap3A_800, %swap3A_801] {strides = array<i32>} : memref<32x1024xf32, #tpu.memory_space<vmem>>, vector<1x16xf32>,
      %swap3A_803 = vector.shape_cast %swap3A_802 : vector<1x16xf32> to vector<16xf32>
      %swap3A_804 = vector.shape_cast %add3A_799 : vector<16xf32> to vector<1x16xf32>
      tpu.vector_store %arg15[%swap3A_800, %swap3A_801], %swap3A_804 {strides = array<i32>} : memref<32x1024xf32, #tpu.memory_space<vmem>>, vector<1x16xf32>,
      %get3A_805 = arith.index_cast %scan3A_42 : i32 to index
      %get3A_806 = arith.constant 576 : index
      %get3A_807 = tpu.vector_load %arg15[%get3A_805, %get3A_806] {strides = array<i32>} : memref<32x1024xf32, #tpu.memory_space<vmem>>, vector<1x16xf32>,
      %get3A_808 = vector.shape_cast %get3A_807 : vector<1x16xf32> to vector<16xf32>
      %get3A_809 = arith.index_cast %scan3A_42 : i32 to index
      %get3A_810 = arith.constant 576 : index
      %get3A_811 = tpu.vector_load %arg13[%get3A_809, %get3A_810] {strides = array<i32>} : memref<32x1024xf32, #tpu.memory_space<vmem>>, vector<1x16xf32>,
      %get3A_812 = vector.shape_cast %get3A_811 : vector<1x16xf32> to vector<16xf32>
      %mul3A_813 = arith.mulf %get3A_45, %get3A_812 : vector<16xf32>
      %add3A_814 = arith.addf %get3A_808, %mul3A_813 : vector<16xf32>
      %get3A_815 = arith.index_cast %scan3A_42 : i32 to index
      %get3A_816 = arith.constant 576 : index
      %get3A_817 = tpu.vector_load %arg14[%get3A_815, %get3A_816] {strides = array<i32>} : memref<32x1024xf32, #tpu.memory_space<vmem>>, vector<1x16xf32>,
      %get3A_818 = vector.shape_cast %get3A_817 : vector<1x16xf32> to vector<16xf32>
      %mul3A_819 = arith.mulf %get3A_49, %get3A_818 : vector<16xf32>
      %add3A_820 = arith.addf %add3A_814, %mul3A_819 : vector<16xf32>
      %swap3A_821 = arith.index_cast %scan3A_42 : i32 to index
      %swap3A_822 = arith.constant 576 : index
      %swap3A_823 = tpu.vector_load %arg15[%swap3A_821, %swap3A_822] {strides = array<i32>} : memref<32x1024xf32, #tpu.memory_space<vmem>>, vector<1x16xf32>,
      %swap3A_824 = vector.shape_cast %swap3A_823 : vector<1x16xf32> to vector<16xf32>
      %swap3A_825 = vector.shape_cast %add3A_820 : vector<16xf32> to vector<1x16xf32>
      tpu.vector_store %arg15[%swap3A_821, %swap3A_822], %swap3A_825 {strides = array<i32>} : memref<32x1024xf32, #tpu.memory_space<vmem>>, vector<1x16xf32>,
      %get3A_826 = arith.index_cast %scan3A_42 : i32 to index
      %get3A_827 = arith.constant 592 : index
      %get3A_828 = tpu.vector_load %arg15[%get3A_826, %get3A_827] {strides = array<i32>} : memref<32x1024xf32, #tpu.memory_space<vmem>>, vector<1x16xf32>,
      %get3A_829 = vector.shape_cast %get3A_828 : vector<1x16xf32> to vector<16xf32>
      %get3A_830 = arith.index_cast %scan3A_42 : i32 to index
      %get3A_831 = arith.constant 592 : index
      %get3A_832 = tpu.vector_load %arg13[%get3A_830, %get3A_831] {strides = array<i32>} : memref<32x1024xf32, #tpu.memory_space<vmem>>, vector<1x16xf32>,
      %get3A_833 = vector.shape_cast %get3A_832 : vector<1x16xf32> to vector<16xf32>
      %mul3A_834 = arith.mulf %get3A_45, %get3A_833 : vector<16xf32>
      %add3A_835 = arith.addf %get3A_829, %mul3A_834 : vector<16xf32>
      %get3A_836 = arith.index_cast %scan3A_42 : i32 to index
      %get3A_837 = arith.constant 592 : index
      %get3A_838 = tpu.vector_load %arg14[%get3A_836, %get3A_837] {strides = array<i32>} : memref<32x1024xf32, #tpu.memory_space<vmem>>, vector<1x16xf32>,
      %get3A_839 = vector.shape_cast %get3A_838 : vector<1x16xf32> to vector<16xf32>
      %mul3A_840 = arith.mulf %get3A_49, %get3A_839 : vector<16xf32>
      %add3A_841 = arith.addf %add3A_835, %mul3A_840 : vector<16xf32>
      %swap3A_842 = arith.index_cast %scan3A_42 : i32 to index
      %swap3A_843 = arith.constant 592 : index
      %swap3A_844 = tpu.vector_load %arg15[%swap3A_842, %swap3A_843] {strides = array<i32>} : memref<32x1024xf32, #tpu.memory_space<vmem>>, vector<1x16xf32>,
      %swap3A_845 = vector.shape_cast %swap3A_844 : vector<1x16xf32> to vector<16xf32>
      %swap3A_846 = vector.shape_cast %add3A_841 : vector<16xf32> to vector<1x16xf32>
      tpu.vector_store %arg15[%swap3A_842, %swap3A_843], %swap3A_846 {strides = array<i32>} : memref<32x1024xf32, #tpu.memory_space<vmem>>, vector<1x16xf32>,
      %get3A_847 = arith.index_cast %scan3A_42 : i32 to index
      %get3A_848 = arith.constant 608 : index
      %get3A_849 = tpu.vector_load %arg15[%get3A_847, %get3A_848] {strides = array<i32>} : memref<32x1024xf32, #tpu.memory_space<vmem>>, vector<1x16xf32>,
      %get3A_850 = vector.shape_cast %get3A_849 : vector<1x16xf32> to vector<16xf32>
      %get3A_851 = arith.index_cast %scan3A_42 : i32 to index
      %get3A_852 = arith.constant 608 : index
      %get3A_853 = tpu.vector_load %arg13[%get3A_851, %get3A_852] {strides = array<i32>} : memref<32x1024xf32, #tpu.memory_space<vmem>>, vector<1x16xf32>,
      %get3A_854 = vector.shape_cast %get3A_853 : vector<1x16xf32> to vector<16xf32>
      %mul3A_855 = arith.mulf %get3A_45, %get3A_854 : vector<16xf32>
      %add3A_856 = arith.addf %get3A_850, %mul3A_855 : vector<16xf32>
      %get3A_857 = arith.index_cast %scan3A_42 : i32 to index
      %get3A_858 = arith.constant 608 : index
      %get3A_859 = tpu.vector_load %arg14[%get3A_857, %get3A_858] {strides = array<i32>} : memref<32x1024xf32, #tpu.memory_space<vmem>>, vector<1x16xf32>,
      %get3A_860 = vector.shape_cast %get3A_859 : vector<1x16xf32> to vector<16xf32>
      %mul3A_861 = arith.mulf %get3A_49, %get3A_860 : vector<16xf32>
      %add3A_862 = arith.addf %add3A_856, %mul3A_861 : vector<16xf32>
      %swap3A_863 = arith.index_cast %scan3A_42 : i32 to index
      %swap3A_864 = arith.constant 608 : index
      %swap3A_865 = tpu.vector_load %arg15[%swap3A_863, %swap3A_864] {strides = array<i32>} : memref<32x1024xf32, #tpu.memory_space<vmem>>, vector<1x16xf32>,
      %swap3A_866 = vector.shape_cast %swap3A_865 : vector<1x16xf32> to vector<16xf32>
      %swap3A_867 = vector.shape_cast %add3A_862 : vector<16xf32> to vector<1x16xf32>
      tpu.vector_store %arg15[%swap3A_863, %swap3A_864], %swap3A_867 {strides = array<i32>} : memref<32x1024xf32, #tpu.memory_space<vmem>>, vector<1x16xf32>,
      %get3A_868 = arith.index_cast %scan3A_42 : i32 to index
      %get3A_869 = arith.constant 624 : index
      %get3A_870 = tpu.vector_load %arg15[%get3A_868, %get3A_869] {strides = array<i32>} : memref<32x1024xf32, #tpu.memory_space<vmem>>, vector<1x16xf32>,
      %get3A_871 = vector.shape_cast %get3A_870 : vector<1x16xf32> to vector<16xf32>
      %get3A_872 = arith.index_cast %scan3A_42 : i32 to index
      %get3A_873 = arith.constant 624 : index
      %get3A_874 = tpu.vector_load %arg13[%get3A_872, %get3A_873] {strides = array<i32>} : memref<32x1024xf32, #tpu.memory_space<vmem>>, vector<1x16xf32>,
      %get3A_875 = vector.shape_cast %get3A_874 : vector<1x16xf32> to vector<16xf32>
      %mul3A_876 = arith.mulf %get3A_45, %get3A_875 : vector<16xf32>
      %add3A_877 = arith.addf %get3A_871, %mul3A_876 : vector<16xf32>
      %get3A_878 = arith.index_cast %scan3A_42 : i32 to index
      %get3A_879 = arith.constant 624 : index
      %get3A_880 = tpu.vector_load %arg14[%get3A_878, %get3A_879] {strides = array<i32>} : memref<32x1024xf32, #tpu.memory_space<vmem>>, vector<1x16xf32>,
      %get3A_881 = vector.shape_cast %get3A_880 : vector<1x16xf32> to vector<16xf32>
      %mul3A_882 = arith.mulf %get3A_49, %get3A_881 : vector<16xf32>
      %add3A_883 = arith.addf %add3A_877, %mul3A_882 : vector<16xf32>
      %swap3A_884 = arith.index_cast %scan3A_42 : i32 to index
      %swap3A_885 = arith.constant 624 : index
      %swap3A_886 = tpu.vector_load %arg15[%swap3A_884, %swap3A_885] {strides = array<i32>} : memref<32x1024xf32, #tpu.memory_space<vmem>>, vector<1x16xf32>,
      %swap3A_887 = vector.shape_cast %swap3A_886 : vector<1x16xf32> to vector<16xf32>
      %swap3A_888 = vector.shape_cast %add3A_883 : vector<16xf32> to vector<1x16xf32>
      tpu.vector_store %arg15[%swap3A_884, %swap3A_885], %swap3A_888 {strides = array<i32>} : memref<32x1024xf32, #tpu.memory_space<vmem>>, vector<1x16xf32>,
      %get3A_889 = arith.index_cast %scan3A_42 : i32 to index
      %get3A_890 = arith.constant 640 : index
      %get3A_891 = tpu.vector_load %arg15[%get3A_889, %get3A_890] {strides = array<i32>} : memref<32x1024xf32, #tpu.memory_space<vmem>>, vector<1x16xf32>,
      %get3A_892 = vector.shape_cast %get3A_891 : vector<1x16xf32> to vector<16xf32>
      %get3A_893 = arith.index_cast %scan3A_42 : i32 to index
      %get3A_894 = arith.constant 640 : index
      %get3A_895 = tpu.vector_load %arg13[%get3A_893, %get3A_894] {strides = array<i32>} : memref<32x1024xf32, #tpu.memory_space<vmem>>, vector<1x16xf32>,
      %get3A_896 = vector.shape_cast %get3A_895 : vector<1x16xf32> to vector<16xf32>
      %mul3A_897 = arith.mulf %get3A_45, %get3A_896 : vector<16xf32>
      %add3A_898 = arith.addf %get3A_892, %mul3A_897 : vector<16xf32>
      %get3A_899 = arith.index_cast %scan3A_42 : i32 to index
      %get3A_900 = arith.constant 640 : index
      %get3A_901 = tpu.vector_load %arg14[%get3A_899, %get3A_900] {strides = array<i32>} : memref<32x1024xf32, #tpu.memory_space<vmem>>, vector<1x16xf32>,
      %get3A_902 = vector.shape_cast %get3A_901 : vector<1x16xf32> to vector<16xf32>
      %mul3A_903 = arith.mulf %get3A_49, %get3A_902 : vector<16xf32>
      %add3A_904 = arith.addf %add3A_898, %mul3A_903 : vector<16xf32>
      %swap3A_905 = arith.index_cast %scan3A_42 : i32 to index
      %swap3A_906 = arith.constant 640 : index
      %swap3A_907 = tpu.vector_load %arg15[%swap3A_905, %swap3A_906] {strides = array<i32>} : memref<32x1024xf32, #tpu.memory_space<vmem>>, vector<1x16xf32>,
      %swap3A_908 = vector.shape_cast %swap3A_907 : vector<1x16xf32> to vector<16xf32>
      %swap3A_909 = vector.shape_cast %add3A_904 : vector<16xf32> to vector<1x16xf32>
      tpu.vector_store %arg15[%swap3A_905, %swap3A_906], %swap3A_909 {strides = array<i32>} : memref<32x1024xf32, #tpu.memory_space<vmem>>, vector<1x16xf32>,
      %get3A_910 = arith.index_cast %scan3A_42 : i32 to index
      %get3A_911 = arith.constant 656 : index
      %get3A_912 = tpu.vector_load %arg15[%get3A_910, %get3A_911] {strides = array<i32>} : memref<32x1024xf32, #tpu.memory_space<vmem>>, vector<1x16xf32>,
      %get3A_913 = vector.shape_cast %get3A_912 : vector<1x16xf32> to vector<16xf32>
      %get3A_914 = arith.index_cast %scan3A_42 : i32 to index
      %get3A_915 = arith.constant 656 : index
      %get3A_916 = tpu.vector_load %arg13[%get3A_914, %get3A_915] {strides = array<i32>} : memref<32x1024xf32, #tpu.memory_space<vmem>>, vector<1x16xf32>,
      %get3A_917 = vector.shape_cast %get3A_916 : vector<1x16xf32> to vector<16xf32>
      %mul3A_918 = arith.mulf %get3A_45, %get3A_917 : vector<16xf32>
      %add3A_919 = arith.addf %get3A_913, %mul3A_918 : vector<16xf32>
      %get3A_920 = arith.index_cast %scan3A_42 : i32 to index
      %get3A_921 = arith.constant 656 : index
      %get3A_922 = tpu.vector_load %arg14[%get3A_920, %get3A_921] {strides = array<i32>} : memref<32x1024xf32, #tpu.memory_space<vmem>>, vector<1x16xf32>,
      %get3A_923 = vector.shape_cast %get3A_922 : vector<1x16xf32> to vector<16xf32>
      %mul3A_924 = arith.mulf %get3A_49, %get3A_923 : vector<16xf32>
      %add3A_925 = arith.addf %add3A_919, %mul3A_924 : vector<16xf32>
      %swap3A_926 = arith.index_cast %scan3A_42 : i32 to index
      %swap3A_927 = arith.constant 656 : index
      %swap3A_928 = tpu.vector_load %arg15[%swap3A_926, %swap3A_927] {strides = array<i32>} : memref<32x1024xf32, #tpu.memory_space<vmem>>, vector<1x16xf32>,
      %swap3A_929 = vector.shape_cast %swap3A_928 : vector<1x16xf32> to vector<16xf32>
      %swap3A_930 = vector.shape_cast %add3A_925 : vector<16xf32> to vector<1x16xf32>
      tpu.vector_store %arg15[%swap3A_926, %swap3A_927], %swap3A_930 {strides = array<i32>} : memref<32x1024xf32, #tpu.memory_space<vmem>>, vector<1x16xf32>,
      %get3A_931 = arith.index_cast %scan3A_42 : i32 to index
      %get3A_932 = arith.constant 672 : index
      %get3A_933 = tpu.vector_load %arg15[%get3A_931, %get3A_932] {strides = array<i32>} : memref<32x1024xf32, #tpu.memory_space<vmem>>, vector<1x16xf32>,
      %get3A_934 = vector.shape_cast %get3A_933 : vector<1x16xf32> to vector<16xf32>
      %get3A_935 = arith.index_cast %scan3A_42 : i32 to index
      %get3A_936 = arith.constant 672 : index
      %get3A_937 = tpu.vector_load %arg13[%get3A_935, %get3A_936] {strides = array<i32>} : memref<32x1024xf32, #tpu.memory_space<vmem>>, vector<1x16xf32>,
      %get3A_938 = vector.shape_cast %get3A_937 : vector<1x16xf32> to vector<16xf32>
      %mul3A_939 = arith.mulf %get3A_45, %get3A_938 : vector<16xf32>
      %add3A_940 = arith.addf %get3A_934, %mul3A_939 : vector<16xf32>
      %get3A_941 = arith.index_cast %scan3A_42 : i32 to index
      %get3A_942 = arith.constant 672 : index
      %get3A_943 = tpu.vector_load %arg14[%get3A_941, %get3A_942] {strides = array<i32>} : memref<32x1024xf32, #tpu.memory_space<vmem>>, vector<1x16xf32>,
      %get3A_944 = vector.shape_cast %get3A_943 : vector<1x16xf32> to vector<16xf32>
      %mul3A_945 = arith.mulf %get3A_49, %get3A_944 : vector<16xf32>
      %add3A_946 = arith.addf %add3A_940, %mul3A_945 : vector<16xf32>
      %swap3A_947 = arith.index_cast %scan3A_42 : i32 to index
      %swap3A_948 = arith.constant 672 : index
      %swap3A_949 = tpu.vector_load %arg15[%swap3A_947, %swap3A_948] {strides = array<i32>} : memref<32x1024xf32, #tpu.memory_space<vmem>>, vector<1x16xf32>,
      %swap3A_950 = vector.shape_cast %swap3A_949 : vector<1x16xf32> to vector<16xf32>
      %swap3A_951 = vector.shape_cast %add3A_946 : vector<16xf32> to vector<1x16xf32>
      tpu.vector_store %arg15[%swap3A_947, %swap3A_948], %swap3A_951 {strides = array<i32>} : memref<32x1024xf32, #tpu.memory_space<vmem>>, vector<1x16xf32>,
      %get3A_952 = arith.index_cast %scan3A_42 : i32 to index
      %get3A_953 = arith.constant 688 : index
      %get3A_954 = tpu.vector_load %arg15[%get3A_952, %get3A_953] {strides = array<i32>} : memref<32x1024xf32, #tpu.memory_space<vmem>>, vector<1x16xf32>,
      %get3A_955 = vector.shape_cast %get3A_954 : vector<1x16xf32> to vector<16xf32>
      %get3A_956 = arith.index_cast %scan3A_42 : i32 to index
      %get3A_957 = arith.constant 688 : index
      %get3A_958 = tpu.vector_load %arg13[%get3A_956, %get3A_957] {strides = array<i32>} : memref<32x1024xf32, #tpu.memory_space<vmem>>, vector<1x16xf32>,
      %get3A_959 = vector.shape_cast %get3A_958 : vector<1x16xf32> to vector<16xf32>
      %mul3A_960 = arith.mulf %get3A_45, %get3A_959 : vector<16xf32>
      %add3A_961 = arith.addf %get3A_955, %mul3A_960 : vector<16xf32>
      %get3A_962 = arith.index_cast %scan3A_42 : i32 to index
      %get3A_963 = arith.constant 688 : index
      %get3A_964 = tpu.vector_load %arg14[%get3A_962, %get3A_963] {strides = array<i32>} : memref<32x1024xf32, #tpu.memory_space<vmem>>, vector<1x16xf32>,
      %get3A_965 = vector.shape_cast %get3A_964 : vector<1x16xf32> to vector<16xf32>
      %mul3A_966 = arith.mulf %get3A_49, %get3A_965 : vector<16xf32>
      %add3A_967 = arith.addf %add3A_961, %mul3A_966 : vector<16xf32>
      %swap3A_968 = arith.index_cast %scan3A_42 : i32 to index
      %swap3A_969 = arith.constant 688 : index
      %swap3A_970 = tpu.vector_load %arg15[%swap3A_968, %swap3A_969] {strides = array<i32>} : memref<32x1024xf32, #tpu.memory_space<vmem>>, vector<1x16xf32>,
      %swap3A_971 = vector.shape_cast %swap3A_970 : vector<1x16xf32> to vector<16xf32>
      %swap3A_972 = vector.shape_cast %add3A_967 : vector<16xf32> to vector<1x16xf32>
      tpu.vector_store %arg15[%swap3A_968, %swap3A_969], %swap3A_972 {strides = array<i32>} : memref<32x1024xf32, #tpu.memory_space<vmem>>, vector<1x16xf32>,
      %get3A_973 = arith.index_cast %scan3A_42 : i32 to index
      %get3A_974 = arith.constant 704 : index
      %get3A_975 = tpu.vector_load %arg15[%get3A_973, %get3A_974] {strides = array<i32>} : memref<32x1024xf32, #tpu.memory_space<vmem>>, vector<1x16xf32>,
      %get3A_976 = vector.shape_cast %get3A_975 : vector<1x16xf32> to vector<16xf32>
      %get3A_977 = arith.index_cast %scan3A_42 : i32 to index
      %get3A_978 = arith.constant 704 : index
      %get3A_979 = tpu.vector_load %arg13[%get3A_977, %get3A_978] {strides = array<i32>} : memref<32x1024xf32, #tpu.memory_space<vmem>>, vector<1x16xf32>,
      %get3A_980 = vector.shape_cast %get3A_979 : vector<1x16xf32> to vector<16xf32>
      %mul3A_981 = arith.mulf %get3A_45, %get3A_980 : vector<16xf32>
      %add3A_982 = arith.addf %get3A_976, %mul3A_981 : vector<16xf32>
      %get3A_983 = arith.index_cast %scan3A_42 : i32 to index
      %get3A_984 = arith.constant 704 : index
      %get3A_985 = tpu.vector_load %arg14[%get3A_983, %get3A_984] {strides = array<i32>} : memref<32x1024xf32, #tpu.memory_space<vmem>>, vector<1x16xf32>,
      %get3A_986 = vector.shape_cast %get3A_985 : vector<1x16xf32> to vector<16xf32>
      %mul3A_987 = arith.mulf %get3A_49, %get3A_986 : vector<16xf32>
      %add3A_988 = arith.addf %add3A_982, %mul3A_987 : vector<16xf32>
      %swap3A_989 = arith.index_cast %scan3A_42 : i32 to index
      %swap3A_990 = arith.constant 704 : index
      %swap3A_991 = tpu.vector_load %arg15[%swap3A_989, %swap3A_990] {strides = array<i32>} : memref<32x1024xf32, #tpu.memory_space<vmem>>, vector<1x16xf32>,
      %swap3A_992 = vector.shape_cast %swap3A_991 : vector<1x16xf32> to vector<16xf32>
      %swap3A_993 = vector.shape_cast %add3A_988 : vector<16xf32> to vector<1x16xf32>
      tpu.vector_store %arg15[%swap3A_989, %swap3A_990], %swap3A_993 {strides = array<i32>} : memref<32x1024xf32, #tpu.memory_space<vmem>>, vector<1x16xf32>,
      %get3A_994 = arith.index_cast %scan3A_42 : i32 to index
      %get3A_995 = arith.constant 720 : index
      %get3A_996 = tpu.vector_load %arg15[%get3A_994, %get3A_995] {strides = array<i32>} : memref<32x1024xf32, #tpu.memory_space<vmem>>, vector<1x16xf32>,
      %get3A_997 = vector.shape_cast %get3A_996 : vector<1x16xf32> to vector<16xf32>
      %get3A_998 = arith.index_cast %scan3A_42 : i32 to index
      %get3A_999 = arith.constant 720 : index
      %get3A_1000 = tpu.vector_load %arg13[%get3A_998, %get3A_999] {strides = array<i32>} : memref<32x1024xf32, #tpu.memory_space<vmem>>, vector<1x16xf32>,
      %get3A_1001 = vector.shape_cast %get3A_1000 : vector<1x16xf32> to vector<16xf32>
      %mul3A_1002 = arith.mulf %get3A_45, %get3A_1001 : vector<16xf32>
      %add3A_1003 = arith.addf %get3A_997, %mul3A_1002 : vector<16xf32>
      %get3A_1004 = arith.index_cast %scan3A_42 : i32 to index
      %get3A_1005 = arith.constant 720 : index
      %get3A_1006 = tpu.vector_load %arg14[%get3A_1004, %get3A_1005] {strides = array<i32>} : memref<32x1024xf32, #tpu.memory_space<vmem>>, vector<1x16xf32>,
      %get3A_1007 = vector.shape_cast %get3A_1006 : vector<1x16xf32> to vector<16xf32>
      %mul3A_1008 = arith.mulf %get3A_49, %get3A_1007 : vector<16xf32>
      %add3A_1009 = arith.addf %add3A_1003, %mul3A_1008 : vector<16xf32>
      %swap3A_1010 = arith.index_cast %scan3A_42 : i32 to index
      %swap3A_1011 = arith.constant 720 : index
      %swap3A_1012 = tpu.vector_load %arg15[%swap3A_1010, %swap3A_1011] {strides = array<i32>} : memref<32x1024xf32, #tpu.memory_space<vmem>>, vector<1x16xf32>,
      %swap3A_1013 = vector.shape_cast %swap3A_1012 : vector<1x16xf32> to vector<16xf32>
      %swap3A_1014 = vector.shape_cast %add3A_1009 : vector<16xf32> to vector<1x16xf32>
      tpu.vector_store %arg15[%swap3A_1010, %swap3A_1011], %swap3A_1014 {strides = array<i32>} : memref<32x1024xf32, #tpu.memory_space<vmem>>, vector<1x16xf32>,
      %get3A_1015 = arith.index_cast %scan3A_42 : i32 to index
      %get3A_1016 = arith.constant 736 : index
      %get3A_1017 = tpu.vector_load %arg15[%get3A_1015, %get3A_1016] {strides = array<i32>} : memref<32x1024xf32, #tpu.memory_space<vmem>>, vector<1x16xf32>,
      %get3A_1018 = vector.shape_cast %get3A_1017 : vector<1x16xf32> to vector<16xf32>
      %get3A_1019 = arith.index_cast %scan3A_42 : i32 to index
      %get3A_1020 = arith.constant 736 : index
      %get3A_1021 = tpu.vector_load %arg13[%get3A_1019, %get3A_1020] {strides = array<i32>} : memref<32x1024xf32, #tpu.memory_space<vmem>>, vector<1x16xf32>,
      %get3A_1022 = vector.shape_cast %get3A_1021 : vector<1x16xf32> to vector<16xf32>
      %mul3A_1023 = arith.mulf %get3A_45, %get3A_1022 : vector<16xf32>
      %add3A_1024 = arith.addf %get3A_1018, %mul3A_1023 : vector<16xf32>
      %get3A_1025 = arith.index_cast %scan3A_42 : i32 to index
      %get3A_1026 = arith.constant 736 : index
      %get3A_1027 = tpu.vector_load %arg14[%get3A_1025, %get3A_1026] {strides = array<i32>} : memref<32x1024xf32, #tpu.memory_space<vmem>>, vector<1x16xf32>,
      %get3A_1028 = vector.shape_cast %get3A_1027 : vector<1x16xf32> to vector<16xf32>
      %mul3A_1029 = arith.mulf %get3A_49, %get3A_1028 : vector<16xf32>
      %add3A_1030 = arith.addf %add3A_1024, %mul3A_1029 : vector<16xf32>
      %swap3A_1031 = arith.index_cast %scan3A_42 : i32 to index
      %swap3A_1032 = arith.constant 736 : index
      %swap3A_1033 = tpu.vector_load %arg15[%swap3A_1031, %swap3A_1032] {strides = array<i32>} : memref<32x1024xf32, #tpu.memory_space<vmem>>, vector<1x16xf32>,
      %swap3A_1034 = vector.shape_cast %swap3A_1033 : vector<1x16xf32> to vector<16xf32>
      %swap3A_1035 = vector.shape_cast %add3A_1030 : vector<16xf32> to vector<1x16xf32>
      tpu.vector_store %arg15[%swap3A_1031, %swap3A_1032], %swap3A_1035 {strides = array<i32>} : memref<32x1024xf32, #tpu.memory_space<vmem>>, vector<1x16xf32>,
      %get3A_1036 = arith.index_cast %scan3A_42 : i32 to index
      %get3A_1037 = arith.constant 752 : index
      %get3A_1038 = tpu.vector_load %arg15[%get3A_1036, %get3A_1037] {strides = array<i32>} : memref<32x1024xf32, #tpu.memory_space<vmem>>, vector<1x16xf32>,
      %get3A_1039 = vector.shape_cast %get3A_1038 : vector<1x16xf32> to vector<16xf32>
      %get3A_1040 = arith.index_cast %scan3A_42 : i32 to index
      %get3A_1041 = arith.constant 752 : index
      %get3A_1042 = tpu.vector_load %arg13[%get3A_1040, %get3A_1041] {strides = array<i32>} : memref<32x1024xf32, #tpu.memory_space<vmem>>, vector<1x16xf32>,
      %get3A_1043 = vector.shape_cast %get3A_1042 : vector<1x16xf32> to vector<16xf32>
      %mul3A_1044 = arith.mulf %get3A_45, %get3A_1043 : vector<16xf32>
      %add3A_1045 = arith.addf %get3A_1039, %mul3A_1044 : vector<16xf32>
      %get3A_1046 = arith.index_cast %scan3A_42 : i32 to index
      %get3A_1047 = arith.constant 752 : index
      %get3A_1048 = tpu.vector_load %arg14[%get3A_1046, %get3A_1047] {strides = array<i32>} : memref<32x1024xf32, #tpu.memory_space<vmem>>, vector<1x16xf32>,
      %get3A_1049 = vector.shape_cast %get3A_1048 : vector<1x16xf32> to vector<16xf32>
      %mul3A_1050 = arith.mulf %get3A_49, %get3A_1049 : vector<16xf32>
      %add3A_1051 = arith.addf %add3A_1045, %mul3A_1050 : vector<16xf32>
      %swap3A_1052 = arith.index_cast %scan3A_42 : i32 to index
      %swap3A_1053 = arith.constant 752 : index
      %swap3A_1054 = tpu.vector_load %arg15[%swap3A_1052, %swap3A_1053] {strides = array<i32>} : memref<32x1024xf32, #tpu.memory_space<vmem>>, vector<1x16xf32>,
      %swap3A_1055 = vector.shape_cast %swap3A_1054 : vector<1x16xf32> to vector<16xf32>
      %swap3A_1056 = vector.shape_cast %add3A_1051 : vector<16xf32> to vector<1x16xf32>
      tpu.vector_store %arg15[%swap3A_1052, %swap3A_1053], %swap3A_1056 {strides = array<i32>} : memref<32x1024xf32, #tpu.memory_space<vmem>>, vector<1x16xf32>,
      %get3A_1057 = arith.index_cast %scan3A_42 : i32 to index
      %get3A_1058 = arith.constant 768 : index
      %get3A_1059 = tpu.vector_load %arg15[%get3A_1057, %get3A_1058] {strides = array<i32>} : memref<32x1024xf32, #tpu.memory_space<vmem>>, vector<1x16xf32>,
      %get3A_1060 = vector.shape_cast %get3A_1059 : vector<1x16xf32> to vector<16xf32>
      %get3A_1061 = arith.index_cast %scan3A_42 : i32 to index
      %get3A_1062 = arith.constant 768 : index
      %get3A_1063 = tpu.vector_load %arg13[%get3A_1061, %get3A_1062] {strides = array<i32>} : memref<32x1024xf32, #tpu.memory_space<vmem>>, vector<1x16xf32>,
      %get3A_1064 = vector.shape_cast %get3A_1063 : vector<1x16xf32> to vector<16xf32>
      %mul3A_1065 = arith.mulf %get3A_45, %get3A_1064 : vector<16xf32>
      %add3A_1066 = arith.addf %get3A_1060, %mul3A_1065 : vector<16xf32>
      %get3A_1067 = arith.index_cast %scan3A_42 : i32 to index
      %get3A_1068 = arith.constant 768 : index
      %get3A_1069 = tpu.vector_load %arg14[%get3A_1067, %get3A_1068] {strides = array<i32>} : memref<32x1024xf32, #tpu.memory_space<vmem>>, vector<1x16xf32>,
      %get3A_1070 = vector.shape_cast %get3A_1069 : vector<1x16xf32> to vector<16xf32>
      %mul3A_1071 = arith.mulf %get3A_49, %get3A_1070 : vector<16xf32>
      %add3A_1072 = arith.addf %add3A_1066, %mul3A_1071 : vector<16xf32>
      %swap3A_1073 = arith.index_cast %scan3A_42 : i32 to index
      %swap3A_1074 = arith.constant 768 : index
      %swap3A_1075 = tpu.vector_load %arg15[%swap3A_1073, %swap3A_1074] {strides = array<i32>} : memref<32x1024xf32, #tpu.memory_space<vmem>>, vector<1x16xf32>,
      %swap3A_1076 = vector.shape_cast %swap3A_1075 : vector<1x16xf32> to vector<16xf32>
      %swap3A_1077 = vector.shape_cast %add3A_1072 : vector<16xf32> to vector<1x16xf32>
      tpu.vector_store %arg15[%swap3A_1073, %swap3A_1074], %swap3A_1077 {strides = array<i32>} : memref<32x1024xf32, #tpu.memory_space<vmem>>, vector<1x16xf32>,
      %get3A_1078 = arith.index_cast %scan3A_42 : i32 to index
      %get3A_1079 = arith.constant 784 : index
      %get3A_1080 = tpu.vector_load %arg15[%get3A_1078, %get3A_1079] {strides = array<i32>} : memref<32x1024xf32, #tpu.memory_space<vmem>>, vector<1x16xf32>,
      %get3A_1081 = vector.shape_cast %get3A_1080 : vector<1x16xf32> to vector<16xf32>
      %get3A_1082 = arith.index_cast %scan3A_42 : i32 to index
      %get3A_1083 = arith.constant 784 : index
      %get3A_1084 = tpu.vector_load %arg13[%get3A_1082, %get3A_1083] {strides = array<i32>} : memref<32x1024xf32, #tpu.memory_space<vmem>>, vector<1x16xf32>,
      %get3A_1085 = vector.shape_cast %get3A_1084 : vector<1x16xf32> to vector<16xf32>
      %mul3A_1086 = arith.mulf %get3A_45, %get3A_1085 : vector<16xf32>
      %add3A_1087 = arith.addf %get3A_1081, %mul3A_1086 : vector<16xf32>
      %get3A_1088 = arith.index_cast %scan3A_42 : i32 to index
      %get3A_1089 = arith.constant 784 : index
      %get3A_1090 = tpu.vector_load %arg14[%get3A_1088, %get3A_1089] {strides = array<i32>} : memref<32x1024xf32, #tpu.memory_space<vmem>>, vector<1x16xf32>,
      %get3A_1091 = vector.shape_cast %get3A_1090 : vector<1x16xf32> to vector<16xf32>
      %mul3A_1092 = arith.mulf %get3A_49, %get3A_1091 : vector<16xf32>
      %add3A_1093 = arith.addf %add3A_1087, %mul3A_1092 : vector<16xf32>
      %swap3A_1094 = arith.index_cast %scan3A_42 : i32 to index
      %swap3A_1095 = arith.constant 784 : index
      %swap3A_1096 = tpu.vector_load %arg15[%swap3A_1094, %swap3A_1095] {strides = array<i32>} : memref<32x1024xf32, #tpu.memory_space<vmem>>, vector<1x16xf32>,
      %swap3A_1097 = vector.shape_cast %swap3A_1096 : vector<1x16xf32> to vector<16xf32>
      %swap3A_1098 = vector.shape_cast %add3A_1093 : vector<16xf32> to vector<1x16xf32>
      tpu.vector_store %arg15[%swap3A_1094, %swap3A_1095], %swap3A_1098 {strides = array<i32>} : memref<32x1024xf32, #tpu.memory_space<vmem>>, vector<1x16xf32>,
      %get3A_1099 = arith.index_cast %scan3A_42 : i32 to index
      %get3A_1100 = arith.constant 800 : index
      %get3A_1101 = tpu.vector_load %arg15[%get3A_1099, %get3A_1100] {strides = array<i32>} : memref<32x1024xf32, #tpu.memory_space<vmem>>, vector<1x16xf32>,
      %get3A_1102 = vector.shape_cast %get3A_1101 : vector<1x16xf32> to vector<16xf32>
      %get3A_1103 = arith.index_cast %scan3A_42 : i32 to index
      %get3A_1104 = arith.constant 800 : index
      %get3A_1105 = tpu.vector_load %arg13[%get3A_1103, %get3A_1104] {strides = array<i32>} : memref<32x1024xf32, #tpu.memory_space<vmem>>, vector<1x16xf32>,
      %get3A_1106 = vector.shape_cast %get3A_1105 : vector<1x16xf32> to vector<16xf32>
      %mul3A_1107 = arith.mulf %get3A_45, %get3A_1106 : vector<16xf32>
      %add3A_1108 = arith.addf %get3A_1102, %mul3A_1107 : vector<16xf32>
      %get3A_1109 = arith.index_cast %scan3A_42 : i32 to index
      %get3A_1110 = arith.constant 800 : index
      %get3A_1111 = tpu.vector_load %arg14[%get3A_1109, %get3A_1110] {strides = array<i32>} : memref<32x1024xf32, #tpu.memory_space<vmem>>, vector<1x16xf32>,
      %get3A_1112 = vector.shape_cast %get3A_1111 : vector<1x16xf32> to vector<16xf32>
      %mul3A_1113 = arith.mulf %get3A_49, %get3A_1112 : vector<16xf32>
      %add3A_1114 = arith.addf %add3A_1108, %mul3A_1113 : vector<16xf32>
      %swap3A_1115 = arith.index_cast %scan3A_42 : i32 to index
      %swap3A_1116 = arith.constant 800 : index
      %swap3A_1117 = tpu.vector_load %arg15[%swap3A_1115, %swap3A_1116] {strides = array<i32>} : memref<32x1024xf32, #tpu.memory_space<vmem>>, vector<1x16xf32>,
      %swap3A_1118 = vector.shape_cast %swap3A_1117 : vector<1x16xf32> to vector<16xf32>
      %swap3A_1119 = vector.shape_cast %add3A_1114 : vector<16xf32> to vector<1x16xf32>
      tpu.vector_store %arg15[%swap3A_1115, %swap3A_1116], %swap3A_1119 {strides = array<i32>} : memref<32x1024xf32, #tpu.memory_space<vmem>>, vector<1x16xf32>,
      %get3A_1120 = arith.index_cast %scan3A_42 : i32 to index
      %get3A_1121 = arith.constant 816 : index
      %get3A_1122 = tpu.vector_load %arg15[%get3A_1120, %get3A_1121] {strides = array<i32>} : memref<32x1024xf32, #tpu.memory_space<vmem>>, vector<1x16xf32>,
      %get3A_1123 = vector.shape_cast %get3A_1122 : vector<1x16xf32> to vector<16xf32>
      %get3A_1124 = arith.index_cast %scan3A_42 : i32 to index
      %get3A_1125 = arith.constant 816 : index
      %get3A_1126 = tpu.vector_load %arg13[%get3A_1124, %get3A_1125] {strides = array<i32>} : memref<32x1024xf32, #tpu.memory_space<vmem>>, vector<1x16xf32>,
      %get3A_1127 = vector.shape_cast %get3A_1126 : vector<1x16xf32> to vector<16xf32>
      %mul3A_1128 = arith.mulf %get3A_45, %get3A_1127 : vector<16xf32>
      %add3A_1129 = arith.addf %get3A_1123, %mul3A_1128 : vector<16xf32>
      %get3A_1130 = arith.index_cast %scan3A_42 : i32 to index
      %get3A_1131 = arith.constant 816 : index
      %get3A_1132 = tpu.vector_load %arg14[%get3A_1130, %get3A_1131] {strides = array<i32>} : memref<32x1024xf32, #tpu.memory_space<vmem>>, vector<1x16xf32>,
      %get3A_1133 = vector.shape_cast %get3A_1132 : vector<1x16xf32> to vector<16xf32>
      %mul3A_1134 = arith.mulf %get3A_49, %get3A_1133 : vector<16xf32>
      %add3A_1135 = arith.addf %add3A_1129, %mul3A_1134 : vector<16xf32>
      %swap3A_1136 = arith.index_cast %scan3A_42 : i32 to index
      %swap3A_1137 = arith.constant 816 : index
      %swap3A_1138 = tpu.vector_load %arg15[%swap3A_1136, %swap3A_1137] {strides = array<i32>} : memref<32x1024xf32, #tpu.memory_space<vmem>>, vector<1x16xf32>,
      %swap3A_1139 = vector.shape_cast %swap3A_1138 : vector<1x16xf32> to vector<16xf32>
      %swap3A_1140 = vector.shape_cast %add3A_1135 : vector<16xf32> to vector<1x16xf32>
      tpu.vector_store %arg15[%swap3A_1136, %swap3A_1137], %swap3A_1140 {strides = array<i32>} : memref<32x1024xf32, #tpu.memory_space<vmem>>, vector<1x16xf32>,
      %get3A_1141 = arith.index_cast %scan3A_42 : i32 to index
      %get3A_1142 = arith.constant 832 : index
      %get3A_1143 = tpu.vector_load %arg15[%get3A_1141, %get3A_1142] {strides = array<i32>} : memref<32x1024xf32, #tpu.memory_space<vmem>>, vector<1x16xf32>,
      %get3A_1144 = vector.shape_cast %get3A_1143 : vector<1x16xf32> to vector<16xf32>
      %get3A_1145 = arith.index_cast %scan3A_42 : i32 to index
      %get3A_1146 = arith.constant 832 : index
      %get3A_1147 = tpu.vector_load %arg13[%get3A_1145, %get3A_1146] {strides = array<i32>} : memref<32x1024xf32, #tpu.memory_space<vmem>>, vector<1x16xf32>,
      %get3A_1148 = vector.shape_cast %get3A_1147 : vector<1x16xf32> to vector<16xf32>
      %mul3A_1149 = arith.mulf %get3A_45, %get3A_1148 : vector<16xf32>
      %add3A_1150 = arith.addf %get3A_1144, %mul3A_1149 : vector<16xf32>
      %get3A_1151 = arith.index_cast %scan3A_42 : i32 to index
      %get3A_1152 = arith.constant 832 : index
      %get3A_1153 = tpu.vector_load %arg14[%get3A_1151, %get3A_1152] {strides = array<i32>} : memref<32x1024xf32, #tpu.memory_space<vmem>>, vector<1x16xf32>,
      %get3A_1154 = vector.shape_cast %get3A_1153 : vector<1x16xf32> to vector<16xf32>
      %mul3A_1155 = arith.mulf %get3A_49, %get3A_1154 : vector<16xf32>
      %add3A_1156 = arith.addf %add3A_1150, %mul3A_1155 : vector<16xf32>
      %swap3A_1157 = arith.index_cast %scan3A_42 : i32 to index
      %swap3A_1158 = arith.constant 832 : index
      %swap3A_1159 = tpu.vector_load %arg15[%swap3A_1157, %swap3A_1158] {strides = array<i32>} : memref<32x1024xf32, #tpu.memory_space<vmem>>, vector<1x16xf32>,
      %swap3A_1160 = vector.shape_cast %swap3A_1159 : vector<1x16xf32> to vector<16xf32>
      %swap3A_1161 = vector.shape_cast %add3A_1156 : vector<16xf32> to vector<1x16xf32>
      tpu.vector_store %arg15[%swap3A_1157, %swap3A_1158], %swap3A_1161 {strides = array<i32>} : memref<32x1024xf32, #tpu.memory_space<vmem>>, vector<1x16xf32>,
      %get3A_1162 = arith.index_cast %scan3A_42 : i32 to index
      %get3A_1163 = arith.constant 848 : index
      %get3A_1164 = tpu.vector_load %arg15[%get3A_1162, %get3A_1163] {strides = array<i32>} : memref<32x1024xf32, #tpu.memory_space<vmem>>, vector<1x16xf32>,
      %get3A_1165 = vector.shape_cast %get3A_1164 : vector<1x16xf32> to vector<16xf32>
      %get3A_1166 = arith.index_cast %scan3A_42 : i32 to index
      %get3A_1167 = arith.constant 848 : index
      %get3A_1168 = tpu.vector_load %arg13[%get3A_1166, %get3A_1167] {strides = array<i32>} : memref<32x1024xf32, #tpu.memory_space<vmem>>, vector<1x16xf32>,
      %get3A_1169 = vector.shape_cast %get3A_1168 : vector<1x16xf32> to vector<16xf32>
      %mul3A_1170 = arith.mulf %get3A_45, %get3A_1169 : vector<16xf32>
      %add3A_1171 = arith.addf %get3A_1165, %mul3A_1170 : vector<16xf32>
      %get3A_1172 = arith.index_cast %scan3A_42 : i32 to index
      %get3A_1173 = arith.constant 848 : index
      %get3A_1174 = tpu.vector_load %arg14[%get3A_1172, %get3A_1173] {strides = array<i32>} : memref<32x1024xf32, #tpu.memory_space<vmem>>, vector<1x16xf32>,
      %get3A_1175 = vector.shape_cast %get3A_1174 : vector<1x16xf32> to vector<16xf32>
      %mul3A_1176 = arith.mulf %get3A_49, %get3A_1175 : vector<16xf32>
      %add3A_1177 = arith.addf %add3A_1171, %mul3A_1176 : vector<16xf32>
      %swap3A_1178 = arith.index_cast %scan3A_42 : i32 to index
      %swap3A_1179 = arith.constant 848 : index
      %swap3A_1180 = tpu.vector_load %arg15[%swap3A_1178, %swap3A_1179] {strides = array<i32>} : memref<32x1024xf32, #tpu.memory_space<vmem>>, vector<1x16xf32>,
      %swap3A_1181 = vector.shape_cast %swap3A_1180 : vector<1x16xf32> to vector<16xf32>
      %swap3A_1182 = vector.shape_cast %add3A_1177 : vector<16xf32> to vector<1x16xf32>
      tpu.vector_store %arg15[%swap3A_1178, %swap3A_1179], %swap3A_1182 {strides = array<i32>} : memref<32x1024xf32, #tpu.memory_space<vmem>>, vector<1x16xf32>,
      %get3A_1183 = arith.index_cast %scan3A_42 : i32 to index
      %get3A_1184 = arith.constant 864 : index
      %get3A_1185 = tpu.vector_load %arg15[%get3A_1183, %get3A_1184] {strides = array<i32>} : memref<32x1024xf32, #tpu.memory_space<vmem>>, vector<1x16xf32>,
      %get3A_1186 = vector.shape_cast %get3A_1185 : vector<1x16xf32> to vector<16xf32>
      %get3A_1187 = arith.index_cast %scan3A_42 : i32 to index
      %get3A_1188 = arith.constant 864 : index
      %get3A_1189 = tpu.vector_load %arg13[%get3A_1187, %get3A_1188] {strides = array<i32>} : memref<32x1024xf32, #tpu.memory_space<vmem>>, vector<1x16xf32>,
      %get3A_1190 = vector.shape_cast %get3A_1189 : vector<1x16xf32> to vector<16xf32>
      %mul3A_1191 = arith.mulf %get3A_45, %get3A_1190 : vector<16xf32>
      %add3A_1192 = arith.addf %get3A_1186, %mul3A_1191 : vector<16xf32>
      %get3A_1193 = arith.index_cast %scan3A_42 : i32 to index
      %get3A_1194 = arith.constant 864 : index
      %get3A_1195 = tpu.vector_load %arg14[%get3A_1193, %get3A_1194] {strides = array<i32>} : memref<32x1024xf32, #tpu.memory_space<vmem>>, vector<1x16xf32>,
      %get3A_1196 = vector.shape_cast %get3A_1195 : vector<1x16xf32> to vector<16xf32>
      %mul3A_1197 = arith.mulf %get3A_49, %get3A_1196 : vector<16xf32>
      %add3A_1198 = arith.addf %add3A_1192, %mul3A_1197 : vector<16xf32>
      %swap3A_1199 = arith.index_cast %scan3A_42 : i32 to index
      %swap3A_1200 = arith.constant 864 : index
      %swap3A_1201 = tpu.vector_load %arg15[%swap3A_1199, %swap3A_1200] {strides = array<i32>} : memref<32x1024xf32, #tpu.memory_space<vmem>>, vector<1x16xf32>,
      %swap3A_1202 = vector.shape_cast %swap3A_1201 : vector<1x16xf32> to vector<16xf32>
      %swap3A_1203 = vector.shape_cast %add3A_1198 : vector<16xf32> to vector<1x16xf32>
      tpu.vector_store %arg15[%swap3A_1199, %swap3A_1200], %swap3A_1203 {strides = array<i32>} : memref<32x1024xf32, #tpu.memory_space<vmem>>, vector<1x16xf32>,
      %get3A_1204 = arith.index_cast %scan3A_42 : i32 to index
      %get3A_1205 = arith.constant 880 : index
      %get3A_1206 = tpu.vector_load %arg15[%get3A_1204, %get3A_1205] {strides = array<i32>} : memref<32x1024xf32, #tpu.memory_space<vmem>>, vector<1x16xf32>,
      %get3A_1207 = vector.shape_cast %get3A_1206 : vector<1x16xf32> to vector<16xf32>
      %get3A_1208 = arith.index_cast %scan3A_42 : i32 to index
      %get3A_1209 = arith.constant 880 : index
      %get3A_1210 = tpu.vector_load %arg13[%get3A_1208, %get3A_1209] {strides = array<i32>} : memref<32x1024xf32, #tpu.memory_space<vmem>>, vector<1x16xf32>,
      %get3A_1211 = vector.shape_cast %get3A_1210 : vector<1x16xf32> to vector<16xf32>
      %mul3A_1212 = arith.mulf %get3A_45, %get3A_1211 : vector<16xf32>
      %add3A_1213 = arith.addf %get3A_1207, %mul3A_1212 : vector<16xf32>
      %get3A_1214 = arith.index_cast %scan3A_42 : i32 to index
      %get3A_1215 = arith.constant 880 : index
      %get3A_1216 = tpu.vector_load %arg14[%get3A_1214, %get3A_1215] {strides = array<i32>} : memref<32x1024xf32, #tpu.memory_space<vmem>>, vector<1x16xf32>,
      %get3A_1217 = vector.shape_cast %get3A_1216 : vector<1x16xf32> to vector<16xf32>
      %mul3A_1218 = arith.mulf %get3A_49, %get3A_1217 : vector<16xf32>
      %add3A_1219 = arith.addf %add3A_1213, %mul3A_1218 : vector<16xf32>
      %swap3A_1220 = arith.index_cast %scan3A_42 : i32 to index
      %swap3A_1221 = arith.constant 880 : index
      %swap3A_1222 = tpu.vector_load %arg15[%swap3A_1220, %swap3A_1221] {strides = array<i32>} : memref<32x1024xf32, #tpu.memory_space<vmem>>, vector<1x16xf32>,
      %swap3A_1223 = vector.shape_cast %swap3A_1222 : vector<1x16xf32> to vector<16xf32>
      %swap3A_1224 = vector.shape_cast %add3A_1219 : vector<16xf32> to vector<1x16xf32>
      tpu.vector_store %arg15[%swap3A_1220, %swap3A_1221], %swap3A_1224 {strides = array<i32>} : memref<32x1024xf32, #tpu.memory_space<vmem>>, vector<1x16xf32>,
      %get3A_1225 = arith.index_cast %scan3A_42 : i32 to index
      %get3A_1226 = arith.constant 896 : index
      %get3A_1227 = tpu.vector_load %arg15[%get3A_1225, %get3A_1226] {strides = array<i32>} : memref<32x1024xf32, #tpu.memory_space<vmem>>, vector<1x16xf32>,
      %get3A_1228 = vector.shape_cast %get3A_1227 : vector<1x16xf32> to vector<16xf32>
      %get3A_1229 = arith.index_cast %scan3A_42 : i32 to index
      %get3A_1230 = arith.constant 896 : index
      %get3A_1231 = tpu.vector_load %arg13[%get3A_1229, %get3A_1230] {strides = array<i32>} : memref<32x1024xf32, #tpu.memory_space<vmem>>, vector<1x16xf32>,
      %get3A_1232 = vector.shape_cast %get3A_1231 : vector<1x16xf32> to vector<16xf32>
      %mul3A_1233 = arith.mulf %get3A_45, %get3A_1232 : vector<16xf32>
      %add3A_1234 = arith.addf %get3A_1228, %mul3A_1233 : vector<16xf32>
      %get3A_1235 = arith.index_cast %scan3A_42 : i32 to index
      %get3A_1236 = arith.constant 896 : index
      %get3A_1237 = tpu.vector_load %arg14[%get3A_1235, %get3A_1236] {strides = array<i32>} : memref<32x1024xf32, #tpu.memory_space<vmem>>, vector<1x16xf32>,
      %get3A_1238 = vector.shape_cast %get3A_1237 : vector<1x16xf32> to vector<16xf32>
      %mul3A_1239 = arith.mulf %get3A_49, %get3A_1238 : vector<16xf32>
      %add3A_1240 = arith.addf %add3A_1234, %mul3A_1239 : vector<16xf32>
      %swap3A_1241 = arith.index_cast %scan3A_42 : i32 to index
      %swap3A_1242 = arith.constant 896 : index
      %swap3A_1243 = tpu.vector_load %arg15[%swap3A_1241, %swap3A_1242] {strides = array<i32>} : memref<32x1024xf32, #tpu.memory_space<vmem>>, vector<1x16xf32>,
      %swap3A_1244 = vector.shape_cast %swap3A_1243 : vector<1x16xf32> to vector<16xf32>
      %swap3A_1245 = vector.shape_cast %add3A_1240 : vector<16xf32> to vector<1x16xf32>
      tpu.vector_store %arg15[%swap3A_1241, %swap3A_1242], %swap3A_1245 {strides = array<i32>} : memref<32x1024xf32, #tpu.memory_space<vmem>>, vector<1x16xf32>,
      %get3A_1246 = arith.index_cast %scan3A_42 : i32 to index
      %get3A_1247 = arith.constant 912 : index
      %get3A_1248 = tpu.vector_load %arg15[%get3A_1246, %get3A_1247] {strides = array<i32>} : memref<32x1024xf32, #tpu.memory_space<vmem>>, vector<1x16xf32>,
      %get3A_1249 = vector.shape_cast %get3A_1248 : vector<1x16xf32> to vector<16xf32>
      %get3A_1250 = arith.index_cast %scan3A_42 : i32 to index
      %get3A_1251 = arith.constant 912 : index
      %get3A_1252 = tpu.vector_load %arg13[%get3A_1250, %get3A_1251] {strides = array<i32>} : memref<32x1024xf32, #tpu.memory_space<vmem>>, vector<1x16xf32>,
      %get3A_1253 = vector.shape_cast %get3A_1252 : vector<1x16xf32> to vector<16xf32>
      %mul3A_1254 = arith.mulf %get3A_45, %get3A_1253 : vector<16xf32>
      %add3A_1255 = arith.addf %get3A_1249, %mul3A_1254 : vector<16xf32>
      %get3A_1256 = arith.index_cast %scan3A_42 : i32 to index
      %get3A_1257 = arith.constant 912 : index
      %get3A_1258 = tpu.vector_load %arg14[%get3A_1256, %get3A_1257] {strides = array<i32>} : memref<32x1024xf32, #tpu.memory_space<vmem>>, vector<1x16xf32>,
      %get3A_1259 = vector.shape_cast %get3A_1258 : vector<1x16xf32> to vector<16xf32>
      %mul3A_1260 = arith.mulf %get3A_49, %get3A_1259 : vector<16xf32>
      %add3A_1261 = arith.addf %add3A_1255, %mul3A_1260 : vector<16xf32>
      %swap3A_1262 = arith.index_cast %scan3A_42 : i32 to index
      %swap3A_1263 = arith.constant 912 : index
      %swap3A_1264 = tpu.vector_load %arg15[%swap3A_1262, %swap3A_1263] {strides = array<i32>} : memref<32x1024xf32, #tpu.memory_space<vmem>>, vector<1x16xf32>,
      %swap3A_1265 = vector.shape_cast %swap3A_1264 : vector<1x16xf32> to vector<16xf32>
      %swap3A_1266 = vector.shape_cast %add3A_1261 : vector<16xf32> to vector<1x16xf32>
      tpu.vector_store %arg15[%swap3A_1262, %swap3A_1263], %swap3A_1266 {strides = array<i32>} : memref<32x1024xf32, #tpu.memory_space<vmem>>, vector<1x16xf32>,
      %get3A_1267 = arith.index_cast %scan3A_42 : i32 to index
      %get3A_1268 = arith.constant 928 : index
      %get3A_1269 = tpu.vector_load %arg15[%get3A_1267, %get3A_1268] {strides = array<i32>} : memref<32x1024xf32, #tpu.memory_space<vmem>>, vector<1x16xf32>,
      %get3A_1270 = vector.shape_cast %get3A_1269 : vector<1x16xf32> to vector<16xf32>
      %get3A_1271 = arith.index_cast %scan3A_42 : i32 to index
      %get3A_1272 = arith.constant 928 : index
      %get3A_1273 = tpu.vector_load %arg13[%get3A_1271, %get3A_1272] {strides = array<i32>} : memref<32x1024xf32, #tpu.memory_space<vmem>>, vector<1x16xf32>,
      %get3A_1274 = vector.shape_cast %get3A_1273 : vector<1x16xf32> to vector<16xf32>
      %mul3A_1275 = arith.mulf %get3A_45, %get3A_1274 : vector<16xf32>
      %add3A_1276 = arith.addf %get3A_1270, %mul3A_1275 : vector<16xf32>
      %get3A_1277 = arith.index_cast %scan3A_42 : i32 to index
      %get3A_1278 = arith.constant 928 : index
      %get3A_1279 = tpu.vector_load %arg14[%get3A_1277, %get3A_1278] {strides = array<i32>} : memref<32x1024xf32, #tpu.memory_space<vmem>>, vector<1x16xf32>,
      %get3A_1280 = vector.shape_cast %get3A_1279 : vector<1x16xf32> to vector<16xf32>
      %mul3A_1281 = arith.mulf %get3A_49, %get3A_1280 : vector<16xf32>
      %add3A_1282 = arith.addf %add3A_1276, %mul3A_1281 : vector<16xf32>
      %swap3A_1283 = arith.index_cast %scan3A_42 : i32 to index
      %swap3A_1284 = arith.constant 928 : index
      %swap3A_1285 = tpu.vector_load %arg15[%swap3A_1283, %swap3A_1284] {strides = array<i32>} : memref<32x1024xf32, #tpu.memory_space<vmem>>, vector<1x16xf32>,
      %swap3A_1286 = vector.shape_cast %swap3A_1285 : vector<1x16xf32> to vector<16xf32>
      %swap3A_1287 = vector.shape_cast %add3A_1282 : vector<16xf32> to vector<1x16xf32>
      tpu.vector_store %arg15[%swap3A_1283, %swap3A_1284], %swap3A_1287 {strides = array<i32>} : memref<32x1024xf32, #tpu.memory_space<vmem>>, vector<1x16xf32>,
      %get3A_1288 = arith.index_cast %scan3A_42 : i32 to index
      %get3A_1289 = arith.constant 944 : index
      %get3A_1290 = tpu.vector_load %arg15[%get3A_1288, %get3A_1289] {strides = array<i32>} : memref<32x1024xf32, #tpu.memory_space<vmem>>, vector<1x16xf32>,
      %get3A_1291 = vector.shape_cast %get3A_1290 : vector<1x16xf32> to vector<16xf32>
      %get3A_1292 = arith.index_cast %scan3A_42 : i32 to index
      %get3A_1293 = arith.constant 944 : index
      %get3A_1294 = tpu.vector_load %arg13[%get3A_1292, %get3A_1293] {strides = array<i32>} : memref<32x1024xf32, #tpu.memory_space<vmem>>, vector<1x16xf32>,
      %get3A_1295 = vector.shape_cast %get3A_1294 : vector<1x16xf32> to vector<16xf32>
      %mul3A_1296 = arith.mulf %get3A_45, %get3A_1295 : vector<16xf32>
      %add3A_1297 = arith.addf %get3A_1291, %mul3A_1296 : vector<16xf32>
      %get3A_1298 = arith.index_cast %scan3A_42 : i32 to index
      %get3A_1299 = arith.constant 944 : index
      %get3A_1300 = tpu.vector_load %arg14[%get3A_1298, %get3A_1299] {strides = array<i32>} : memref<32x1024xf32, #tpu.memory_space<vmem>>, vector<1x16xf32>,
      %get3A_1301 = vector.shape_cast %get3A_1300 : vector<1x16xf32> to vector<16xf32>
      %mul3A_1302 = arith.mulf %get3A_49, %get3A_1301 : vector<16xf32>
      %add3A_1303 = arith.addf %add3A_1297, %mul3A_1302 : vector<16xf32>
      %swap3A_1304 = arith.index_cast %scan3A_42 : i32 to index
      %swap3A_1305 = arith.constant 944 : index
      %swap3A_1306 = tpu.vector_load %arg15[%swap3A_1304, %swap3A_1305] {strides = array<i32>} : memref<32x1024xf32, #tpu.memory_space<vmem>>, vector<1x16xf32>,
      %swap3A_1307 = vector.shape_cast %swap3A_1306 : vector<1x16xf32> to vector<16xf32>
      %swap3A_1308 = vector.shape_cast %add3A_1303 : vector<16xf32> to vector<1x16xf32>
      tpu.vector_store %arg15[%swap3A_1304, %swap3A_1305], %swap3A_1308 {strides = array<i32>} : memref<32x1024xf32, #tpu.memory_space<vmem>>, vector<1x16xf32>,
      %get3A_1309 = arith.index_cast %scan3A_42 : i32 to index
      %get3A_1310 = arith.constant 960 : index
      %get3A_1311 = tpu.vector_load %arg15[%get3A_1309, %get3A_1310] {strides = array<i32>} : memref<32x1024xf32, #tpu.memory_space<vmem>>, vector<1x16xf32>,
      %get3A_1312 = vector.shape_cast %get3A_1311 : vector<1x16xf32> to vector<16xf32>
      %get3A_1313 = arith.index_cast %scan3A_42 : i32 to index
      %get3A_1314 = arith.constant 960 : index
      %get3A_1315 = tpu.vector_load %arg13[%get3A_1313, %get3A_1314] {strides = array<i32>} : memref<32x1024xf32, #tpu.memory_space<vmem>>, vector<1x16xf32>,
      %get3A_1316 = vector.shape_cast %get3A_1315 : vector<1x16xf32> to vector<16xf32>
      %mul3A_1317 = arith.mulf %get3A_45, %get3A_1316 : vector<16xf32>
      %add3A_1318 = arith.addf %get3A_1312, %mul3A_1317 : vector<16xf32>
      %get3A_1319 = arith.index_cast %scan3A_42 : i32 to index
      %get3A_1320 = arith.constant 960 : index
      %get3A_1321 = tpu.vector_load %arg14[%get3A_1319, %get3A_1320] {strides = array<i32>} : memref<32x1024xf32, #tpu.memory_space<vmem>>, vector<1x16xf32>,
      %get3A_1322 = vector.shape_cast %get3A_1321 : vector<1x16xf32> to vector<16xf32>
      %mul3A_1323 = arith.mulf %get3A_49, %get3A_1322 : vector<16xf32>
      %add3A_1324 = arith.addf %add3A_1318, %mul3A_1323 : vector<16xf32>
      %swap3A_1325 = arith.index_cast %scan3A_42 : i32 to index
      %swap3A_1326 = arith.constant 960 : index
      %swap3A_1327 = tpu.vector_load %arg15[%swap3A_1325, %swap3A_1326] {strides = array<i32>} : memref<32x1024xf32, #tpu.memory_space<vmem>>, vector<1x16xf32>,
      %swap3A_1328 = vector.shape_cast %swap3A_1327 : vector<1x16xf32> to vector<16xf32>
      %swap3A_1329 = vector.shape_cast %add3A_1324 : vector<16xf32> to vector<1x16xf32>
      tpu.vector_store %arg15[%swap3A_1325, %swap3A_1326], %swap3A_1329 {strides = array<i32>} : memref<32x1024xf32, #tpu.memory_space<vmem>>, vector<1x16xf32>,
      %get3A_1330 = arith.index_cast %scan3A_42 : i32 to index
      %get3A_1331 = arith.constant 976 : index
      %get3A_1332 = tpu.vector_load %arg15[%get3A_1330, %get3A_1331] {strides = array<i32>} : memref<32x1024xf32, #tpu.memory_space<vmem>>, vector<1x16xf32>,
      %get3A_1333 = vector.shape_cast %get3A_1332 : vector<1x16xf32> to vector<16xf32>
      %get3A_1334 = arith.index_cast %scan3A_42 : i32 to index
      %get3A_1335 = arith.constant 976 : index
      %get3A_1336 = tpu.vector_load %arg13[%get3A_1334, %get3A_1335] {strides = array<i32>} : memref<32x1024xf32, #tpu.memory_space<vmem>>, vector<1x16xf32>,
      %get3A_1337 = vector.shape_cast %get3A_1336 : vector<1x16xf32> to vector<16xf32>
      %mul3A_1338 = arith.mulf %get3A_45, %get3A_1337 : vector<16xf32>
      %add3A_1339 = arith.addf %get3A_1333, %mul3A_1338 : vector<16xf32>
      %get3A_1340 = arith.index_cast %scan3A_42 : i32 to index
      %get3A_1341 = arith.constant 976 : index
      %get3A_1342 = tpu.vector_load %arg14[%get3A_1340, %get3A_1341] {strides = array<i32>} : memref<32x1024xf32, #tpu.memory_space<vmem>>, vector<1x16xf32>,
      %get3A_1343 = vector.shape_cast %get3A_1342 : vector<1x16xf32> to vector<16xf32>
      %mul3A_1344 = arith.mulf %get3A_49, %get3A_1343 : vector<16xf32>
      %add3A_1345 = arith.addf %add3A_1339, %mul3A_1344 : vector<16xf32>
      %swap3A_1346 = arith.index_cast %scan3A_42 : i32 to index
      %swap3A_1347 = arith.constant 976 : index
      %swap3A_1348 = tpu.vector_load %arg15[%swap3A_1346, %swap3A_1347] {strides = array<i32>} : memref<32x1024xf32, #tpu.memory_space<vmem>>, vector<1x16xf32>,
      %swap3A_1349 = vector.shape_cast %swap3A_1348 : vector<1x16xf32> to vector<16xf32>
      %swap3A_1350 = vector.shape_cast %add3A_1345 : vector<16xf32> to vector<1x16xf32>
      tpu.vector_store %arg15[%swap3A_1346, %swap3A_1347], %swap3A_1350 {strides = array<i32>} : memref<32x1024xf32, #tpu.memory_space<vmem>>, vector<1x16xf32>,
      %get3A_1351 = arith.index_cast %scan3A_42 : i32 to index
      %get3A_1352 = arith.constant 992 : index
      %get3A_1353 = tpu.vector_load %arg15[%get3A_1351, %get3A_1352] {strides = array<i32>} : memref<32x1024xf32, #tpu.memory_space<vmem>>, vector<1x16xf32>,
      %get3A_1354 = vector.shape_cast %get3A_1353 : vector<1x16xf32> to vector<16xf32>
      %get3A_1355 = arith.index_cast %scan3A_42 : i32 to index
      %get3A_1356 = arith.constant 992 : index
      %get3A_1357 = tpu.vector_load %arg13[%get3A_1355, %get3A_1356] {strides = array<i32>} : memref<32x1024xf32, #tpu.memory_space<vmem>>, vector<1x16xf32>,
      %get3A_1358 = vector.shape_cast %get3A_1357 : vector<1x16xf32> to vector<16xf32>
      %mul3A_1359 = arith.mulf %get3A_45, %get3A_1358 : vector<16xf32>
      %add3A_1360 = arith.addf %get3A_1354, %mul3A_1359 : vector<16xf32>
      %get3A_1361 = arith.index_cast %scan3A_42 : i32 to index
      %get3A_1362 = arith.constant 992 : index
      %get3A_1363 = tpu.vector_load %arg14[%get3A_1361, %get3A_1362] {strides = array<i32>} : memref<32x1024xf32, #tpu.memory_space<vmem>>, vector<1x16xf32>,
      %get3A_1364 = vector.shape_cast %get3A_1363 : vector<1x16xf32> to vector<16xf32>
      %mul3A_1365 = arith.mulf %get3A_49, %get3A_1364 : vector<16xf32>
      %add3A_1366 = arith.addf %add3A_1360, %mul3A_1365 : vector<16xf32>
      %swap3A_1367 = arith.index_cast %scan3A_42 : i32 to index
      %swap3A_1368 = arith.constant 992 : index
      %swap3A_1369 = tpu.vector_load %arg15[%swap3A_1367, %swap3A_1368] {strides = array<i32>} : memref<32x1024xf32, #tpu.memory_space<vmem>>, vector<1x16xf32>,
      %swap3A_1370 = vector.shape_cast %swap3A_1369 : vector<1x16xf32> to vector<16xf32>
      %swap3A_1371 = vector.shape_cast %add3A_1366 : vector<16xf32> to vector<1x16xf32>
      tpu.vector_store %arg15[%swap3A_1367, %swap3A_1368], %swap3A_1371 {strides = array<i32>} : memref<32x1024xf32, #tpu.memory_space<vmem>>, vector<1x16xf32>,
      %get3A_1372 = arith.index_cast %scan3A_42 : i32 to index
      %get3A_1373 = arith.constant 1008 : index
      %get3A_1374 = tpu.vector_load %arg15[%get3A_1372, %get3A_1373] {strides = array<i32>} : memref<32x1024xf32, #tpu.memory_space<vmem>>, vector<1x16xf32>,
      %get3A_1375 = vector.shape_cast %get3A_1374 : vector<1x16xf32> to vector<16xf32>
      %get3A_1376 = arith.index_cast %scan3A_42 : i32 to index
      %get3A_1377 = arith.constant 1008 : index
      %get3A_1378 = tpu.vector_load %arg13[%get3A_1376, %get3A_1377] {strides = array<i32>} : memref<32x1024xf32, #tpu.memory_space<vmem>>, vector<1x16xf32>,
      %get3A_1379 = vector.shape_cast %get3A_1378 : vector<1x16xf32> to vector<16xf32>
      %mul3A_1380 = arith.mulf %get3A_45, %get3A_1379 : vector<16xf32>
      %add3A_1381 = arith.addf %get3A_1375, %mul3A_1380 : vector<16xf32>
      %get3A_1382 = arith.index_cast %scan3A_42 : i32 to index
      %get3A_1383 = arith.constant 1008 : index
      %get3A_1384 = tpu.vector_load %arg14[%get3A_1382, %get3A_1383] {strides = array<i32>} : memref<32x1024xf32, #tpu.memory_space<vmem>>, vector<1x16xf32>,
      %get3A_1385 = vector.shape_cast %get3A_1384 : vector<1x16xf32> to vector<16xf32>
      %mul3A_1386 = arith.mulf %get3A_49, %get3A_1385 : vector<16xf32>
      %add3A_1387 = arith.addf %add3A_1381, %mul3A_1386 : vector<16xf32>
      %swap3A_1388 = arith.index_cast %scan3A_42 : i32 to index
      %swap3A_1389 = arith.constant 1008 : index
      %swap3A_1390 = tpu.vector_load %arg15[%swap3A_1388, %swap3A_1389] {strides = array<i32>} : memref<32x1024xf32, #tpu.memory_space<vmem>>, vector<1x16xf32>,
      %swap3A_1391 = vector.shape_cast %swap3A_1390 : vector<1x16xf32> to vector<16xf32>
      %swap3A_1392 = vector.shape_cast %add3A_1387 : vector<16xf32> to vector<1x16xf32>
      tpu.vector_store %arg15[%swap3A_1388, %swap3A_1389], %swap3A_1392 {strides = array<i32>} : memref<32x1024xf32, #tpu.memory_space<vmem>>, vector<1x16xf32>,
    }
    %scan3A_19 = arith.constant 32 : i32
    "tpu.region"() ({
      %run_scoped3A = tpu.sem_alloc : memref<!tpu.dma_semaphore, #tpu.memory_space<semaphore_mem>>
      %dma_start3A_42 = arith.constant 0 : i32
      %dma_start3A_43 = tpu.memref_slice %arg8[%add3A_4, %dma_start3A_42] : memref<2048x1024xf32, #tpu.memory_space<hbm>> -> memref<32x1024xf32, #tpu.memory_space<hbm>>
      %dma_start3A_44 = arith.constant 0 : i32
      %dma_start3A_45 = tpu.memref_slice %arg8[%add3A_4, %dma_start3A_44] : memref<2048x1024xf32, #tpu.memory_space<hbm>> -> memref<32x1024xf32, #tpu.memory_space<hbm>>
      tpu.enqueue_dma source(%arg15 : memref<32x1024xf32, #tpu.memory_space<vmem>>) target(%dma_start3A_45 : memref<32x1024xf32, #tpu.memory_space<hbm>>) target_semaphore(%run_scoped3A : memref<!tpu.dma_semaphore, #tpu.memory_space<semaphore_mem>>)
      %dma_wait3A_46 = arith.constant 0 : i32
      %dma_wait3A_47 = tpu.memref_slice %arg8[%add3A_4, %dma_wait3A_46] : memref<2048x1024xf32, #tpu.memory_space<hbm>> -> memref<32x1024xf32, #tpu.memory_space<hbm>>
      %dma_wait3A_48 = arith.constant 0 : i32
      %dma_wait3A_49 = tpu.memref_slice %arg8[%add3A_4, %dma_wait3A_48] : memref<2048x1024xf32, #tpu.memory_space<hbm>> -> memref<32x1024xf32, #tpu.memory_space<hbm>>
      tpu.wait_dma2 semaphore(%run_scoped3A : memref<!tpu.dma_semaphore, #tpu.memory_space<semaphore_mem>>) src(%arg15 : memref<32x1024xf32, #tpu.memory_space<vmem>>) dst(%dma_wait3A_49 : memref<32x1024xf32, #tpu.memory_space<hbm>>)
      tpu.yield
    }) : () -> ()
    %mul3A_20 = arith.constant 64 : i32
    %mul3A_21 = arith.muli %add3A, %mul3A_20 : i32
    %add3A_22 = arith.constant 32 : i32
    %add3A_23 = arith.addi %mul3A_21, %add3A_22 : i32
    "tpu.region"() ({
      %run_scoped3A = tpu.sem_alloc : memref<!tpu.dma_semaphore, #tpu.memory_space<semaphore_mem>>
      %dma_start3A_42 = tpu.memref_slice %arg4[%add3A_23] : memref<2048xi32, #tpu.memory_space<hbm>> -> memref<32xi32, #tpu.memory_space<hbm>>
      %dma_start3A_43 = tpu.memref_slice %arg4[%add3A_23] : memref<2048xi32, #tpu.memory_space<hbm>> -> memref<32xi32, #tpu.memory_space<hbm>>
      tpu.enqueue_dma source(%dma_start3A_43 : memref<32xi32, #tpu.memory_space<hbm>>) target(%arg9 : memref<32xi32, #tpu.memory_space<vmem>>) target_semaphore(%run_scoped3A : memref<!tpu.dma_semaphore, #tpu.memory_space<semaphore_mem>>)
      %dma_wait3A_44 = tpu.memref_slice %arg4[%add3A_23] : memref<2048xi32, #tpu.memory_space<hbm>> -> memref<32xi32, #tpu.memory_space<hbm>>
      %dma_wait3A_45 = tpu.memref_slice %arg4[%add3A_23] : memref<2048xi32, #tpu.memory_space<hbm>> -> memref<32xi32, #tpu.memory_space<hbm>>
      tpu.wait_dma2 semaphore(%run_scoped3A : memref<!tpu.dma_semaphore, #tpu.memory_space<semaphore_mem>>) src(%dma_wait3A_45 : memref<32xi32, #tpu.memory_space<hbm>>) dst(%arg9 : memref<32xi32, #tpu.memory_space<vmem>>)
      tpu.yield
    }) : () -> ()
    "tpu.region"() ({
      %run_scoped3A = tpu.sem_alloc : memref<!tpu.dma_semaphore, #tpu.memory_space<semaphore_mem>>
      %dma_start3A_42 = tpu.memref_slice %arg5[%add3A_23] : memref<2048xi32, #tpu.memory_space<hbm>> -> memref<32xi32, #tpu.memory_space<hbm>>
      %dma_start3A_43 = tpu.memref_slice %arg5[%add3A_23] : memref<2048xi32, #tpu.memory_space<hbm>> -> memref<32xi32, #tpu.memory_space<hbm>>
      tpu.enqueue_dma source(%dma_start3A_43 : memref<32xi32, #tpu.memory_space<hbm>>) target(%arg10 : memref<32xi32, #tpu.memory_space<vmem>>) target_semaphore(%run_scoped3A : memref<!tpu.dma_semaphore, #tpu.memory_space<semaphore_mem>>)
      %dma_wait3A_44 = tpu.memref_slice %arg5[%add3A_23] : memref<2048xi32, #tpu.memory_space<hbm>> -> memref<32xi32, #tpu.memory_space<hbm>>
      %dma_wait3A_45 = tpu.memref_slice %arg5[%add3A_23] : memref<2048xi32, #tpu.memory_space<hbm>> -> memref<32xi32, #tpu.memory_space<hbm>>
      tpu.wait_dma2 semaphore(%run_scoped3A : memref<!tpu.dma_semaphore, #tpu.memory_space<semaphore_mem>>) src(%dma_wait3A_45 : memref<32xi32, #tpu.memory_space<hbm>>) dst(%arg10 : memref<32xi32, #tpu.memory_space<vmem>>)
      tpu.yield
    }) : () -> ()
    "tpu.region"() ({
      %run_scoped3A = tpu.sem_alloc : memref<!tpu.dma_semaphore, #tpu.memory_space<semaphore_mem>>
      %dma_start3A_42 = arith.constant 0 : i32
      %dma_start3A_43 = tpu.memref_slice %arg6[%add3A_23, %dma_start3A_42] : memref<2048x16xf32, #tpu.memory_space<hbm>> -> memref<32x16xf32, #tpu.memory_space<hbm>>
      %dma_start3A_44 = arith.constant 0 : i32
      %dma_start3A_45 = tpu.memref_slice %arg6[%add3A_23, %dma_start3A_44] : memref<2048x16xf32, #tpu.memory_space<hbm>> -> memref<32x16xf32, #tpu.memory_space<hbm>>
      tpu.enqueue_dma source(%dma_start3A_45 : memref<32x16xf32, #tpu.memory_space<hbm>>) target(%arg11 : memref<32x16xf32, #tpu.memory_space<vmem>>) target_semaphore(%run_scoped3A : memref<!tpu.dma_semaphore, #tpu.memory_space<semaphore_mem>>)
      %dma_wait3A_46 = arith.constant 0 : i32
      %dma_wait3A_47 = tpu.memref_slice %arg6[%add3A_23, %dma_wait3A_46] : memref<2048x16xf32, #tpu.memory_space<hbm>> -> memref<32x16xf32, #tpu.memory_space<hbm>>
      %dma_wait3A_48 = arith.constant 0 : i32
      %dma_wait3A_49 = tpu.memref_slice %arg6[%add3A_23, %dma_wait3A_48] : memref<2048x16xf32, #tpu.memory_space<hbm>> -> memref<32x16xf32, #tpu.memory_space<hbm>>
      tpu.wait_dma2 semaphore(%run_scoped3A : memref<!tpu.dma_semaphore, #tpu.memory_space<semaphore_mem>>) src(%dma_wait3A_49 : memref<32x16xf32, #tpu.memory_space<hbm>>) dst(%arg11 : memref<32x16xf32, #tpu.memory_space<vmem>>)
      tpu.yield
    }) : () -> ()
    "tpu.region"() ({
      %run_scoped3A = tpu.sem_alloc : memref<!tpu.dma_semaphore, #tpu.memory_space<semaphore_mem>>
      %dma_start3A_42 = arith.constant 0 : i32
      %dma_start3A_43 = tpu.memref_slice %arg7[%add3A_23, %dma_start3A_42] : memref<2048x16xf32, #tpu.memory_space<hbm>> -> memref<32x16xf32, #tpu.memory_space<hbm>>
      %dma_start3A_44 = arith.constant 0 : i32
      %dma_start3A_45 = tpu.memref_slice %arg7[%add3A_23, %dma_start3A_44] : memref<2048x16xf32, #tpu.memory_space<hbm>> -> memref<32x16xf32, #tpu.memory_space<hbm>>
      tpu.enqueue_dma source(%dma_start3A_45 : memref<32x16xf32, #tpu.memory_space<hbm>>) target(%arg12 : memref<32x16xf32, #tpu.memory_space<vmem>>) target_semaphore(%run_scoped3A : memref<!tpu.dma_semaphore, #tpu.memory_space<semaphore_mem>>)
      %dma_wait3A_46 = arith.constant 0 : i32
      %dma_wait3A_47 = tpu.memref_slice %arg7[%add3A_23, %dma_wait3A_46] : memref<2048x16xf32, #tpu.memory_space<hbm>> -> memref<32x16xf32, #tpu.memory_space<hbm>>
      %dma_wait3A_48 = arith.constant 0 : i32
      %dma_wait3A_49 = tpu.memref_slice %arg7[%add3A_23, %dma_wait3A_48] : memref<2048x16xf32, #tpu.memory_space<hbm>> -> memref<32x16xf32, #tpu.memory_space<hbm>>
      tpu.wait_dma2 semaphore(%run_scoped3A : memref<!tpu.dma_semaphore, #tpu.memory_space<semaphore_mem>>) src(%dma_wait3A_49 : memref<32x16xf32, #tpu.memory_space<hbm>>) dst(%arg12 : memref<32x16xf32, #tpu.memory_space<vmem>>)
      tpu.yield
    }) : () -> ()
    %dma_start3A_24 = arith.constant 0 : i32
    %dma_start3A_25 = arith.constant 0 : i32
    %dma_start3A_26 = tpu.memref_slice %arg3[%dma_start3A_24, %dma_start3A_25] : memref<6144x1024xf32, #tpu.memory_space<hbm>> -> memref<6144x1024xf32, #tpu.memory_space<hbm>>
    tpu.enqueue_indirect_dma source(%dma_start3A_26 : memref<6144x1024xf32, #tpu.memory_space<hbm>>) target(%arg13 : memref<32x1024xf32, #tpu.memory_space<vmem>>) offsets(%arg9 : memref<32xi32, #tpu.memory_space<vmem>>) semaphore(%arg16 : memref<!tpu.dma_semaphore, #tpu.memory_space<semaphore_mem>>)
    %dma_start3A_27 = arith.constant 0 : i32
    %dma_start3A_28 = arith.constant 0 : i32
    %dma_start3A_29 = tpu.memref_slice %arg3[%dma_start3A_27, %dma_start3A_28] : memref<6144x1024xf32, #tpu.memory_space<hbm>> -> memref<6144x1024xf32, #tpu.memory_space<hbm>>
    tpu.enqueue_indirect_dma source(%dma_start3A_29 : memref<6144x1024xf32, #tpu.memory_space<hbm>>) target(%arg14 : memref<32x1024xf32, #tpu.memory_space<vmem>>) offsets(%arg10 : memref<32xi32, #tpu.memory_space<vmem>>) semaphore(%arg16 : memref<!tpu.dma_semaphore, #tpu.memory_space<semaphore_mem>>)
    "tpu.region"() ({
      %run_scoped3A = tpu.sem_alloc : memref<!tpu.dma_semaphore, #tpu.memory_space<semaphore_mem>>
      %dma_start3A_42 = arith.constant 0 : i32
      %dma_start3A_43 = tpu.memref_slice %arg2[%add3A_23, %dma_start3A_42] : memref<2048x1024xf32, #tpu.memory_space<hbm>> -> memref<32x1024xf32, #tpu.memory_space<hbm>>
      %dma_start3A_44 = arith.constant 0 : i32
      %dma_start3A_45 = tpu.memref_slice %arg2[%add3A_23, %dma_start3A_44] : memref<2048x1024xf32, #tpu.memory_space<hbm>> -> memref<32x1024xf32, #tpu.memory_space<hbm>>
      tpu.enqueue_dma source(%dma_start3A_45 : memref<32x1024xf32, #tpu.memory_space<hbm>>) target(%arg15 : memref<32x1024xf32, #tpu.memory_space<vmem>>) target_semaphore(%run_scoped3A : memref<!tpu.dma_semaphore, #tpu.memory_space<semaphore_mem>>)
      %dma_wait3A_46 = arith.constant 0 : i32
      %dma_wait3A_47 = tpu.memref_slice %arg2[%add3A_23, %dma_wait3A_46] : memref<2048x1024xf32, #tpu.memory_space<hbm>> -> memref<32x1024xf32, #tpu.memory_space<hbm>>
      %dma_wait3A_48 = arith.constant 0 : i32
      %dma_wait3A_49 = tpu.memref_slice %arg2[%add3A_23, %dma_wait3A_48] : memref<2048x1024xf32, #tpu.memory_space<hbm>> -> memref<32x1024xf32, #tpu.memory_space<hbm>>
      tpu.wait_dma2 semaphore(%run_scoped3A : memref<!tpu.dma_semaphore, #tpu.memory_space<semaphore_mem>>) src(%dma_wait3A_49 : memref<32x1024xf32, #tpu.memory_space<hbm>>) dst(%arg15 : memref<32x1024xf32, #tpu.memory_space<vmem>>)
      tpu.yield
    }) : () -> ()
    %dma_wait3A_30 = arith.constant 0 : i32
    %dma_wait3A_31 = arith.constant 0 : i32
    %dma_wait3A_32 = tpu.memref_slice %arg3[%dma_wait3A_30, %dma_wait3A_31] : memref<6144x1024xf32, #tpu.memory_space<hbm>> -> memref<6144x1024xf32, #tpu.memory_space<hbm>>
    tpu.wait_indirect_dma semaphore(%arg16 : memref<!tpu.dma_semaphore, #tpu.memory_space<semaphore_mem>>) src(%dma_wait3A_32 : memref<6144x1024xf32, #tpu.memory_space<hbm>>) dst(%arg13 : memref<32x1024xf32, #tpu.memory_space<vmem>>)
    %dma_wait3A_33 = arith.constant 0 : i32
    %dma_wait3A_34 = arith.constant 0 : i32
    %dma_wait3A_35 = tpu.memref_slice %arg3[%dma_wait3A_33, %dma_wait3A_34] : memref<6144x1024xf32, #tpu.memory_space<hbm>> -> memref<6144x1024xf32, #tpu.memory_space<hbm>>
    tpu.wait_indirect_dma semaphore(%arg16 : memref<!tpu.dma_semaphore, #tpu.memory_space<semaphore_mem>>) src(%dma_wait3A_35 : memref<6144x1024xf32, #tpu.memory_space<hbm>>) dst(%arg14 : memref<32x1024xf32, #tpu.memory_space<vmem>>)
    %scan3A_36 = arith.constant 0 : i32
    %scan3A_37 = arith.constant 0 : i32
    %scan3A_38 = arith.constant 32 : i32
    %scan3A_39 = arith.addi %scan3A_37, %scan3A_38 : i32
    %scan3A_40 = arith.constant 1 : i32
    scf.for %scan3A_42 = %scan3A_37 to %scan3A_39 step %scan3A_40  : i32 {
      %get3A = arith.index_cast %scan3A_42 : i32 to index
      %get3A_43 = arith.constant 0 : index
      %get3A_44 = tpu.vector_load %arg11[%get3A, %get3A_43] {strides = array<i32>} : memref<32x16xf32, #tpu.memory_space<vmem>>, vector<1x16xf32>,
      %get3A_45 = vector.shape_cast %get3A_44 : vector<1x16xf32> to vector<16xf32>
      %get3A_46 = arith.index_cast %scan3A_42 : i32 to index
      %get3A_47 = arith.constant 0 : index
      %get3A_48 = tpu.vector_load %arg12[%get3A_46, %get3A_47] {strides = array<i32>} : memref<32x16xf32, #tpu.memory_space<vmem>>, vector<1x16xf32>,
      %get3A_49 = vector.shape_cast %get3A_48 : vector<1x16xf32> to vector<16xf32>
      %get3A_50 = arith.index_cast %scan3A_42 : i32 to index
      %get3A_51 = arith.constant 0 : index
      %get3A_52 = tpu.vector_load %arg15[%get3A_50, %get3A_51] {strides = array<i32>} : memref<32x1024xf32, #tpu.memory_space<vmem>>, vector<1x16xf32>,
      %get3A_53 = vector.shape_cast %get3A_52 : vector<1x16xf32> to vector<16xf32>
      %get3A_54 = arith.index_cast %scan3A_42 : i32 to index
      %get3A_55 = arith.constant 0 : index
      %get3A_56 = tpu.vector_load %arg13[%get3A_54, %get3A_55] {strides = array<i32>} : memref<32x1024xf32, #tpu.memory_space<vmem>>, vector<1x16xf32>,
      %get3A_57 = vector.shape_cast %get3A_56 : vector<1x16xf32> to vector<16xf32>
      %mul3A_58 = arith.mulf %get3A_45, %get3A_57 : vector<16xf32>
      %add3A_59 = arith.addf %get3A_53, %mul3A_58 : vector<16xf32>
      %get3A_60 = arith.index_cast %scan3A_42 : i32 to index
      %get3A_61 = arith.constant 0 : index
      %get3A_62 = tpu.vector_load %arg14[%get3A_60, %get3A_61] {strides = array<i32>} : memref<32x1024xf32, #tpu.memory_space<vmem>>, vector<1x16xf32>,
      %get3A_63 = vector.shape_cast %get3A_62 : vector<1x16xf32> to vector<16xf32>
      %mul3A_64 = arith.mulf %get3A_49, %get3A_63 : vector<16xf32>
      %add3A_65 = arith.addf %add3A_59, %mul3A_64 : vector<16xf32>
      %swap3A = arith.index_cast %scan3A_42 : i32 to index
      %swap3A_66 = arith.constant 0 : index
      %swap3A_67 = tpu.vector_load %arg15[%swap3A, %swap3A_66] {strides = array<i32>} : memref<32x1024xf32, #tpu.memory_space<vmem>>, vector<1x16xf32>,
      %swap3A_68 = vector.shape_cast %swap3A_67 : vector<1x16xf32> to vector<16xf32>
      %swap3A_69 = vector.shape_cast %add3A_65 : vector<16xf32> to vector<1x16xf32>
      tpu.vector_store %arg15[%swap3A, %swap3A_66], %swap3A_69 {strides = array<i32>} : memref<32x1024xf32, #tpu.memory_space<vmem>>, vector<1x16xf32>,
      %get3A_70 = arith.index_cast %scan3A_42 : i32 to index
      %get3A_71 = arith.constant 16 : index
      %get3A_72 = tpu.vector_load %arg15[%get3A_70, %get3A_71] {strides = array<i32>} : memref<32x1024xf32, #tpu.memory_space<vmem>>, vector<1x16xf32>,
      %get3A_73 = vector.shape_cast %get3A_72 : vector<1x16xf32> to vector<16xf32>
      %get3A_74 = arith.index_cast %scan3A_42 : i32 to index
      %get3A_75 = arith.constant 16 : index
      %get3A_76 = tpu.vector_load %arg13[%get3A_74, %get3A_75] {strides = array<i32>} : memref<32x1024xf32, #tpu.memory_space<vmem>>, vector<1x16xf32>,
      %get3A_77 = vector.shape_cast %get3A_76 : vector<1x16xf32> to vector<16xf32>
      %mul3A_78 = arith.mulf %get3A_45, %get3A_77 : vector<16xf32>
      %add3A_79 = arith.addf %get3A_73, %mul3A_78 : vector<16xf32>
      %get3A_80 = arith.index_cast %scan3A_42 : i32 to index
      %get3A_81 = arith.constant 16 : index
      %get3A_82 = tpu.vector_load %arg14[%get3A_80, %get3A_81] {strides = array<i32>} : memref<32x1024xf32, #tpu.memory_space<vmem>>, vector<1x16xf32>,
      %get3A_83 = vector.shape_cast %get3A_82 : vector<1x16xf32> to vector<16xf32>
      %mul3A_84 = arith.mulf %get3A_49, %get3A_83 : vector<16xf32>
      %add3A_85 = arith.addf %add3A_79, %mul3A_84 : vector<16xf32>
      %swap3A_86 = arith.index_cast %scan3A_42 : i32 to index
      %swap3A_87 = arith.constant 16 : index
      %swap3A_88 = tpu.vector_load %arg15[%swap3A_86, %swap3A_87] {strides = array<i32>} : memref<32x1024xf32, #tpu.memory_space<vmem>>, vector<1x16xf32>,
      %swap3A_89 = vector.shape_cast %swap3A_88 : vector<1x16xf32> to vector<16xf32>
      %swap3A_90 = vector.shape_cast %add3A_85 : vector<16xf32> to vector<1x16xf32>
      tpu.vector_store %arg15[%swap3A_86, %swap3A_87], %swap3A_90 {strides = array<i32>} : memref<32x1024xf32, #tpu.memory_space<vmem>>, vector<1x16xf32>,
      %get3A_91 = arith.index_cast %scan3A_42 : i32 to index
      %get3A_92 = arith.constant 32 : index
      %get3A_93 = tpu.vector_load %arg15[%get3A_91, %get3A_92] {strides = array<i32>} : memref<32x1024xf32, #tpu.memory_space<vmem>>, vector<1x16xf32>,
      %get3A_94 = vector.shape_cast %get3A_93 : vector<1x16xf32> to vector<16xf32>
      %get3A_95 = arith.index_cast %scan3A_42 : i32 to index
      %get3A_96 = arith.constant 32 : index
      %get3A_97 = tpu.vector_load %arg13[%get3A_95, %get3A_96] {strides = array<i32>} : memref<32x1024xf32, #tpu.memory_space<vmem>>, vector<1x16xf32>,
      %get3A_98 = vector.shape_cast %get3A_97 : vector<1x16xf32> to vector<16xf32>
      %mul3A_99 = arith.mulf %get3A_45, %get3A_98 : vector<16xf32>
      %add3A_100 = arith.addf %get3A_94, %mul3A_99 : vector<16xf32>
      %get3A_101 = arith.index_cast %scan3A_42 : i32 to index
      %get3A_102 = arith.constant 32 : index
      %get3A_103 = tpu.vector_load %arg14[%get3A_101, %get3A_102] {strides = array<i32>} : memref<32x1024xf32, #tpu.memory_space<vmem>>, vector<1x16xf32>,
      %get3A_104 = vector.shape_cast %get3A_103 : vector<1x16xf32> to vector<16xf32>
      %mul3A_105 = arith.mulf %get3A_49, %get3A_104 : vector<16xf32>
      %add3A_106 = arith.addf %add3A_100, %mul3A_105 : vector<16xf32>
      %swap3A_107 = arith.index_cast %scan3A_42 : i32 to index
      %swap3A_108 = arith.constant 32 : index
      %swap3A_109 = tpu.vector_load %arg15[%swap3A_107, %swap3A_108] {strides = array<i32>} : memref<32x1024xf32, #tpu.memory_space<vmem>>, vector<1x16xf32>,
      %swap3A_110 = vector.shape_cast %swap3A_109 : vector<1x16xf32> to vector<16xf32>
      %swap3A_111 = vector.shape_cast %add3A_106 : vector<16xf32> to vector<1x16xf32>
      tpu.vector_store %arg15[%swap3A_107, %swap3A_108], %swap3A_111 {strides = array<i32>} : memref<32x1024xf32, #tpu.memory_space<vmem>>, vector<1x16xf32>,
      %get3A_112 = arith.index_cast %scan3A_42 : i32 to index
      %get3A_113 = arith.constant 48 : index
      %get3A_114 = tpu.vector_load %arg15[%get3A_112, %get3A_113] {strides = array<i32>} : memref<32x1024xf32, #tpu.memory_space<vmem>>, vector<1x16xf32>,
      %get3A_115 = vector.shape_cast %get3A_114 : vector<1x16xf32> to vector<16xf32>
      %get3A_116 = arith.index_cast %scan3A_42 : i32 to index
      %get3A_117 = arith.constant 48 : index
      %get3A_118 = tpu.vector_load %arg13[%get3A_116, %get3A_117] {strides = array<i32>} : memref<32x1024xf32, #tpu.memory_space<vmem>>, vector<1x16xf32>,
      %get3A_119 = vector.shape_cast %get3A_118 : vector<1x16xf32> to vector<16xf32>
      %mul3A_120 = arith.mulf %get3A_45, %get3A_119 : vector<16xf32>
      %add3A_121 = arith.addf %get3A_115, %mul3A_120 : vector<16xf32>
      %get3A_122 = arith.index_cast %scan3A_42 : i32 to index
      %get3A_123 = arith.constant 48 : index
      %get3A_124 = tpu.vector_load %arg14[%get3A_122, %get3A_123] {strides = array<i32>} : memref<32x1024xf32, #tpu.memory_space<vmem>>, vector<1x16xf32>,
      %get3A_125 = vector.shape_cast %get3A_124 : vector<1x16xf32> to vector<16xf32>
      %mul3A_126 = arith.mulf %get3A_49, %get3A_125 : vector<16xf32>
      %add3A_127 = arith.addf %add3A_121, %mul3A_126 : vector<16xf32>
      %swap3A_128 = arith.index_cast %scan3A_42 : i32 to index
      %swap3A_129 = arith.constant 48 : index
      %swap3A_130 = tpu.vector_load %arg15[%swap3A_128, %swap3A_129] {strides = array<i32>} : memref<32x1024xf32, #tpu.memory_space<vmem>>, vector<1x16xf32>,
      %swap3A_131 = vector.shape_cast %swap3A_130 : vector<1x16xf32> to vector<16xf32>
      %swap3A_132 = vector.shape_cast %add3A_127 : vector<16xf32> to vector<1x16xf32>
      tpu.vector_store %arg15[%swap3A_128, %swap3A_129], %swap3A_132 {strides = array<i32>} : memref<32x1024xf32, #tpu.memory_space<vmem>>, vector<1x16xf32>,
      %get3A_133 = arith.index_cast %scan3A_42 : i32 to index
      %get3A_134 = arith.constant 64 : index
      %get3A_135 = tpu.vector_load %arg15[%get3A_133, %get3A_134] {strides = array<i32>} : memref<32x1024xf32, #tpu.memory_space<vmem>>, vector<1x16xf32>,
      %get3A_136 = vector.shape_cast %get3A_135 : vector<1x16xf32> to vector<16xf32>
      %get3A_137 = arith.index_cast %scan3A_42 : i32 to index
      %get3A_138 = arith.constant 64 : index
      %get3A_139 = tpu.vector_load %arg13[%get3A_137, %get3A_138] {strides = array<i32>} : memref<32x1024xf32, #tpu.memory_space<vmem>>, vector<1x16xf32>,
      %get3A_140 = vector.shape_cast %get3A_139 : vector<1x16xf32> to vector<16xf32>
      %mul3A_141 = arith.mulf %get3A_45, %get3A_140 : vector<16xf32>
      %add3A_142 = arith.addf %get3A_136, %mul3A_141 : vector<16xf32>
      %get3A_143 = arith.index_cast %scan3A_42 : i32 to index
      %get3A_144 = arith.constant 64 : index
      %get3A_145 = tpu.vector_load %arg14[%get3A_143, %get3A_144] {strides = array<i32>} : memref<32x1024xf32, #tpu.memory_space<vmem>>, vector<1x16xf32>,
      %get3A_146 = vector.shape_cast %get3A_145 : vector<1x16xf32> to vector<16xf32>
      %mul3A_147 = arith.mulf %get3A_49, %get3A_146 : vector<16xf32>
      %add3A_148 = arith.addf %add3A_142, %mul3A_147 : vector<16xf32>
      %swap3A_149 = arith.index_cast %scan3A_42 : i32 to index
      %swap3A_150 = arith.constant 64 : index
      %swap3A_151 = tpu.vector_load %arg15[%swap3A_149, %swap3A_150] {strides = array<i32>} : memref<32x1024xf32, #tpu.memory_space<vmem>>, vector<1x16xf32>,
      %swap3A_152 = vector.shape_cast %swap3A_151 : vector<1x16xf32> to vector<16xf32>
      %swap3A_153 = vector.shape_cast %add3A_148 : vector<16xf32> to vector<1x16xf32>
      tpu.vector_store %arg15[%swap3A_149, %swap3A_150], %swap3A_153 {strides = array<i32>} : memref<32x1024xf32, #tpu.memory_space<vmem>>, vector<1x16xf32>,
      %get3A_154 = arith.index_cast %scan3A_42 : i32 to index
      %get3A_155 = arith.constant 80 : index
      %get3A_156 = tpu.vector_load %arg15[%get3A_154, %get3A_155] {strides = array<i32>} : memref<32x1024xf32, #tpu.memory_space<vmem>>, vector<1x16xf32>,
      %get3A_157 = vector.shape_cast %get3A_156 : vector<1x16xf32> to vector<16xf32>
      %get3A_158 = arith.index_cast %scan3A_42 : i32 to index
      %get3A_159 = arith.constant 80 : index
      %get3A_160 = tpu.vector_load %arg13[%get3A_158, %get3A_159] {strides = array<i32>} : memref<32x1024xf32, #tpu.memory_space<vmem>>, vector<1x16xf32>,
      %get3A_161 = vector.shape_cast %get3A_160 : vector<1x16xf32> to vector<16xf32>
      %mul3A_162 = arith.mulf %get3A_45, %get3A_161 : vector<16xf32>
      %add3A_163 = arith.addf %get3A_157, %mul3A_162 : vector<16xf32>
      %get3A_164 = arith.index_cast %scan3A_42 : i32 to index
      %get3A_165 = arith.constant 80 : index
      %get3A_166 = tpu.vector_load %arg14[%get3A_164, %get3A_165] {strides = array<i32>} : memref<32x1024xf32, #tpu.memory_space<vmem>>, vector<1x16xf32>,
      %get3A_167 = vector.shape_cast %get3A_166 : vector<1x16xf32> to vector<16xf32>
      %mul3A_168 = arith.mulf %get3A_49, %get3A_167 : vector<16xf32>
      %add3A_169 = arith.addf %add3A_163, %mul3A_168 : vector<16xf32>
      %swap3A_170 = arith.index_cast %scan3A_42 : i32 to index
      %swap3A_171 = arith.constant 80 : index
      %swap3A_172 = tpu.vector_load %arg15[%swap3A_170, %swap3A_171] {strides = array<i32>} : memref<32x1024xf32, #tpu.memory_space<vmem>>, vector<1x16xf32>,
      %swap3A_173 = vector.shape_cast %swap3A_172 : vector<1x16xf32> to vector<16xf32>
      %swap3A_174 = vector.shape_cast %add3A_169 : vector<16xf32> to vector<1x16xf32>
      tpu.vector_store %arg15[%swap3A_170, %swap3A_171], %swap3A_174 {strides = array<i32>} : memref<32x1024xf32, #tpu.memory_space<vmem>>, vector<1x16xf32>,
      %get3A_175 = arith.index_cast %scan3A_42 : i32 to index
      %get3A_176 = arith.constant 96 : index
      %get3A_177 = tpu.vector_load %arg15[%get3A_175, %get3A_176] {strides = array<i32>} : memref<32x1024xf32, #tpu.memory_space<vmem>>, vector<1x16xf32>,
      %get3A_178 = vector.shape_cast %get3A_177 : vector<1x16xf32> to vector<16xf32>
      %get3A_179 = arith.index_cast %scan3A_42 : i32 to index
      %get3A_180 = arith.constant 96 : index
      %get3A_181 = tpu.vector_load %arg13[%get3A_179, %get3A_180] {strides = array<i32>} : memref<32x1024xf32, #tpu.memory_space<vmem>>, vector<1x16xf32>,
      %get3A_182 = vector.shape_cast %get3A_181 : vector<1x16xf32> to vector<16xf32>
      %mul3A_183 = arith.mulf %get3A_45, %get3A_182 : vector<16xf32>
      %add3A_184 = arith.addf %get3A_178, %mul3A_183 : vector<16xf32>
      %get3A_185 = arith.index_cast %scan3A_42 : i32 to index
      %get3A_186 = arith.constant 96 : index
      %get3A_187 = tpu.vector_load %arg14[%get3A_185, %get3A_186] {strides = array<i32>} : memref<32x1024xf32, #tpu.memory_space<vmem>>, vector<1x16xf32>,
      %get3A_188 = vector.shape_cast %get3A_187 : vector<1x16xf32> to vector<16xf32>
      %mul3A_189 = arith.mulf %get3A_49, %get3A_188 : vector<16xf32>
      %add3A_190 = arith.addf %add3A_184, %mul3A_189 : vector<16xf32>
      %swap3A_191 = arith.index_cast %scan3A_42 : i32 to index
      %swap3A_192 = arith.constant 96 : index
      %swap3A_193 = tpu.vector_load %arg15[%swap3A_191, %swap3A_192] {strides = array<i32>} : memref<32x1024xf32, #tpu.memory_space<vmem>>, vector<1x16xf32>,
      %swap3A_194 = vector.shape_cast %swap3A_193 : vector<1x16xf32> to vector<16xf32>
      %swap3A_195 = vector.shape_cast %add3A_190 : vector<16xf32> to vector<1x16xf32>
      tpu.vector_store %arg15[%swap3A_191, %swap3A_192], %swap3A_195 {strides = array<i32>} : memref<32x1024xf32, #tpu.memory_space<vmem>>, vector<1x16xf32>,
      %get3A_196 = arith.index_cast %scan3A_42 : i32 to index
      %get3A_197 = arith.constant 112 : index
      %get3A_198 = tpu.vector_load %arg15[%get3A_196, %get3A_197] {strides = array<i32>} : memref<32x1024xf32, #tpu.memory_space<vmem>>, vector<1x16xf32>,
      %get3A_199 = vector.shape_cast %get3A_198 : vector<1x16xf32> to vector<16xf32>
      %get3A_200 = arith.index_cast %scan3A_42 : i32 to index
      %get3A_201 = arith.constant 112 : index
      %get3A_202 = tpu.vector_load %arg13[%get3A_200, %get3A_201] {strides = array<i32>} : memref<32x1024xf32, #tpu.memory_space<vmem>>, vector<1x16xf32>,
      %get3A_203 = vector.shape_cast %get3A_202 : vector<1x16xf32> to vector<16xf32>
      %mul3A_204 = arith.mulf %get3A_45, %get3A_203 : vector<16xf32>
      %add3A_205 = arith.addf %get3A_199, %mul3A_204 : vector<16xf32>
      %get3A_206 = arith.index_cast %scan3A_42 : i32 to index
      %get3A_207 = arith.constant 112 : index
      %get3A_208 = tpu.vector_load %arg14[%get3A_206, %get3A_207] {strides = array<i32>} : memref<32x1024xf32, #tpu.memory_space<vmem>>, vector<1x16xf32>,
      %get3A_209 = vector.shape_cast %get3A_208 : vector<1x16xf32> to vector<16xf32>
      %mul3A_210 = arith.mulf %get3A_49, %get3A_209 : vector<16xf32>
      %add3A_211 = arith.addf %add3A_205, %mul3A_210 : vector<16xf32>
      %swap3A_212 = arith.index_cast %scan3A_42 : i32 to index
      %swap3A_213 = arith.constant 112 : index
      %swap3A_214 = tpu.vector_load %arg15[%swap3A_212, %swap3A_213] {strides = array<i32>} : memref<32x1024xf32, #tpu.memory_space<vmem>>, vector<1x16xf32>,
      %swap3A_215 = vector.shape_cast %swap3A_214 : vector<1x16xf32> to vector<16xf32>
      %swap3A_216 = vector.shape_cast %add3A_211 : vector<16xf32> to vector<1x16xf32>
      tpu.vector_store %arg15[%swap3A_212, %swap3A_213], %swap3A_216 {strides = array<i32>} : memref<32x1024xf32, #tpu.memory_space<vmem>>, vector<1x16xf32>,
      %get3A_217 = arith.index_cast %scan3A_42 : i32 to index
      %get3A_218 = arith.constant 128 : index
      %get3A_219 = tpu.vector_load %arg15[%get3A_217, %get3A_218] {strides = array<i32>} : memref<32x1024xf32, #tpu.memory_space<vmem>>, vector<1x16xf32>,
      %get3A_220 = vector.shape_cast %get3A_219 : vector<1x16xf32> to vector<16xf32>
      %get3A_221 = arith.index_cast %scan3A_42 : i32 to index
      %get3A_222 = arith.constant 128 : index
      %get3A_223 = tpu.vector_load %arg13[%get3A_221, %get3A_222] {strides = array<i32>} : memref<32x1024xf32, #tpu.memory_space<vmem>>, vector<1x16xf32>,
      %get3A_224 = vector.shape_cast %get3A_223 : vector<1x16xf32> to vector<16xf32>
      %mul3A_225 = arith.mulf %get3A_45, %get3A_224 : vector<16xf32>
      %add3A_226 = arith.addf %get3A_220, %mul3A_225 : vector<16xf32>
      %get3A_227 = arith.index_cast %scan3A_42 : i32 to index
      %get3A_228 = arith.constant 128 : index
      %get3A_229 = tpu.vector_load %arg14[%get3A_227, %get3A_228] {strides = array<i32>} : memref<32x1024xf32, #tpu.memory_space<vmem>>, vector<1x16xf32>,
      %get3A_230 = vector.shape_cast %get3A_229 : vector<1x16xf32> to vector<16xf32>
      %mul3A_231 = arith.mulf %get3A_49, %get3A_230 : vector<16xf32>
      %add3A_232 = arith.addf %add3A_226, %mul3A_231 : vector<16xf32>
      %swap3A_233 = arith.index_cast %scan3A_42 : i32 to index
      %swap3A_234 = arith.constant 128 : index
      %swap3A_235 = tpu.vector_load %arg15[%swap3A_233, %swap3A_234] {strides = array<i32>} : memref<32x1024xf32, #tpu.memory_space<vmem>>, vector<1x16xf32>,
      %swap3A_236 = vector.shape_cast %swap3A_235 : vector<1x16xf32> to vector<16xf32>
      %swap3A_237 = vector.shape_cast %add3A_232 : vector<16xf32> to vector<1x16xf32>
      tpu.vector_store %arg15[%swap3A_233, %swap3A_234], %swap3A_237 {strides = array<i32>} : memref<32x1024xf32, #tpu.memory_space<vmem>>, vector<1x16xf32>,
      %get3A_238 = arith.index_cast %scan3A_42 : i32 to index
      %get3A_239 = arith.constant 144 : index
      %get3A_240 = tpu.vector_load %arg15[%get3A_238, %get3A_239] {strides = array<i32>} : memref<32x1024xf32, #tpu.memory_space<vmem>>, vector<1x16xf32>,
      %get3A_241 = vector.shape_cast %get3A_240 : vector<1x16xf32> to vector<16xf32>
      %get3A_242 = arith.index_cast %scan3A_42 : i32 to index
      %get3A_243 = arith.constant 144 : index
      %get3A_244 = tpu.vector_load %arg13[%get3A_242, %get3A_243] {strides = array<i32>} : memref<32x1024xf32, #tpu.memory_space<vmem>>, vector<1x16xf32>,
      %get3A_245 = vector.shape_cast %get3A_244 : vector<1x16xf32> to vector<16xf32>
      %mul3A_246 = arith.mulf %get3A_45, %get3A_245 : vector<16xf32>
      %add3A_247 = arith.addf %get3A_241, %mul3A_246 : vector<16xf32>
      %get3A_248 = arith.index_cast %scan3A_42 : i32 to index
      %get3A_249 = arith.constant 144 : index
      %get3A_250 = tpu.vector_load %arg14[%get3A_248, %get3A_249] {strides = array<i32>} : memref<32x1024xf32, #tpu.memory_space<vmem>>, vector<1x16xf32>,
      %get3A_251 = vector.shape_cast %get3A_250 : vector<1x16xf32> to vector<16xf32>
      %mul3A_252 = arith.mulf %get3A_49, %get3A_251 : vector<16xf32>
      %add3A_253 = arith.addf %add3A_247, %mul3A_252 : vector<16xf32>
      %swap3A_254 = arith.index_cast %scan3A_42 : i32 to index
      %swap3A_255 = arith.constant 144 : index
      %swap3A_256 = tpu.vector_load %arg15[%swap3A_254, %swap3A_255] {strides = array<i32>} : memref<32x1024xf32, #tpu.memory_space<vmem>>, vector<1x16xf32>,
      %swap3A_257 = vector.shape_cast %swap3A_256 : vector<1x16xf32> to vector<16xf32>
      %swap3A_258 = vector.shape_cast %add3A_253 : vector<16xf32> to vector<1x16xf32>
      tpu.vector_store %arg15[%swap3A_254, %swap3A_255], %swap3A_258 {strides = array<i32>} : memref<32x1024xf32, #tpu.memory_space<vmem>>, vector<1x16xf32>,
      %get3A_259 = arith.index_cast %scan3A_42 : i32 to index
      %get3A_260 = arith.constant 160 : index
      %get3A_261 = tpu.vector_load %arg15[%get3A_259, %get3A_260] {strides = array<i32>} : memref<32x1024xf32, #tpu.memory_space<vmem>>, vector<1x16xf32>,
      %get3A_262 = vector.shape_cast %get3A_261 : vector<1x16xf32> to vector<16xf32>
      %get3A_263 = arith.index_cast %scan3A_42 : i32 to index
      %get3A_264 = arith.constant 160 : index
      %get3A_265 = tpu.vector_load %arg13[%get3A_263, %get3A_264] {strides = array<i32>} : memref<32x1024xf32, #tpu.memory_space<vmem>>, vector<1x16xf32>,
      %get3A_266 = vector.shape_cast %get3A_265 : vector<1x16xf32> to vector<16xf32>
      %mul3A_267 = arith.mulf %get3A_45, %get3A_266 : vector<16xf32>
      %add3A_268 = arith.addf %get3A_262, %mul3A_267 : vector<16xf32>
      %get3A_269 = arith.index_cast %scan3A_42 : i32 to index
      %get3A_270 = arith.constant 160 : index
      %get3A_271 = tpu.vector_load %arg14[%get3A_269, %get3A_270] {strides = array<i32>} : memref<32x1024xf32, #tpu.memory_space<vmem>>, vector<1x16xf32>,
      %get3A_272 = vector.shape_cast %get3A_271 : vector<1x16xf32> to vector<16xf32>
      %mul3A_273 = arith.mulf %get3A_49, %get3A_272 : vector<16xf32>
      %add3A_274 = arith.addf %add3A_268, %mul3A_273 : vector<16xf32>
      %swap3A_275 = arith.index_cast %scan3A_42 : i32 to index
      %swap3A_276 = arith.constant 160 : index
      %swap3A_277 = tpu.vector_load %arg15[%swap3A_275, %swap3A_276] {strides = array<i32>} : memref<32x1024xf32, #tpu.memory_space<vmem>>, vector<1x16xf32>,
      %swap3A_278 = vector.shape_cast %swap3A_277 : vector<1x16xf32> to vector<16xf32>
      %swap3A_279 = vector.shape_cast %add3A_274 : vector<16xf32> to vector<1x16xf32>
      tpu.vector_store %arg15[%swap3A_275, %swap3A_276], %swap3A_279 {strides = array<i32>} : memref<32x1024xf32, #tpu.memory_space<vmem>>, vector<1x16xf32>,
      %get3A_280 = arith.index_cast %scan3A_42 : i32 to index
      %get3A_281 = arith.constant 176 : index
      %get3A_282 = tpu.vector_load %arg15[%get3A_280, %get3A_281] {strides = array<i32>} : memref<32x1024xf32, #tpu.memory_space<vmem>>, vector<1x16xf32>,
      %get3A_283 = vector.shape_cast %get3A_282 : vector<1x16xf32> to vector<16xf32>
      %get3A_284 = arith.index_cast %scan3A_42 : i32 to index
      %get3A_285 = arith.constant 176 : index
      %get3A_286 = tpu.vector_load %arg13[%get3A_284, %get3A_285] {strides = array<i32>} : memref<32x1024xf32, #tpu.memory_space<vmem>>, vector<1x16xf32>,
      %get3A_287 = vector.shape_cast %get3A_286 : vector<1x16xf32> to vector<16xf32>
      %mul3A_288 = arith.mulf %get3A_45, %get3A_287 : vector<16xf32>
      %add3A_289 = arith.addf %get3A_283, %mul3A_288 : vector<16xf32>
      %get3A_290 = arith.index_cast %scan3A_42 : i32 to index
      %get3A_291 = arith.constant 176 : index
      %get3A_292 = tpu.vector_load %arg14[%get3A_290, %get3A_291] {strides = array<i32>} : memref<32x1024xf32, #tpu.memory_space<vmem>>, vector<1x16xf32>,
      %get3A_293 = vector.shape_cast %get3A_292 : vector<1x16xf32> to vector<16xf32>
      %mul3A_294 = arith.mulf %get3A_49, %get3A_293 : vector<16xf32>
      %add3A_295 = arith.addf %add3A_289, %mul3A_294 : vector<16xf32>
      %swap3A_296 = arith.index_cast %scan3A_42 : i32 to index
      %swap3A_297 = arith.constant 176 : index
      %swap3A_298 = tpu.vector_load %arg15[%swap3A_296, %swap3A_297] {strides = array<i32>} : memref<32x1024xf32, #tpu.memory_space<vmem>>, vector<1x16xf32>,
      %swap3A_299 = vector.shape_cast %swap3A_298 : vector<1x16xf32> to vector<16xf32>
      %swap3A_300 = vector.shape_cast %add3A_295 : vector<16xf32> to vector<1x16xf32>
      tpu.vector_store %arg15[%swap3A_296, %swap3A_297], %swap3A_300 {strides = array<i32>} : memref<32x1024xf32, #tpu.memory_space<vmem>>, vector<1x16xf32>,
      %get3A_301 = arith.index_cast %scan3A_42 : i32 to index
      %get3A_302 = arith.constant 192 : index
      %get3A_303 = tpu.vector_load %arg15[%get3A_301, %get3A_302] {strides = array<i32>} : memref<32x1024xf32, #tpu.memory_space<vmem>>, vector<1x16xf32>,
      %get3A_304 = vector.shape_cast %get3A_303 : vector<1x16xf32> to vector<16xf32>
      %get3A_305 = arith.index_cast %scan3A_42 : i32 to index
      %get3A_306 = arith.constant 192 : index
      %get3A_307 = tpu.vector_load %arg13[%get3A_305, %get3A_306] {strides = array<i32>} : memref<32x1024xf32, #tpu.memory_space<vmem>>, vector<1x16xf32>,
      %get3A_308 = vector.shape_cast %get3A_307 : vector<1x16xf32> to vector<16xf32>
      %mul3A_309 = arith.mulf %get3A_45, %get3A_308 : vector<16xf32>
      %add3A_310 = arith.addf %get3A_304, %mul3A_309 : vector<16xf32>
      %get3A_311 = arith.index_cast %scan3A_42 : i32 to index
      %get3A_312 = arith.constant 192 : index
      %get3A_313 = tpu.vector_load %arg14[%get3A_311, %get3A_312] {strides = array<i32>} : memref<32x1024xf32, #tpu.memory_space<vmem>>, vector<1x16xf32>,
      %get3A_314 = vector.shape_cast %get3A_313 : vector<1x16xf32> to vector<16xf32>
      %mul3A_315 = arith.mulf %get3A_49, %get3A_314 : vector<16xf32>
      %add3A_316 = arith.addf %add3A_310, %mul3A_315 : vector<16xf32>
      %swap3A_317 = arith.index_cast %scan3A_42 : i32 to index
      %swap3A_318 = arith.constant 192 : index
      %swap3A_319 = tpu.vector_load %arg15[%swap3A_317, %swap3A_318] {strides = array<i32>} : memref<32x1024xf32, #tpu.memory_space<vmem>>, vector<1x16xf32>,
      %swap3A_320 = vector.shape_cast %swap3A_319 : vector<1x16xf32> to vector<16xf32>
      %swap3A_321 = vector.shape_cast %add3A_316 : vector<16xf32> to vector<1x16xf32>
      tpu.vector_store %arg15[%swap3A_317, %swap3A_318], %swap3A_321 {strides = array<i32>} : memref<32x1024xf32, #tpu.memory_space<vmem>>, vector<1x16xf32>,
      %get3A_322 = arith.index_cast %scan3A_42 : i32 to index
      %get3A_323 = arith.constant 208 : index
      %get3A_324 = tpu.vector_load %arg15[%get3A_322, %get3A_323] {strides = array<i32>} : memref<32x1024xf32, #tpu.memory_space<vmem>>, vector<1x16xf32>,
      %get3A_325 = vector.shape_cast %get3A_324 : vector<1x16xf32> to vector<16xf32>
      %get3A_326 = arith.index_cast %scan3A_42 : i32 to index
      %get3A_327 = arith.constant 208 : index
      %get3A_328 = tpu.vector_load %arg13[%get3A_326, %get3A_327] {strides = array<i32>} : memref<32x1024xf32, #tpu.memory_space<vmem>>, vector<1x16xf32>,
      %get3A_329 = vector.shape_cast %get3A_328 : vector<1x16xf32> to vector<16xf32>
      %mul3A_330 = arith.mulf %get3A_45, %get3A_329 : vector<16xf32>
      %add3A_331 = arith.addf %get3A_325, %mul3A_330 : vector<16xf32>
      %get3A_332 = arith.index_cast %scan3A_42 : i32 to index
      %get3A_333 = arith.constant 208 : index
      %get3A_334 = tpu.vector_load %arg14[%get3A_332, %get3A_333] {strides = array<i32>} : memref<32x1024xf32, #tpu.memory_space<vmem>>, vector<1x16xf32>,
      %get3A_335 = vector.shape_cast %get3A_334 : vector<1x16xf32> to vector<16xf32>
      %mul3A_336 = arith.mulf %get3A_49, %get3A_335 : vector<16xf32>
      %add3A_337 = arith.addf %add3A_331, %mul3A_336 : vector<16xf32>
      %swap3A_338 = arith.index_cast %scan3A_42 : i32 to index
      %swap3A_339 = arith.constant 208 : index
      %swap3A_340 = tpu.vector_load %arg15[%swap3A_338, %swap3A_339] {strides = array<i32>} : memref<32x1024xf32, #tpu.memory_space<vmem>>, vector<1x16xf32>,
      %swap3A_341 = vector.shape_cast %swap3A_340 : vector<1x16xf32> to vector<16xf32>
      %swap3A_342 = vector.shape_cast %add3A_337 : vector<16xf32> to vector<1x16xf32>
      tpu.vector_store %arg15[%swap3A_338, %swap3A_339], %swap3A_342 {strides = array<i32>} : memref<32x1024xf32, #tpu.memory_space<vmem>>, vector<1x16xf32>,
      %get3A_343 = arith.index_cast %scan3A_42 : i32 to index
      %get3A_344 = arith.constant 224 : index
      %get3A_345 = tpu.vector_load %arg15[%get3A_343, %get3A_344] {strides = array<i32>} : memref<32x1024xf32, #tpu.memory_space<vmem>>, vector<1x16xf32>,
      %get3A_346 = vector.shape_cast %get3A_345 : vector<1x16xf32> to vector<16xf32>
      %get3A_347 = arith.index_cast %scan3A_42 : i32 to index
      %get3A_348 = arith.constant 224 : index
      %get3A_349 = tpu.vector_load %arg13[%get3A_347, %get3A_348] {strides = array<i32>} : memref<32x1024xf32, #tpu.memory_space<vmem>>, vector<1x16xf32>,
      %get3A_350 = vector.shape_cast %get3A_349 : vector<1x16xf32> to vector<16xf32>
      %mul3A_351 = arith.mulf %get3A_45, %get3A_350 : vector<16xf32>
      %add3A_352 = arith.addf %get3A_346, %mul3A_351 : vector<16xf32>
      %get3A_353 = arith.index_cast %scan3A_42 : i32 to index
      %get3A_354 = arith.constant 224 : index
      %get3A_355 = tpu.vector_load %arg14[%get3A_353, %get3A_354] {strides = array<i32>} : memref<32x1024xf32, #tpu.memory_space<vmem>>, vector<1x16xf32>,
      %get3A_356 = vector.shape_cast %get3A_355 : vector<1x16xf32> to vector<16xf32>
      %mul3A_357 = arith.mulf %get3A_49, %get3A_356 : vector<16xf32>
      %add3A_358 = arith.addf %add3A_352, %mul3A_357 : vector<16xf32>
      %swap3A_359 = arith.index_cast %scan3A_42 : i32 to index
      %swap3A_360 = arith.constant 224 : index
      %swap3A_361 = tpu.vector_load %arg15[%swap3A_359, %swap3A_360] {strides = array<i32>} : memref<32x1024xf32, #tpu.memory_space<vmem>>, vector<1x16xf32>,
      %swap3A_362 = vector.shape_cast %swap3A_361 : vector<1x16xf32> to vector<16xf32>
      %swap3A_363 = vector.shape_cast %add3A_358 : vector<16xf32> to vector<1x16xf32>
      tpu.vector_store %arg15[%swap3A_359, %swap3A_360], %swap3A_363 {strides = array<i32>} : memref<32x1024xf32, #tpu.memory_space<vmem>>, vector<1x16xf32>,
      %get3A_364 = arith.index_cast %scan3A_42 : i32 to index
      %get3A_365 = arith.constant 240 : index
      %get3A_366 = tpu.vector_load %arg15[%get3A_364, %get3A_365] {strides = array<i32>} : memref<32x1024xf32, #tpu.memory_space<vmem>>, vector<1x16xf32>,
      %get3A_367 = vector.shape_cast %get3A_366 : vector<1x16xf32> to vector<16xf32>
      %get3A_368 = arith.index_cast %scan3A_42 : i32 to index
      %get3A_369 = arith.constant 240 : index
      %get3A_370 = tpu.vector_load %arg13[%get3A_368, %get3A_369] {strides = array<i32>} : memref<32x1024xf32, #tpu.memory_space<vmem>>, vector<1x16xf32>,
      %get3A_371 = vector.shape_cast %get3A_370 : vector<1x16xf32> to vector<16xf32>
      %mul3A_372 = arith.mulf %get3A_45, %get3A_371 : vector<16xf32>
      %add3A_373 = arith.addf %get3A_367, %mul3A_372 : vector<16xf32>
      %get3A_374 = arith.index_cast %scan3A_42 : i32 to index
      %get3A_375 = arith.constant 240 : index
      %get3A_376 = tpu.vector_load %arg14[%get3A_374, %get3A_375] {strides = array<i32>} : memref<32x1024xf32, #tpu.memory_space<vmem>>, vector<1x16xf32>,
      %get3A_377 = vector.shape_cast %get3A_376 : vector<1x16xf32> to vector<16xf32>
      %mul3A_378 = arith.mulf %get3A_49, %get3A_377 : vector<16xf32>
      %add3A_379 = arith.addf %add3A_373, %mul3A_378 : vector<16xf32>
      %swap3A_380 = arith.index_cast %scan3A_42 : i32 to index
      %swap3A_381 = arith.constant 240 : index
      %swap3A_382 = tpu.vector_load %arg15[%swap3A_380, %swap3A_381] {strides = array<i32>} : memref<32x1024xf32, #tpu.memory_space<vmem>>, vector<1x16xf32>,
      %swap3A_383 = vector.shape_cast %swap3A_382 : vector<1x16xf32> to vector<16xf32>
      %swap3A_384 = vector.shape_cast %add3A_379 : vector<16xf32> to vector<1x16xf32>
      tpu.vector_store %arg15[%swap3A_380, %swap3A_381], %swap3A_384 {strides = array<i32>} : memref<32x1024xf32, #tpu.memory_space<vmem>>, vector<1x16xf32>,
      %get3A_385 = arith.index_cast %scan3A_42 : i32 to index
      %get3A_386 = arith.constant 256 : index
      %get3A_387 = tpu.vector_load %arg15[%get3A_385, %get3A_386] {strides = array<i32>} : memref<32x1024xf32, #tpu.memory_space<vmem>>, vector<1x16xf32>,
      %get3A_388 = vector.shape_cast %get3A_387 : vector<1x16xf32> to vector<16xf32>
      %get3A_389 = arith.index_cast %scan3A_42 : i32 to index
      %get3A_390 = arith.constant 256 : index
      %get3A_391 = tpu.vector_load %arg13[%get3A_389, %get3A_390] {strides = array<i32>} : memref<32x1024xf32, #tpu.memory_space<vmem>>, vector<1x16xf32>,
      %get3A_392 = vector.shape_cast %get3A_391 : vector<1x16xf32> to vector<16xf32>
      %mul3A_393 = arith.mulf %get3A_45, %get3A_392 : vector<16xf32>
      %add3A_394 = arith.addf %get3A_388, %mul3A_393 : vector<16xf32>
      %get3A_395 = arith.index_cast %scan3A_42 : i32 to index
      %get3A_396 = arith.constant 256 : index
      %get3A_397 = tpu.vector_load %arg14[%get3A_395, %get3A_396] {strides = array<i32>} : memref<32x1024xf32, #tpu.memory_space<vmem>>, vector<1x16xf32>,
      %get3A_398 = vector.shape_cast %get3A_397 : vector<1x16xf32> to vector<16xf32>
      %mul3A_399 = arith.mulf %get3A_49, %get3A_398 : vector<16xf32>
      %add3A_400 = arith.addf %add3A_394, %mul3A_399 : vector<16xf32>
      %swap3A_401 = arith.index_cast %scan3A_42 : i32 to index
      %swap3A_402 = arith.constant 256 : index
      %swap3A_403 = tpu.vector_load %arg15[%swap3A_401, %swap3A_402] {strides = array<i32>} : memref<32x1024xf32, #tpu.memory_space<vmem>>, vector<1x16xf32>,
      %swap3A_404 = vector.shape_cast %swap3A_403 : vector<1x16xf32> to vector<16xf32>
      %swap3A_405 = vector.shape_cast %add3A_400 : vector<16xf32> to vector<1x16xf32>
      tpu.vector_store %arg15[%swap3A_401, %swap3A_402], %swap3A_405 {strides = array<i32>} : memref<32x1024xf32, #tpu.memory_space<vmem>>, vector<1x16xf32>,
      %get3A_406 = arith.index_cast %scan3A_42 : i32 to index
      %get3A_407 = arith.constant 272 : index
      %get3A_408 = tpu.vector_load %arg15[%get3A_406, %get3A_407] {strides = array<i32>} : memref<32x1024xf32, #tpu.memory_space<vmem>>, vector<1x16xf32>,
      %get3A_409 = vector.shape_cast %get3A_408 : vector<1x16xf32> to vector<16xf32>
      %get3A_410 = arith.index_cast %scan3A_42 : i32 to index
      %get3A_411 = arith.constant 272 : index
      %get3A_412 = tpu.vector_load %arg13[%get3A_410, %get3A_411] {strides = array<i32>} : memref<32x1024xf32, #tpu.memory_space<vmem>>, vector<1x16xf32>,
      %get3A_413 = vector.shape_cast %get3A_412 : vector<1x16xf32> to vector<16xf32>
      %mul3A_414 = arith.mulf %get3A_45, %get3A_413 : vector<16xf32>
      %add3A_415 = arith.addf %get3A_409, %mul3A_414 : vector<16xf32>
      %get3A_416 = arith.index_cast %scan3A_42 : i32 to index
      %get3A_417 = arith.constant 272 : index
      %get3A_418 = tpu.vector_load %arg14[%get3A_416, %get3A_417] {strides = array<i32>} : memref<32x1024xf32, #tpu.memory_space<vmem>>, vector<1x16xf32>,
      %get3A_419 = vector.shape_cast %get3A_418 : vector<1x16xf32> to vector<16xf32>
      %mul3A_420 = arith.mulf %get3A_49, %get3A_419 : vector<16xf32>
      %add3A_421 = arith.addf %add3A_415, %mul3A_420 : vector<16xf32>
      %swap3A_422 = arith.index_cast %scan3A_42 : i32 to index
      %swap3A_423 = arith.constant 272 : index
      %swap3A_424 = tpu.vector_load %arg15[%swap3A_422, %swap3A_423] {strides = array<i32>} : memref<32x1024xf32, #tpu.memory_space<vmem>>, vector<1x16xf32>,
      %swap3A_425 = vector.shape_cast %swap3A_424 : vector<1x16xf32> to vector<16xf32>
      %swap3A_426 = vector.shape_cast %add3A_421 : vector<16xf32> to vector<1x16xf32>
      tpu.vector_store %arg15[%swap3A_422, %swap3A_423], %swap3A_426 {strides = array<i32>} : memref<32x1024xf32, #tpu.memory_space<vmem>>, vector<1x16xf32>,
      %get3A_427 = arith.index_cast %scan3A_42 : i32 to index
      %get3A_428 = arith.constant 288 : index
      %get3A_429 = tpu.vector_load %arg15[%get3A_427, %get3A_428] {strides = array<i32>} : memref<32x1024xf32, #tpu.memory_space<vmem>>, vector<1x16xf32>,
      %get3A_430 = vector.shape_cast %get3A_429 : vector<1x16xf32> to vector<16xf32>
      %get3A_431 = arith.index_cast %scan3A_42 : i32 to index
      %get3A_432 = arith.constant 288 : index
      %get3A_433 = tpu.vector_load %arg13[%get3A_431, %get3A_432] {strides = array<i32>} : memref<32x1024xf32, #tpu.memory_space<vmem>>, vector<1x16xf32>,
      %get3A_434 = vector.shape_cast %get3A_433 : vector<1x16xf32> to vector<16xf32>
      %mul3A_435 = arith.mulf %get3A_45, %get3A_434 : vector<16xf32>
      %add3A_436 = arith.addf %get3A_430, %mul3A_435 : vector<16xf32>
      %get3A_437 = arith.index_cast %scan3A_42 : i32 to index
      %get3A_438 = arith.constant 288 : index
      %get3A_439 = tpu.vector_load %arg14[%get3A_437, %get3A_438] {strides = array<i32>} : memref<32x1024xf32, #tpu.memory_space<vmem>>, vector<1x16xf32>,
      %get3A_440 = vector.shape_cast %get3A_439 : vector<1x16xf32> to vector<16xf32>
      %mul3A_441 = arith.mulf %get3A_49, %get3A_440 : vector<16xf32>
      %add3A_442 = arith.addf %add3A_436, %mul3A_441 : vector<16xf32>
      %swap3A_443 = arith.index_cast %scan3A_42 : i32 to index
      %swap3A_444 = arith.constant 288 : index
      %swap3A_445 = tpu.vector_load %arg15[%swap3A_443, %swap3A_444] {strides = array<i32>} : memref<32x1024xf32, #tpu.memory_space<vmem>>, vector<1x16xf32>,
      %swap3A_446 = vector.shape_cast %swap3A_445 : vector<1x16xf32> to vector<16xf32>
      %swap3A_447 = vector.shape_cast %add3A_442 : vector<16xf32> to vector<1x16xf32>
      tpu.vector_store %arg15[%swap3A_443, %swap3A_444], %swap3A_447 {strides = array<i32>} : memref<32x1024xf32, #tpu.memory_space<vmem>>, vector<1x16xf32>,
      %get3A_448 = arith.index_cast %scan3A_42 : i32 to index
      %get3A_449 = arith.constant 304 : index
      %get3A_450 = tpu.vector_load %arg15[%get3A_448, %get3A_449] {strides = array<i32>} : memref<32x1024xf32, #tpu.memory_space<vmem>>, vector<1x16xf32>,
      %get3A_451 = vector.shape_cast %get3A_450 : vector<1x16xf32> to vector<16xf32>
      %get3A_452 = arith.index_cast %scan3A_42 : i32 to index
      %get3A_453 = arith.constant 304 : index
      %get3A_454 = tpu.vector_load %arg13[%get3A_452, %get3A_453] {strides = array<i32>} : memref<32x1024xf32, #tpu.memory_space<vmem>>, vector<1x16xf32>,
      %get3A_455 = vector.shape_cast %get3A_454 : vector<1x16xf32> to vector<16xf32>
      %mul3A_456 = arith.mulf %get3A_45, %get3A_455 : vector<16xf32>
      %add3A_457 = arith.addf %get3A_451, %mul3A_456 : vector<16xf32>
      %get3A_458 = arith.index_cast %scan3A_42 : i32 to index
      %get3A_459 = arith.constant 304 : index
      %get3A_460 = tpu.vector_load %arg14[%get3A_458, %get3A_459] {strides = array<i32>} : memref<32x1024xf32, #tpu.memory_space<vmem>>, vector<1x16xf32>,
      %get3A_461 = vector.shape_cast %get3A_460 : vector<1x16xf32> to vector<16xf32>
      %mul3A_462 = arith.mulf %get3A_49, %get3A_461 : vector<16xf32>
      %add3A_463 = arith.addf %add3A_457, %mul3A_462 : vector<16xf32>
      %swap3A_464 = arith.index_cast %scan3A_42 : i32 to index
      %swap3A_465 = arith.constant 304 : index
      %swap3A_466 = tpu.vector_load %arg15[%swap3A_464, %swap3A_465] {strides = array<i32>} : memref<32x1024xf32, #tpu.memory_space<vmem>>, vector<1x16xf32>,
      %swap3A_467 = vector.shape_cast %swap3A_466 : vector<1x16xf32> to vector<16xf32>
      %swap3A_468 = vector.shape_cast %add3A_463 : vector<16xf32> to vector<1x16xf32>
      tpu.vector_store %arg15[%swap3A_464, %swap3A_465], %swap3A_468 {strides = array<i32>} : memref<32x1024xf32, #tpu.memory_space<vmem>>, vector<1x16xf32>,
      %get3A_469 = arith.index_cast %scan3A_42 : i32 to index
      %get3A_470 = arith.constant 320 : index
      %get3A_471 = tpu.vector_load %arg15[%get3A_469, %get3A_470] {strides = array<i32>} : memref<32x1024xf32, #tpu.memory_space<vmem>>, vector<1x16xf32>,
      %get3A_472 = vector.shape_cast %get3A_471 : vector<1x16xf32> to vector<16xf32>
      %get3A_473 = arith.index_cast %scan3A_42 : i32 to index
      %get3A_474 = arith.constant 320 : index
      %get3A_475 = tpu.vector_load %arg13[%get3A_473, %get3A_474] {strides = array<i32>} : memref<32x1024xf32, #tpu.memory_space<vmem>>, vector<1x16xf32>,
      %get3A_476 = vector.shape_cast %get3A_475 : vector<1x16xf32> to vector<16xf32>
      %mul3A_477 = arith.mulf %get3A_45, %get3A_476 : vector<16xf32>
      %add3A_478 = arith.addf %get3A_472, %mul3A_477 : vector<16xf32>
      %get3A_479 = arith.index_cast %scan3A_42 : i32 to index
      %get3A_480 = arith.constant 320 : index
      %get3A_481 = tpu.vector_load %arg14[%get3A_479, %get3A_480] {strides = array<i32>} : memref<32x1024xf32, #tpu.memory_space<vmem>>, vector<1x16xf32>,
      %get3A_482 = vector.shape_cast %get3A_481 : vector<1x16xf32> to vector<16xf32>
      %mul3A_483 = arith.mulf %get3A_49, %get3A_482 : vector<16xf32>
      %add3A_484 = arith.addf %add3A_478, %mul3A_483 : vector<16xf32>
      %swap3A_485 = arith.index_cast %scan3A_42 : i32 to index
      %swap3A_486 = arith.constant 320 : index
      %swap3A_487 = tpu.vector_load %arg15[%swap3A_485, %swap3A_486] {strides = array<i32>} : memref<32x1024xf32, #tpu.memory_space<vmem>>, vector<1x16xf32>,
      %swap3A_488 = vector.shape_cast %swap3A_487 : vector<1x16xf32> to vector<16xf32>
      %swap3A_489 = vector.shape_cast %add3A_484 : vector<16xf32> to vector<1x16xf32>
      tpu.vector_store %arg15[%swap3A_485, %swap3A_486], %swap3A_489 {strides = array<i32>} : memref<32x1024xf32, #tpu.memory_space<vmem>>, vector<1x16xf32>,
      %get3A_490 = arith.index_cast %scan3A_42 : i32 to index
      %get3A_491 = arith.constant 336 : index
      %get3A_492 = tpu.vector_load %arg15[%get3A_490, %get3A_491] {strides = array<i32>} : memref<32x1024xf32, #tpu.memory_space<vmem>>, vector<1x16xf32>,
      %get3A_493 = vector.shape_cast %get3A_492 : vector<1x16xf32> to vector<16xf32>
      %get3A_494 = arith.index_cast %scan3A_42 : i32 to index
      %get3A_495 = arith.constant 336 : index
      %get3A_496 = tpu.vector_load %arg13[%get3A_494, %get3A_495] {strides = array<i32>} : memref<32x1024xf32, #tpu.memory_space<vmem>>, vector<1x16xf32>,
      %get3A_497 = vector.shape_cast %get3A_496 : vector<1x16xf32> to vector<16xf32>
      %mul3A_498 = arith.mulf %get3A_45, %get3A_497 : vector<16xf32>
      %add3A_499 = arith.addf %get3A_493, %mul3A_498 : vector<16xf32>
      %get3A_500 = arith.index_cast %scan3A_42 : i32 to index
      %get3A_501 = arith.constant 336 : index
      %get3A_502 = tpu.vector_load %arg14[%get3A_500, %get3A_501] {strides = array<i32>} : memref<32x1024xf32, #tpu.memory_space<vmem>>, vector<1x16xf32>,
      %get3A_503 = vector.shape_cast %get3A_502 : vector<1x16xf32> to vector<16xf32>
      %mul3A_504 = arith.mulf %get3A_49, %get3A_503 : vector<16xf32>
      %add3A_505 = arith.addf %add3A_499, %mul3A_504 : vector<16xf32>
      %swap3A_506 = arith.index_cast %scan3A_42 : i32 to index
      %swap3A_507 = arith.constant 336 : index
      %swap3A_508 = tpu.vector_load %arg15[%swap3A_506, %swap3A_507] {strides = array<i32>} : memref<32x1024xf32, #tpu.memory_space<vmem>>, vector<1x16xf32>,
      %swap3A_509 = vector.shape_cast %swap3A_508 : vector<1x16xf32> to vector<16xf32>
      %swap3A_510 = vector.shape_cast %add3A_505 : vector<16xf32> to vector<1x16xf32>
      tpu.vector_store %arg15[%swap3A_506, %swap3A_507], %swap3A_510 {strides = array<i32>} : memref<32x1024xf32, #tpu.memory_space<vmem>>, vector<1x16xf32>,
      %get3A_511 = arith.index_cast %scan3A_42 : i32 to index
      %get3A_512 = arith.constant 352 : index
      %get3A_513 = tpu.vector_load %arg15[%get3A_511, %get3A_512] {strides = array<i32>} : memref<32x1024xf32, #tpu.memory_space<vmem>>, vector<1x16xf32>,
      %get3A_514 = vector.shape_cast %get3A_513 : vector<1x16xf32> to vector<16xf32>
      %get3A_515 = arith.index_cast %scan3A_42 : i32 to index
      %get3A_516 = arith.constant 352 : index
      %get3A_517 = tpu.vector_load %arg13[%get3A_515, %get3A_516] {strides = array<i32>} : memref<32x1024xf32, #tpu.memory_space<vmem>>, vector<1x16xf32>,
      %get3A_518 = vector.shape_cast %get3A_517 : vector<1x16xf32> to vector<16xf32>
      %mul3A_519 = arith.mulf %get3A_45, %get3A_518 : vector<16xf32>
      %add3A_520 = arith.addf %get3A_514, %mul3A_519 : vector<16xf32>
      %get3A_521 = arith.index_cast %scan3A_42 : i32 to index
      %get3A_522 = arith.constant 352 : index
      %get3A_523 = tpu.vector_load %arg14[%get3A_521, %get3A_522] {strides = array<i32>} : memref<32x1024xf32, #tpu.memory_space<vmem>>, vector<1x16xf32>,
      %get3A_524 = vector.shape_cast %get3A_523 : vector<1x16xf32> to vector<16xf32>
      %mul3A_525 = arith.mulf %get3A_49, %get3A_524 : vector<16xf32>
      %add3A_526 = arith.addf %add3A_520, %mul3A_525 : vector<16xf32>
      %swap3A_527 = arith.index_cast %scan3A_42 : i32 to index
      %swap3A_528 = arith.constant 352 : index
      %swap3A_529 = tpu.vector_load %arg15[%swap3A_527, %swap3A_528] {strides = array<i32>} : memref<32x1024xf32, #tpu.memory_space<vmem>>, vector<1x16xf32>,
      %swap3A_530 = vector.shape_cast %swap3A_529 : vector<1x16xf32> to vector<16xf32>
      %swap3A_531 = vector.shape_cast %add3A_526 : vector<16xf32> to vector<1x16xf32>
      tpu.vector_store %arg15[%swap3A_527, %swap3A_528], %swap3A_531 {strides = array<i32>} : memref<32x1024xf32, #tpu.memory_space<vmem>>, vector<1x16xf32>,
      %get3A_532 = arith.index_cast %scan3A_42 : i32 to index
      %get3A_533 = arith.constant 368 : index
      %get3A_534 = tpu.vector_load %arg15[%get3A_532, %get3A_533] {strides = array<i32>} : memref<32x1024xf32, #tpu.memory_space<vmem>>, vector<1x16xf32>,
      %get3A_535 = vector.shape_cast %get3A_534 : vector<1x16xf32> to vector<16xf32>
      %get3A_536 = arith.index_cast %scan3A_42 : i32 to index
      %get3A_537 = arith.constant 368 : index
      %get3A_538 = tpu.vector_load %arg13[%get3A_536, %get3A_537] {strides = array<i32>} : memref<32x1024xf32, #tpu.memory_space<vmem>>, vector<1x16xf32>,
      %get3A_539 = vector.shape_cast %get3A_538 : vector<1x16xf32> to vector<16xf32>
      %mul3A_540 = arith.mulf %get3A_45, %get3A_539 : vector<16xf32>
      %add3A_541 = arith.addf %get3A_535, %mul3A_540 : vector<16xf32>
      %get3A_542 = arith.index_cast %scan3A_42 : i32 to index
      %get3A_543 = arith.constant 368 : index
      %get3A_544 = tpu.vector_load %arg14[%get3A_542, %get3A_543] {strides = array<i32>} : memref<32x1024xf32, #tpu.memory_space<vmem>>, vector<1x16xf32>,
      %get3A_545 = vector.shape_cast %get3A_544 : vector<1x16xf32> to vector<16xf32>
      %mul3A_546 = arith.mulf %get3A_49, %get3A_545 : vector<16xf32>
      %add3A_547 = arith.addf %add3A_541, %mul3A_546 : vector<16xf32>
      %swap3A_548 = arith.index_cast %scan3A_42 : i32 to index
      %swap3A_549 = arith.constant 368 : index
      %swap3A_550 = tpu.vector_load %arg15[%swap3A_548, %swap3A_549] {strides = array<i32>} : memref<32x1024xf32, #tpu.memory_space<vmem>>, vector<1x16xf32>,
      %swap3A_551 = vector.shape_cast %swap3A_550 : vector<1x16xf32> to vector<16xf32>
      %swap3A_552 = vector.shape_cast %add3A_547 : vector<16xf32> to vector<1x16xf32>
      tpu.vector_store %arg15[%swap3A_548, %swap3A_549], %swap3A_552 {strides = array<i32>} : memref<32x1024xf32, #tpu.memory_space<vmem>>, vector<1x16xf32>,
      %get3A_553 = arith.index_cast %scan3A_42 : i32 to index
      %get3A_554 = arith.constant 384 : index
      %get3A_555 = tpu.vector_load %arg15[%get3A_553, %get3A_554] {strides = array<i32>} : memref<32x1024xf32, #tpu.memory_space<vmem>>, vector<1x16xf32>,
      %get3A_556 = vector.shape_cast %get3A_555 : vector<1x16xf32> to vector<16xf32>
      %get3A_557 = arith.index_cast %scan3A_42 : i32 to index
      %get3A_558 = arith.constant 384 : index
      %get3A_559 = tpu.vector_load %arg13[%get3A_557, %get3A_558] {strides = array<i32>} : memref<32x1024xf32, #tpu.memory_space<vmem>>, vector<1x16xf32>,
      %get3A_560 = vector.shape_cast %get3A_559 : vector<1x16xf32> to vector<16xf32>
      %mul3A_561 = arith.mulf %get3A_45, %get3A_560 : vector<16xf32>
      %add3A_562 = arith.addf %get3A_556, %mul3A_561 : vector<16xf32>
      %get3A_563 = arith.index_cast %scan3A_42 : i32 to index
      %get3A_564 = arith.constant 384 : index
      %get3A_565 = tpu.vector_load %arg14[%get3A_563, %get3A_564] {strides = array<i32>} : memref<32x1024xf32, #tpu.memory_space<vmem>>, vector<1x16xf32>,
      %get3A_566 = vector.shape_cast %get3A_565 : vector<1x16xf32> to vector<16xf32>
      %mul3A_567 = arith.mulf %get3A_49, %get3A_566 : vector<16xf32>
      %add3A_568 = arith.addf %add3A_562, %mul3A_567 : vector<16xf32>
      %swap3A_569 = arith.index_cast %scan3A_42 : i32 to index
      %swap3A_570 = arith.constant 384 : index
      %swap3A_571 = tpu.vector_load %arg15[%swap3A_569, %swap3A_570] {strides = array<i32>} : memref<32x1024xf32, #tpu.memory_space<vmem>>, vector<1x16xf32>,
      %swap3A_572 = vector.shape_cast %swap3A_571 : vector<1x16xf32> to vector<16xf32>
      %swap3A_573 = vector.shape_cast %add3A_568 : vector<16xf32> to vector<1x16xf32>
      tpu.vector_store %arg15[%swap3A_569, %swap3A_570], %swap3A_573 {strides = array<i32>} : memref<32x1024xf32, #tpu.memory_space<vmem>>, vector<1x16xf32>,
      %get3A_574 = arith.index_cast %scan3A_42 : i32 to index
      %get3A_575 = arith.constant 400 : index
      %get3A_576 = tpu.vector_load %arg15[%get3A_574, %get3A_575] {strides = array<i32>} : memref<32x1024xf32, #tpu.memory_space<vmem>>, vector<1x16xf32>,
      %get3A_577 = vector.shape_cast %get3A_576 : vector<1x16xf32> to vector<16xf32>
      %get3A_578 = arith.index_cast %scan3A_42 : i32 to index
      %get3A_579 = arith.constant 400 : index
      %get3A_580 = tpu.vector_load %arg13[%get3A_578, %get3A_579] {strides = array<i32>} : memref<32x1024xf32, #tpu.memory_space<vmem>>, vector<1x16xf32>,
      %get3A_581 = vector.shape_cast %get3A_580 : vector<1x16xf32> to vector<16xf32>
      %mul3A_582 = arith.mulf %get3A_45, %get3A_581 : vector<16xf32>
      %add3A_583 = arith.addf %get3A_577, %mul3A_582 : vector<16xf32>
      %get3A_584 = arith.index_cast %scan3A_42 : i32 to index
      %get3A_585 = arith.constant 400 : index
      %get3A_586 = tpu.vector_load %arg14[%get3A_584, %get3A_585] {strides = array<i32>} : memref<32x1024xf32, #tpu.memory_space<vmem>>, vector<1x16xf32>,
      %get3A_587 = vector.shape_cast %get3A_586 : vector<1x16xf32> to vector<16xf32>
      %mul3A_588 = arith.mulf %get3A_49, %get3A_587 : vector<16xf32>
      %add3A_589 = arith.addf %add3A_583, %mul3A_588 : vector<16xf32>
      %swap3A_590 = arith.index_cast %scan3A_42 : i32 to index
      %swap3A_591 = arith.constant 400 : index
      %swap3A_592 = tpu.vector_load %arg15[%swap3A_590, %swap3A_591] {strides = array<i32>} : memref<32x1024xf32, #tpu.memory_space<vmem>>, vector<1x16xf32>,
      %swap3A_593 = vector.shape_cast %swap3A_592 : vector<1x16xf32> to vector<16xf32>
      %swap3A_594 = vector.shape_cast %add3A_589 : vector<16xf32> to vector<1x16xf32>
      tpu.vector_store %arg15[%swap3A_590, %swap3A_591], %swap3A_594 {strides = array<i32>} : memref<32x1024xf32, #tpu.memory_space<vmem>>, vector<1x16xf32>,
      %get3A_595 = arith.index_cast %scan3A_42 : i32 to index
      %get3A_596 = arith.constant 416 : index
      %get3A_597 = tpu.vector_load %arg15[%get3A_595, %get3A_596] {strides = array<i32>} : memref<32x1024xf32, #tpu.memory_space<vmem>>, vector<1x16xf32>,
      %get3A_598 = vector.shape_cast %get3A_597 : vector<1x16xf32> to vector<16xf32>
      %get3A_599 = arith.index_cast %scan3A_42 : i32 to index
      %get3A_600 = arith.constant 416 : index
      %get3A_601 = tpu.vector_load %arg13[%get3A_599, %get3A_600] {strides = array<i32>} : memref<32x1024xf32, #tpu.memory_space<vmem>>, vector<1x16xf32>,
      %get3A_602 = vector.shape_cast %get3A_601 : vector<1x16xf32> to vector<16xf32>
      %mul3A_603 = arith.mulf %get3A_45, %get3A_602 : vector<16xf32>
      %add3A_604 = arith.addf %get3A_598, %mul3A_603 : vector<16xf32>
      %get3A_605 = arith.index_cast %scan3A_42 : i32 to index
      %get3A_606 = arith.constant 416 : index
      %get3A_607 = tpu.vector_load %arg14[%get3A_605, %get3A_606] {strides = array<i32>} : memref<32x1024xf32, #tpu.memory_space<vmem>>, vector<1x16xf32>,
      %get3A_608 = vector.shape_cast %get3A_607 : vector<1x16xf32> to vector<16xf32>
      %mul3A_609 = arith.mulf %get3A_49, %get3A_608 : vector<16xf32>
      %add3A_610 = arith.addf %add3A_604, %mul3A_609 : vector<16xf32>
      %swap3A_611 = arith.index_cast %scan3A_42 : i32 to index
      %swap3A_612 = arith.constant 416 : index
      %swap3A_613 = tpu.vector_load %arg15[%swap3A_611, %swap3A_612] {strides = array<i32>} : memref<32x1024xf32, #tpu.memory_space<vmem>>, vector<1x16xf32>,
      %swap3A_614 = vector.shape_cast %swap3A_613 : vector<1x16xf32> to vector<16xf32>
      %swap3A_615 = vector.shape_cast %add3A_610 : vector<16xf32> to vector<1x16xf32>
      tpu.vector_store %arg15[%swap3A_611, %swap3A_612], %swap3A_615 {strides = array<i32>} : memref<32x1024xf32, #tpu.memory_space<vmem>>, vector<1x16xf32>,
      %get3A_616 = arith.index_cast %scan3A_42 : i32 to index
      %get3A_617 = arith.constant 432 : index
      %get3A_618 = tpu.vector_load %arg15[%get3A_616, %get3A_617] {strides = array<i32>} : memref<32x1024xf32, #tpu.memory_space<vmem>>, vector<1x16xf32>,
      %get3A_619 = vector.shape_cast %get3A_618 : vector<1x16xf32> to vector<16xf32>
      %get3A_620 = arith.index_cast %scan3A_42 : i32 to index
      %get3A_621 = arith.constant 432 : index
      %get3A_622 = tpu.vector_load %arg13[%get3A_620, %get3A_621] {strides = array<i32>} : memref<32x1024xf32, #tpu.memory_space<vmem>>, vector<1x16xf32>,
      %get3A_623 = vector.shape_cast %get3A_622 : vector<1x16xf32> to vector<16xf32>
      %mul3A_624 = arith.mulf %get3A_45, %get3A_623 : vector<16xf32>
      %add3A_625 = arith.addf %get3A_619, %mul3A_624 : vector<16xf32>
      %get3A_626 = arith.index_cast %scan3A_42 : i32 to index
      %get3A_627 = arith.constant 432 : index
      %get3A_628 = tpu.vector_load %arg14[%get3A_626, %get3A_627] {strides = array<i32>} : memref<32x1024xf32, #tpu.memory_space<vmem>>, vector<1x16xf32>,
      %get3A_629 = vector.shape_cast %get3A_628 : vector<1x16xf32> to vector<16xf32>
      %mul3A_630 = arith.mulf %get3A_49, %get3A_629 : vector<16xf32>
      %add3A_631 = arith.addf %add3A_625, %mul3A_630 : vector<16xf32>
      %swap3A_632 = arith.index_cast %scan3A_42 : i32 to index
      %swap3A_633 = arith.constant 432 : index
      %swap3A_634 = tpu.vector_load %arg15[%swap3A_632, %swap3A_633] {strides = array<i32>} : memref<32x1024xf32, #tpu.memory_space<vmem>>, vector<1x16xf32>,
      %swap3A_635 = vector.shape_cast %swap3A_634 : vector<1x16xf32> to vector<16xf32>
      %swap3A_636 = vector.shape_cast %add3A_631 : vector<16xf32> to vector<1x16xf32>
      tpu.vector_store %arg15[%swap3A_632, %swap3A_633], %swap3A_636 {strides = array<i32>} : memref<32x1024xf32, #tpu.memory_space<vmem>>, vector<1x16xf32>,
      %get3A_637 = arith.index_cast %scan3A_42 : i32 to index
      %get3A_638 = arith.constant 448 : index
      %get3A_639 = tpu.vector_load %arg15[%get3A_637, %get3A_638] {strides = array<i32>} : memref<32x1024xf32, #tpu.memory_space<vmem>>, vector<1x16xf32>,
      %get3A_640 = vector.shape_cast %get3A_639 : vector<1x16xf32> to vector<16xf32>
      %get3A_641 = arith.index_cast %scan3A_42 : i32 to index
      %get3A_642 = arith.constant 448 : index
      %get3A_643 = tpu.vector_load %arg13[%get3A_641, %get3A_642] {strides = array<i32>} : memref<32x1024xf32, #tpu.memory_space<vmem>>, vector<1x16xf32>,
      %get3A_644 = vector.shape_cast %get3A_643 : vector<1x16xf32> to vector<16xf32>
      %mul3A_645 = arith.mulf %get3A_45, %get3A_644 : vector<16xf32>
      %add3A_646 = arith.addf %get3A_640, %mul3A_645 : vector<16xf32>
      %get3A_647 = arith.index_cast %scan3A_42 : i32 to index
      %get3A_648 = arith.constant 448 : index
      %get3A_649 = tpu.vector_load %arg14[%get3A_647, %get3A_648] {strides = array<i32>} : memref<32x1024xf32, #tpu.memory_space<vmem>>, vector<1x16xf32>,
      %get3A_650 = vector.shape_cast %get3A_649 : vector<1x16xf32> to vector<16xf32>
      %mul3A_651 = arith.mulf %get3A_49, %get3A_650 : vector<16xf32>
      %add3A_652 = arith.addf %add3A_646, %mul3A_651 : vector<16xf32>
      %swap3A_653 = arith.index_cast %scan3A_42 : i32 to index
      %swap3A_654 = arith.constant 448 : index
      %swap3A_655 = tpu.vector_load %arg15[%swap3A_653, %swap3A_654] {strides = array<i32>} : memref<32x1024xf32, #tpu.memory_space<vmem>>, vector<1x16xf32>,
      %swap3A_656 = vector.shape_cast %swap3A_655 : vector<1x16xf32> to vector<16xf32>
      %swap3A_657 = vector.shape_cast %add3A_652 : vector<16xf32> to vector<1x16xf32>
      tpu.vector_store %arg15[%swap3A_653, %swap3A_654], %swap3A_657 {strides = array<i32>} : memref<32x1024xf32, #tpu.memory_space<vmem>>, vector<1x16xf32>,
      %get3A_658 = arith.index_cast %scan3A_42 : i32 to index
      %get3A_659 = arith.constant 464 : index
      %get3A_660 = tpu.vector_load %arg15[%get3A_658, %get3A_659] {strides = array<i32>} : memref<32x1024xf32, #tpu.memory_space<vmem>>, vector<1x16xf32>,
      %get3A_661 = vector.shape_cast %get3A_660 : vector<1x16xf32> to vector<16xf32>
      %get3A_662 = arith.index_cast %scan3A_42 : i32 to index
      %get3A_663 = arith.constant 464 : index
      %get3A_664 = tpu.vector_load %arg13[%get3A_662, %get3A_663] {strides = array<i32>} : memref<32x1024xf32, #tpu.memory_space<vmem>>, vector<1x16xf32>,
      %get3A_665 = vector.shape_cast %get3A_664 : vector<1x16xf32> to vector<16xf32>
      %mul3A_666 = arith.mulf %get3A_45, %get3A_665 : vector<16xf32>
      %add3A_667 = arith.addf %get3A_661, %mul3A_666 : vector<16xf32>
      %get3A_668 = arith.index_cast %scan3A_42 : i32 to index
      %get3A_669 = arith.constant 464 : index
      %get3A_670 = tpu.vector_load %arg14[%get3A_668, %get3A_669] {strides = array<i32>} : memref<32x1024xf32, #tpu.memory_space<vmem>>, vector<1x16xf32>,
      %get3A_671 = vector.shape_cast %get3A_670 : vector<1x16xf32> to vector<16xf32>
      %mul3A_672 = arith.mulf %get3A_49, %get3A_671 : vector<16xf32>
      %add3A_673 = arith.addf %add3A_667, %mul3A_672 : vector<16xf32>
      %swap3A_674 = arith.index_cast %scan3A_42 : i32 to index
      %swap3A_675 = arith.constant 464 : index
      %swap3A_676 = tpu.vector_load %arg15[%swap3A_674, %swap3A_675] {strides = array<i32>} : memref<32x1024xf32, #tpu.memory_space<vmem>>, vector<1x16xf32>,
      %swap3A_677 = vector.shape_cast %swap3A_676 : vector<1x16xf32> to vector<16xf32>
      %swap3A_678 = vector.shape_cast %add3A_673 : vector<16xf32> to vector<1x16xf32>
      tpu.vector_store %arg15[%swap3A_674, %swap3A_675], %swap3A_678 {strides = array<i32>} : memref<32x1024xf32, #tpu.memory_space<vmem>>, vector<1x16xf32>,
      %get3A_679 = arith.index_cast %scan3A_42 : i32 to index
      %get3A_680 = arith.constant 480 : index
      %get3A_681 = tpu.vector_load %arg15[%get3A_679, %get3A_680] {strides = array<i32>} : memref<32x1024xf32, #tpu.memory_space<vmem>>, vector<1x16xf32>,
      %get3A_682 = vector.shape_cast %get3A_681 : vector<1x16xf32> to vector<16xf32>
      %get3A_683 = arith.index_cast %scan3A_42 : i32 to index
      %get3A_684 = arith.constant 480 : index
      %get3A_685 = tpu.vector_load %arg13[%get3A_683, %get3A_684] {strides = array<i32>} : memref<32x1024xf32, #tpu.memory_space<vmem>>, vector<1x16xf32>,
      %get3A_686 = vector.shape_cast %get3A_685 : vector<1x16xf32> to vector<16xf32>
      %mul3A_687 = arith.mulf %get3A_45, %get3A_686 : vector<16xf32>
      %add3A_688 = arith.addf %get3A_682, %mul3A_687 : vector<16xf32>
      %get3A_689 = arith.index_cast %scan3A_42 : i32 to index
      %get3A_690 = arith.constant 480 : index
      %get3A_691 = tpu.vector_load %arg14[%get3A_689, %get3A_690] {strides = array<i32>} : memref<32x1024xf32, #tpu.memory_space<vmem>>, vector<1x16xf32>,
      %get3A_692 = vector.shape_cast %get3A_691 : vector<1x16xf32> to vector<16xf32>
      %mul3A_693 = arith.mulf %get3A_49, %get3A_692 : vector<16xf32>
      %add3A_694 = arith.addf %add3A_688, %mul3A_693 : vector<16xf32>
      %swap3A_695 = arith.index_cast %scan3A_42 : i32 to index
      %swap3A_696 = arith.constant 480 : index
      %swap3A_697 = tpu.vector_load %arg15[%swap3A_695, %swap3A_696] {strides = array<i32>} : memref<32x1024xf32, #tpu.memory_space<vmem>>, vector<1x16xf32>,
      %swap3A_698 = vector.shape_cast %swap3A_697 : vector<1x16xf32> to vector<16xf32>
      %swap3A_699 = vector.shape_cast %add3A_694 : vector<16xf32> to vector<1x16xf32>
      tpu.vector_store %arg15[%swap3A_695, %swap3A_696], %swap3A_699 {strides = array<i32>} : memref<32x1024xf32, #tpu.memory_space<vmem>>, vector<1x16xf32>,
      %get3A_700 = arith.index_cast %scan3A_42 : i32 to index
      %get3A_701 = arith.constant 496 : index
      %get3A_702 = tpu.vector_load %arg15[%get3A_700, %get3A_701] {strides = array<i32>} : memref<32x1024xf32, #tpu.memory_space<vmem>>, vector<1x16xf32>,
      %get3A_703 = vector.shape_cast %get3A_702 : vector<1x16xf32> to vector<16xf32>
      %get3A_704 = arith.index_cast %scan3A_42 : i32 to index
      %get3A_705 = arith.constant 496 : index
      %get3A_706 = tpu.vector_load %arg13[%get3A_704, %get3A_705] {strides = array<i32>} : memref<32x1024xf32, #tpu.memory_space<vmem>>, vector<1x16xf32>,
      %get3A_707 = vector.shape_cast %get3A_706 : vector<1x16xf32> to vector<16xf32>
      %mul3A_708 = arith.mulf %get3A_45, %get3A_707 : vector<16xf32>
      %add3A_709 = arith.addf %get3A_703, %mul3A_708 : vector<16xf32>
      %get3A_710 = arith.index_cast %scan3A_42 : i32 to index
      %get3A_711 = arith.constant 496 : index
      %get3A_712 = tpu.vector_load %arg14[%get3A_710, %get3A_711] {strides = array<i32>} : memref<32x1024xf32, #tpu.memory_space<vmem>>, vector<1x16xf32>,
      %get3A_713 = vector.shape_cast %get3A_712 : vector<1x16xf32> to vector<16xf32>
      %mul3A_714 = arith.mulf %get3A_49, %get3A_713 : vector<16xf32>
      %add3A_715 = arith.addf %add3A_709, %mul3A_714 : vector<16xf32>
      %swap3A_716 = arith.index_cast %scan3A_42 : i32 to index
      %swap3A_717 = arith.constant 496 : index
      %swap3A_718 = tpu.vector_load %arg15[%swap3A_716, %swap3A_717] {strides = array<i32>} : memref<32x1024xf32, #tpu.memory_space<vmem>>, vector<1x16xf32>,
      %swap3A_719 = vector.shape_cast %swap3A_718 : vector<1x16xf32> to vector<16xf32>
      %swap3A_720 = vector.shape_cast %add3A_715 : vector<16xf32> to vector<1x16xf32>
      tpu.vector_store %arg15[%swap3A_716, %swap3A_717], %swap3A_720 {strides = array<i32>} : memref<32x1024xf32, #tpu.memory_space<vmem>>, vector<1x16xf32>,
      %get3A_721 = arith.index_cast %scan3A_42 : i32 to index
      %get3A_722 = arith.constant 512 : index
      %get3A_723 = tpu.vector_load %arg15[%get3A_721, %get3A_722] {strides = array<i32>} : memref<32x1024xf32, #tpu.memory_space<vmem>>, vector<1x16xf32>,
      %get3A_724 = vector.shape_cast %get3A_723 : vector<1x16xf32> to vector<16xf32>
      %get3A_725 = arith.index_cast %scan3A_42 : i32 to index
      %get3A_726 = arith.constant 512 : index
      %get3A_727 = tpu.vector_load %arg13[%get3A_725, %get3A_726] {strides = array<i32>} : memref<32x1024xf32, #tpu.memory_space<vmem>>, vector<1x16xf32>,
      %get3A_728 = vector.shape_cast %get3A_727 : vector<1x16xf32> to vector<16xf32>
      %mul3A_729 = arith.mulf %get3A_45, %get3A_728 : vector<16xf32>
      %add3A_730 = arith.addf %get3A_724, %mul3A_729 : vector<16xf32>
      %get3A_731 = arith.index_cast %scan3A_42 : i32 to index
      %get3A_732 = arith.constant 512 : index
      %get3A_733 = tpu.vector_load %arg14[%get3A_731, %get3A_732] {strides = array<i32>} : memref<32x1024xf32, #tpu.memory_space<vmem>>, vector<1x16xf32>,
      %get3A_734 = vector.shape_cast %get3A_733 : vector<1x16xf32> to vector<16xf32>
      %mul3A_735 = arith.mulf %get3A_49, %get3A_734 : vector<16xf32>
      %add3A_736 = arith.addf %add3A_730, %mul3A_735 : vector<16xf32>
      %swap3A_737 = arith.index_cast %scan3A_42 : i32 to index
      %swap3A_738 = arith.constant 512 : index
      %swap3A_739 = tpu.vector_load %arg15[%swap3A_737, %swap3A_738] {strides = array<i32>} : memref<32x1024xf32, #tpu.memory_space<vmem>>, vector<1x16xf32>,
      %swap3A_740 = vector.shape_cast %swap3A_739 : vector<1x16xf32> to vector<16xf32>
      %swap3A_741 = vector.shape_cast %add3A_736 : vector<16xf32> to vector<1x16xf32>
      tpu.vector_store %arg15[%swap3A_737, %swap3A_738], %swap3A_741 {strides = array<i32>} : memref<32x1024xf32, #tpu.memory_space<vmem>>, vector<1x16xf32>,
      %get3A_742 = arith.index_cast %scan3A_42 : i32 to index
      %get3A_743 = arith.constant 528 : index
      %get3A_744 = tpu.vector_load %arg15[%get3A_742, %get3A_743] {strides = array<i32>} : memref<32x1024xf32, #tpu.memory_space<vmem>>, vector<1x16xf32>,
      %get3A_745 = vector.shape_cast %get3A_744 : vector<1x16xf32> to vector<16xf32>
      %get3A_746 = arith.index_cast %scan3A_42 : i32 to index
      %get3A_747 = arith.constant 528 : index
      %get3A_748 = tpu.vector_load %arg13[%get3A_746, %get3A_747] {strides = array<i32>} : memref<32x1024xf32, #tpu.memory_space<vmem>>, vector<1x16xf32>,
      %get3A_749 = vector.shape_cast %get3A_748 : vector<1x16xf32> to vector<16xf32>
      %mul3A_750 = arith.mulf %get3A_45, %get3A_749 : vector<16xf32>
      %add3A_751 = arith.addf %get3A_745, %mul3A_750 : vector<16xf32>
      %get3A_752 = arith.index_cast %scan3A_42 : i32 to index
      %get3A_753 = arith.constant 528 : index
      %get3A_754 = tpu.vector_load %arg14[%get3A_752, %get3A_753] {strides = array<i32>} : memref<32x1024xf32, #tpu.memory_space<vmem>>, vector<1x16xf32>,
      %get3A_755 = vector.shape_cast %get3A_754 : vector<1x16xf32> to vector<16xf32>
      %mul3A_756 = arith.mulf %get3A_49, %get3A_755 : vector<16xf32>
      %add3A_757 = arith.addf %add3A_751, %mul3A_756 : vector<16xf32>
      %swap3A_758 = arith.index_cast %scan3A_42 : i32 to index
      %swap3A_759 = arith.constant 528 : index
      %swap3A_760 = tpu.vector_load %arg15[%swap3A_758, %swap3A_759] {strides = array<i32>} : memref<32x1024xf32, #tpu.memory_space<vmem>>, vector<1x16xf32>,
      %swap3A_761 = vector.shape_cast %swap3A_760 : vector<1x16xf32> to vector<16xf32>
      %swap3A_762 = vector.shape_cast %add3A_757 : vector<16xf32> to vector<1x16xf32>
      tpu.vector_store %arg15[%swap3A_758, %swap3A_759], %swap3A_762 {strides = array<i32>} : memref<32x1024xf32, #tpu.memory_space<vmem>>, vector<1x16xf32>,
      %get3A_763 = arith.index_cast %scan3A_42 : i32 to index
      %get3A_764 = arith.constant 544 : index
      %get3A_765 = tpu.vector_load %arg15[%get3A_763, %get3A_764] {strides = array<i32>} : memref<32x1024xf32, #tpu.memory_space<vmem>>, vector<1x16xf32>,
      %get3A_766 = vector.shape_cast %get3A_765 : vector<1x16xf32> to vector<16xf32>
      %get3A_767 = arith.index_cast %scan3A_42 : i32 to index
      %get3A_768 = arith.constant 544 : index
      %get3A_769 = tpu.vector_load %arg13[%get3A_767, %get3A_768] {strides = array<i32>} : memref<32x1024xf32, #tpu.memory_space<vmem>>, vector<1x16xf32>,
      %get3A_770 = vector.shape_cast %get3A_769 : vector<1x16xf32> to vector<16xf32>
      %mul3A_771 = arith.mulf %get3A_45, %get3A_770 : vector<16xf32>
      %add3A_772 = arith.addf %get3A_766, %mul3A_771 : vector<16xf32>
      %get3A_773 = arith.index_cast %scan3A_42 : i32 to index
      %get3A_774 = arith.constant 544 : index
      %get3A_775 = tpu.vector_load %arg14[%get3A_773, %get3A_774] {strides = array<i32>} : memref<32x1024xf32, #tpu.memory_space<vmem>>, vector<1x16xf32>,
      %get3A_776 = vector.shape_cast %get3A_775 : vector<1x16xf32> to vector<16xf32>
      %mul3A_777 = arith.mulf %get3A_49, %get3A_776 : vector<16xf32>
      %add3A_778 = arith.addf %add3A_772, %mul3A_777 : vector<16xf32>
      %swap3A_779 = arith.index_cast %scan3A_42 : i32 to index
      %swap3A_780 = arith.constant 544 : index
      %swap3A_781 = tpu.vector_load %arg15[%swap3A_779, %swap3A_780] {strides = array<i32>} : memref<32x1024xf32, #tpu.memory_space<vmem>>, vector<1x16xf32>,
      %swap3A_782 = vector.shape_cast %swap3A_781 : vector<1x16xf32> to vector<16xf32>
      %swap3A_783 = vector.shape_cast %add3A_778 : vector<16xf32> to vector<1x16xf32>
      tpu.vector_store %arg15[%swap3A_779, %swap3A_780], %swap3A_783 {strides = array<i32>} : memref<32x1024xf32, #tpu.memory_space<vmem>>, vector<1x16xf32>,
      %get3A_784 = arith.index_cast %scan3A_42 : i32 to index
      %get3A_785 = arith.constant 560 : index
      %get3A_786 = tpu.vector_load %arg15[%get3A_784, %get3A_785] {strides = array<i32>} : memref<32x1024xf32, #tpu.memory_space<vmem>>, vector<1x16xf32>,
      %get3A_787 = vector.shape_cast %get3A_786 : vector<1x16xf32> to vector<16xf32>
      %get3A_788 = arith.index_cast %scan3A_42 : i32 to index
      %get3A_789 = arith.constant 560 : index
      %get3A_790 = tpu.vector_load %arg13[%get3A_788, %get3A_789] {strides = array<i32>} : memref<32x1024xf32, #tpu.memory_space<vmem>>, vector<1x16xf32>,
      %get3A_791 = vector.shape_cast %get3A_790 : vector<1x16xf32> to vector<16xf32>
      %mul3A_792 = arith.mulf %get3A_45, %get3A_791 : vector<16xf32>
      %add3A_793 = arith.addf %get3A_787, %mul3A_792 : vector<16xf32>
      %get3A_794 = arith.index_cast %scan3A_42 : i32 to index
      %get3A_795 = arith.constant 560 : index
      %get3A_796 = tpu.vector_load %arg14[%get3A_794, %get3A_795] {strides = array<i32>} : memref<32x1024xf32, #tpu.memory_space<vmem>>, vector<1x16xf32>,
      %get3A_797 = vector.shape_cast %get3A_796 : vector<1x16xf32> to vector<16xf32>
      %mul3A_798 = arith.mulf %get3A_49, %get3A_797 : vector<16xf32>
      %add3A_799 = arith.addf %add3A_793, %mul3A_798 : vector<16xf32>
      %swap3A_800 = arith.index_cast %scan3A_42 : i32 to index
      %swap3A_801 = arith.constant 560 : index
      %swap3A_802 = tpu.vector_load %arg15[%swap3A_800, %swap3A_801] {strides = array<i32>} : memref<32x1024xf32, #tpu.memory_space<vmem>>, vector<1x16xf32>,
      %swap3A_803 = vector.shape_cast %swap3A_802 : vector<1x16xf32> to vector<16xf32>
      %swap3A_804 = vector.shape_cast %add3A_799 : vector<16xf32> to vector<1x16xf32>
      tpu.vector_store %arg15[%swap3A_800, %swap3A_801], %swap3A_804 {strides = array<i32>} : memref<32x1024xf32, #tpu.memory_space<vmem>>, vector<1x16xf32>,
      %get3A_805 = arith.index_cast %scan3A_42 : i32 to index
      %get3A_806 = arith.constant 576 : index
      %get3A_807 = tpu.vector_load %arg15[%get3A_805, %get3A_806] {strides = array<i32>} : memref<32x1024xf32, #tpu.memory_space<vmem>>, vector<1x16xf32>,
      %get3A_808 = vector.shape_cast %get3A_807 : vector<1x16xf32> to vector<16xf32>
      %get3A_809 = arith.index_cast %scan3A_42 : i32 to index
      %get3A_810 = arith.constant 576 : index
      %get3A_811 = tpu.vector_load %arg13[%get3A_809, %get3A_810] {strides = array<i32>} : memref<32x1024xf32, #tpu.memory_space<vmem>>, vector<1x16xf32>,
      %get3A_812 = vector.shape_cast %get3A_811 : vector<1x16xf32> to vector<16xf32>
      %mul3A_813 = arith.mulf %get3A_45, %get3A_812 : vector<16xf32>
      %add3A_814 = arith.addf %get3A_808, %mul3A_813 : vector<16xf32>
      %get3A_815 = arith.index_cast %scan3A_42 : i32 to index
      %get3A_816 = arith.constant 576 : index
      %get3A_817 = tpu.vector_load %arg14[%get3A_815, %get3A_816] {strides = array<i32>} : memref<32x1024xf32, #tpu.memory_space<vmem>>, vector<1x16xf32>,
      %get3A_818 = vector.shape_cast %get3A_817 : vector<1x16xf32> to vector<16xf32>
      %mul3A_819 = arith.mulf %get3A_49, %get3A_818 : vector<16xf32>
      %add3A_820 = arith.addf %add3A_814, %mul3A_819 : vector<16xf32>
      %swap3A_821 = arith.index_cast %scan3A_42 : i32 to index
      %swap3A_822 = arith.constant 576 : index
      %swap3A_823 = tpu.vector_load %arg15[%swap3A_821, %swap3A_822] {strides = array<i32>} : memref<32x1024xf32, #tpu.memory_space<vmem>>, vector<1x16xf32>,
      %swap3A_824 = vector.shape_cast %swap3A_823 : vector<1x16xf32> to vector<16xf32>
      %swap3A_825 = vector.shape_cast %add3A_820 : vector<16xf32> to vector<1x16xf32>
      tpu.vector_store %arg15[%swap3A_821, %swap3A_822], %swap3A_825 {strides = array<i32>} : memref<32x1024xf32, #tpu.memory_space<vmem>>, vector<1x16xf32>,
      %get3A_826 = arith.index_cast %scan3A_42 : i32 to index
      %get3A_827 = arith.constant 592 : index
      %get3A_828 = tpu.vector_load %arg15[%get3A_826, %get3A_827] {strides = array<i32>} : memref<32x1024xf32, #tpu.memory_space<vmem>>, vector<1x16xf32>,
      %get3A_829 = vector.shape_cast %get3A_828 : vector<1x16xf32> to vector<16xf32>
      %get3A_830 = arith.index_cast %scan3A_42 : i32 to index
      %get3A_831 = arith.constant 592 : index
      %get3A_832 = tpu.vector_load %arg13[%get3A_830, %get3A_831] {strides = array<i32>} : memref<32x1024xf32, #tpu.memory_space<vmem>>, vector<1x16xf32>,
      %get3A_833 = vector.shape_cast %get3A_832 : vector<1x16xf32> to vector<16xf32>
      %mul3A_834 = arith.mulf %get3A_45, %get3A_833 : vector<16xf32>
      %add3A_835 = arith.addf %get3A_829, %mul3A_834 : vector<16xf32>
      %get3A_836 = arith.index_cast %scan3A_42 : i32 to index
      %get3A_837 = arith.constant 592 : index
      %get3A_838 = tpu.vector_load %arg14[%get3A_836, %get3A_837] {strides = array<i32>} : memref<32x1024xf32, #tpu.memory_space<vmem>>, vector<1x16xf32>,
      %get3A_839 = vector.shape_cast %get3A_838 : vector<1x16xf32> to vector<16xf32>
      %mul3A_840 = arith.mulf %get3A_49, %get3A_839 : vector<16xf32>
      %add3A_841 = arith.addf %add3A_835, %mul3A_840 : vector<16xf32>
      %swap3A_842 = arith.index_cast %scan3A_42 : i32 to index
      %swap3A_843 = arith.constant 592 : index
      %swap3A_844 = tpu.vector_load %arg15[%swap3A_842, %swap3A_843] {strides = array<i32>} : memref<32x1024xf32, #tpu.memory_space<vmem>>, vector<1x16xf32>,
      %swap3A_845 = vector.shape_cast %swap3A_844 : vector<1x16xf32> to vector<16xf32>
      %swap3A_846 = vector.shape_cast %add3A_841 : vector<16xf32> to vector<1x16xf32>
      tpu.vector_store %arg15[%swap3A_842, %swap3A_843], %swap3A_846 {strides = array<i32>} : memref<32x1024xf32, #tpu.memory_space<vmem>>, vector<1x16xf32>,
      %get3A_847 = arith.index_cast %scan3A_42 : i32 to index
      %get3A_848 = arith.constant 608 : index
      %get3A_849 = tpu.vector_load %arg15[%get3A_847, %get3A_848] {strides = array<i32>} : memref<32x1024xf32, #tpu.memory_space<vmem>>, vector<1x16xf32>,
      %get3A_850 = vector.shape_cast %get3A_849 : vector<1x16xf32> to vector<16xf32>
      %get3A_851 = arith.index_cast %scan3A_42 : i32 to index
      %get3A_852 = arith.constant 608 : index
      %get3A_853 = tpu.vector_load %arg13[%get3A_851, %get3A_852] {strides = array<i32>} : memref<32x1024xf32, #tpu.memory_space<vmem>>, vector<1x16xf32>,
      %get3A_854 = vector.shape_cast %get3A_853 : vector<1x16xf32> to vector<16xf32>
      %mul3A_855 = arith.mulf %get3A_45, %get3A_854 : vector<16xf32>
      %add3A_856 = arith.addf %get3A_850, %mul3A_855 : vector<16xf32>
      %get3A_857 = arith.index_cast %scan3A_42 : i32 to index
      %get3A_858 = arith.constant 608 : index
      %get3A_859 = tpu.vector_load %arg14[%get3A_857, %get3A_858] {strides = array<i32>} : memref<32x1024xf32, #tpu.memory_space<vmem>>, vector<1x16xf32>,
      %get3A_860 = vector.shape_cast %get3A_859 : vector<1x16xf32> to vector<16xf32>
      %mul3A_861 = arith.mulf %get3A_49, %get3A_860 : vector<16xf32>
      %add3A_862 = arith.addf %add3A_856, %mul3A_861 : vector<16xf32>
      %swap3A_863 = arith.index_cast %scan3A_42 : i32 to index
      %swap3A_864 = arith.constant 608 : index
      %swap3A_865 = tpu.vector_load %arg15[%swap3A_863, %swap3A_864] {strides = array<i32>} : memref<32x1024xf32, #tpu.memory_space<vmem>>, vector<1x16xf32>,
      %swap3A_866 = vector.shape_cast %swap3A_865 : vector<1x16xf32> to vector<16xf32>
      %swap3A_867 = vector.shape_cast %add3A_862 : vector<16xf32> to vector<1x16xf32>
      tpu.vector_store %arg15[%swap3A_863, %swap3A_864], %swap3A_867 {strides = array<i32>} : memref<32x1024xf32, #tpu.memory_space<vmem>>, vector<1x16xf32>,
      %get3A_868 = arith.index_cast %scan3A_42 : i32 to index
      %get3A_869 = arith.constant 624 : index
      %get3A_870 = tpu.vector_load %arg15[%get3A_868, %get3A_869] {strides = array<i32>} : memref<32x1024xf32, #tpu.memory_space<vmem>>, vector<1x16xf32>,
      %get3A_871 = vector.shape_cast %get3A_870 : vector<1x16xf32> to vector<16xf32>
      %get3A_872 = arith.index_cast %scan3A_42 : i32 to index
      %get3A_873 = arith.constant 624 : index
      %get3A_874 = tpu.vector_load %arg13[%get3A_872, %get3A_873] {strides = array<i32>} : memref<32x1024xf32, #tpu.memory_space<vmem>>, vector<1x16xf32>,
      %get3A_875 = vector.shape_cast %get3A_874 : vector<1x16xf32> to vector<16xf32>
      %mul3A_876 = arith.mulf %get3A_45, %get3A_875 : vector<16xf32>
      %add3A_877 = arith.addf %get3A_871, %mul3A_876 : vector<16xf32>
      %get3A_878 = arith.index_cast %scan3A_42 : i32 to index
      %get3A_879 = arith.constant 624 : index
      %get3A_880 = tpu.vector_load %arg14[%get3A_878, %get3A_879] {strides = array<i32>} : memref<32x1024xf32, #tpu.memory_space<vmem>>, vector<1x16xf32>,
      %get3A_881 = vector.shape_cast %get3A_880 : vector<1x16xf32> to vector<16xf32>
      %mul3A_882 = arith.mulf %get3A_49, %get3A_881 : vector<16xf32>
      %add3A_883 = arith.addf %add3A_877, %mul3A_882 : vector<16xf32>
      %swap3A_884 = arith.index_cast %scan3A_42 : i32 to index
      %swap3A_885 = arith.constant 624 : index
      %swap3A_886 = tpu.vector_load %arg15[%swap3A_884, %swap3A_885] {strides = array<i32>} : memref<32x1024xf32, #tpu.memory_space<vmem>>, vector<1x16xf32>,
      %swap3A_887 = vector.shape_cast %swap3A_886 : vector<1x16xf32> to vector<16xf32>
      %swap3A_888 = vector.shape_cast %add3A_883 : vector<16xf32> to vector<1x16xf32>
      tpu.vector_store %arg15[%swap3A_884, %swap3A_885], %swap3A_888 {strides = array<i32>} : memref<32x1024xf32, #tpu.memory_space<vmem>>, vector<1x16xf32>,
      %get3A_889 = arith.index_cast %scan3A_42 : i32 to index
      %get3A_890 = arith.constant 640 : index
      %get3A_891 = tpu.vector_load %arg15[%get3A_889, %get3A_890] {strides = array<i32>} : memref<32x1024xf32, #tpu.memory_space<vmem>>, vector<1x16xf32>,
      %get3A_892 = vector.shape_cast %get3A_891 : vector<1x16xf32> to vector<16xf32>
      %get3A_893 = arith.index_cast %scan3A_42 : i32 to index
      %get3A_894 = arith.constant 640 : index
      %get3A_895 = tpu.vector_load %arg13[%get3A_893, %get3A_894] {strides = array<i32>} : memref<32x1024xf32, #tpu.memory_space<vmem>>, vector<1x16xf32>,
      %get3A_896 = vector.shape_cast %get3A_895 : vector<1x16xf32> to vector<16xf32>
      %mul3A_897 = arith.mulf %get3A_45, %get3A_896 : vector<16xf32>
      %add3A_898 = arith.addf %get3A_892, %mul3A_897 : vector<16xf32>
      %get3A_899 = arith.index_cast %scan3A_42 : i32 to index
      %get3A_900 = arith.constant 640 : index
      %get3A_901 = tpu.vector_load %arg14[%get3A_899, %get3A_900] {strides = array<i32>} : memref<32x1024xf32, #tpu.memory_space<vmem>>, vector<1x16xf32>,
      %get3A_902 = vector.shape_cast %get3A_901 : vector<1x16xf32> to vector<16xf32>
      %mul3A_903 = arith.mulf %get3A_49, %get3A_902 : vector<16xf32>
      %add3A_904 = arith.addf %add3A_898, %mul3A_903 : vector<16xf32>
      %swap3A_905 = arith.index_cast %scan3A_42 : i32 to index
      %swap3A_906 = arith.constant 640 : index
      %swap3A_907 = tpu.vector_load %arg15[%swap3A_905, %swap3A_906] {strides = array<i32>} : memref<32x1024xf32, #tpu.memory_space<vmem>>, vector<1x16xf32>,
      %swap3A_908 = vector.shape_cast %swap3A_907 : vector<1x16xf32> to vector<16xf32>
      %swap3A_909 = vector.shape_cast %add3A_904 : vector<16xf32> to vector<1x16xf32>
      tpu.vector_store %arg15[%swap3A_905, %swap3A_906], %swap3A_909 {strides = array<i32>} : memref<32x1024xf32, #tpu.memory_space<vmem>>, vector<1x16xf32>,
      %get3A_910 = arith.index_cast %scan3A_42 : i32 to index
      %get3A_911 = arith.constant 656 : index
      %get3A_912 = tpu.vector_load %arg15[%get3A_910, %get3A_911] {strides = array<i32>} : memref<32x1024xf32, #tpu.memory_space<vmem>>, vector<1x16xf32>,
      %get3A_913 = vector.shape_cast %get3A_912 : vector<1x16xf32> to vector<16xf32>
      %get3A_914 = arith.index_cast %scan3A_42 : i32 to index
      %get3A_915 = arith.constant 656 : index
      %get3A_916 = tpu.vector_load %arg13[%get3A_914, %get3A_915] {strides = array<i32>} : memref<32x1024xf32, #tpu.memory_space<vmem>>, vector<1x16xf32>,
      %get3A_917 = vector.shape_cast %get3A_916 : vector<1x16xf32> to vector<16xf32>
      %mul3A_918 = arith.mulf %get3A_45, %get3A_917 : vector<16xf32>
      %add3A_919 = arith.addf %get3A_913, %mul3A_918 : vector<16xf32>
      %get3A_920 = arith.index_cast %scan3A_42 : i32 to index
      %get3A_921 = arith.constant 656 : index
      %get3A_922 = tpu.vector_load %arg14[%get3A_920, %get3A_921] {strides = array<i32>} : memref<32x1024xf32, #tpu.memory_space<vmem>>, vector<1x16xf32>,
      %get3A_923 = vector.shape_cast %get3A_922 : vector<1x16xf32> to vector<16xf32>
      %mul3A_924 = arith.mulf %get3A_49, %get3A_923 : vector<16xf32>
      %add3A_925 = arith.addf %add3A_919, %mul3A_924 : vector<16xf32>
      %swap3A_926 = arith.index_cast %scan3A_42 : i32 to index
      %swap3A_927 = arith.constant 656 : index
      %swap3A_928 = tpu.vector_load %arg15[%swap3A_926, %swap3A_927] {strides = array<i32>} : memref<32x1024xf32, #tpu.memory_space<vmem>>, vector<1x16xf32>,
      %swap3A_929 = vector.shape_cast %swap3A_928 : vector<1x16xf32> to vector<16xf32>
      %swap3A_930 = vector.shape_cast %add3A_925 : vector<16xf32> to vector<1x16xf32>
      tpu.vector_store %arg15[%swap3A_926, %swap3A_927], %swap3A_930 {strides = array<i32>} : memref<32x1024xf32, #tpu.memory_space<vmem>>, vector<1x16xf32>,
      %get3A_931 = arith.index_cast %scan3A_42 : i32 to index
      %get3A_932 = arith.constant 672 : index
      %get3A_933 = tpu.vector_load %arg15[%get3A_931, %get3A_932] {strides = array<i32>} : memref<32x1024xf32, #tpu.memory_space<vmem>>, vector<1x16xf32>,
      %get3A_934 = vector.shape_cast %get3A_933 : vector<1x16xf32> to vector<16xf32>
      %get3A_935 = arith.index_cast %scan3A_42 : i32 to index
      %get3A_936 = arith.constant 672 : index
      %get3A_937 = tpu.vector_load %arg13[%get3A_935, %get3A_936] {strides = array<i32>} : memref<32x1024xf32, #tpu.memory_space<vmem>>, vector<1x16xf32>,
      %get3A_938 = vector.shape_cast %get3A_937 : vector<1x16xf32> to vector<16xf32>
      %mul3A_939 = arith.mulf %get3A_45, %get3A_938 : vector<16xf32>
      %add3A_940 = arith.addf %get3A_934, %mul3A_939 : vector<16xf32>
      %get3A_941 = arith.index_cast %scan3A_42 : i32 to index
      %get3A_942 = arith.constant 672 : index
      %get3A_943 = tpu.vector_load %arg14[%get3A_941, %get3A_942] {strides = array<i32>} : memref<32x1024xf32, #tpu.memory_space<vmem>>, vector<1x16xf32>,
      %get3A_944 = vector.shape_cast %get3A_943 : vector<1x16xf32> to vector<16xf32>
      %mul3A_945 = arith.mulf %get3A_49, %get3A_944 : vector<16xf32>
      %add3A_946 = arith.addf %add3A_940, %mul3A_945 : vector<16xf32>
      %swap3A_947 = arith.index_cast %scan3A_42 : i32 to index
      %swap3A_948 = arith.constant 672 : index
      %swap3A_949 = tpu.vector_load %arg15[%swap3A_947, %swap3A_948] {strides = array<i32>} : memref<32x1024xf32, #tpu.memory_space<vmem>>, vector<1x16xf32>,
      %swap3A_950 = vector.shape_cast %swap3A_949 : vector<1x16xf32> to vector<16xf32>
      %swap3A_951 = vector.shape_cast %add3A_946 : vector<16xf32> to vector<1x16xf32>
      tpu.vector_store %arg15[%swap3A_947, %swap3A_948], %swap3A_951 {strides = array<i32>} : memref<32x1024xf32, #tpu.memory_space<vmem>>, vector<1x16xf32>,
      %get3A_952 = arith.index_cast %scan3A_42 : i32 to index
      %get3A_953 = arith.constant 688 : index
      %get3A_954 = tpu.vector_load %arg15[%get3A_952, %get3A_953] {strides = array<i32>} : memref<32x1024xf32, #tpu.memory_space<vmem>>, vector<1x16xf32>,
      %get3A_955 = vector.shape_cast %get3A_954 : vector<1x16xf32> to vector<16xf32>
      %get3A_956 = arith.index_cast %scan3A_42 : i32 to index
      %get3A_957 = arith.constant 688 : index
      %get3A_958 = tpu.vector_load %arg13[%get3A_956, %get3A_957] {strides = array<i32>} : memref<32x1024xf32, #tpu.memory_space<vmem>>, vector<1x16xf32>,
      %get3A_959 = vector.shape_cast %get3A_958 : vector<1x16xf32> to vector<16xf32>
      %mul3A_960 = arith.mulf %get3A_45, %get3A_959 : vector<16xf32>
      %add3A_961 = arith.addf %get3A_955, %mul3A_960 : vector<16xf32>
      %get3A_962 = arith.index_cast %scan3A_42 : i32 to index
      %get3A_963 = arith.constant 688 : index
      %get3A_964 = tpu.vector_load %arg14[%get3A_962, %get3A_963] {strides = array<i32>} : memref<32x1024xf32, #tpu.memory_space<vmem>>, vector<1x16xf32>,
      %get3A_965 = vector.shape_cast %get3A_964 : vector<1x16xf32> to vector<16xf32>
      %mul3A_966 = arith.mulf %get3A_49, %get3A_965 : vector<16xf32>
      %add3A_967 = arith.addf %add3A_961, %mul3A_966 : vector<16xf32>
      %swap3A_968 = arith.index_cast %scan3A_42 : i32 to index
      %swap3A_969 = arith.constant 688 : index
      %swap3A_970 = tpu.vector_load %arg15[%swap3A_968, %swap3A_969] {strides = array<i32>} : memref<32x1024xf32, #tpu.memory_space<vmem>>, vector<1x16xf32>,
      %swap3A_971 = vector.shape_cast %swap3A_970 : vector<1x16xf32> to vector<16xf32>
      %swap3A_972 = vector.shape_cast %add3A_967 : vector<16xf32> to vector<1x16xf32>
      tpu.vector_store %arg15[%swap3A_968, %swap3A_969], %swap3A_972 {strides = array<i32>} : memref<32x1024xf32, #tpu.memory_space<vmem>>, vector<1x16xf32>,
      %get3A_973 = arith.index_cast %scan3A_42 : i32 to index
      %get3A_974 = arith.constant 704 : index
      %get3A_975 = tpu.vector_load %arg15[%get3A_973, %get3A_974] {strides = array<i32>} : memref<32x1024xf32, #tpu.memory_space<vmem>>, vector<1x16xf32>,
      %get3A_976 = vector.shape_cast %get3A_975 : vector<1x16xf32> to vector<16xf32>
      %get3A_977 = arith.index_cast %scan3A_42 : i32 to index
      %get3A_978 = arith.constant 704 : index
      %get3A_979 = tpu.vector_load %arg13[%get3A_977, %get3A_978] {strides = array<i32>} : memref<32x1024xf32, #tpu.memory_space<vmem>>, vector<1x16xf32>,
      %get3A_980 = vector.shape_cast %get3A_979 : vector<1x16xf32> to vector<16xf32>
      %mul3A_981 = arith.mulf %get3A_45, %get3A_980 : vector<16xf32>
      %add3A_982 = arith.addf %get3A_976, %mul3A_981 : vector<16xf32>
      %get3A_983 = arith.index_cast %scan3A_42 : i32 to index
      %get3A_984 = arith.constant 704 : index
      %get3A_985 = tpu.vector_load %arg14[%get3A_983, %get3A_984] {strides = array<i32>} : memref<32x1024xf32, #tpu.memory_space<vmem>>, vector<1x16xf32>,
      %get3A_986 = vector.shape_cast %get3A_985 : vector<1x16xf32> to vector<16xf32>
      %mul3A_987 = arith.mulf %get3A_49, %get3A_986 : vector<16xf32>
      %add3A_988 = arith.addf %add3A_982, %mul3A_987 : vector<16xf32>
      %swap3A_989 = arith.index_cast %scan3A_42 : i32 to index
      %swap3A_990 = arith.constant 704 : index
      %swap3A_991 = tpu.vector_load %arg15[%swap3A_989, %swap3A_990] {strides = array<i32>} : memref<32x1024xf32, #tpu.memory_space<vmem>>, vector<1x16xf32>,
      %swap3A_992 = vector.shape_cast %swap3A_991 : vector<1x16xf32> to vector<16xf32>
      %swap3A_993 = vector.shape_cast %add3A_988 : vector<16xf32> to vector<1x16xf32>
      tpu.vector_store %arg15[%swap3A_989, %swap3A_990], %swap3A_993 {strides = array<i32>} : memref<32x1024xf32, #tpu.memory_space<vmem>>, vector<1x16xf32>,
      %get3A_994 = arith.index_cast %scan3A_42 : i32 to index
      %get3A_995 = arith.constant 720 : index
      %get3A_996 = tpu.vector_load %arg15[%get3A_994, %get3A_995] {strides = array<i32>} : memref<32x1024xf32, #tpu.memory_space<vmem>>, vector<1x16xf32>,
      %get3A_997 = vector.shape_cast %get3A_996 : vector<1x16xf32> to vector<16xf32>
      %get3A_998 = arith.index_cast %scan3A_42 : i32 to index
      %get3A_999 = arith.constant 720 : index
      %get3A_1000 = tpu.vector_load %arg13[%get3A_998, %get3A_999] {strides = array<i32>} : memref<32x1024xf32, #tpu.memory_space<vmem>>, vector<1x16xf32>,
      %get3A_1001 = vector.shape_cast %get3A_1000 : vector<1x16xf32> to vector<16xf32>
      %mul3A_1002 = arith.mulf %get3A_45, %get3A_1001 : vector<16xf32>
      %add3A_1003 = arith.addf %get3A_997, %mul3A_1002 : vector<16xf32>
      %get3A_1004 = arith.index_cast %scan3A_42 : i32 to index
      %get3A_1005 = arith.constant 720 : index
      %get3A_1006 = tpu.vector_load %arg14[%get3A_1004, %get3A_1005] {strides = array<i32>} : memref<32x1024xf32, #tpu.memory_space<vmem>>, vector<1x16xf32>,
      %get3A_1007 = vector.shape_cast %get3A_1006 : vector<1x16xf32> to vector<16xf32>
      %mul3A_1008 = arith.mulf %get3A_49, %get3A_1007 : vector<16xf32>
      %add3A_1009 = arith.addf %add3A_1003, %mul3A_1008 : vector<16xf32>
      %swap3A_1010 = arith.index_cast %scan3A_42 : i32 to index
      %swap3A_1011 = arith.constant 720 : index
      %swap3A_1012 = tpu.vector_load %arg15[%swap3A_1010, %swap3A_1011] {strides = array<i32>} : memref<32x1024xf32, #tpu.memory_space<vmem>>, vector<1x16xf32>,
      %swap3A_1013 = vector.shape_cast %swap3A_1012 : vector<1x16xf32> to vector<16xf32>
      %swap3A_1014 = vector.shape_cast %add3A_1009 : vector<16xf32> to vector<1x16xf32>
      tpu.vector_store %arg15[%swap3A_1010, %swap3A_1011], %swap3A_1014 {strides = array<i32>} : memref<32x1024xf32, #tpu.memory_space<vmem>>, vector<1x16xf32>,
      %get3A_1015 = arith.index_cast %scan3A_42 : i32 to index
      %get3A_1016 = arith.constant 736 : index
      %get3A_1017 = tpu.vector_load %arg15[%get3A_1015, %get3A_1016] {strides = array<i32>} : memref<32x1024xf32, #tpu.memory_space<vmem>>, vector<1x16xf32>,
      %get3A_1018 = vector.shape_cast %get3A_1017 : vector<1x16xf32> to vector<16xf32>
      %get3A_1019 = arith.index_cast %scan3A_42 : i32 to index
      %get3A_1020 = arith.constant 736 : index
      %get3A_1021 = tpu.vector_load %arg13[%get3A_1019, %get3A_1020] {strides = array<i32>} : memref<32x1024xf32, #tpu.memory_space<vmem>>, vector<1x16xf32>,
      %get3A_1022 = vector.shape_cast %get3A_1021 : vector<1x16xf32> to vector<16xf32>
      %mul3A_1023 = arith.mulf %get3A_45, %get3A_1022 : vector<16xf32>
      %add3A_1024 = arith.addf %get3A_1018, %mul3A_1023 : vector<16xf32>
      %get3A_1025 = arith.index_cast %scan3A_42 : i32 to index
      %get3A_1026 = arith.constant 736 : index
      %get3A_1027 = tpu.vector_load %arg14[%get3A_1025, %get3A_1026] {strides = array<i32>} : memref<32x1024xf32, #tpu.memory_space<vmem>>, vector<1x16xf32>,
      %get3A_1028 = vector.shape_cast %get3A_1027 : vector<1x16xf32> to vector<16xf32>
      %mul3A_1029 = arith.mulf %get3A_49, %get3A_1028 : vector<16xf32>
      %add3A_1030 = arith.addf %add3A_1024, %mul3A_1029 : vector<16xf32>
      %swap3A_1031 = arith.index_cast %scan3A_42 : i32 to index
      %swap3A_1032 = arith.constant 736 : index
      %swap3A_1033 = tpu.vector_load %arg15[%swap3A_1031, %swap3A_1032] {strides = array<i32>} : memref<32x1024xf32, #tpu.memory_space<vmem>>, vector<1x16xf32>,
      %swap3A_1034 = vector.shape_cast %swap3A_1033 : vector<1x16xf32> to vector<16xf32>
      %swap3A_1035 = vector.shape_cast %add3A_1030 : vector<16xf32> to vector<1x16xf32>
      tpu.vector_store %arg15[%swap3A_1031, %swap3A_1032], %swap3A_1035 {strides = array<i32>} : memref<32x1024xf32, #tpu.memory_space<vmem>>, vector<1x16xf32>,
      %get3A_1036 = arith.index_cast %scan3A_42 : i32 to index
      %get3A_1037 = arith.constant 752 : index
      %get3A_1038 = tpu.vector_load %arg15[%get3A_1036, %get3A_1037] {strides = array<i32>} : memref<32x1024xf32, #tpu.memory_space<vmem>>, vector<1x16xf32>,
      %get3A_1039 = vector.shape_cast %get3A_1038 : vector<1x16xf32> to vector<16xf32>
      %get3A_1040 = arith.index_cast %scan3A_42 : i32 to index
      %get3A_1041 = arith.constant 752 : index
      %get3A_1042 = tpu.vector_load %arg13[%get3A_1040, %get3A_1041] {strides = array<i32>} : memref<32x1024xf32, #tpu.memory_space<vmem>>, vector<1x16xf32>,
      %get3A_1043 = vector.shape_cast %get3A_1042 : vector<1x16xf32> to vector<16xf32>
      %mul3A_1044 = arith.mulf %get3A_45, %get3A_1043 : vector<16xf32>
      %add3A_1045 = arith.addf %get3A_1039, %mul3A_1044 : vector<16xf32>
      %get3A_1046 = arith.index_cast %scan3A_42 : i32 to index
      %get3A_1047 = arith.constant 752 : index
      %get3A_1048 = tpu.vector_load %arg14[%get3A_1046, %get3A_1047] {strides = array<i32>} : memref<32x1024xf32, #tpu.memory_space<vmem>>, vector<1x16xf32>,
      %get3A_1049 = vector.shape_cast %get3A_1048 : vector<1x16xf32> to vector<16xf32>
      %mul3A_1050 = arith.mulf %get3A_49, %get3A_1049 : vector<16xf32>
      %add3A_1051 = arith.addf %add3A_1045, %mul3A_1050 : vector<16xf32>
      %swap3A_1052 = arith.index_cast %scan3A_42 : i32 to index
      %swap3A_1053 = arith.constant 752 : index
      %swap3A_1054 = tpu.vector_load %arg15[%swap3A_1052, %swap3A_1053] {strides = array<i32>} : memref<32x1024xf32, #tpu.memory_space<vmem>>, vector<1x16xf32>,
      %swap3A_1055 = vector.shape_cast %swap3A_1054 : vector<1x16xf32> to vector<16xf32>
      %swap3A_1056 = vector.shape_cast %add3A_1051 : vector<16xf32> to vector<1x16xf32>
      tpu.vector_store %arg15[%swap3A_1052, %swap3A_1053], %swap3A_1056 {strides = array<i32>} : memref<32x1024xf32, #tpu.memory_space<vmem>>, vector<1x16xf32>,
      %get3A_1057 = arith.index_cast %scan3A_42 : i32 to index
      %get3A_1058 = arith.constant 768 : index
      %get3A_1059 = tpu.vector_load %arg15[%get3A_1057, %get3A_1058] {strides = array<i32>} : memref<32x1024xf32, #tpu.memory_space<vmem>>, vector<1x16xf32>,
      %get3A_1060 = vector.shape_cast %get3A_1059 : vector<1x16xf32> to vector<16xf32>
      %get3A_1061 = arith.index_cast %scan3A_42 : i32 to index
      %get3A_1062 = arith.constant 768 : index
      %get3A_1063 = tpu.vector_load %arg13[%get3A_1061, %get3A_1062] {strides = array<i32>} : memref<32x1024xf32, #tpu.memory_space<vmem>>, vector<1x16xf32>,
      %get3A_1064 = vector.shape_cast %get3A_1063 : vector<1x16xf32> to vector<16xf32>
      %mul3A_1065 = arith.mulf %get3A_45, %get3A_1064 : vector<16xf32>
      %add3A_1066 = arith.addf %get3A_1060, %mul3A_1065 : vector<16xf32>
      %get3A_1067 = arith.index_cast %scan3A_42 : i32 to index
      %get3A_1068 = arith.constant 768 : index
      %get3A_1069 = tpu.vector_load %arg14[%get3A_1067, %get3A_1068] {strides = array<i32>} : memref<32x1024xf32, #tpu.memory_space<vmem>>, vector<1x16xf32>,
      %get3A_1070 = vector.shape_cast %get3A_1069 : vector<1x16xf32> to vector<16xf32>
      %mul3A_1071 = arith.mulf %get3A_49, %get3A_1070 : vector<16xf32>
      %add3A_1072 = arith.addf %add3A_1066, %mul3A_1071 : vector<16xf32>
      %swap3A_1073 = arith.index_cast %scan3A_42 : i32 to index
      %swap3A_1074 = arith.constant 768 : index
      %swap3A_1075 = tpu.vector_load %arg15[%swap3A_1073, %swap3A_1074] {strides = array<i32>} : memref<32x1024xf32, #tpu.memory_space<vmem>>, vector<1x16xf32>,
      %swap3A_1076 = vector.shape_cast %swap3A_1075 : vector<1x16xf32> to vector<16xf32>
      %swap3A_1077 = vector.shape_cast %add3A_1072 : vector<16xf32> to vector<1x16xf32>
      tpu.vector_store %arg15[%swap3A_1073, %swap3A_1074], %swap3A_1077 {strides = array<i32>} : memref<32x1024xf32, #tpu.memory_space<vmem>>, vector<1x16xf32>,
      %get3A_1078 = arith.index_cast %scan3A_42 : i32 to index
      %get3A_1079 = arith.constant 784 : index
      %get3A_1080 = tpu.vector_load %arg15[%get3A_1078, %get3A_1079] {strides = array<i32>} : memref<32x1024xf32, #tpu.memory_space<vmem>>, vector<1x16xf32>,
      %get3A_1081 = vector.shape_cast %get3A_1080 : vector<1x16xf32> to vector<16xf32>
      %get3A_1082 = arith.index_cast %scan3A_42 : i32 to index
      %get3A_1083 = arith.constant 784 : index
      %get3A_1084 = tpu.vector_load %arg13[%get3A_1082, %get3A_1083] {strides = array<i32>} : memref<32x1024xf32, #tpu.memory_space<vmem>>, vector<1x16xf32>,
      %get3A_1085 = vector.shape_cast %get3A_1084 : vector<1x16xf32> to vector<16xf32>
      %mul3A_1086 = arith.mulf %get3A_45, %get3A_1085 : vector<16xf32>
      %add3A_1087 = arith.addf %get3A_1081, %mul3A_1086 : vector<16xf32>
      %get3A_1088 = arith.index_cast %scan3A_42 : i32 to index
      %get3A_1089 = arith.constant 784 : index
      %get3A_1090 = tpu.vector_load %arg14[%get3A_1088, %get3A_1089] {strides = array<i32>} : memref<32x1024xf32, #tpu.memory_space<vmem>>, vector<1x16xf32>,
      %get3A_1091 = vector.shape_cast %get3A_1090 : vector<1x16xf32> to vector<16xf32>
      %mul3A_1092 = arith.mulf %get3A_49, %get3A_1091 : vector<16xf32>
      %add3A_1093 = arith.addf %add3A_1087, %mul3A_1092 : vector<16xf32>
      %swap3A_1094 = arith.index_cast %scan3A_42 : i32 to index
      %swap3A_1095 = arith.constant 784 : index
      %swap3A_1096 = tpu.vector_load %arg15[%swap3A_1094, %swap3A_1095] {strides = array<i32>} : memref<32x1024xf32, #tpu.memory_space<vmem>>, vector<1x16xf32>,
      %swap3A_1097 = vector.shape_cast %swap3A_1096 : vector<1x16xf32> to vector<16xf32>
      %swap3A_1098 = vector.shape_cast %add3A_1093 : vector<16xf32> to vector<1x16xf32>
      tpu.vector_store %arg15[%swap3A_1094, %swap3A_1095], %swap3A_1098 {strides = array<i32>} : memref<32x1024xf32, #tpu.memory_space<vmem>>, vector<1x16xf32>,
      %get3A_1099 = arith.index_cast %scan3A_42 : i32 to index
      %get3A_1100 = arith.constant 800 : index
      %get3A_1101 = tpu.vector_load %arg15[%get3A_1099, %get3A_1100] {strides = array<i32>} : memref<32x1024xf32, #tpu.memory_space<vmem>>, vector<1x16xf32>,
      %get3A_1102 = vector.shape_cast %get3A_1101 : vector<1x16xf32> to vector<16xf32>
      %get3A_1103 = arith.index_cast %scan3A_42 : i32 to index
      %get3A_1104 = arith.constant 800 : index
      %get3A_1105 = tpu.vector_load %arg13[%get3A_1103, %get3A_1104] {strides = array<i32>} : memref<32x1024xf32, #tpu.memory_space<vmem>>, vector<1x16xf32>,
      %get3A_1106 = vector.shape_cast %get3A_1105 : vector<1x16xf32> to vector<16xf32>
      %mul3A_1107 = arith.mulf %get3A_45, %get3A_1106 : vector<16xf32>
      %add3A_1108 = arith.addf %get3A_1102, %mul3A_1107 : vector<16xf32>
      %get3A_1109 = arith.index_cast %scan3A_42 : i32 to index
      %get3A_1110 = arith.constant 800 : index
      %get3A_1111 = tpu.vector_load %arg14[%get3A_1109, %get3A_1110] {strides = array<i32>} : memref<32x1024xf32, #tpu.memory_space<vmem>>, vector<1x16xf32>,
      %get3A_1112 = vector.shape_cast %get3A_1111 : vector<1x16xf32> to vector<16xf32>
      %mul3A_1113 = arith.mulf %get3A_49, %get3A_1112 : vector<16xf32>
      %add3A_1114 = arith.addf %add3A_1108, %mul3A_1113 : vector<16xf32>
      %swap3A_1115 = arith.index_cast %scan3A_42 : i32 to index
      %swap3A_1116 = arith.constant 800 : index
      %swap3A_1117 = tpu.vector_load %arg15[%swap3A_1115, %swap3A_1116] {strides = array<i32>} : memref<32x1024xf32, #tpu.memory_space<vmem>>, vector<1x16xf32>,
      %swap3A_1118 = vector.shape_cast %swap3A_1117 : vector<1x16xf32> to vector<16xf32>
      %swap3A_1119 = vector.shape_cast %add3A_1114 : vector<16xf32> to vector<1x16xf32>
      tpu.vector_store %arg15[%swap3A_1115, %swap3A_1116], %swap3A_1119 {strides = array<i32>} : memref<32x1024xf32, #tpu.memory_space<vmem>>, vector<1x16xf32>,
      %get3A_1120 = arith.index_cast %scan3A_42 : i32 to index
      %get3A_1121 = arith.constant 816 : index
      %get3A_1122 = tpu.vector_load %arg15[%get3A_1120, %get3A_1121] {strides = array<i32>} : memref<32x1024xf32, #tpu.memory_space<vmem>>, vector<1x16xf32>,
      %get3A_1123 = vector.shape_cast %get3A_1122 : vector<1x16xf32> to vector<16xf32>
      %get3A_1124 = arith.index_cast %scan3A_42 : i32 to index
      %get3A_1125 = arith.constant 816 : index
      %get3A_1126 = tpu.vector_load %arg13[%get3A_1124, %get3A_1125] {strides = array<i32>} : memref<32x1024xf32, #tpu.memory_space<vmem>>, vector<1x16xf32>,
      %get3A_1127 = vector.shape_cast %get3A_1126 : vector<1x16xf32> to vector<16xf32>
      %mul3A_1128 = arith.mulf %get3A_45, %get3A_1127 : vector<16xf32>
      %add3A_1129 = arith.addf %get3A_1123, %mul3A_1128 : vector<16xf32>
      %get3A_1130 = arith.index_cast %scan3A_42 : i32 to index
      %get3A_1131 = arith.constant 816 : index
      %get3A_1132 = tpu.vector_load %arg14[%get3A_1130, %get3A_1131] {strides = array<i32>} : memref<32x1024xf32, #tpu.memory_space<vmem>>, vector<1x16xf32>,
      %get3A_1133 = vector.shape_cast %get3A_1132 : vector<1x16xf32> to vector<16xf32>
      %mul3A_1134 = arith.mulf %get3A_49, %get3A_1133 : vector<16xf32>
      %add3A_1135 = arith.addf %add3A_1129, %mul3A_1134 : vector<16xf32>
      %swap3A_1136 = arith.index_cast %scan3A_42 : i32 to index
      %swap3A_1137 = arith.constant 816 : index
      %swap3A_1138 = tpu.vector_load %arg15[%swap3A_1136, %swap3A_1137] {strides = array<i32>} : memref<32x1024xf32, #tpu.memory_space<vmem>>, vector<1x16xf32>,
      %swap3A_1139 = vector.shape_cast %swap3A_1138 : vector<1x16xf32> to vector<16xf32>
      %swap3A_1140 = vector.shape_cast %add3A_1135 : vector<16xf32> to vector<1x16xf32>
      tpu.vector_store %arg15[%swap3A_1136, %swap3A_1137], %swap3A_1140 {strides = array<i32>} : memref<32x1024xf32, #tpu.memory_space<vmem>>, vector<1x16xf32>,
      %get3A_1141 = arith.index_cast %scan3A_42 : i32 to index
      %get3A_1142 = arith.constant 832 : index
      %get3A_1143 = tpu.vector_load %arg15[%get3A_1141, %get3A_1142] {strides = array<i32>} : memref<32x1024xf32, #tpu.memory_space<vmem>>, vector<1x16xf32>,
      %get3A_1144 = vector.shape_cast %get3A_1143 : vector<1x16xf32> to vector<16xf32>
      %get3A_1145 = arith.index_cast %scan3A_42 : i32 to index
      %get3A_1146 = arith.constant 832 : index
      %get3A_1147 = tpu.vector_load %arg13[%get3A_1145, %get3A_1146] {strides = array<i32>} : memref<32x1024xf32, #tpu.memory_space<vmem>>, vector<1x16xf32>,
      %get3A_1148 = vector.shape_cast %get3A_1147 : vector<1x16xf32> to vector<16xf32>
      %mul3A_1149 = arith.mulf %get3A_45, %get3A_1148 : vector<16xf32>
      %add3A_1150 = arith.addf %get3A_1144, %mul3A_1149 : vector<16xf32>
      %get3A_1151 = arith.index_cast %scan3A_42 : i32 to index
      %get3A_1152 = arith.constant 832 : index
      %get3A_1153 = tpu.vector_load %arg14[%get3A_1151, %get3A_1152] {strides = array<i32>} : memref<32x1024xf32, #tpu.memory_space<vmem>>, vector<1x16xf32>,
      %get3A_1154 = vector.shape_cast %get3A_1153 : vector<1x16xf32> to vector<16xf32>
      %mul3A_1155 = arith.mulf %get3A_49, %get3A_1154 : vector<16xf32>
      %add3A_1156 = arith.addf %add3A_1150, %mul3A_1155 : vector<16xf32>
      %swap3A_1157 = arith.index_cast %scan3A_42 : i32 to index
      %swap3A_1158 = arith.constant 832 : index
      %swap3A_1159 = tpu.vector_load %arg15[%swap3A_1157, %swap3A_1158] {strides = array<i32>} : memref<32x1024xf32, #tpu.memory_space<vmem>>, vector<1x16xf32>,
      %swap3A_1160 = vector.shape_cast %swap3A_1159 : vector<1x16xf32> to vector<16xf32>
      %swap3A_1161 = vector.shape_cast %add3A_1156 : vector<16xf32> to vector<1x16xf32>
      tpu.vector_store %arg15[%swap3A_1157, %swap3A_1158], %swap3A_1161 {strides = array<i32>} : memref<32x1024xf32, #tpu.memory_space<vmem>>, vector<1x16xf32>,
      %get3A_1162 = arith.index_cast %scan3A_42 : i32 to index
      %get3A_1163 = arith.constant 848 : index
      %get3A_1164 = tpu.vector_load %arg15[%get3A_1162, %get3A_1163] {strides = array<i32>} : memref<32x1024xf32, #tpu.memory_space<vmem>>, vector<1x16xf32>,
      %get3A_1165 = vector.shape_cast %get3A_1164 : vector<1x16xf32> to vector<16xf32>
      %get3A_1166 = arith.index_cast %scan3A_42 : i32 to index
      %get3A_1167 = arith.constant 848 : index
      %get3A_1168 = tpu.vector_load %arg13[%get3A_1166, %get3A_1167] {strides = array<i32>} : memref<32x1024xf32, #tpu.memory_space<vmem>>, vector<1x16xf32>,
      %get3A_1169 = vector.shape_cast %get3A_1168 : vector<1x16xf32> to vector<16xf32>
      %mul3A_1170 = arith.mulf %get3A_45, %get3A_1169 : vector<16xf32>
      %add3A_1171 = arith.addf %get3A_1165, %mul3A_1170 : vector<16xf32>
      %get3A_1172 = arith.index_cast %scan3A_42 : i32 to index
      %get3A_1173 = arith.constant 848 : index
      %get3A_1174 = tpu.vector_load %arg14[%get3A_1172, %get3A_1173] {strides = array<i32>} : memref<32x1024xf32, #tpu.memory_space<vmem>>, vector<1x16xf32>,
      %get3A_1175 = vector.shape_cast %get3A_1174 : vector<1x16xf32> to vector<16xf32>
      %mul3A_1176 = arith.mulf %get3A_49, %get3A_1175 : vector<16xf32>
      %add3A_1177 = arith.addf %add3A_1171, %mul3A_1176 : vector<16xf32>
      %swap3A_1178 = arith.index_cast %scan3A_42 : i32 to index
      %swap3A_1179 = arith.constant 848 : index
      %swap3A_1180 = tpu.vector_load %arg15[%swap3A_1178, %swap3A_1179] {strides = array<i32>} : memref<32x1024xf32, #tpu.memory_space<vmem>>, vector<1x16xf32>,
      %swap3A_1181 = vector.shape_cast %swap3A_1180 : vector<1x16xf32> to vector<16xf32>
      %swap3A_1182 = vector.shape_cast %add3A_1177 : vector<16xf32> to vector<1x16xf32>
      tpu.vector_store %arg15[%swap3A_1178, %swap3A_1179], %swap3A_1182 {strides = array<i32>} : memref<32x1024xf32, #tpu.memory_space<vmem>>, vector<1x16xf32>,
      %get3A_1183 = arith.index_cast %scan3A_42 : i32 to index
      %get3A_1184 = arith.constant 864 : index
      %get3A_1185 = tpu.vector_load %arg15[%get3A_1183, %get3A_1184] {strides = array<i32>} : memref<32x1024xf32, #tpu.memory_space<vmem>>, vector<1x16xf32>,
      %get3A_1186 = vector.shape_cast %get3A_1185 : vector<1x16xf32> to vector<16xf32>
      %get3A_1187 = arith.index_cast %scan3A_42 : i32 to index
      %get3A_1188 = arith.constant 864 : index
      %get3A_1189 = tpu.vector_load %arg13[%get3A_1187, %get3A_1188] {strides = array<i32>} : memref<32x1024xf32, #tpu.memory_space<vmem>>, vector<1x16xf32>,
      %get3A_1190 = vector.shape_cast %get3A_1189 : vector<1x16xf32> to vector<16xf32>
      %mul3A_1191 = arith.mulf %get3A_45, %get3A_1190 : vector<16xf32>
      %add3A_1192 = arith.addf %get3A_1186, %mul3A_1191 : vector<16xf32>
      %get3A_1193 = arith.index_cast %scan3A_42 : i32 to index
      %get3A_1194 = arith.constant 864 : index
      %get3A_1195 = tpu.vector_load %arg14[%get3A_1193, %get3A_1194] {strides = array<i32>} : memref<32x1024xf32, #tpu.memory_space<vmem>>, vector<1x16xf32>,
      %get3A_1196 = vector.shape_cast %get3A_1195 : vector<1x16xf32> to vector<16xf32>
      %mul3A_1197 = arith.mulf %get3A_49, %get3A_1196 : vector<16xf32>
      %add3A_1198 = arith.addf %add3A_1192, %mul3A_1197 : vector<16xf32>
      %swap3A_1199 = arith.index_cast %scan3A_42 : i32 to index
      %swap3A_1200 = arith.constant 864 : index
      %swap3A_1201 = tpu.vector_load %arg15[%swap3A_1199, %swap3A_1200] {strides = array<i32>} : memref<32x1024xf32, #tpu.memory_space<vmem>>, vector<1x16xf32>,
      %swap3A_1202 = vector.shape_cast %swap3A_1201 : vector<1x16xf32> to vector<16xf32>
      %swap3A_1203 = vector.shape_cast %add3A_1198 : vector<16xf32> to vector<1x16xf32>
      tpu.vector_store %arg15[%swap3A_1199, %swap3A_1200], %swap3A_1203 {strides = array<i32>} : memref<32x1024xf32, #tpu.memory_space<vmem>>, vector<1x16xf32>,
      %get3A_1204 = arith.index_cast %scan3A_42 : i32 to index
      %get3A_1205 = arith.constant 880 : index
      %get3A_1206 = tpu.vector_load %arg15[%get3A_1204, %get3A_1205] {strides = array<i32>} : memref<32x1024xf32, #tpu.memory_space<vmem>>, vector<1x16xf32>,
      %get3A_1207 = vector.shape_cast %get3A_1206 : vector<1x16xf32> to vector<16xf32>
      %get3A_1208 = arith.index_cast %scan3A_42 : i32 to index
      %get3A_1209 = arith.constant 880 : index
      %get3A_1210 = tpu.vector_load %arg13[%get3A_1208, %get3A_1209] {strides = array<i32>} : memref<32x1024xf32, #tpu.memory_space<vmem>>, vector<1x16xf32>,
      %get3A_1211 = vector.shape_cast %get3A_1210 : vector<1x16xf32> to vector<16xf32>
      %mul3A_1212 = arith.mulf %get3A_45, %get3A_1211 : vector<16xf32>
      %add3A_1213 = arith.addf %get3A_1207, %mul3A_1212 : vector<16xf32>
      %get3A_1214 = arith.index_cast %scan3A_42 : i32 to index
      %get3A_1215 = arith.constant 880 : index
      %get3A_1216 = tpu.vector_load %arg14[%get3A_1214, %get3A_1215] {strides = array<i32>} : memref<32x1024xf32, #tpu.memory_space<vmem>>, vector<1x16xf32>,
      %get3A_1217 = vector.shape_cast %get3A_1216 : vector<1x16xf32> to vector<16xf32>
      %mul3A_1218 = arith.mulf %get3A_49, %get3A_1217 : vector<16xf32>
      %add3A_1219 = arith.addf %add3A_1213, %mul3A_1218 : vector<16xf32>
      %swap3A_1220 = arith.index_cast %scan3A_42 : i32 to index
      %swap3A_1221 = arith.constant 880 : index
      %swap3A_1222 = tpu.vector_load %arg15[%swap3A_1220, %swap3A_1221] {strides = array<i32>} : memref<32x1024xf32, #tpu.memory_space<vmem>>, vector<1x16xf32>,
      %swap3A_1223 = vector.shape_cast %swap3A_1222 : vector<1x16xf32> to vector<16xf32>
      %swap3A_1224 = vector.shape_cast %add3A_1219 : vector<16xf32> to vector<1x16xf32>
      tpu.vector_store %arg15[%swap3A_1220, %swap3A_1221], %swap3A_1224 {strides = array<i32>} : memref<32x1024xf32, #tpu.memory_space<vmem>>, vector<1x16xf32>,
      %get3A_1225 = arith.index_cast %scan3A_42 : i32 to index
      %get3A_1226 = arith.constant 896 : index
      %get3A_1227 = tpu.vector_load %arg15[%get3A_1225, %get3A_1226] {strides = array<i32>} : memref<32x1024xf32, #tpu.memory_space<vmem>>, vector<1x16xf32>,
      %get3A_1228 = vector.shape_cast %get3A_1227 : vector<1x16xf32> to vector<16xf32>
      %get3A_1229 = arith.index_cast %scan3A_42 : i32 to index
      %get3A_1230 = arith.constant 896 : index
      %get3A_1231 = tpu.vector_load %arg13[%get3A_1229, %get3A_1230] {strides = array<i32>} : memref<32x1024xf32, #tpu.memory_space<vmem>>, vector<1x16xf32>,
      %get3A_1232 = vector.shape_cast %get3A_1231 : vector<1x16xf32> to vector<16xf32>
      %mul3A_1233 = arith.mulf %get3A_45, %get3A_1232 : vector<16xf32>
      %add3A_1234 = arith.addf %get3A_1228, %mul3A_1233 : vector<16xf32>
      %get3A_1235 = arith.index_cast %scan3A_42 : i32 to index
      %get3A_1236 = arith.constant 896 : index
      %get3A_1237 = tpu.vector_load %arg14[%get3A_1235, %get3A_1236] {strides = array<i32>} : memref<32x1024xf32, #tpu.memory_space<vmem>>, vector<1x16xf32>,
      %get3A_1238 = vector.shape_cast %get3A_1237 : vector<1x16xf32> to vector<16xf32>
      %mul3A_1239 = arith.mulf %get3A_49, %get3A_1238 : vector<16xf32>
      %add3A_1240 = arith.addf %add3A_1234, %mul3A_1239 : vector<16xf32>
      %swap3A_1241 = arith.index_cast %scan3A_42 : i32 to index
      %swap3A_1242 = arith.constant 896 : index
      %swap3A_1243 = tpu.vector_load %arg15[%swap3A_1241, %swap3A_1242] {strides = array<i32>} : memref<32x1024xf32, #tpu.memory_space<vmem>>, vector<1x16xf32>,
      %swap3A_1244 = vector.shape_cast %swap3A_1243 : vector<1x16xf32> to vector<16xf32>
      %swap3A_1245 = vector.shape_cast %add3A_1240 : vector<16xf32> to vector<1x16xf32>
      tpu.vector_store %arg15[%swap3A_1241, %swap3A_1242], %swap3A_1245 {strides = array<i32>} : memref<32x1024xf32, #tpu.memory_space<vmem>>, vector<1x16xf32>,
      %get3A_1246 = arith.index_cast %scan3A_42 : i32 to index
      %get3A_1247 = arith.constant 912 : index
      %get3A_1248 = tpu.vector_load %arg15[%get3A_1246, %get3A_1247] {strides = array<i32>} : memref<32x1024xf32, #tpu.memory_space<vmem>>, vector<1x16xf32>,
      %get3A_1249 = vector.shape_cast %get3A_1248 : vector<1x16xf32> to vector<16xf32>
      %get3A_1250 = arith.index_cast %scan3A_42 : i32 to index
      %get3A_1251 = arith.constant 912 : index
      %get3A_1252 = tpu.vector_load %arg13[%get3A_1250, %get3A_1251] {strides = array<i32>} : memref<32x1024xf32, #tpu.memory_space<vmem>>, vector<1x16xf32>,
      %get3A_1253 = vector.shape_cast %get3A_1252 : vector<1x16xf32> to vector<16xf32>
      %mul3A_1254 = arith.mulf %get3A_45, %get3A_1253 : vector<16xf32>
      %add3A_1255 = arith.addf %get3A_1249, %mul3A_1254 : vector<16xf32>
      %get3A_1256 = arith.index_cast %scan3A_42 : i32 to index
      %get3A_1257 = arith.constant 912 : index
      %get3A_1258 = tpu.vector_load %arg14[%get3A_1256, %get3A_1257] {strides = array<i32>} : memref<32x1024xf32, #tpu.memory_space<vmem>>, vector<1x16xf32>,
      %get3A_1259 = vector.shape_cast %get3A_1258 : vector<1x16xf32> to vector<16xf32>
      %mul3A_1260 = arith.mulf %get3A_49, %get3A_1259 : vector<16xf32>
      %add3A_1261 = arith.addf %add3A_1255, %mul3A_1260 : vector<16xf32>
      %swap3A_1262 = arith.index_cast %scan3A_42 : i32 to index
      %swap3A_1263 = arith.constant 912 : index
      %swap3A_1264 = tpu.vector_load %arg15[%swap3A_1262, %swap3A_1263] {strides = array<i32>} : memref<32x1024xf32, #tpu.memory_space<vmem>>, vector<1x16xf32>,
      %swap3A_1265 = vector.shape_cast %swap3A_1264 : vector<1x16xf32> to vector<16xf32>
      %swap3A_1266 = vector.shape_cast %add3A_1261 : vector<16xf32> to vector<1x16xf32>
      tpu.vector_store %arg15[%swap3A_1262, %swap3A_1263], %swap3A_1266 {strides = array<i32>} : memref<32x1024xf32, #tpu.memory_space<vmem>>, vector<1x16xf32>,
      %get3A_1267 = arith.index_cast %scan3A_42 : i32 to index
      %get3A_1268 = arith.constant 928 : index
      %get3A_1269 = tpu.vector_load %arg15[%get3A_1267, %get3A_1268] {strides = array<i32>} : memref<32x1024xf32, #tpu.memory_space<vmem>>, vector<1x16xf32>,
      %get3A_1270 = vector.shape_cast %get3A_1269 : vector<1x16xf32> to vector<16xf32>
      %get3A_1271 = arith.index_cast %scan3A_42 : i32 to index
      %get3A_1272 = arith.constant 928 : index
      %get3A_1273 = tpu.vector_load %arg13[%get3A_1271, %get3A_1272] {strides = array<i32>} : memref<32x1024xf32, #tpu.memory_space<vmem>>, vector<1x16xf32>,
      %get3A_1274 = vector.shape_cast %get3A_1273 : vector<1x16xf32> to vector<16xf32>
      %mul3A_1275 = arith.mulf %get3A_45, %get3A_1274 : vector<16xf32>
      %add3A_1276 = arith.addf %get3A_1270, %mul3A_1275 : vector<16xf32>
      %get3A_1277 = arith.index_cast %scan3A_42 : i32 to index
      %get3A_1278 = arith.constant 928 : index
      %get3A_1279 = tpu.vector_load %arg14[%get3A_1277, %get3A_1278] {strides = array<i32>} : memref<32x1024xf32, #tpu.memory_space<vmem>>, vector<1x16xf32>,
      %get3A_1280 = vector.shape_cast %get3A_1279 : vector<1x16xf32> to vector<16xf32>
      %mul3A_1281 = arith.mulf %get3A_49, %get3A_1280 : vector<16xf32>
      %add3A_1282 = arith.addf %add3A_1276, %mul3A_1281 : vector<16xf32>
      %swap3A_1283 = arith.index_cast %scan3A_42 : i32 to index
      %swap3A_1284 = arith.constant 928 : index
      %swap3A_1285 = tpu.vector_load %arg15[%swap3A_1283, %swap3A_1284] {strides = array<i32>} : memref<32x1024xf32, #tpu.memory_space<vmem>>, vector<1x16xf32>,
      %swap3A_1286 = vector.shape_cast %swap3A_1285 : vector<1x16xf32> to vector<16xf32>
      %swap3A_1287 = vector.shape_cast %add3A_1282 : vector<16xf32> to vector<1x16xf32>
      tpu.vector_store %arg15[%swap3A_1283, %swap3A_1284], %swap3A_1287 {strides = array<i32>} : memref<32x1024xf32, #tpu.memory_space<vmem>>, vector<1x16xf32>,
      %get3A_1288 = arith.index_cast %scan3A_42 : i32 to index
      %get3A_1289 = arith.constant 944 : index
      %get3A_1290 = tpu.vector_load %arg15[%get3A_1288, %get3A_1289] {strides = array<i32>} : memref<32x1024xf32, #tpu.memory_space<vmem>>, vector<1x16xf32>,
      %get3A_1291 = vector.shape_cast %get3A_1290 : vector<1x16xf32> to vector<16xf32>
      %get3A_1292 = arith.index_cast %scan3A_42 : i32 to index
      %get3A_1293 = arith.constant 944 : index
      %get3A_1294 = tpu.vector_load %arg13[%get3A_1292, %get3A_1293] {strides = array<i32>} : memref<32x1024xf32, #tpu.memory_space<vmem>>, vector<1x16xf32>,
      %get3A_1295 = vector.shape_cast %get3A_1294 : vector<1x16xf32> to vector<16xf32>
      %mul3A_1296 = arith.mulf %get3A_45, %get3A_1295 : vector<16xf32>
      %add3A_1297 = arith.addf %get3A_1291, %mul3A_1296 : vector<16xf32>
      %get3A_1298 = arith.index_cast %scan3A_42 : i32 to index
      %get3A_1299 = arith.constant 944 : index
      %get3A_1300 = tpu.vector_load %arg14[%get3A_1298, %get3A_1299] {strides = array<i32>} : memref<32x1024xf32, #tpu.memory_space<vmem>>, vector<1x16xf32>,
      %get3A_1301 = vector.shape_cast %get3A_1300 : vector<1x16xf32> to vector<16xf32>
      %mul3A_1302 = arith.mulf %get3A_49, %get3A_1301 : vector<16xf32>
      %add3A_1303 = arith.addf %add3A_1297, %mul3A_1302 : vector<16xf32>
      %swap3A_1304 = arith.index_cast %scan3A_42 : i32 to index
      %swap3A_1305 = arith.constant 944 : index
      %swap3A_1306 = tpu.vector_load %arg15[%swap3A_1304, %swap3A_1305] {strides = array<i32>} : memref<32x1024xf32, #tpu.memory_space<vmem>>, vector<1x16xf32>,
      %swap3A_1307 = vector.shape_cast %swap3A_1306 : vector<1x16xf32> to vector<16xf32>
      %swap3A_1308 = vector.shape_cast %add3A_1303 : vector<16xf32> to vector<1x16xf32>
      tpu.vector_store %arg15[%swap3A_1304, %swap3A_1305], %swap3A_1308 {strides = array<i32>} : memref<32x1024xf32, #tpu.memory_space<vmem>>, vector<1x16xf32>,
      %get3A_1309 = arith.index_cast %scan3A_42 : i32 to index
      %get3A_1310 = arith.constant 960 : index
      %get3A_1311 = tpu.vector_load %arg15[%get3A_1309, %get3A_1310] {strides = array<i32>} : memref<32x1024xf32, #tpu.memory_space<vmem>>, vector<1x16xf32>,
      %get3A_1312 = vector.shape_cast %get3A_1311 : vector<1x16xf32> to vector<16xf32>
      %get3A_1313 = arith.index_cast %scan3A_42 : i32 to index
      %get3A_1314 = arith.constant 960 : index
      %get3A_1315 = tpu.vector_load %arg13[%get3A_1313, %get3A_1314] {strides = array<i32>} : memref<32x1024xf32, #tpu.memory_space<vmem>>, vector<1x16xf32>,
      %get3A_1316 = vector.shape_cast %get3A_1315 : vector<1x16xf32> to vector<16xf32>
      %mul3A_1317 = arith.mulf %get3A_45, %get3A_1316 : vector<16xf32>
      %add3A_1318 = arith.addf %get3A_1312, %mul3A_1317 : vector<16xf32>
      %get3A_1319 = arith.index_cast %scan3A_42 : i32 to index
      %get3A_1320 = arith.constant 960 : index
      %get3A_1321 = tpu.vector_load %arg14[%get3A_1319, %get3A_1320] {strides = array<i32>} : memref<32x1024xf32, #tpu.memory_space<vmem>>, vector<1x16xf32>,
      %get3A_1322 = vector.shape_cast %get3A_1321 : vector<1x16xf32> to vector<16xf32>
      %mul3A_1323 = arith.mulf %get3A_49, %get3A_1322 : vector<16xf32>
      %add3A_1324 = arith.addf %add3A_1318, %mul3A_1323 : vector<16xf32>
      %swap3A_1325 = arith.index_cast %scan3A_42 : i32 to index
      %swap3A_1326 = arith.constant 960 : index
      %swap3A_1327 = tpu.vector_load %arg15[%swap3A_1325, %swap3A_1326] {strides = array<i32>} : memref<32x1024xf32, #tpu.memory_space<vmem>>, vector<1x16xf32>,
      %swap3A_1328 = vector.shape_cast %swap3A_1327 : vector<1x16xf32> to vector<16xf32>
      %swap3A_1329 = vector.shape_cast %add3A_1324 : vector<16xf32> to vector<1x16xf32>
      tpu.vector_store %arg15[%swap3A_1325, %swap3A_1326], %swap3A_1329 {strides = array<i32>} : memref<32x1024xf32, #tpu.memory_space<vmem>>, vector<1x16xf32>,
      %get3A_1330 = arith.index_cast %scan3A_42 : i32 to index
      %get3A_1331 = arith.constant 976 : index
      %get3A_1332 = tpu.vector_load %arg15[%get3A_1330, %get3A_1331] {strides = array<i32>} : memref<32x1024xf32, #tpu.memory_space<vmem>>, vector<1x16xf32>,
      %get3A_1333 = vector.shape_cast %get3A_1332 : vector<1x16xf32> to vector<16xf32>
      %get3A_1334 = arith.index_cast %scan3A_42 : i32 to index
      %get3A_1335 = arith.constant 976 : index
      %get3A_1336 = tpu.vector_load %arg13[%get3A_1334, %get3A_1335] {strides = array<i32>} : memref<32x1024xf32, #tpu.memory_space<vmem>>, vector<1x16xf32>,
      %get3A_1337 = vector.shape_cast %get3A_1336 : vector<1x16xf32> to vector<16xf32>
      %mul3A_1338 = arith.mulf %get3A_45, %get3A_1337 : vector<16xf32>
      %add3A_1339 = arith.addf %get3A_1333, %mul3A_1338 : vector<16xf32>
      %get3A_1340 = arith.index_cast %scan3A_42 : i32 to index
      %get3A_1341 = arith.constant 976 : index
      %get3A_1342 = tpu.vector_load %arg14[%get3A_1340, %get3A_1341] {strides = array<i32>} : memref<32x1024xf32, #tpu.memory_space<vmem>>, vector<1x16xf32>,
      %get3A_1343 = vector.shape_cast %get3A_1342 : vector<1x16xf32> to vector<16xf32>
      %mul3A_1344 = arith.mulf %get3A_49, %get3A_1343 : vector<16xf32>
      %add3A_1345 = arith.addf %add3A_1339, %mul3A_1344 : vector<16xf32>
      %swap3A_1346 = arith.index_cast %scan3A_42 : i32 to index
      %swap3A_1347 = arith.constant 976 : index
      %swap3A_1348 = tpu.vector_load %arg15[%swap3A_1346, %swap3A_1347] {strides = array<i32>} : memref<32x1024xf32, #tpu.memory_space<vmem>>, vector<1x16xf32>,
      %swap3A_1349 = vector.shape_cast %swap3A_1348 : vector<1x16xf32> to vector<16xf32>
      %swap3A_1350 = vector.shape_cast %add3A_1345 : vector<16xf32> to vector<1x16xf32>
      tpu.vector_store %arg15[%swap3A_1346, %swap3A_1347], %swap3A_1350 {strides = array<i32>} : memref<32x1024xf32, #tpu.memory_space<vmem>>, vector<1x16xf32>,
      %get3A_1351 = arith.index_cast %scan3A_42 : i32 to index
      %get3A_1352 = arith.constant 992 : index
      %get3A_1353 = tpu.vector_load %arg15[%get3A_1351, %get3A_1352] {strides = array<i32>} : memref<32x1024xf32, #tpu.memory_space<vmem>>, vector<1x16xf32>,
      %get3A_1354 = vector.shape_cast %get3A_1353 : vector<1x16xf32> to vector<16xf32>
      %get3A_1355 = arith.index_cast %scan3A_42 : i32 to index
      %get3A_1356 = arith.constant 992 : index
      %get3A_1357 = tpu.vector_load %arg13[%get3A_1355, %get3A_1356] {strides = array<i32>} : memref<32x1024xf32, #tpu.memory_space<vmem>>, vector<1x16xf32>,
      %get3A_1358 = vector.shape_cast %get3A_1357 : vector<1x16xf32> to vector<16xf32>
      %mul3A_1359 = arith.mulf %get3A_45, %get3A_1358 : vector<16xf32>
      %add3A_1360 = arith.addf %get3A_1354, %mul3A_1359 : vector<16xf32>
      %get3A_1361 = arith.index_cast %scan3A_42 : i32 to index
      %get3A_1362 = arith.constant 992 : index
      %get3A_1363 = tpu.vector_load %arg14[%get3A_1361, %get3A_1362] {strides = array<i32>} : memref<32x1024xf32, #tpu.memory_space<vmem>>, vector<1x16xf32>,
      %get3A_1364 = vector.shape_cast %get3A_1363 : vector<1x16xf32> to vector<16xf32>
      %mul3A_1365 = arith.mulf %get3A_49, %get3A_1364 : vector<16xf32>
      %add3A_1366 = arith.addf %add3A_1360, %mul3A_1365 : vector<16xf32>
      %swap3A_1367 = arith.index_cast %scan3A_42 : i32 to index
      %swap3A_1368 = arith.constant 992 : index
      %swap3A_1369 = tpu.vector_load %arg15[%swap3A_1367, %swap3A_1368] {strides = array<i32>} : memref<32x1024xf32, #tpu.memory_space<vmem>>, vector<1x16xf32>,
      %swap3A_1370 = vector.shape_cast %swap3A_1369 : vector<1x16xf32> to vector<16xf32>
      %swap3A_1371 = vector.shape_cast %add3A_1366 : vector<16xf32> to vector<1x16xf32>
      tpu.vector_store %arg15[%swap3A_1367, %swap3A_1368], %swap3A_1371 {strides = array<i32>} : memref<32x1024xf32, #tpu.memory_space<vmem>>, vector<1x16xf32>,
      %get3A_1372 = arith.index_cast %scan3A_42 : i32 to index
      %get3A_1373 = arith.constant 1008 : index
      %get3A_1374 = tpu.vector_load %arg15[%get3A_1372, %get3A_1373] {strides = array<i32>} : memref<32x1024xf32, #tpu.memory_space<vmem>>, vector<1x16xf32>,
      %get3A_1375 = vector.shape_cast %get3A_1374 : vector<1x16xf32> to vector<16xf32>
      %get3A_1376 = arith.index_cast %scan3A_42 : i32 to index
      %get3A_1377 = arith.constant 1008 : index
      %get3A_1378 = tpu.vector_load %arg13[%get3A_1376, %get3A_1377] {strides = array<i32>} : memref<32x1024xf32, #tpu.memory_space<vmem>>, vector<1x16xf32>,
      %get3A_1379 = vector.shape_cast %get3A_1378 : vector<1x16xf32> to vector<16xf32>
      %mul3A_1380 = arith.mulf %get3A_45, %get3A_1379 : vector<16xf32>
      %add3A_1381 = arith.addf %get3A_1375, %mul3A_1380 : vector<16xf32>
      %get3A_1382 = arith.index_cast %scan3A_42 : i32 to index
      %get3A_1383 = arith.constant 1008 : index
      %get3A_1384 = tpu.vector_load %arg14[%get3A_1382, %get3A_1383] {strides = array<i32>} : memref<32x1024xf32, #tpu.memory_space<vmem>>, vector<1x16xf32>,
      %get3A_1385 = vector.shape_cast %get3A_1384 : vector<1x16xf32> to vector<16xf32>
      %mul3A_1386 = arith.mulf %get3A_49, %get3A_1385 : vector<16xf32>
      %add3A_1387 = arith.addf %add3A_1381, %mul3A_1386 : vector<16xf32>
      %swap3A_1388 = arith.index_cast %scan3A_42 : i32 to index
      %swap3A_1389 = arith.constant 1008 : index
      %swap3A_1390 = tpu.vector_load %arg15[%swap3A_1388, %swap3A_1389] {strides = array<i32>} : memref<32x1024xf32, #tpu.memory_space<vmem>>, vector<1x16xf32>,
      %swap3A_1391 = vector.shape_cast %swap3A_1390 : vector<1x16xf32> to vector<16xf32>
      %swap3A_1392 = vector.shape_cast %add3A_1387 : vector<16xf32> to vector<1x16xf32>
      tpu.vector_store %arg15[%swap3A_1388, %swap3A_1389], %swap3A_1392 {strides = array<i32>} : memref<32x1024xf32, #tpu.memory_space<vmem>>, vector<1x16xf32>,
    }
    %scan3A_41 = arith.constant 32 : i32
    "tpu.region"() ({
      %run_scoped3A = tpu.sem_alloc : memref<!tpu.dma_semaphore, #tpu.memory_space<semaphore_mem>>
      %dma_start3A_42 = arith.constant 0 : i32
      %dma_start3A_43 = tpu.memref_slice %arg8[%add3A_23, %dma_start3A_42] : memref<2048x1024xf32, #tpu.memory_space<hbm>> -> memref<32x1024xf32, #tpu.memory_space<hbm>>
      %dma_start3A_44 = arith.constant 0 : i32
      %dma_start3A_45 = tpu.memref_slice %arg8[%add3A_23, %dma_start3A_44] : memref<2048x1024xf32, #tpu.memory_space<hbm>> -> memref<32x1024xf32, #tpu.memory_space<hbm>>
      tpu.enqueue_dma source(%arg15 : memref<32x1024xf32, #tpu.memory_space<vmem>>) target(%dma_start3A_45 : memref<32x1024xf32, #tpu.memory_space<hbm>>) target_semaphore(%run_scoped3A : memref<!tpu.dma_semaphore, #tpu.memory_space<semaphore_mem>>)
      %dma_wait3A_46 = arith.constant 0 : i32
      %dma_wait3A_47 = tpu.memref_slice %arg8[%add3A_23, %dma_wait3A_46] : memref<2048x1024xf32, #tpu.memory_space<hbm>> -> memref<32x1024xf32, #tpu.memory_space<hbm>>
      %dma_wait3A_48 = arith.constant 0 : i32
      %dma_wait3A_49 = tpu.memref_slice %arg8[%add3A_23, %dma_wait3A_48] : memref<2048x1024xf32, #tpu.memory_space<hbm>> -> memref<32x1024xf32, #tpu.memory_space<hbm>>
      tpu.wait_dma2 semaphore(%run_scoped3A : memref<!tpu.dma_semaphore, #tpu.memory_space<semaphore_mem>>) src(%arg15 : memref<32x1024xf32, #tpu.memory_space<vmem>>) dst(%dma_wait3A_49 : memref<32x1024xf32, #tpu.memory_space<hbm>>)
      tpu.yield
    }) : () -> ()
    return
  }
}

#map = affine_map<(d0, d1) -> (0, 0)>
#map1 = affine_map<(d0, d1) -> (0)>
module attributes {stable_mosaic.version = 14 : i64} {
  func.func @k(%arg0: i32, %arg1: i32, %arg2: memref<2048x1024xf32, #tpu.memory_space<hbm>>, %arg3: memref<2048xi32, #tpu.memory_space<hbm>>, %arg4: memref<2048xi32, #tpu.memory_space<hbm>>, %arg5: memref<6144x1024xf32, #tpu.memory_space<hbm>>, %arg6: memref<64xi32, #tpu.memory_space<vmem>>, %arg7: memref<64xi32, #tpu.memory_space<vmem>>, %arg8: memref<64x1024xf32, #tpu.memory_space<vmem>>, %arg9: memref<!tpu.dma_semaphore, #tpu.memory_space<semaphore_mem>>) attributes {dimension_semantics = [#tpu.dimension_semantics<core_parallel>, #tpu.dimension_semantics<subcore_parallel>], iteration_bounds = array<i64: 2, 16>, scalar_prefetch = 0 : i64, scratch_operands = 4 : i64, tpu.core_type = #tpu.core_type<sc_vector_subcore>, window_params = [{transform_indices = #map}, {transform_indices = #map1}, {transform_indices = #map1}, {transform_indices = #map}]} {
    %mul3A = arith.constant 2 : i32
    %mul3A_0 = arith.muli %arg1, %mul3A : i32
    %add3A = arith.addi %mul3A_0, %arg0 : i32
    %mul3A_1 = arith.constant 64 : i32
    %mul3A_2 = arith.muli %add3A, %mul3A_1 : i32
    "tpu.region"() ({
      %run_scoped3A = tpu.sem_alloc : memref<!tpu.dma_semaphore, #tpu.memory_space<semaphore_mem>>
      %dma_start3A_13 = tpu.memref_slice %arg3[%mul3A_2] : memref<2048xi32, #tpu.memory_space<hbm>> -> memref<64xi32, #tpu.memory_space<hbm>>
      %dma_start3A_14 = tpu.memref_slice %arg3[%mul3A_2] : memref<2048xi32, #tpu.memory_space<hbm>> -> memref<64xi32, #tpu.memory_space<hbm>>
      tpu.enqueue_dma source(%dma_start3A_14 : memref<64xi32, #tpu.memory_space<hbm>>) target(%arg6 : memref<64xi32, #tpu.memory_space<vmem>>) target_semaphore(%run_scoped3A : memref<!tpu.dma_semaphore, #tpu.memory_space<semaphore_mem>>)
      %dma_wait3A_15 = tpu.memref_slice %arg3[%mul3A_2] : memref<2048xi32, #tpu.memory_space<hbm>> -> memref<64xi32, #tpu.memory_space<hbm>>
      %dma_wait3A_16 = tpu.memref_slice %arg3[%mul3A_2] : memref<2048xi32, #tpu.memory_space<hbm>> -> memref<64xi32, #tpu.memory_space<hbm>>
      tpu.wait_dma2 semaphore(%run_scoped3A : memref<!tpu.dma_semaphore, #tpu.memory_space<semaphore_mem>>) src(%dma_wait3A_16 : memref<64xi32, #tpu.memory_space<hbm>>) dst(%arg6 : memref<64xi32, #tpu.memory_space<vmem>>)
      tpu.yield
    }) : () -> ()
    "tpu.region"() ({
      %run_scoped3A = tpu.sem_alloc : memref<!tpu.dma_semaphore, #tpu.memory_space<semaphore_mem>>
      %dma_start3A_13 = tpu.memref_slice %arg4[%mul3A_2] : memref<2048xi32, #tpu.memory_space<hbm>> -> memref<64xi32, #tpu.memory_space<hbm>>
      %dma_start3A_14 = tpu.memref_slice %arg4[%mul3A_2] : memref<2048xi32, #tpu.memory_space<hbm>> -> memref<64xi32, #tpu.memory_space<hbm>>
      tpu.enqueue_dma source(%dma_start3A_14 : memref<64xi32, #tpu.memory_space<hbm>>) target(%arg7 : memref<64xi32, #tpu.memory_space<vmem>>) target_semaphore(%run_scoped3A : memref<!tpu.dma_semaphore, #tpu.memory_space<semaphore_mem>>)
      %dma_wait3A_15 = tpu.memref_slice %arg4[%mul3A_2] : memref<2048xi32, #tpu.memory_space<hbm>> -> memref<64xi32, #tpu.memory_space<hbm>>
      %dma_wait3A_16 = tpu.memref_slice %arg4[%mul3A_2] : memref<2048xi32, #tpu.memory_space<hbm>> -> memref<64xi32, #tpu.memory_space<hbm>>
      tpu.wait_dma2 semaphore(%run_scoped3A : memref<!tpu.dma_semaphore, #tpu.memory_space<semaphore_mem>>) src(%dma_wait3A_16 : memref<64xi32, #tpu.memory_space<hbm>>) dst(%arg7 : memref<64xi32, #tpu.memory_space<vmem>>)
      tpu.yield
    }) : () -> ()
    "tpu.region"() ({
      %run_scoped3A = tpu.sem_alloc : memref<!tpu.dma_semaphore, #tpu.memory_space<semaphore_mem>>
      %dma_start3A_13 = arith.constant 0 : i32
      %dma_start3A_14 = tpu.memref_slice %arg2[%mul3A_2, %dma_start3A_13] : memref<2048x1024xf32, #tpu.memory_space<hbm>> -> memref<64x1024xf32, #tpu.memory_space<hbm>>
      %dma_start3A_15 = arith.constant 0 : i32
      %dma_start3A_16 = tpu.memref_slice %arg2[%mul3A_2, %dma_start3A_15] : memref<2048x1024xf32, #tpu.memory_space<hbm>> -> memref<64x1024xf32, #tpu.memory_space<hbm>>
      tpu.enqueue_dma source(%dma_start3A_16 : memref<64x1024xf32, #tpu.memory_space<hbm>>) target(%arg8 : memref<64x1024xf32, #tpu.memory_space<vmem>>) target_semaphore(%run_scoped3A : memref<!tpu.dma_semaphore, #tpu.memory_space<semaphore_mem>>)
      %dma_wait3A_17 = arith.constant 0 : i32
      %dma_wait3A_18 = tpu.memref_slice %arg2[%mul3A_2, %dma_wait3A_17] : memref<2048x1024xf32, #tpu.memory_space<hbm>> -> memref<64x1024xf32, #tpu.memory_space<hbm>>
      %dma_wait3A_19 = arith.constant 0 : i32
      %dma_wait3A_20 = tpu.memref_slice %arg2[%mul3A_2, %dma_wait3A_19] : memref<2048x1024xf32, #tpu.memory_space<hbm>> -> memref<64x1024xf32, #tpu.memory_space<hbm>>
      tpu.wait_dma2 semaphore(%run_scoped3A : memref<!tpu.dma_semaphore, #tpu.memory_space<semaphore_mem>>) src(%dma_wait3A_20 : memref<64x1024xf32, #tpu.memory_space<hbm>>) dst(%arg8 : memref<64x1024xf32, #tpu.memory_space<vmem>>)
      tpu.yield
    }) : () -> ()
    %dma_start3A = arith.constant 0 : i32
    %dma_start3A_3 = arith.constant 0 : i32
    %dma_start3A_4 = tpu.memref_slice %arg5[%dma_start3A, %dma_start3A_3] : memref<6144x1024xf32, #tpu.memory_space<hbm>> -> memref<6144x1024xf32, #tpu.memory_space<hbm>>
    tpu.enqueue_indirect_dma source(%arg8 : memref<64x1024xf32, #tpu.memory_space<vmem>>) target(%dma_start3A_4 : memref<6144x1024xf32, #tpu.memory_space<hbm>>) offsets(%arg6 : memref<64xi32, #tpu.memory_space<vmem>>) semaphore(%arg9 : memref<!tpu.dma_semaphore, #tpu.memory_space<semaphore_mem>>)
    %dma_start3A_5 = arith.constant 0 : i32
    %dma_start3A_6 = arith.constant 0 : i32
    %dma_start3A_7 = tpu.memref_slice %arg5[%dma_start3A_5, %dma_start3A_6] : memref<6144x1024xf32, #tpu.memory_space<hbm>> -> memref<6144x1024xf32, #tpu.memory_space<hbm>>
    tpu.enqueue_indirect_dma source(%arg8 : memref<64x1024xf32, #tpu.memory_space<vmem>>) target(%dma_start3A_7 : memref<6144x1024xf32, #tpu.memory_space<hbm>>) offsets(%arg7 : memref<64xi32, #tpu.memory_space<vmem>>) semaphore(%arg9 : memref<!tpu.dma_semaphore, #tpu.memory_space<semaphore_mem>>)
    %dma_wait3A = arith.constant 0 : i32
    %dma_wait3A_8 = arith.constant 0 : i32
    %dma_wait3A_9 = tpu.memref_slice %arg5[%dma_wait3A, %dma_wait3A_8] : memref<6144x1024xf32, #tpu.memory_space<hbm>> -> memref<6144x1024xf32, #tpu.memory_space<hbm>>
    tpu.wait_indirect_dma semaphore(%arg9 : memref<!tpu.dma_semaphore, #tpu.memory_space<semaphore_mem>>) src(%arg8 : memref<64x1024xf32, #tpu.memory_space<vmem>>) dst(%dma_wait3A_9 : memref<6144x1024xf32, #tpu.memory_space<hbm>>)
    %dma_wait3A_10 = arith.constant 0 : i32
    %dma_wait3A_11 = arith.constant 0 : i32
    %dma_wait3A_12 = tpu.memref_slice %arg5[%dma_wait3A_10, %dma_wait3A_11] : memref<6144x1024xf32, #tpu.memory_space<hbm>> -> memref<6144x1024xf32, #tpu.memory_space<hbm>>
    tpu.wait_indirect_dma semaphore(%arg9 : memref<!tpu.dma_semaphore, #tpu.memory_space<semaphore_mem>>) src(%arg8 : memref<64x1024xf32, #tpu.memory_space<vmem>>) dst(%dma_wait3A_12 : memref<6144x1024xf32, #tpu.memory_space<hbm>>)
    return
  }
}

module attributes {stable_mosaic.version = 14 : i64} {
  func.func @_attn_kernel(%arg0: i32, %arg1: memref<256x3072xbf16, #tpu.memory_space<vmem>>, %arg2: memref<2048x3072xbf16, #tpu.memory_space<vmem>>, %arg3: memref<256x1024xbf16, #tpu.memory_space<vmem>>) attributes {dimension_semantics = [#tpu.dimension_semantics<arbitrary>], iteration_bounds = array<i64: 8>, scalar_prefetch = 0 : i64, scratch_operands = 0 : i64, tpu.core_type = #tpu.core_type<tc>, window_params = [{transform_indices = @transform_0, window_bounds = array<i64: 256, 3072>}, {pipeline_mode = #tpu.pipeline_mode<synchronous>, transform_indices = @transform_1, window_bounds = array<i64: 2048, 3072>}, {transform_indices = @transform_2, window_bounds = array<i64: 256, 1024>}]} {
    %mul3A = arith.constant 256 : i32
    %mul3A_0 = arith.muli %arg0, %mul3A : i32
    %iota3A = tpu.iota {dimensions = array<i32: 0>} : vector<256x2048xi32>
    %add3A = vector.broadcast %mul3A_0 : i32 to vector<256x2048xi32>
    %add3A_1 = arith.addi %add3A, %iota3A : vector<256x2048xi32>
    %iota3A_2 = tpu.iota {dimensions = array<i32: 1>} : vector<256x2048xi32>
    %le3A = arith.cmpi sle, %iota3A_2, %add3A_1 : vector<256x2048xi32>
    %get3A = arith.constant 0 : index
    %get3A_3 = arith.constant 0 : index
    %get3A_4 = vector.load %arg1[%get3A, %get3A_3] : memref<256x3072xbf16, #tpu.memory_space<vmem>>, vector<256x64xbf16>
    %get3A_5 = arith.constant 0 : index
    %get3A_6 = arith.constant 1024 : index
    %get3A_7 = vector.load %arg2[%get3A_5, %get3A_6] : memref<2048x3072xbf16, #tpu.memory_space<vmem>>, vector<2048x64xbf16>
    %get3A_8 = arith.constant 0 : index
    %get3A_9 = arith.constant 2048 : index
    %get3A_10 = vector.load %arg2[%get3A_8, %get3A_9] : memref<2048x3072xbf16, #tpu.memory_space<vmem>>, vector<2048x64xbf16>
    %dot_general3A = arith.constant dense<0.000000e+00> : vector<256x2048xf32>
    %dot_general3A_11 = tpu.matmul %get3A_4, %get3A_7, %dot_general3A {dimension_numbers = #tpu.dot_dimension_numbers<[1], [1], [0], [0], [0, 0, 1, 0], [], []>, transpose_lhs_hint = false} : vector<256x64xbf16>, vector<2048x64xbf16>, vector<256x2048xf32> -> vector<256x2048xf32>
    %mul3A_12 = arith.constant 1.250000e-01 : f32
    %mul3A_13 = vector.broadcast %mul3A_12 : f32 to vector<256x2048xf32>
    %mul3A_14 = arith.mulf %dot_general3A_11, %mul3A_13 : vector<256x2048xf32>
    %jit3A = arith.constant -3.40282347E+38 : f32
    %broadcast_in_dim3A = vector.broadcast %jit3A : f32 to vector<256x2048xf32>
    %select_n3A = arith.select %le3A, %mul3A_14, %broadcast_in_dim3A : vector<256x2048xi1>, vector<256x2048xf32>
    %reduce_max3A = arith.constant dense<0xFF800000> : vector<256xf32>
    %reduce_max3A_15 = vector.multi_reduction <maximumf>, %select_n3A, %reduce_max3A [1] : vector<256x2048xf32> to vector<256xf32>
    %broadcast_in_dim3A_16 = vector.shape_cast %reduce_max3A_15 : vector<256xf32> to vector<256x1xf32>
    %sub3A = vector.broadcast %broadcast_in_dim3A_16 : vector<256x1xf32> to vector<256x2048xf32>
    %sub3A_17 = arith.subf %select_n3A, %sub3A : vector<256x2048xf32>
    %exp3A = math.exp %sub3A_17 : vector<256x2048xf32>
    %reduce_sum3A = arith.constant dense<0.000000e+00> : vector<256xf32>
    %reduce_sum3A_18 = vector.multi_reduction <add>, %exp3A, %reduce_sum3A [1] : vector<256x2048xf32> to vector<256xf32>
    %broadcast_in_dim3A_19 = vector.shape_cast %reduce_sum3A_18 : vector<256xf32> to vector<256x1xf32>
    %convert_element_type3A = arith.truncf %exp3A : vector<256x2048xf32> to vector<256x2048xbf16>
    %dot_general3A_20 = arith.constant dense<0.000000e+00> : vector<256x64xf32>
    %dot_general3A_21 = tpu.matmul %convert_element_type3A, %get3A_10, %dot_general3A_20 {dimension_numbers = #tpu.dot_dimension_numbers<[1], [0], [0], [1], [0, 0, 1, 1], [], []>, transpose_lhs_hint = false} : vector<256x2048xbf16>, vector<2048x64xbf16>, vector<256x64xf32> -> vector<256x64xf32>
    %div3A = vector.broadcast %broadcast_in_dim3A_19 : vector<256x1xf32> to vector<256x64xf32>
    %div3A_22 = arith.divf %dot_general3A_21, %div3A : vector<256x64xf32>
    %get3A_23 = arith.constant 0 : index
    %get3A_24 = arith.constant 64 : index
    %get3A_25 = vector.load %arg1[%get3A_23, %get3A_24] : memref<256x3072xbf16, #tpu.memory_space<vmem>>, vector<256x64xbf16>
    %get3A_26 = arith.constant 0 : index
    %get3A_27 = arith.constant 1088 : index
    %get3A_28 = vector.load %arg2[%get3A_26, %get3A_27] : memref<2048x3072xbf16, #tpu.memory_space<vmem>>, vector<2048x64xbf16>
    %get3A_29 = arith.constant 0 : index
    %get3A_30 = arith.constant 2112 : index
    %get3A_31 = vector.load %arg2[%get3A_29, %get3A_30] : memref<2048x3072xbf16, #tpu.memory_space<vmem>>, vector<2048x64xbf16>
    %dot_general3A_32 = arith.constant dense<0.000000e+00> : vector<256x2048xf32>
    %dot_general3A_33 = tpu.matmul %get3A_25, %get3A_28, %dot_general3A_32 {dimension_numbers = #tpu.dot_dimension_numbers<[1], [1], [0], [0], [0, 0, 1, 0], [], []>, transpose_lhs_hint = false} : vector<256x64xbf16>, vector<2048x64xbf16>, vector<256x2048xf32> -> vector<256x2048xf32>
    %mul3A_34 = arith.constant 1.250000e-01 : f32
    %mul3A_35 = vector.broadcast %mul3A_34 : f32 to vector<256x2048xf32>
    %mul3A_36 = arith.mulf %dot_general3A_33, %mul3A_35 : vector<256x2048xf32>
    %jit3A_37 = arith.constant -3.40282347E+38 : f32
    %broadcast_in_dim3A_38 = vector.broadcast %jit3A_37 : f32 to vector<256x2048xf32>
    %select_n3A_39 = arith.select %le3A, %mul3A_36, %broadcast_in_dim3A_38 : vector<256x2048xi1>, vector<256x2048xf32>
    %reduce_max3A_40 = arith.constant dense<0xFF800000> : vector<256xf32>
    %reduce_max3A_41 = vector.multi_reduction <maximumf>, %select_n3A_39, %reduce_max3A_40 [1] : vector<256x2048xf32> to vector<256xf32>
    %broadcast_in_dim3A_42 = vector.shape_cast %reduce_max3A_41 : vector<256xf32> to vector<256x1xf32>
    %sub3A_43 = vector.broadcast %broadcast_in_dim3A_42 : vector<256x1xf32> to vector<256x2048xf32>
    %sub3A_44 = arith.subf %select_n3A_39, %sub3A_43 : vector<256x2048xf32>
    %exp3A_45 = math.exp %sub3A_44 : vector<256x2048xf32>
    %reduce_sum3A_46 = arith.constant dense<0.000000e+00> : vector<256xf32>
    %reduce_sum3A_47 = vector.multi_reduction <add>, %exp3A_45, %reduce_sum3A_46 [1] : vector<256x2048xf32> to vector<256xf32>
    %broadcast_in_dim3A_48 = vector.shape_cast %reduce_sum3A_47 : vector<256xf32> to vector<256x1xf32>
    %convert_element_type3A_49 = arith.truncf %exp3A_45 : vector<256x2048xf32> to vector<256x2048xbf16>
    %dot_general3A_50 = arith.constant dense<0.000000e+00> : vector<256x64xf32>
    %dot_general3A_51 = tpu.matmul %convert_element_type3A_49, %get3A_31, %dot_general3A_50 {dimension_numbers = #tpu.dot_dimension_numbers<[1], [0], [0], [1], [0, 0, 1, 1], [], []>, transpose_lhs_hint = false} : vector<256x2048xbf16>, vector<2048x64xbf16>, vector<256x64xf32> -> vector<256x64xf32>
    %div3A_52 = vector.broadcast %broadcast_in_dim3A_48 : vector<256x1xf32> to vector<256x64xf32>
    %div3A_53 = arith.divf %dot_general3A_51, %div3A_52 : vector<256x64xf32>
    %get3A_54 = arith.constant 0 : index
    %get3A_55 = arith.constant 128 : index
    %get3A_56 = vector.load %arg1[%get3A_54, %get3A_55] : memref<256x3072xbf16, #tpu.memory_space<vmem>>, vector<256x64xbf16>
    %get3A_57 = arith.constant 0 : index
    %get3A_58 = arith.constant 1152 : index
    %get3A_59 = vector.load %arg2[%get3A_57, %get3A_58] : memref<2048x3072xbf16, #tpu.memory_space<vmem>>, vector<2048x64xbf16>
    %get3A_60 = arith.constant 0 : index
    %get3A_61 = arith.constant 2176 : index
    %get3A_62 = vector.load %arg2[%get3A_60, %get3A_61] : memref<2048x3072xbf16, #tpu.memory_space<vmem>>, vector<2048x64xbf16>
    %dot_general3A_63 = arith.constant dense<0.000000e+00> : vector<256x2048xf32>
    %dot_general3A_64 = tpu.matmul %get3A_56, %get3A_59, %dot_general3A_63 {dimension_numbers = #tpu.dot_dimension_numbers<[1], [1], [0], [0], [0, 0, 1, 0], [], []>, transpose_lhs_hint = false} : vector<256x64xbf16>, vector<2048x64xbf16>, vector<256x2048xf32> -> vector<256x2048xf32>
    %mul3A_65 = arith.constant 1.250000e-01 : f32
    %mul3A_66 = vector.broadcast %mul3A_65 : f32 to vector<256x2048xf32>
    %mul3A_67 = arith.mulf %dot_general3A_64, %mul3A_66 : vector<256x2048xf32>
    %jit3A_68 = arith.constant -3.40282347E+38 : f32
    %broadcast_in_dim3A_69 = vector.broadcast %jit3A_68 : f32 to vector<256x2048xf32>
    %select_n3A_70 = arith.select %le3A, %mul3A_67, %broadcast_in_dim3A_69 : vector<256x2048xi1>, vector<256x2048xf32>
    %reduce_max3A_71 = arith.constant dense<0xFF800000> : vector<256xf32>
    %reduce_max3A_72 = vector.multi_reduction <maximumf>, %select_n3A_70, %reduce_max3A_71 [1] : vector<256x2048xf32> to vector<256xf32>
    %broadcast_in_dim3A_73 = vector.shape_cast %reduce_max3A_72 : vector<256xf32> to vector<256x1xf32>
    %sub3A_74 = vector.broadcast %broadcast_in_dim3A_73 : vector<256x1xf32> to vector<256x2048xf32>
    %sub3A_75 = arith.subf %select_n3A_70, %sub3A_74 : vector<256x2048xf32>
    %exp3A_76 = math.exp %sub3A_75 : vector<256x2048xf32>
    %reduce_sum3A_77 = arith.constant dense<0.000000e+00> : vector<256xf32>
    %reduce_sum3A_78 = vector.multi_reduction <add>, %exp3A_76, %reduce_sum3A_77 [1] : vector<256x2048xf32> to vector<256xf32>
    %broadcast_in_dim3A_79 = vector.shape_cast %reduce_sum3A_78 : vector<256xf32> to vector<256x1xf32>
    %convert_element_type3A_80 = arith.truncf %exp3A_76 : vector<256x2048xf32> to vector<256x2048xbf16>
    %dot_general3A_81 = arith.constant dense<0.000000e+00> : vector<256x64xf32>
    %dot_general3A_82 = tpu.matmul %convert_element_type3A_80, %get3A_62, %dot_general3A_81 {dimension_numbers = #tpu.dot_dimension_numbers<[1], [0], [0], [1], [0, 0, 1, 1], [], []>, transpose_lhs_hint = false} : vector<256x2048xbf16>, vector<2048x64xbf16>, vector<256x64xf32> -> vector<256x64xf32>
    %div3A_83 = vector.broadcast %broadcast_in_dim3A_79 : vector<256x1xf32> to vector<256x64xf32>
    %div3A_84 = arith.divf %dot_general3A_82, %div3A_83 : vector<256x64xf32>
    %get3A_85 = arith.constant 0 : index
    %get3A_86 = arith.constant 192 : index
    %get3A_87 = vector.load %arg1[%get3A_85, %get3A_86] : memref<256x3072xbf16, #tpu.memory_space<vmem>>, vector<256x64xbf16>
    %get3A_88 = arith.constant 0 : index
    %get3A_89 = arith.constant 1216 : index
    %get3A_90 = vector.load %arg2[%get3A_88, %get3A_89] : memref<2048x3072xbf16, #tpu.memory_space<vmem>>, vector<2048x64xbf16>
    %get3A_91 = arith.constant 0 : index
    %get3A_92 = arith.constant 2240 : index
    %get3A_93 = vector.load %arg2[%get3A_91, %get3A_92] : memref<2048x3072xbf16, #tpu.memory_space<vmem>>, vector<2048x64xbf16>
    %dot_general3A_94 = arith.constant dense<0.000000e+00> : vector<256x2048xf32>
    %dot_general3A_95 = tpu.matmul %get3A_87, %get3A_90, %dot_general3A_94 {dimension_numbers = #tpu.dot_dimension_numbers<[1], [1], [0], [0], [0, 0, 1, 0], [], []>, transpose_lhs_hint = false} : vector<256x64xbf16>, vector<2048x64xbf16>, vector<256x2048xf32> -> vector<256x2048xf32>
    %mul3A_96 = arith.constant 1.250000e-01 : f32
    %mul3A_97 = vector.broadcast %mul3A_96 : f32 to vector<256x2048xf32>
    %mul3A_98 = arith.mulf %dot_general3A_95, %mul3A_97 : vector<256x2048xf32>
    %jit3A_99 = arith.constant -3.40282347E+38 : f32
    %broadcast_in_dim3A_100 = vector.broadcast %jit3A_99 : f32 to vector<256x2048xf32>
    %select_n3A_101 = arith.select %le3A, %mul3A_98, %broadcast_in_dim3A_100 : vector<256x2048xi1>, vector<256x2048xf32>
    %reduce_max3A_102 = arith.constant dense<0xFF800000> : vector<256xf32>
    %reduce_max3A_103 = vector.multi_reduction <maximumf>, %select_n3A_101, %reduce_max3A_102 [1] : vector<256x2048xf32> to vector<256xf32>
    %broadcast_in_dim3A_104 = vector.shape_cast %reduce_max3A_103 : vector<256xf32> to vector<256x1xf32>
    %sub3A_105 = vector.broadcast %broadcast_in_dim3A_104 : vector<256x1xf32> to vector<256x2048xf32>
    %sub3A_106 = arith.subf %select_n3A_101, %sub3A_105 : vector<256x2048xf32>
    %exp3A_107 = math.exp %sub3A_106 : vector<256x2048xf32>
    %reduce_sum3A_108 = arith.constant dense<0.000000e+00> : vector<256xf32>
    %reduce_sum3A_109 = vector.multi_reduction <add>, %exp3A_107, %reduce_sum3A_108 [1] : vector<256x2048xf32> to vector<256xf32>
    %broadcast_in_dim3A_110 = vector.shape_cast %reduce_sum3A_109 : vector<256xf32> to vector<256x1xf32>
    %convert_element_type3A_111 = arith.truncf %exp3A_107 : vector<256x2048xf32> to vector<256x2048xbf16>
    %dot_general3A_112 = arith.constant dense<0.000000e+00> : vector<256x64xf32>
    %dot_general3A_113 = tpu.matmul %convert_element_type3A_111, %get3A_93, %dot_general3A_112 {dimension_numbers = #tpu.dot_dimension_numbers<[1], [0], [0], [1], [0, 0, 1, 1], [], []>, transpose_lhs_hint = false} : vector<256x2048xbf16>, vector<2048x64xbf16>, vector<256x64xf32> -> vector<256x64xf32>
    %div3A_114 = vector.broadcast %broadcast_in_dim3A_110 : vector<256x1xf32> to vector<256x64xf32>
    %div3A_115 = arith.divf %dot_general3A_113, %div3A_114 : vector<256x64xf32>
    %get3A_116 = arith.constant 0 : index
    %get3A_117 = arith.constant 256 : index
    %get3A_118 = vector.load %arg1[%get3A_116, %get3A_117] : memref<256x3072xbf16, #tpu.memory_space<vmem>>, vector<256x64xbf16>
    %get3A_119 = arith.constant 0 : index
    %get3A_120 = arith.constant 1280 : index
    %get3A_121 = vector.load %arg2[%get3A_119, %get3A_120] : memref<2048x3072xbf16, #tpu.memory_space<vmem>>, vector<2048x64xbf16>
    %get3A_122 = arith.constant 0 : index
    %get3A_123 = arith.constant 2304 : index
    %get3A_124 = vector.load %arg2[%get3A_122, %get3A_123] : memref<2048x3072xbf16, #tpu.memory_space<vmem>>, vector<2048x64xbf16>
    %dot_general3A_125 = arith.constant dense<0.000000e+00> : vector<256x2048xf32>
    %dot_general3A_126 = tpu.matmul %get3A_118, %get3A_121, %dot_general3A_125 {dimension_numbers = #tpu.dot_dimension_numbers<[1], [1], [0], [0], [0, 0, 1, 0], [], []>, transpose_lhs_hint = false} : vector<256x64xbf16>, vector<2048x64xbf16>, vector<256x2048xf32> -> vector<256x2048xf32>
    %mul3A_127 = arith.constant 1.250000e-01 : f32
    %mul3A_128 = vector.broadcast %mul3A_127 : f32 to vector<256x2048xf32>
    %mul3A_129 = arith.mulf %dot_general3A_126, %mul3A_128 : vector<256x2048xf32>
    %jit3A_130 = arith.constant -3.40282347E+38 : f32
    %broadcast_in_dim3A_131 = vector.broadcast %jit3A_130 : f32 to vector<256x2048xf32>
    %select_n3A_132 = arith.select %le3A, %mul3A_129, %broadcast_in_dim3A_131 : vector<256x2048xi1>, vector<256x2048xf32>
    %reduce_max3A_133 = arith.constant dense<0xFF800000> : vector<256xf32>
    %reduce_max3A_134 = vector.multi_reduction <maximumf>, %select_n3A_132, %reduce_max3A_133 [1] : vector<256x2048xf32> to vector<256xf32>
    %broadcast_in_dim3A_135 = vector.shape_cast %reduce_max3A_134 : vector<256xf32> to vector<256x1xf32>
    %sub3A_136 = vector.broadcast %broadcast_in_dim3A_135 : vector<256x1xf32> to vector<256x2048xf32>
    %sub3A_137 = arith.subf %select_n3A_132, %sub3A_136 : vector<256x2048xf32>
    %exp3A_138 = math.exp %sub3A_137 : vector<256x2048xf32>
    %reduce_sum3A_139 = arith.constant dense<0.000000e+00> : vector<256xf32>
    %reduce_sum3A_140 = vector.multi_reduction <add>, %exp3A_138, %reduce_sum3A_139 [1] : vector<256x2048xf32> to vector<256xf32>
    %broadcast_in_dim3A_141 = vector.shape_cast %reduce_sum3A_140 : vector<256xf32> to vector<256x1xf32>
    %convert_element_type3A_142 = arith.truncf %exp3A_138 : vector<256x2048xf32> to vector<256x2048xbf16>
    %dot_general3A_143 = arith.constant dense<0.000000e+00> : vector<256x64xf32>
    %dot_general3A_144 = tpu.matmul %convert_element_type3A_142, %get3A_124, %dot_general3A_143 {dimension_numbers = #tpu.dot_dimension_numbers<[1], [0], [0], [1], [0, 0, 1, 1], [], []>, transpose_lhs_hint = false} : vector<256x2048xbf16>, vector<2048x64xbf16>, vector<256x64xf32> -> vector<256x64xf32>
    %div3A_145 = vector.broadcast %broadcast_in_dim3A_141 : vector<256x1xf32> to vector<256x64xf32>
    %div3A_146 = arith.divf %dot_general3A_144, %div3A_145 : vector<256x64xf32>
    %get3A_147 = arith.constant 0 : index
    %get3A_148 = arith.constant 320 : index
    %get3A_149 = vector.load %arg1[%get3A_147, %get3A_148] : memref<256x3072xbf16, #tpu.memory_space<vmem>>, vector<256x64xbf16>
    %get3A_150 = arith.constant 0 : index
    %get3A_151 = arith.constant 1344 : index
    %get3A_152 = vector.load %arg2[%get3A_150, %get3A_151] : memref<2048x3072xbf16, #tpu.memory_space<vmem>>, vector<2048x64xbf16>
    %get3A_153 = arith.constant 0 : index
    %get3A_154 = arith.constant 2368 : index
    %get3A_155 = vector.load %arg2[%get3A_153, %get3A_154] : memref<2048x3072xbf16, #tpu.memory_space<vmem>>, vector<2048x64xbf16>
    %dot_general3A_156 = arith.constant dense<0.000000e+00> : vector<256x2048xf32>
    %dot_general3A_157 = tpu.matmul %get3A_149, %get3A_152, %dot_general3A_156 {dimension_numbers = #tpu.dot_dimension_numbers<[1], [1], [0], [0], [0, 0, 1, 0], [], []>, transpose_lhs_hint = false} : vector<256x64xbf16>, vector<2048x64xbf16>, vector<256x2048xf32> -> vector<256x2048xf32>
    %mul3A_158 = arith.constant 1.250000e-01 : f32
    %mul3A_159 = vector.broadcast %mul3A_158 : f32 to vector<256x2048xf32>
    %mul3A_160 = arith.mulf %dot_general3A_157, %mul3A_159 : vector<256x2048xf32>
    %jit3A_161 = arith.constant -3.40282347E+38 : f32
    %broadcast_in_dim3A_162 = vector.broadcast %jit3A_161 : f32 to vector<256x2048xf32>
    %select_n3A_163 = arith.select %le3A, %mul3A_160, %broadcast_in_dim3A_162 : vector<256x2048xi1>, vector<256x2048xf32>
    %reduce_max3A_164 = arith.constant dense<0xFF800000> : vector<256xf32>
    %reduce_max3A_165 = vector.multi_reduction <maximumf>, %select_n3A_163, %reduce_max3A_164 [1] : vector<256x2048xf32> to vector<256xf32>
    %broadcast_in_dim3A_166 = vector.shape_cast %reduce_max3A_165 : vector<256xf32> to vector<256x1xf32>
    %sub3A_167 = vector.broadcast %broadcast_in_dim3A_166 : vector<256x1xf32> to vector<256x2048xf32>
    %sub3A_168 = arith.subf %select_n3A_163, %sub3A_167 : vector<256x2048xf32>
    %exp3A_169 = math.exp %sub3A_168 : vector<256x2048xf32>
    %reduce_sum3A_170 = arith.constant dense<0.000000e+00> : vector<256xf32>
    %reduce_sum3A_171 = vector.multi_reduction <add>, %exp3A_169, %reduce_sum3A_170 [1] : vector<256x2048xf32> to vector<256xf32>
    %broadcast_in_dim3A_172 = vector.shape_cast %reduce_sum3A_171 : vector<256xf32> to vector<256x1xf32>
    %convert_element_type3A_173 = arith.truncf %exp3A_169 : vector<256x2048xf32> to vector<256x2048xbf16>
    %dot_general3A_174 = arith.constant dense<0.000000e+00> : vector<256x64xf32>
    %dot_general3A_175 = tpu.matmul %convert_element_type3A_173, %get3A_155, %dot_general3A_174 {dimension_numbers = #tpu.dot_dimension_numbers<[1], [0], [0], [1], [0, 0, 1, 1], [], []>, transpose_lhs_hint = false} : vector<256x2048xbf16>, vector<2048x64xbf16>, vector<256x64xf32> -> vector<256x64xf32>
    %div3A_176 = vector.broadcast %broadcast_in_dim3A_172 : vector<256x1xf32> to vector<256x64xf32>
    %div3A_177 = arith.divf %dot_general3A_175, %div3A_176 : vector<256x64xf32>
    %get3A_178 = arith.constant 0 : index
    %get3A_179 = arith.constant 384 : index
    %get3A_180 = vector.load %arg1[%get3A_178, %get3A_179] : memref<256x3072xbf16, #tpu.memory_space<vmem>>, vector<256x64xbf16>
    %get3A_181 = arith.constant 0 : index
    %get3A_182 = arith.constant 1408 : index
    %get3A_183 = vector.load %arg2[%get3A_181, %get3A_182] : memref<2048x3072xbf16, #tpu.memory_space<vmem>>, vector<2048x64xbf16>
    %get3A_184 = arith.constant 0 : index
    %get3A_185 = arith.constant 2432 : index
    %get3A_186 = vector.load %arg2[%get3A_184, %get3A_185] : memref<2048x3072xbf16, #tpu.memory_space<vmem>>, vector<2048x64xbf16>
    %dot_general3A_187 = arith.constant dense<0.000000e+00> : vector<256x2048xf32>
    %dot_general3A_188 = tpu.matmul %get3A_180, %get3A_183, %dot_general3A_187 {dimension_numbers = #tpu.dot_dimension_numbers<[1], [1], [0], [0], [0, 0, 1, 0], [], []>, transpose_lhs_hint = false} : vector<256x64xbf16>, vector<2048x64xbf16>, vector<256x2048xf32> -> vector<256x2048xf32>
    %mul3A_189 = arith.constant 1.250000e-01 : f32
    %mul3A_190 = vector.broadcast %mul3A_189 : f32 to vector<256x2048xf32>
    %mul3A_191 = arith.mulf %dot_general3A_188, %mul3A_190 : vector<256x2048xf32>
    %jit3A_192 = arith.constant -3.40282347E+38 : f32
    %broadcast_in_dim3A_193 = vector.broadcast %jit3A_192 : f32 to vector<256x2048xf32>
    %select_n3A_194 = arith.select %le3A, %mul3A_191, %broadcast_in_dim3A_193 : vector<256x2048xi1>, vector<256x2048xf32>
    %reduce_max3A_195 = arith.constant dense<0xFF800000> : vector<256xf32>
    %reduce_max3A_196 = vector.multi_reduction <maximumf>, %select_n3A_194, %reduce_max3A_195 [1] : vector<256x2048xf32> to vector<256xf32>
    %broadcast_in_dim3A_197 = vector.shape_cast %reduce_max3A_196 : vector<256xf32> to vector<256x1xf32>
    %sub3A_198 = vector.broadcast %broadcast_in_dim3A_197 : vector<256x1xf32> to vector<256x2048xf32>
    %sub3A_199 = arith.subf %select_n3A_194, %sub3A_198 : vector<256x2048xf32>
    %exp3A_200 = math.exp %sub3A_199 : vector<256x2048xf32>
    %reduce_sum3A_201 = arith.constant dense<0.000000e+00> : vector<256xf32>
    %reduce_sum3A_202 = vector.multi_reduction <add>, %exp3A_200, %reduce_sum3A_201 [1] : vector<256x2048xf32> to vector<256xf32>
    %broadcast_in_dim3A_203 = vector.shape_cast %reduce_sum3A_202 : vector<256xf32> to vector<256x1xf32>
    %convert_element_type3A_204 = arith.truncf %exp3A_200 : vector<256x2048xf32> to vector<256x2048xbf16>
    %dot_general3A_205 = arith.constant dense<0.000000e+00> : vector<256x64xf32>
    %dot_general3A_206 = tpu.matmul %convert_element_type3A_204, %get3A_186, %dot_general3A_205 {dimension_numbers = #tpu.dot_dimension_numbers<[1], [0], [0], [1], [0, 0, 1, 1], [], []>, transpose_lhs_hint = false} : vector<256x2048xbf16>, vector<2048x64xbf16>, vector<256x64xf32> -> vector<256x64xf32>
    %div3A_207 = vector.broadcast %broadcast_in_dim3A_203 : vector<256x1xf32> to vector<256x64xf32>
    %div3A_208 = arith.divf %dot_general3A_206, %div3A_207 : vector<256x64xf32>
    %get3A_209 = arith.constant 0 : index
    %get3A_210 = arith.constant 448 : index
    %get3A_211 = vector.load %arg1[%get3A_209, %get3A_210] : memref<256x3072xbf16, #tpu.memory_space<vmem>>, vector<256x64xbf16>
    %get3A_212 = arith.constant 0 : index
    %get3A_213 = arith.constant 1472 : index
    %get3A_214 = vector.load %arg2[%get3A_212, %get3A_213] : memref<2048x3072xbf16, #tpu.memory_space<vmem>>, vector<2048x64xbf16>
    %get3A_215 = arith.constant 0 : index
    %get3A_216 = arith.constant 2496 : index
    %get3A_217 = vector.load %arg2[%get3A_215, %get3A_216] : memref<2048x3072xbf16, #tpu.memory_space<vmem>>, vector<2048x64xbf16>
    %dot_general3A_218 = arith.constant dense<0.000000e+00> : vector<256x2048xf32>
    %dot_general3A_219 = tpu.matmul %get3A_211, %get3A_214, %dot_general3A_218 {dimension_numbers = #tpu.dot_dimension_numbers<[1], [1], [0], [0], [0, 0, 1, 0], [], []>, transpose_lhs_hint = false} : vector<256x64xbf16>, vector<2048x64xbf16>, vector<256x2048xf32> -> vector<256x2048xf32>
    %mul3A_220 = arith.constant 1.250000e-01 : f32
    %mul3A_221 = vector.broadcast %mul3A_220 : f32 to vector<256x2048xf32>
    %mul3A_222 = arith.mulf %dot_general3A_219, %mul3A_221 : vector<256x2048xf32>
    %jit3A_223 = arith.constant -3.40282347E+38 : f32
    %broadcast_in_dim3A_224 = vector.broadcast %jit3A_223 : f32 to vector<256x2048xf32>
    %select_n3A_225 = arith.select %le3A, %mul3A_222, %broadcast_in_dim3A_224 : vector<256x2048xi1>, vector<256x2048xf32>
    %reduce_max3A_226 = arith.constant dense<0xFF800000> : vector<256xf32>
    %reduce_max3A_227 = vector.multi_reduction <maximumf>, %select_n3A_225, %reduce_max3A_226 [1] : vector<256x2048xf32> to vector<256xf32>
    %broadcast_in_dim3A_228 = vector.shape_cast %reduce_max3A_227 : vector<256xf32> to vector<256x1xf32>
    %sub3A_229 = vector.broadcast %broadcast_in_dim3A_228 : vector<256x1xf32> to vector<256x2048xf32>
    %sub3A_230 = arith.subf %select_n3A_225, %sub3A_229 : vector<256x2048xf32>
    %exp3A_231 = math.exp %sub3A_230 : vector<256x2048xf32>
    %reduce_sum3A_232 = arith.constant dense<0.000000e+00> : vector<256xf32>
    %reduce_sum3A_233 = vector.multi_reduction <add>, %exp3A_231, %reduce_sum3A_232 [1] : vector<256x2048xf32> to vector<256xf32>
    %broadcast_in_dim3A_234 = vector.shape_cast %reduce_sum3A_233 : vector<256xf32> to vector<256x1xf32>
    %convert_element_type3A_235 = arith.truncf %exp3A_231 : vector<256x2048xf32> to vector<256x2048xbf16>
    %dot_general3A_236 = arith.constant dense<0.000000e+00> : vector<256x64xf32>
    %dot_general3A_237 = tpu.matmul %convert_element_type3A_235, %get3A_217, %dot_general3A_236 {dimension_numbers = #tpu.dot_dimension_numbers<[1], [0], [0], [1], [0, 0, 1, 1], [], []>, transpose_lhs_hint = false} : vector<256x2048xbf16>, vector<2048x64xbf16>, vector<256x64xf32> -> vector<256x64xf32>
    %div3A_238 = vector.broadcast %broadcast_in_dim3A_234 : vector<256x1xf32> to vector<256x64xf32>
    %div3A_239 = arith.divf %dot_general3A_237, %div3A_238 : vector<256x64xf32>
    %get3A_240 = arith.constant 0 : index
    %get3A_241 = arith.constant 512 : index
    %get3A_242 = vector.load %arg1[%get3A_240, %get3A_241] : memref<256x3072xbf16, #tpu.memory_space<vmem>>, vector<256x64xbf16>
    %get3A_243 = arith.constant 0 : index
    %get3A_244 = arith.constant 1536 : index
    %get3A_245 = vector.load %arg2[%get3A_243, %get3A_244] : memref<2048x3072xbf16, #tpu.memory_space<vmem>>, vector<2048x64xbf16>
    %get3A_246 = arith.constant 0 : index
    %get3A_247 = arith.constant 2560 : index
    %get3A_248 = vector.load %arg2[%get3A_246, %get3A_247] : memref<2048x3072xbf16, #tpu.memory_space<vmem>>, vector<2048x64xbf16>
    %dot_general3A_249 = arith.constant dense<0.000000e+00> : vector<256x2048xf32>
    %dot_general3A_250 = tpu.matmul %get3A_242, %get3A_245, %dot_general3A_249 {dimension_numbers = #tpu.dot_dimension_numbers<[1], [1], [0], [0], [0, 0, 1, 0], [], []>, transpose_lhs_hint = false} : vector<256x64xbf16>, vector<2048x64xbf16>, vector<256x2048xf32> -> vector<256x2048xf32>
    %mul3A_251 = arith.constant 1.250000e-01 : f32
    %mul3A_252 = vector.broadcast %mul3A_251 : f32 to vector<256x2048xf32>
    %mul3A_253 = arith.mulf %dot_general3A_250, %mul3A_252 : vector<256x2048xf32>
    %jit3A_254 = arith.constant -3.40282347E+38 : f32
    %broadcast_in_dim3A_255 = vector.broadcast %jit3A_254 : f32 to vector<256x2048xf32>
    %select_n3A_256 = arith.select %le3A, %mul3A_253, %broadcast_in_dim3A_255 : vector<256x2048xi1>, vector<256x2048xf32>
    %reduce_max3A_257 = arith.constant dense<0xFF800000> : vector<256xf32>
    %reduce_max3A_258 = vector.multi_reduction <maximumf>, %select_n3A_256, %reduce_max3A_257 [1] : vector<256x2048xf32> to vector<256xf32>
    %broadcast_in_dim3A_259 = vector.shape_cast %reduce_max3A_258 : vector<256xf32> to vector<256x1xf32>
    %sub3A_260 = vector.broadcast %broadcast_in_dim3A_259 : vector<256x1xf32> to vector<256x2048xf32>
    %sub3A_261 = arith.subf %select_n3A_256, %sub3A_260 : vector<256x2048xf32>
    %exp3A_262 = math.exp %sub3A_261 : vector<256x2048xf32>
    %reduce_sum3A_263 = arith.constant dense<0.000000e+00> : vector<256xf32>
    %reduce_sum3A_264 = vector.multi_reduction <add>, %exp3A_262, %reduce_sum3A_263 [1] : vector<256x2048xf32> to vector<256xf32>
    %broadcast_in_dim3A_265 = vector.shape_cast %reduce_sum3A_264 : vector<256xf32> to vector<256x1xf32>
    %convert_element_type3A_266 = arith.truncf %exp3A_262 : vector<256x2048xf32> to vector<256x2048xbf16>
    %dot_general3A_267 = arith.constant dense<0.000000e+00> : vector<256x64xf32>
    %dot_general3A_268 = tpu.matmul %convert_element_type3A_266, %get3A_248, %dot_general3A_267 {dimension_numbers = #tpu.dot_dimension_numbers<[1], [0], [0], [1], [0, 0, 1, 1], [], []>, transpose_lhs_hint = false} : vector<256x2048xbf16>, vector<2048x64xbf16>, vector<256x64xf32> -> vector<256x64xf32>
    %div3A_269 = vector.broadcast %broadcast_in_dim3A_265 : vector<256x1xf32> to vector<256x64xf32>
    %div3A_270 = arith.divf %dot_general3A_268, %div3A_269 : vector<256x64xf32>
    %get3A_271 = arith.constant 0 : index
    %get3A_272 = arith.constant 576 : index
    %get3A_273 = vector.load %arg1[%get3A_271, %get3A_272] : memref<256x3072xbf16, #tpu.memory_space<vmem>>, vector<256x64xbf16>
    %get3A_274 = arith.constant 0 : index
    %get3A_275 = arith.constant 1600 : index
    %get3A_276 = vector.load %arg2[%get3A_274, %get3A_275] : memref<2048x3072xbf16, #tpu.memory_space<vmem>>, vector<2048x64xbf16>
    %get3A_277 = arith.constant 0 : index
    %get3A_278 = arith.constant 2624 : index
    %get3A_279 = vector.load %arg2[%get3A_277, %get3A_278] : memref<2048x3072xbf16, #tpu.memory_space<vmem>>, vector<2048x64xbf16>
    %dot_general3A_280 = arith.constant dense<0.000000e+00> : vector<256x2048xf32>
    %dot_general3A_281 = tpu.matmul %get3A_273, %get3A_276, %dot_general3A_280 {dimension_numbers = #tpu.dot_dimension_numbers<[1], [1], [0], [0], [0, 0, 1, 0], [], []>, transpose_lhs_hint = false} : vector<256x64xbf16>, vector<2048x64xbf16>, vector<256x2048xf32> -> vector<256x2048xf32>
    %mul3A_282 = arith.constant 1.250000e-01 : f32
    %mul3A_283 = vector.broadcast %mul3A_282 : f32 to vector<256x2048xf32>
    %mul3A_284 = arith.mulf %dot_general3A_281, %mul3A_283 : vector<256x2048xf32>
    %jit3A_285 = arith.constant -3.40282347E+38 : f32
    %broadcast_in_dim3A_286 = vector.broadcast %jit3A_285 : f32 to vector<256x2048xf32>
    %select_n3A_287 = arith.select %le3A, %mul3A_284, %broadcast_in_dim3A_286 : vector<256x2048xi1>, vector<256x2048xf32>
    %reduce_max3A_288 = arith.constant dense<0xFF800000> : vector<256xf32>
    %reduce_max3A_289 = vector.multi_reduction <maximumf>, %select_n3A_287, %reduce_max3A_288 [1] : vector<256x2048xf32> to vector<256xf32>
    %broadcast_in_dim3A_290 = vector.shape_cast %reduce_max3A_289 : vector<256xf32> to vector<256x1xf32>
    %sub3A_291 = vector.broadcast %broadcast_in_dim3A_290 : vector<256x1xf32> to vector<256x2048xf32>
    %sub3A_292 = arith.subf %select_n3A_287, %sub3A_291 : vector<256x2048xf32>
    %exp3A_293 = math.exp %sub3A_292 : vector<256x2048xf32>
    %reduce_sum3A_294 = arith.constant dense<0.000000e+00> : vector<256xf32>
    %reduce_sum3A_295 = vector.multi_reduction <add>, %exp3A_293, %reduce_sum3A_294 [1] : vector<256x2048xf32> to vector<256xf32>
    %broadcast_in_dim3A_296 = vector.shape_cast %reduce_sum3A_295 : vector<256xf32> to vector<256x1xf32>
    %convert_element_type3A_297 = arith.truncf %exp3A_293 : vector<256x2048xf32> to vector<256x2048xbf16>
    %dot_general3A_298 = arith.constant dense<0.000000e+00> : vector<256x64xf32>
    %dot_general3A_299 = tpu.matmul %convert_element_type3A_297, %get3A_279, %dot_general3A_298 {dimension_numbers = #tpu.dot_dimension_numbers<[1], [0], [0], [1], [0, 0, 1, 1], [], []>, transpose_lhs_hint = false} : vector<256x2048xbf16>, vector<2048x64xbf16>, vector<256x64xf32> -> vector<256x64xf32>
    %div3A_300 = vector.broadcast %broadcast_in_dim3A_296 : vector<256x1xf32> to vector<256x64xf32>
    %div3A_301 = arith.divf %dot_general3A_299, %div3A_300 : vector<256x64xf32>
    %get3A_302 = arith.constant 0 : index
    %get3A_303 = arith.constant 640 : index
    %get3A_304 = vector.load %arg1[%get3A_302, %get3A_303] : memref<256x3072xbf16, #tpu.memory_space<vmem>>, vector<256x64xbf16>
    %get3A_305 = arith.constant 0 : index
    %get3A_306 = arith.constant 1664 : index
    %get3A_307 = vector.load %arg2[%get3A_305, %get3A_306] : memref<2048x3072xbf16, #tpu.memory_space<vmem>>, vector<2048x64xbf16>
    %get3A_308 = arith.constant 0 : index
    %get3A_309 = arith.constant 2688 : index
    %get3A_310 = vector.load %arg2[%get3A_308, %get3A_309] : memref<2048x3072xbf16, #tpu.memory_space<vmem>>, vector<2048x64xbf16>
    %dot_general3A_311 = arith.constant dense<0.000000e+00> : vector<256x2048xf32>
    %dot_general3A_312 = tpu.matmul %get3A_304, %get3A_307, %dot_general3A_311 {dimension_numbers = #tpu.dot_dimension_numbers<[1], [1], [0], [0], [0, 0, 1, 0], [], []>, transpose_lhs_hint = false} : vector<256x64xbf16>, vector<2048x64xbf16>, vector<256x2048xf32> -> vector<256x2048xf32>
    %mul3A_313 = arith.constant 1.250000e-01 : f32
    %mul3A_314 = vector.broadcast %mul3A_313 : f32 to vector<256x2048xf32>
    %mul3A_315 = arith.mulf %dot_general3A_312, %mul3A_314 : vector<256x2048xf32>
    %jit3A_316 = arith.constant -3.40282347E+38 : f32
    %broadcast_in_dim3A_317 = vector.broadcast %jit3A_316 : f32 to vector<256x2048xf32>
    %select_n3A_318 = arith.select %le3A, %mul3A_315, %broadcast_in_dim3A_317 : vector<256x2048xi1>, vector<256x2048xf32>
    %reduce_max3A_319 = arith.constant dense<0xFF800000> : vector<256xf32>
    %reduce_max3A_320 = vector.multi_reduction <maximumf>, %select_n3A_318, %reduce_max3A_319 [1] : vector<256x2048xf32> to vector<256xf32>
    %broadcast_in_dim3A_321 = vector.shape_cast %reduce_max3A_320 : vector<256xf32> to vector<256x1xf32>
    %sub3A_322 = vector.broadcast %broadcast_in_dim3A_321 : vector<256x1xf32> to vector<256x2048xf32>
    %sub3A_323 = arith.subf %select_n3A_318, %sub3A_322 : vector<256x2048xf32>
    %exp3A_324 = math.exp %sub3A_323 : vector<256x2048xf32>
    %reduce_sum3A_325 = arith.constant dense<0.000000e+00> : vector<256xf32>
    %reduce_sum3A_326 = vector.multi_reduction <add>, %exp3A_324, %reduce_sum3A_325 [1] : vector<256x2048xf32> to vector<256xf32>
    %broadcast_in_dim3A_327 = vector.shape_cast %reduce_sum3A_326 : vector<256xf32> to vector<256x1xf32>
    %convert_element_type3A_328 = arith.truncf %exp3A_324 : vector<256x2048xf32> to vector<256x2048xbf16>
    %dot_general3A_329 = arith.constant dense<0.000000e+00> : vector<256x64xf32>
    %dot_general3A_330 = tpu.matmul %convert_element_type3A_328, %get3A_310, %dot_general3A_329 {dimension_numbers = #tpu.dot_dimension_numbers<[1], [0], [0], [1], [0, 0, 1, 1], [], []>, transpose_lhs_hint = false} : vector<256x2048xbf16>, vector<2048x64xbf16>, vector<256x64xf32> -> vector<256x64xf32>
    %div3A_331 = vector.broadcast %broadcast_in_dim3A_327 : vector<256x1xf32> to vector<256x64xf32>
    %div3A_332 = arith.divf %dot_general3A_330, %div3A_331 : vector<256x64xf32>
    %get3A_333 = arith.constant 0 : index
    %get3A_334 = arith.constant 704 : index
    %get3A_335 = vector.load %arg1[%get3A_333, %get3A_334] : memref<256x3072xbf16, #tpu.memory_space<vmem>>, vector<256x64xbf16>
    %get3A_336 = arith.constant 0 : index
    %get3A_337 = arith.constant 1728 : index
    %get3A_338 = vector.load %arg2[%get3A_336, %get3A_337] : memref<2048x3072xbf16, #tpu.memory_space<vmem>>, vector<2048x64xbf16>
    %get3A_339 = arith.constant 0 : index
    %get3A_340 = arith.constant 2752 : index
    %get3A_341 = vector.load %arg2[%get3A_339, %get3A_340] : memref<2048x3072xbf16, #tpu.memory_space<vmem>>, vector<2048x64xbf16>
    %dot_general3A_342 = arith.constant dense<0.000000e+00> : vector<256x2048xf32>
    %dot_general3A_343 = tpu.matmul %get3A_335, %get3A_338, %dot_general3A_342 {dimension_numbers = #tpu.dot_dimension_numbers<[1], [1], [0], [0], [0, 0, 1, 0], [], []>, transpose_lhs_hint = false} : vector<256x64xbf16>, vector<2048x64xbf16>, vector<256x2048xf32> -> vector<256x2048xf32>
    %mul3A_344 = arith.constant 1.250000e-01 : f32
    %mul3A_345 = vector.broadcast %mul3A_344 : f32 to vector<256x2048xf32>
    %mul3A_346 = arith.mulf %dot_general3A_343, %mul3A_345 : vector<256x2048xf32>
    %jit3A_347 = arith.constant -3.40282347E+38 : f32
    %broadcast_in_dim3A_348 = vector.broadcast %jit3A_347 : f32 to vector<256x2048xf32>
    %select_n3A_349 = arith.select %le3A, %mul3A_346, %broadcast_in_dim3A_348 : vector<256x2048xi1>, vector<256x2048xf32>
    %reduce_max3A_350 = arith.constant dense<0xFF800000> : vector<256xf32>
    %reduce_max3A_351 = vector.multi_reduction <maximumf>, %select_n3A_349, %reduce_max3A_350 [1] : vector<256x2048xf32> to vector<256xf32>
    %broadcast_in_dim3A_352 = vector.shape_cast %reduce_max3A_351 : vector<256xf32> to vector<256x1xf32>
    %sub3A_353 = vector.broadcast %broadcast_in_dim3A_352 : vector<256x1xf32> to vector<256x2048xf32>
    %sub3A_354 = arith.subf %select_n3A_349, %sub3A_353 : vector<256x2048xf32>
    %exp3A_355 = math.exp %sub3A_354 : vector<256x2048xf32>
    %reduce_sum3A_356 = arith.constant dense<0.000000e+00> : vector<256xf32>
    %reduce_sum3A_357 = vector.multi_reduction <add>, %exp3A_355, %reduce_sum3A_356 [1] : vector<256x2048xf32> to vector<256xf32>
    %broadcast_in_dim3A_358 = vector.shape_cast %reduce_sum3A_357 : vector<256xf32> to vector<256x1xf32>
    %convert_element_type3A_359 = arith.truncf %exp3A_355 : vector<256x2048xf32> to vector<256x2048xbf16>
    %dot_general3A_360 = arith.constant dense<0.000000e+00> : vector<256x64xf32>
    %dot_general3A_361 = tpu.matmul %convert_element_type3A_359, %get3A_341, %dot_general3A_360 {dimension_numbers = #tpu.dot_dimension_numbers<[1], [0], [0], [1], [0, 0, 1, 1], [], []>, transpose_lhs_hint = false} : vector<256x2048xbf16>, vector<2048x64xbf16>, vector<256x64xf32> -> vector<256x64xf32>
    %div3A_362 = vector.broadcast %broadcast_in_dim3A_358 : vector<256x1xf32> to vector<256x64xf32>
    %div3A_363 = arith.divf %dot_general3A_361, %div3A_362 : vector<256x64xf32>
    %get3A_364 = arith.constant 0 : index
    %get3A_365 = arith.constant 768 : index
    %get3A_366 = vector.load %arg1[%get3A_364, %get3A_365] : memref<256x3072xbf16, #tpu.memory_space<vmem>>, vector<256x64xbf16>
    %get3A_367 = arith.constant 0 : index
    %get3A_368 = arith.constant 1792 : index
    %get3A_369 = vector.load %arg2[%get3A_367, %get3A_368] : memref<2048x3072xbf16, #tpu.memory_space<vmem>>, vector<2048x64xbf16>
    %get3A_370 = arith.constant 0 : index
    %get3A_371 = arith.constant 2816 : index
    %get3A_372 = vector.load %arg2[%get3A_370, %get3A_371] : memref<2048x3072xbf16, #tpu.memory_space<vmem>>, vector<2048x64xbf16>
    %dot_general3A_373 = arith.constant dense<0.000000e+00> : vector<256x2048xf32>
    %dot_general3A_374 = tpu.matmul %get3A_366, %get3A_369, %dot_general3A_373 {dimension_numbers = #tpu.dot_dimension_numbers<[1], [1], [0], [0], [0, 0, 1, 0], [], []>, transpose_lhs_hint = false} : vector<256x64xbf16>, vector<2048x64xbf16>, vector<256x2048xf32> -> vector<256x2048xf32>
    %mul3A_375 = arith.constant 1.250000e-01 : f32
    %mul3A_376 = vector.broadcast %mul3A_375 : f32 to vector<256x2048xf32>
    %mul3A_377 = arith.mulf %dot_general3A_374, %mul3A_376 : vector<256x2048xf32>
    %jit3A_378 = arith.constant -3.40282347E+38 : f32
    %broadcast_in_dim3A_379 = vector.broadcast %jit3A_378 : f32 to vector<256x2048xf32>
    %select_n3A_380 = arith.select %le3A, %mul3A_377, %broadcast_in_dim3A_379 : vector<256x2048xi1>, vector<256x2048xf32>
    %reduce_max3A_381 = arith.constant dense<0xFF800000> : vector<256xf32>
    %reduce_max3A_382 = vector.multi_reduction <maximumf>, %select_n3A_380, %reduce_max3A_381 [1] : vector<256x2048xf32> to vector<256xf32>
    %broadcast_in_dim3A_383 = vector.shape_cast %reduce_max3A_382 : vector<256xf32> to vector<256x1xf32>
    %sub3A_384 = vector.broadcast %broadcast_in_dim3A_383 : vector<256x1xf32> to vector<256x2048xf32>
    %sub3A_385 = arith.subf %select_n3A_380, %sub3A_384 : vector<256x2048xf32>
    %exp3A_386 = math.exp %sub3A_385 : vector<256x2048xf32>
    %reduce_sum3A_387 = arith.constant dense<0.000000e+00> : vector<256xf32>
    %reduce_sum3A_388 = vector.multi_reduction <add>, %exp3A_386, %reduce_sum3A_387 [1] : vector<256x2048xf32> to vector<256xf32>
    %broadcast_in_dim3A_389 = vector.shape_cast %reduce_sum3A_388 : vector<256xf32> to vector<256x1xf32>
    %convert_element_type3A_390 = arith.truncf %exp3A_386 : vector<256x2048xf32> to vector<256x2048xbf16>
    %dot_general3A_391 = arith.constant dense<0.000000e+00> : vector<256x64xf32>
    %dot_general3A_392 = tpu.matmul %convert_element_type3A_390, %get3A_372, %dot_general3A_391 {dimension_numbers = #tpu.dot_dimension_numbers<[1], [0], [0], [1], [0, 0, 1, 1], [], []>, transpose_lhs_hint = false} : vector<256x2048xbf16>, vector<2048x64xbf16>, vector<256x64xf32> -> vector<256x64xf32>
    %div3A_393 = vector.broadcast %broadcast_in_dim3A_389 : vector<256x1xf32> to vector<256x64xf32>
    %div3A_394 = arith.divf %dot_general3A_392, %div3A_393 : vector<256x64xf32>
    %get3A_395 = arith.constant 0 : index
    %get3A_396 = arith.constant 832 : index
    %get3A_397 = vector.load %arg1[%get3A_395, %get3A_396] : memref<256x3072xbf16, #tpu.memory_space<vmem>>, vector<256x64xbf16>
    %get3A_398 = arith.constant 0 : index
    %get3A_399 = arith.constant 1856 : index
    %get3A_400 = vector.load %arg2[%get3A_398, %get3A_399] : memref<2048x3072xbf16, #tpu.memory_space<vmem>>, vector<2048x64xbf16>
    %get3A_401 = arith.constant 0 : index
    %get3A_402 = arith.constant 2880 : index
    %get3A_403 = vector.load %arg2[%get3A_401, %get3A_402] : memref<2048x3072xbf16, #tpu.memory_space<vmem>>, vector<2048x64xbf16>
    %dot_general3A_404 = arith.constant dense<0.000000e+00> : vector<256x2048xf32>
    %dot_general3A_405 = tpu.matmul %get3A_397, %get3A_400, %dot_general3A_404 {dimension_numbers = #tpu.dot_dimension_numbers<[1], [1], [0], [0], [0, 0, 1, 0], [], []>, transpose_lhs_hint = false} : vector<256x64xbf16>, vector<2048x64xbf16>, vector<256x2048xf32> -> vector<256x2048xf32>
    %mul3A_406 = arith.constant 1.250000e-01 : f32
    %mul3A_407 = vector.broadcast %mul3A_406 : f32 to vector<256x2048xf32>
    %mul3A_408 = arith.mulf %dot_general3A_405, %mul3A_407 : vector<256x2048xf32>
    %jit3A_409 = arith.constant -3.40282347E+38 : f32
    %broadcast_in_dim3A_410 = vector.broadcast %jit3A_409 : f32 to vector<256x2048xf32>
    %select_n3A_411 = arith.select %le3A, %mul3A_408, %broadcast_in_dim3A_410 : vector<256x2048xi1>, vector<256x2048xf32>
    %reduce_max3A_412 = arith.constant dense<0xFF800000> : vector<256xf32>
    %reduce_max3A_413 = vector.multi_reduction <maximumf>, %select_n3A_411, %reduce_max3A_412 [1] : vector<256x2048xf32> to vector<256xf32>
    %broadcast_in_dim3A_414 = vector.shape_cast %reduce_max3A_413 : vector<256xf32> to vector<256x1xf32>
    %sub3A_415 = vector.broadcast %broadcast_in_dim3A_414 : vector<256x1xf32> to vector<256x2048xf32>
    %sub3A_416 = arith.subf %select_n3A_411, %sub3A_415 : vector<256x2048xf32>
    %exp3A_417 = math.exp %sub3A_416 : vector<256x2048xf32>
    %reduce_sum3A_418 = arith.constant dense<0.000000e+00> : vector<256xf32>
    %reduce_sum3A_419 = vector.multi_reduction <add>, %exp3A_417, %reduce_sum3A_418 [1] : vector<256x2048xf32> to vector<256xf32>
    %broadcast_in_dim3A_420 = vector.shape_cast %reduce_sum3A_419 : vector<256xf32> to vector<256x1xf32>
    %convert_element_type3A_421 = arith.truncf %exp3A_417 : vector<256x2048xf32> to vector<256x2048xbf16>
    %dot_general3A_422 = arith.constant dense<0.000000e+00> : vector<256x64xf32>
    %dot_general3A_423 = tpu.matmul %convert_element_type3A_421, %get3A_403, %dot_general3A_422 {dimension_numbers = #tpu.dot_dimension_numbers<[1], [0], [0], [1], [0, 0, 1, 1], [], []>, transpose_lhs_hint = false} : vector<256x2048xbf16>, vector<2048x64xbf16>, vector<256x64xf32> -> vector<256x64xf32>
    %div3A_424 = vector.broadcast %broadcast_in_dim3A_420 : vector<256x1xf32> to vector<256x64xf32>
    %div3A_425 = arith.divf %dot_general3A_423, %div3A_424 : vector<256x64xf32>
    %get3A_426 = arith.constant 0 : index
    %get3A_427 = arith.constant 896 : index
    %get3A_428 = vector.load %arg1[%get3A_426, %get3A_427] : memref<256x3072xbf16, #tpu.memory_space<vmem>>, vector<256x64xbf16>
    %get3A_429 = arith.constant 0 : index
    %get3A_430 = arith.constant 1920 : index
    %get3A_431 = vector.load %arg2[%get3A_429, %get3A_430] : memref<2048x3072xbf16, #tpu.memory_space<vmem>>, vector<2048x64xbf16>
    %get3A_432 = arith.constant 0 : index
    %get3A_433 = arith.constant 2944 : index
    %get3A_434 = vector.load %arg2[%get3A_432, %get3A_433] : memref<2048x3072xbf16, #tpu.memory_space<vmem>>, vector<2048x64xbf16>
    %dot_general3A_435 = arith.constant dense<0.000000e+00> : vector<256x2048xf32>
    %dot_general3A_436 = tpu.matmul %get3A_428, %get3A_431, %dot_general3A_435 {dimension_numbers = #tpu.dot_dimension_numbers<[1], [1], [0], [0], [0, 0, 1, 0], [], []>, transpose_lhs_hint = false} : vector<256x64xbf16>, vector<2048x64xbf16>, vector<256x2048xf32> -> vector<256x2048xf32>
    %mul3A_437 = arith.constant 1.250000e-01 : f32
    %mul3A_438 = vector.broadcast %mul3A_437 : f32 to vector<256x2048xf32>
    %mul3A_439 = arith.mulf %dot_general3A_436, %mul3A_438 : vector<256x2048xf32>
    %jit3A_440 = arith.constant -3.40282347E+38 : f32
    %broadcast_in_dim3A_441 = vector.broadcast %jit3A_440 : f32 to vector<256x2048xf32>
    %select_n3A_442 = arith.select %le3A, %mul3A_439, %broadcast_in_dim3A_441 : vector<256x2048xi1>, vector<256x2048xf32>
    %reduce_max3A_443 = arith.constant dense<0xFF800000> : vector<256xf32>
    %reduce_max3A_444 = vector.multi_reduction <maximumf>, %select_n3A_442, %reduce_max3A_443 [1] : vector<256x2048xf32> to vector<256xf32>
    %broadcast_in_dim3A_445 = vector.shape_cast %reduce_max3A_444 : vector<256xf32> to vector<256x1xf32>
    %sub3A_446 = vector.broadcast %broadcast_in_dim3A_445 : vector<256x1xf32> to vector<256x2048xf32>
    %sub3A_447 = arith.subf %select_n3A_442, %sub3A_446 : vector<256x2048xf32>
    %exp3A_448 = math.exp %sub3A_447 : vector<256x2048xf32>
    %reduce_sum3A_449 = arith.constant dense<0.000000e+00> : vector<256xf32>
    %reduce_sum3A_450 = vector.multi_reduction <add>, %exp3A_448, %reduce_sum3A_449 [1] : vector<256x2048xf32> to vector<256xf32>
    %broadcast_in_dim3A_451 = vector.shape_cast %reduce_sum3A_450 : vector<256xf32> to vector<256x1xf32>
    %convert_element_type3A_452 = arith.truncf %exp3A_448 : vector<256x2048xf32> to vector<256x2048xbf16>
    %dot_general3A_453 = arith.constant dense<0.000000e+00> : vector<256x64xf32>
    %dot_general3A_454 = tpu.matmul %convert_element_type3A_452, %get3A_434, %dot_general3A_453 {dimension_numbers = #tpu.dot_dimension_numbers<[1], [0], [0], [1], [0, 0, 1, 1], [], []>, transpose_lhs_hint = false} : vector<256x2048xbf16>, vector<2048x64xbf16>, vector<256x64xf32> -> vector<256x64xf32>
    %div3A_455 = vector.broadcast %broadcast_in_dim3A_451 : vector<256x1xf32> to vector<256x64xf32>
    %div3A_456 = arith.divf %dot_general3A_454, %div3A_455 : vector<256x64xf32>
    %get3A_457 = arith.constant 0 : index
    %get3A_458 = arith.constant 960 : index
    %get3A_459 = vector.load %arg1[%get3A_457, %get3A_458] : memref<256x3072xbf16, #tpu.memory_space<vmem>>, vector<256x64xbf16>
    %get3A_460 = arith.constant 0 : index
    %get3A_461 = arith.constant 1984 : index
    %get3A_462 = vector.load %arg2[%get3A_460, %get3A_461] : memref<2048x3072xbf16, #tpu.memory_space<vmem>>, vector<2048x64xbf16>
    %get3A_463 = arith.constant 0 : index
    %get3A_464 = arith.constant 3008 : index
    %get3A_465 = vector.load %arg2[%get3A_463, %get3A_464] : memref<2048x3072xbf16, #tpu.memory_space<vmem>>, vector<2048x64xbf16>
    %dot_general3A_466 = arith.constant dense<0.000000e+00> : vector<256x2048xf32>
    %dot_general3A_467 = tpu.matmul %get3A_459, %get3A_462, %dot_general3A_466 {dimension_numbers = #tpu.dot_dimension_numbers<[1], [1], [0], [0], [0, 0, 1, 0], [], []>, transpose_lhs_hint = false} : vector<256x64xbf16>, vector<2048x64xbf16>, vector<256x2048xf32> -> vector<256x2048xf32>
    %mul3A_468 = arith.constant 1.250000e-01 : f32
    %mul3A_469 = vector.broadcast %mul3A_468 : f32 to vector<256x2048xf32>
    %mul3A_470 = arith.mulf %dot_general3A_467, %mul3A_469 : vector<256x2048xf32>
    %jit3A_471 = arith.constant -3.40282347E+38 : f32
    %broadcast_in_dim3A_472 = vector.broadcast %jit3A_471 : f32 to vector<256x2048xf32>
    %select_n3A_473 = arith.select %le3A, %mul3A_470, %broadcast_in_dim3A_472 : vector<256x2048xi1>, vector<256x2048xf32>
    %reduce_max3A_474 = arith.constant dense<0xFF800000> : vector<256xf32>
    %reduce_max3A_475 = vector.multi_reduction <maximumf>, %select_n3A_473, %reduce_max3A_474 [1] : vector<256x2048xf32> to vector<256xf32>
    %broadcast_in_dim3A_476 = vector.shape_cast %reduce_max3A_475 : vector<256xf32> to vector<256x1xf32>
    %sub3A_477 = vector.broadcast %broadcast_in_dim3A_476 : vector<256x1xf32> to vector<256x2048xf32>
    %sub3A_478 = arith.subf %select_n3A_473, %sub3A_477 : vector<256x2048xf32>
    %exp3A_479 = math.exp %sub3A_478 : vector<256x2048xf32>
    %reduce_sum3A_480 = arith.constant dense<0.000000e+00> : vector<256xf32>
    %reduce_sum3A_481 = vector.multi_reduction <add>, %exp3A_479, %reduce_sum3A_480 [1] : vector<256x2048xf32> to vector<256xf32>
    %broadcast_in_dim3A_482 = vector.shape_cast %reduce_sum3A_481 : vector<256xf32> to vector<256x1xf32>
    %convert_element_type3A_483 = arith.truncf %exp3A_479 : vector<256x2048xf32> to vector<256x2048xbf16>
    %dot_general3A_484 = arith.constant dense<0.000000e+00> : vector<256x64xf32>
    %dot_general3A_485 = tpu.matmul %convert_element_type3A_483, %get3A_465, %dot_general3A_484 {dimension_numbers = #tpu.dot_dimension_numbers<[1], [0], [0], [1], [0, 0, 1, 1], [], []>, transpose_lhs_hint = false} : vector<256x2048xbf16>, vector<2048x64xbf16>, vector<256x64xf32> -> vector<256x64xf32>
    %div3A_486 = vector.broadcast %broadcast_in_dim3A_482 : vector<256x1xf32> to vector<256x64xf32>
    %div3A_487 = arith.divf %dot_general3A_485, %div3A_486 : vector<256x64xf32>
    %concatenate3A = tpu.concatenate %div3A_22, %div3A_53, %div3A_84, %div3A_115, %div3A_146, %div3A_177, %div3A_208, %div3A_239, %div3A_270, %div3A_301, %div3A_332, %div3A_363, %div3A_394, %div3A_425, %div3A_456, %div3A_487 in 1 : vector<256x64xf32>, vector<256x64xf32>, vector<256x64xf32>, vector<256x64xf32>, vector<256x64xf32>, vector<256x64xf32>, vector<256x64xf32>, vector<256x64xf32>, vector<256x64xf32>, vector<256x64xf32>, vector<256x64xf32>, vector<256x64xf32>, vector<256x64xf32>, vector<256x64xf32>, vector<256x64xf32>, vector<256x64xf32> -> vector<256x1024xf32>
    %convert_element_type3A_488 = arith.truncf %concatenate3A : vector<256x1024xf32> to vector<256x1024xbf16>
    %swap3A = arith.constant 0 : index
    %swap3A_489 = arith.constant 0 : index
    %swap3A_490 = vector.load %arg3[%swap3A, %swap3A_489] : memref<256x1024xbf16, #tpu.memory_space<vmem>>, vector<256x1024xbf16>
    tpu.vector_store %arg3[%swap3A, %swap3A_489], %convert_element_type3A_488 {strides = array<i32>} : memref<256x1024xbf16, #tpu.memory_space<vmem>>, vector<256x1024xbf16>,
    return
  }
  func.func @transform_0(%arg0: i32) -> (i32, i32) {
    %c0_i32 = arith.constant 0 : i32
    %c0_i32_0 = arith.constant 0 : i32
    return %arg0, %c0_i32 : i32, i32
  }
  func.func @transform_1(%arg0: i32) -> (i32, i32) {
    %c0_i32 = arith.constant 0 : i32
    %c0_i32_0 = arith.constant 0 : i32
    %c0_i32_1 = arith.constant 0 : i32
    return %c0_i32, %c0_i32_0 : i32, i32
  }
  func.func @transform_2(%arg0: i32) -> (i32, i32) {
    %c0_i32 = arith.constant 0 : i32
    %c0_i32_0 = arith.constant 0 : i32
    return %arg0, %c0_i32 : i32, i32
  }
}

module attributes {stable_mosaic.version = 14 : i64} {
  func.func @_qkv_kernel(%arg0: i32, %arg1: memref<256x1024xf32, #tpu.memory_space<vmem>>, %arg2: memref<1x1024xf32, #tpu.memory_space<vmem>>, %arg3: memref<1024x3072xf32, #tpu.memory_space<vmem>>, %arg4: memref<256x3072xbf16, #tpu.memory_space<vmem>>) attributes {dimension_semantics = [#tpu.dimension_semantics<arbitrary>], iteration_bounds = array<i64: 8>, scalar_prefetch = 0 : i64, scratch_operands = 0 : i64, tpu.core_type = #tpu.core_type<tc>, window_params = [{transform_indices = @transform_0, window_bounds = array<i64: 256, 1024>}, {pipeline_mode = #tpu.pipeline_mode<synchronous>, transform_indices = @transform_1, window_bounds = array<i64: 1, 1024>}, {pipeline_mode = #tpu.pipeline_mode<synchronous>, transform_indices = @transform_2, window_bounds = array<i64: 1024, 3072>}, {transform_indices = @transform_3, window_bounds = array<i64: 256, 3072>}]} {
    %get3A = arith.constant 0 : index
    %get3A_0 = arith.constant 0 : index
    %get3A_1 = vector.load %arg1[%get3A, %get3A_0] : memref<256x1024xf32, #tpu.memory_space<vmem>>, vector<256x1024xf32>
    %get3A_2 = arith.constant 0 : index
    %get3A_3 = arith.constant 0 : index
    %get3A_4 = vector.load %arg2[%get3A_2, %get3A_3] : memref<1x1024xf32, #tpu.memory_space<vmem>>, vector<1x1024xf32>
    %mul3A = arith.mulf %get3A_1, %get3A_1 : vector<256x1024xf32>
    %reduce_sum3A = arith.constant dense<0.000000e+00> : vector<256xf32>
    %reduce_sum3A_5 = vector.multi_reduction <add>, %mul3A, %reduce_sum3A [1] : vector<256x1024xf32> to vector<256xf32>
    %broadcast_in_dim3A = vector.shape_cast %reduce_sum3A_5 : vector<256xf32> to vector<256x1xf32>
    %div3A = arith.constant 1.024000e+03 : f32
    %div3A_6 = vector.broadcast %div3A : f32 to vector<256x1xf32>
    %div3A_7 = arith.divf %broadcast_in_dim3A, %div3A_6 : vector<256x1xf32>
    %add3A = arith.constant 9.99999997E-7 : f32
    %add3A_8 = vector.broadcast %add3A : f32 to vector<256x1xf32>
    %add3A_9 = arith.addf %div3A_7, %add3A_8 : vector<256x1xf32>
    %rsqrt3A = math.rsqrt %add3A_9 : vector<256x1xf32>
    %mul3A_10 = vector.broadcast %rsqrt3A : vector<256x1xf32> to vector<256x1024xf32>
    %mul3A_11 = arith.mulf %get3A_1, %mul3A_10 : vector<256x1024xf32>
    %mul3A_12 = vector.broadcast %get3A_4 : vector<1x1024xf32> to vector<256x1024xf32>
    %mul3A_13 = arith.mulf %mul3A_11, %mul3A_12 : vector<256x1024xf32>
    %convert_element_type3A = arith.truncf %mul3A_13 : vector<256x1024xf32> to vector<256x1024xbf16>
    %get3A_14 = arith.constant 0 : index
    %get3A_15 = arith.constant 0 : index
    %get3A_16 = vector.load %arg3[%get3A_14, %get3A_15] : memref<1024x3072xf32, #tpu.memory_space<vmem>>, vector<1024x3072xf32>
    %convert_element_type3A_17 = arith.truncf %get3A_16 : vector<1024x3072xf32> to vector<1024x3072xbf16>
    %dot_general3A = arith.constant dense<0.000000e+00> : vector<256x3072xf32>
    %dot_general3A_18 = tpu.matmul %convert_element_type3A, %convert_element_type3A_17, %dot_general3A {dimension_numbers = #tpu.dot_dimension_numbers<[1], [0], [0], [1], [0, 0, 1, 1], [], []>, transpose_lhs_hint = false} : vector<256x1024xbf16>, vector<1024x3072xbf16>, vector<256x3072xf32> -> vector<256x3072xf32>
    %convert_element_type3A_19 = arith.truncf %dot_general3A_18 : vector<256x3072xf32> to vector<256x3072xbf16>
    %swap3A = arith.constant 0 : index
    %swap3A_20 = arith.constant 0 : index
    %swap3A_21 = vector.load %arg4[%swap3A, %swap3A_20] : memref<256x3072xbf16, #tpu.memory_space<vmem>>, vector<256x3072xbf16>
    tpu.vector_store %arg4[%swap3A, %swap3A_20], %convert_element_type3A_19 {strides = array<i32>} : memref<256x3072xbf16, #tpu.memory_space<vmem>>, vector<256x3072xbf16>,
    return
  }
  func.func @transform_0(%arg0: i32) -> (i32, i32) {
    %c0_i32 = arith.constant 0 : i32
    %c0_i32_0 = arith.constant 0 : i32
    return %arg0, %c0_i32 : i32, i32
  }
  func.func @transform_1(%arg0: i32) -> (i32, i32) {
    %c0_i32 = arith.constant 0 : i32
    %c0_i32_0 = arith.constant 0 : i32
    %c0_i32_1 = arith.constant 0 : i32
    return %c0_i32, %c0_i32_0 : i32, i32
  }
  func.func @transform_2(%arg0: i32) -> (i32, i32) {
    %c0_i32 = arith.constant 0 : i32
    %c0_i32_0 = arith.constant 0 : i32
    %c0_i32_1 = arith.constant 0 : i32
    return %c0_i32, %c0_i32_0 : i32, i32
  }
  func.func @transform_3(%arg0: i32) -> (i32, i32) {
    %c0_i32 = arith.constant 0 : i32
    %c0_i32_0 = arith.constant 0 : i32
    return %arg0, %c0_i32 : i32, i32
  }
}

module attributes {stable_mosaic.version = 14 : i64} {
  func.func @_oproj_kernel(%arg0: i32, %arg1: memref<256x1024xbf16, #tpu.memory_space<vmem>>, %arg2: memref<256x1024xf32, #tpu.memory_space<vmem>>, %arg3: memref<1024x1024xf32, #tpu.memory_space<vmem>>, %arg4: memref<1x1024xf32, #tpu.memory_space<vmem>>, %arg5: memref<1024x8xf32, #tpu.memory_space<vmem>>, %arg6: memref<256x1024xf32, #tpu.memory_space<vmem>>, %arg7: memref<256x1024xf32, #tpu.memory_space<vmem>>, %arg8: memref<256x8xi32, #tpu.memory_space<vmem>>, %arg9: memref<256x8xf32, #tpu.memory_space<vmem>>, %arg10: memref<256x8xf32, #tpu.memory_space<vmem>>, %arg11: memref<1x8xf32, #tpu.memory_space<vmem>>, %arg12: memref<1x8xf32, #tpu.memory_space<vmem>>) attributes {dimension_semantics = [#tpu.dimension_semantics<arbitrary>], iteration_bounds = array<i64: 8>, scalar_prefetch = 0 : i64, scratch_operands = 1 : i64, tpu.core_type = #tpu.core_type<tc>, window_params = [{transform_indices = @transform_0, window_bounds = array<i64: 256, 1024>}, {transform_indices = @transform_1, window_bounds = array<i64: 256, 1024>}, {pipeline_mode = #tpu.pipeline_mode<synchronous>, transform_indices = @transform_2, window_bounds = array<i64: 1024, 1024>}, {pipeline_mode = #tpu.pipeline_mode<synchronous>, transform_indices = @transform_3, window_bounds = array<i64: 1, 1024>}, {pipeline_mode = #tpu.pipeline_mode<synchronous>, transform_indices = @transform_4, window_bounds = array<i64: 1024, 8>}, {transform_indices = @transform_5, window_bounds = array<i64: 256, 1024>}, {transform_indices = @transform_6, window_bounds = array<i64: 256, 1024>}, {transform_indices = @transform_7, window_bounds = array<i64: 256, 8>}, {transform_indices = @transform_8, window_bounds = array<i64: 256, 8>}, {transform_indices = @transform_9, window_bounds = array<i64: 256, 8>}, {pipeline_mode = #tpu.pipeline_mode<synchronous>, transform_indices = @transform_10, window_bounds = array<i64: 1, 8>}]} {
    %eq3A = arith.constant 0 : i32
    %eq3A_0 = arith.cmpi eq, %arg0, %eq3A : i32
    %convert_element_type3A = arith.extui %eq3A_0 : i1 to i32
    %cond3A = arith.constant 0 : i32
    %cond3A_1 = arith.cmpi ne, %convert_element_type3A, %cond3A : i32
    scf.if %cond3A_1 {
      %broadcast_in_dim3A_166 = arith.constant 0.000000e+00 : f32
      %broadcast_in_dim3A_167 = vector.broadcast %broadcast_in_dim3A_166 : f32 to vector<1x8xf32>
      %swap3A_168 = arith.constant 0 : index
      %swap3A_169 = arith.constant 0 : index
      %swap3A_170 = vector.load %arg12[%swap3A_168, %swap3A_169] : memref<1x8xf32, #tpu.memory_space<vmem>>, vector<1x8xf32>
      tpu.vector_store %arg12[%swap3A_168, %swap3A_169], %broadcast_in_dim3A_167 {strides = array<i32>} : memref<1x8xf32, #tpu.memory_space<vmem>>, vector<1x8xf32>,
    } else {
    }
    %get3A = arith.constant 0 : index
    %get3A_2 = arith.constant 0 : index
    %get3A_3 = vector.load %arg1[%get3A, %get3A_2] : memref<256x1024xbf16, #tpu.memory_space<vmem>>, vector<256x1024xbf16>
    %get3A_4 = arith.constant 0 : index
    %get3A_5 = arith.constant 0 : index
    %get3A_6 = vector.load %arg3[%get3A_4, %get3A_5] : memref<1024x1024xf32, #tpu.memory_space<vmem>>, vector<1024x1024xf32>
    %convert_element_type3A_7 = arith.truncf %get3A_6 : vector<1024x1024xf32> to vector<1024x1024xbf16>
    %dot_general3A = arith.constant dense<0.000000e+00> : vector<256x1024xf32>
    %dot_general3A_8 = tpu.matmul %get3A_3, %convert_element_type3A_7, %dot_general3A {dimension_numbers = #tpu.dot_dimension_numbers<[1], [0], [0], [1], [0, 0, 1, 1], [], []>, transpose_lhs_hint = false} : vector<256x1024xbf16>, vector<1024x1024xbf16>, vector<256x1024xf32> -> vector<256x1024xf32>
    %get3A_9 = arith.constant 0 : index
    %get3A_10 = arith.constant 0 : index
    %get3A_11 = vector.load %arg2[%get3A_9, %get3A_10] : memref<256x1024xf32, #tpu.memory_space<vmem>>, vector<256x1024xf32>
    %add3A = arith.addf %get3A_11, %dot_general3A_8 : vector<256x1024xf32>
    %swap3A = arith.constant 0 : index
    %swap3A_12 = arith.constant 0 : index
    %swap3A_13 = vector.load %arg6[%swap3A, %swap3A_12] : memref<256x1024xf32, #tpu.memory_space<vmem>>, vector<256x1024xf32>
    tpu.vector_store %arg6[%swap3A, %swap3A_12], %add3A {strides = array<i32>} : memref<256x1024xf32, #tpu.memory_space<vmem>>, vector<256x1024xf32>,
    %get3A_14 = arith.constant 0 : index
    %get3A_15 = arith.constant 0 : index
    %get3A_16 = vector.load %arg4[%get3A_14, %get3A_15] : memref<1x1024xf32, #tpu.memory_space<vmem>>, vector<1x1024xf32>
    %mul3A = arith.mulf %add3A, %add3A : vector<256x1024xf32>
    %reduce_sum3A = arith.constant dense<0.000000e+00> : vector<256xf32>
    %reduce_sum3A_17 = vector.multi_reduction <add>, %mul3A, %reduce_sum3A [1] : vector<256x1024xf32> to vector<256xf32>
    %broadcast_in_dim3A = vector.shape_cast %reduce_sum3A_17 : vector<256xf32> to vector<256x1xf32>
    %div3A = arith.constant 1.024000e+03 : f32
    %div3A_18 = vector.broadcast %div3A : f32 to vector<256x1xf32>
    %div3A_19 = arith.divf %broadcast_in_dim3A, %div3A_18 : vector<256x1xf32>
    %add3A_20 = arith.constant 9.99999997E-7 : f32
    %add3A_21 = vector.broadcast %add3A_20 : f32 to vector<256x1xf32>
    %add3A_22 = arith.addf %div3A_19, %add3A_21 : vector<256x1xf32>
    %rsqrt3A = math.rsqrt %add3A_22 : vector<256x1xf32>
    %mul3A_23 = vector.broadcast %rsqrt3A : vector<256x1xf32> to vector<256x1024xf32>
    %mul3A_24 = arith.mulf %add3A, %mul3A_23 : vector<256x1024xf32>
    %mul3A_25 = vector.broadcast %get3A_16 : vector<1x1024xf32> to vector<256x1024xf32>
    %mul3A_26 = arith.mulf %mul3A_24, %mul3A_25 : vector<256x1024xf32>
    %swap3A_27 = arith.constant 0 : index
    %swap3A_28 = arith.constant 0 : index
    %swap3A_29 = vector.load %arg7[%swap3A_27, %swap3A_28] : memref<256x1024xf32, #tpu.memory_space<vmem>>, vector<256x1024xf32>
    tpu.vector_store %arg7[%swap3A_27, %swap3A_28], %mul3A_26 {strides = array<i32>} : memref<256x1024xf32, #tpu.memory_space<vmem>>, vector<256x1024xf32>,
    %convert_element_type3A_30 = arith.truncf %mul3A_26 : vector<256x1024xf32> to vector<256x1024xbf16>
    %get3A_31 = arith.constant 0 : index
    %get3A_32 = arith.constant 0 : index
    %get3A_33 = vector.load %arg5[%get3A_31, %get3A_32] : memref<1024x8xf32, #tpu.memory_space<vmem>>, vector<1024x8xf32>
    %convert_element_type3A_34 = arith.truncf %get3A_33 : vector<1024x8xf32> to vector<1024x8xbf16>
    %dot_general3A_35 = arith.constant dense<0.000000e+00> : vector<256x8xf32>
    %dot_general3A_36 = tpu.matmul %convert_element_type3A_30, %convert_element_type3A_34, %dot_general3A_35 {dimension_numbers = #tpu.dot_dimension_numbers<[1], [0], [0], [1], [0, 0, 1, 1], [], []>, transpose_lhs_hint = false} : vector<256x1024xbf16>, vector<1024x8xbf16>, vector<256x8xf32> -> vector<256x8xf32>
    %reduce_max3A = arith.constant dense<0xFF800000> : vector<256xf32>
    %reduce_max3A_37 = vector.multi_reduction <maximumf>, %dot_general3A_36, %reduce_max3A [1] : vector<256x8xf32> to vector<256xf32>
    %broadcast_in_dim3A_38 = vector.shape_cast %reduce_max3A_37 : vector<256xf32> to vector<256x1xf32>
    %sub3A = vector.broadcast %broadcast_in_dim3A_38 : vector<256x1xf32> to vector<256x8xf32>
    %sub3A_39 = arith.subf %dot_general3A_36, %sub3A : vector<256x8xf32>
    %exp3A = math.exp %sub3A_39 : vector<256x8xf32>
    %reduce_sum3A_40 = arith.constant dense<0.000000e+00> : vector<256xf32>
    %reduce_sum3A_41 = vector.multi_reduction <add>, %exp3A, %reduce_sum3A_40 [1] : vector<256x8xf32> to vector<256xf32>
    %broadcast_in_dim3A_42 = vector.shape_cast %reduce_sum3A_41 : vector<256xf32> to vector<256x1xf32>
    %div3A_43 = vector.broadcast %broadcast_in_dim3A_42 : vector<256x1xf32> to vector<256x8xf32>
    %div3A_44 = arith.divf %exp3A, %div3A_43 : vector<256x8xf32>
    %iota3A = tpu.iota {dimensions = array<i32: 1>} : vector<256x8xi32>
    %reduce_max3A_45 = arith.constant dense<0xFF800000> : vector<256xf32>
    %reduce_max3A_46 = vector.multi_reduction <maximumf>, %div3A_44, %reduce_max3A_45 [1] : vector<256x8xf32> to vector<256xf32>
    %broadcast_in_dim3A_47 = vector.shape_cast %reduce_max3A_46 : vector<256xf32> to vector<256x1xf32>
    %eq3A_48 = vector.broadcast %broadcast_in_dim3A_47 : vector<256x1xf32> to vector<256x8xf32>
    %eq3A_49 = arith.cmpf oeq, %div3A_44, %eq3A_48 : vector<256x8xf32>
    %jit3A = arith.constant 8 : i32
    %broadcast_in_dim3A_50 = vector.broadcast %jit3A : i32 to vector<256x8xi32>
    %select_n3A = arith.select %eq3A_49, %iota3A, %broadcast_in_dim3A_50 : vector<256x8xi1>, vector<256x8xi32>
    %reduce_min3A = arith.constant dense<2147483647> : vector<256xi32>
    %reduce_min3A_51 = vector.multi_reduction <minsi>, %select_n3A, %reduce_min3A [1] : vector<256x8xi32> to vector<256xi32>
    %broadcast_in_dim3A_52 = vector.shape_cast %reduce_min3A_51 : vector<256xi32> to vector<256x1xi32>
    %eq3A_53 = vector.broadcast %broadcast_in_dim3A_52 : vector<256x1xi32> to vector<256x8xi32>
    %eq3A_54 = arith.cmpi eq, %iota3A, %eq3A_53 : vector<256x8xi32>
    %jit3A_55 = arith.constant -1.000000e+00 : f32
    %broadcast_in_dim3A_56 = vector.broadcast %jit3A_55 : f32 to vector<256x8xf32>
    %select_n3A_57 = arith.select %eq3A_54, %broadcast_in_dim3A_56, %div3A_44 : vector<256x8xi1>, vector<256x8xf32>
    %reduce_max3A_58 = arith.constant dense<0xFF800000> : vector<256xf32>
    %reduce_max3A_59 = vector.multi_reduction <maximumf>, %select_n3A_57, %reduce_max3A_58 [1] : vector<256x8xf32> to vector<256xf32>
    %broadcast_in_dim3A_60 = vector.shape_cast %reduce_max3A_59 : vector<256xf32> to vector<256x1xf32>
    %eq3A_61 = vector.broadcast %broadcast_in_dim3A_60 : vector<256x1xf32> to vector<256x8xf32>
    %eq3A_62 = arith.cmpf oeq, %select_n3A_57, %eq3A_61 : vector<256x8xf32>
    %jit3A_63 = arith.constant 8 : i32
    %broadcast_in_dim3A_64 = vector.broadcast %jit3A_63 : i32 to vector<256x8xi32>
    %select_n3A_65 = arith.select %eq3A_62, %iota3A, %broadcast_in_dim3A_64 : vector<256x8xi1>, vector<256x8xi32>
    %reduce_min3A_66 = arith.constant dense<2147483647> : vector<256xi32>
    %reduce_min3A_67 = vector.multi_reduction <minsi>, %select_n3A_65, %reduce_min3A_66 [1] : vector<256x8xi32> to vector<256xi32>
    %broadcast_in_dim3A_68 = vector.shape_cast %reduce_min3A_67 : vector<256xi32> to vector<256x1xi32>
    %add3A_69 = arith.addf %broadcast_in_dim3A_47, %broadcast_in_dim3A_60 : vector<256x1xf32>
    %div3A_70 = arith.divf %broadcast_in_dim3A_47, %add3A_69 : vector<256x1xf32>
    %div3A_71 = arith.divf %broadcast_in_dim3A_60, %add3A_69 : vector<256x1xf32>
    %eq3A_72 = arith.constant 0 : i32
    %eq3A_73 = vector.broadcast %eq3A_72 : i32 to vector<256x8xi32>
    %eq3A_74 = arith.cmpi eq, %iota3A, %eq3A_73 : vector<256x8xi32>
    %eq3A_75 = arith.constant 1 : i32
    %eq3A_76 = vector.broadcast %eq3A_75 : i32 to vector<256x8xi32>
    %eq3A_77 = arith.cmpi eq, %iota3A, %eq3A_76 : vector<256x8xi32>
    %jit3A_78 = arith.constant 0 : i32
    %broadcast_in_dim3A_79 = vector.shape_cast %broadcast_in_dim3A_68 : vector<256x1xi32> to vector<256x1xi32>
    %broadcast_in_dim3A_80 = vector.broadcast %broadcast_in_dim3A_79 : vector<256x1xi32> to vector<256x8xi32>
    %broadcast_in_dim3A_81 = vector.broadcast %jit3A_78 : i32 to vector<256x8xi32>
    %select_n3A_82 = arith.select %eq3A_77, %broadcast_in_dim3A_80, %broadcast_in_dim3A_81 : vector<256x8xi1>, vector<256x8xi32>
    %broadcast_in_dim3A_83 = vector.shape_cast %broadcast_in_dim3A_52 : vector<256x1xi32> to vector<256x1xi32>
    %broadcast_in_dim3A_84 = vector.broadcast %broadcast_in_dim3A_83 : vector<256x1xi32> to vector<256x8xi32>
    %select_n3A_85 = arith.select %eq3A_74, %broadcast_in_dim3A_84, %select_n3A_82 : vector<256x8xi1>, vector<256x8xi32>
    %swap3A_86 = arith.constant 0 : index
    %swap3A_87 = arith.constant 0 : index
    %swap3A_88 = vector.load %arg8[%swap3A_86, %swap3A_87] : memref<256x8xi32, #tpu.memory_space<vmem>>, vector<256x8xi32>
    tpu.vector_store %arg8[%swap3A_86, %swap3A_87], %select_n3A_85 {strides = array<i32>} : memref<256x8xi32, #tpu.memory_space<vmem>>, vector<256x8xi32>,
    %eq3A_89 = arith.constant 0 : i32
    %eq3A_90 = vector.broadcast %eq3A_89 : i32 to vector<256x8xi32>
    %eq3A_91 = arith.cmpi eq, %iota3A, %eq3A_90 : vector<256x8xi32>
    %eq3A_92 = arith.constant 1 : i32
    %eq3A_93 = vector.broadcast %eq3A_92 : i32 to vector<256x8xi32>
    %eq3A_94 = arith.cmpi eq, %iota3A, %eq3A_93 : vector<256x8xi32>
    %jit3A_95 = arith.constant 0.000000e+00 : f32
    %broadcast_in_dim3A_96 = vector.shape_cast %div3A_71 : vector<256x1xf32> to vector<256x1xf32>
    %broadcast_in_dim3A_97 = vector.broadcast %broadcast_in_dim3A_96 : vector<256x1xf32> to vector<256x8xf32>
    %broadcast_in_dim3A_98 = vector.broadcast %jit3A_95 : f32 to vector<256x8xf32>
    %select_n3A_99 = arith.select %eq3A_94, %broadcast_in_dim3A_97, %broadcast_in_dim3A_98 : vector<256x8xi1>, vector<256x8xf32>
    %broadcast_in_dim3A_100 = vector.shape_cast %div3A_70 : vector<256x1xf32> to vector<256x1xf32>
    %broadcast_in_dim3A_101 = vector.broadcast %broadcast_in_dim3A_100 : vector<256x1xf32> to vector<256x8xf32>
    %select_n3A_102 = arith.select %eq3A_91, %broadcast_in_dim3A_101, %select_n3A_99 : vector<256x8xi1>, vector<256x8xf32>
    %swap3A_103 = arith.constant 0 : index
    %swap3A_104 = arith.constant 0 : index
    %swap3A_105 = vector.load %arg9[%swap3A_103, %swap3A_104] : memref<256x8xf32, #tpu.memory_space<vmem>>, vector<256x8xf32>
    tpu.vector_store %arg9[%swap3A_103, %swap3A_104], %select_n3A_102 {strides = array<i32>} : memref<256x8xf32, #tpu.memory_space<vmem>>, vector<256x8xf32>,
    %eq3A_106 = vector.broadcast %broadcast_in_dim3A_52 : vector<256x1xi32> to vector<256x8xi32>
    %eq3A_107 = arith.cmpi eq, %iota3A, %eq3A_106 : vector<256x8xi32>
    %convert_element_type3A_108 = arith.extui %eq3A_107 : vector<256x8xi1> to vector<256x8xi32>
    %convert_element_type3A_109 = arith.sitofp %convert_element_type3A_108 : vector<256x8xi32> to vector<256x8xf32>
    %eq3A_110 = vector.broadcast %broadcast_in_dim3A_68 : vector<256x1xi32> to vector<256x8xi32>
    %eq3A_111 = arith.cmpi eq, %iota3A, %eq3A_110 : vector<256x8xi32>
    %convert_element_type3A_112 = arith.extui %eq3A_111 : vector<256x8xi1> to vector<256x8xi32>
    %convert_element_type3A_113 = arith.sitofp %convert_element_type3A_112 : vector<256x8xi32> to vector<256x8xf32>
    %add3A_114 = arith.addf %convert_element_type3A_109, %convert_element_type3A_113 : vector<256x8xf32>
    %convert_element_type3A_115 = arith.truncf %add3A_114 : vector<256x8xf32> to vector<256x8xbf16>
    %iota3A_116 = tpu.iota {dimensions = array<i32: 0>} : vector<256x256xi32>
    %iota3A_117 = tpu.iota {dimensions = array<i32: 1>} : vector<256x256xi32>
    %lt3A = arith.cmpi slt, %iota3A_117, %iota3A_116 : vector<256x256xi32>
    %convert_element_type3A_118 = arith.extui %lt3A : vector<256x256xi1> to vector<256x256xi32>
    %convert_element_type3A_119 = arith.sitofp %convert_element_type3A_118 : vector<256x256xi32> to vector<256x256xf32>
    %convert_element_type3A_120 = arith.truncf %convert_element_type3A_119 : vector<256x256xf32> to vector<256x256xbf16>
    %dot_general3A_121 = arith.constant dense<0.000000e+00> : vector<256x8xf32>
    %dot_general3A_122 = tpu.matmul %convert_element_type3A_120, %convert_element_type3A_115, %dot_general3A_121 {dimension_numbers = #tpu.dot_dimension_numbers<[1], [0], [0], [1], [0, 0, 1, 1], [], []>, transpose_lhs_hint = false} : vector<256x256xbf16>, vector<256x8xbf16>, vector<256x8xf32> -> vector<256x8xf32>
    %get3A_123 = arith.constant 0 : index
    %get3A_124 = arith.constant 0 : index
    %get3A_125 = vector.load %arg12[%get3A_123, %get3A_124] : memref<1x8xf32, #tpu.memory_space<vmem>>, vector<1x8xf32>
    %add3A_126 = vector.broadcast %get3A_125 : vector<1x8xf32> to vector<256x8xf32>
    %add3A_127 = arith.addf %dot_general3A_122, %add3A_126 : vector<256x8xf32>
    %mul3A_128 = arith.mulf %add3A_127, %convert_element_type3A_109 : vector<256x8xf32>
    %reduce_sum3A_129 = arith.constant dense<0.000000e+00> : vector<256xf32>
    %reduce_sum3A_130 = vector.multi_reduction <add>, %mul3A_128, %reduce_sum3A_129 [1] : vector<256x8xf32> to vector<256xf32>
    %broadcast_in_dim3A_131 = vector.shape_cast %reduce_sum3A_130 : vector<256xf32> to vector<256x1xf32>
    %add3A_132 = vector.broadcast %get3A_125 : vector<1x8xf32> to vector<256x8xf32>
    %add3A_133 = arith.addf %dot_general3A_122, %add3A_132 : vector<256x8xf32>
    %mul3A_134 = arith.mulf %add3A_133, %convert_element_type3A_113 : vector<256x8xf32>
    %reduce_sum3A_135 = arith.constant dense<0.000000e+00> : vector<256xf32>
    %reduce_sum3A_136 = vector.multi_reduction <add>, %mul3A_134, %reduce_sum3A_135 [1] : vector<256x8xf32> to vector<256xf32>
    %broadcast_in_dim3A_137 = vector.shape_cast %reduce_sum3A_136 : vector<256xf32> to vector<256x1xf32>
    %eq3A_138 = arith.constant 0 : i32
    %eq3A_139 = vector.broadcast %eq3A_138 : i32 to vector<256x8xi32>
    %eq3A_140 = arith.cmpi eq, %iota3A, %eq3A_139 : vector<256x8xi32>
    %eq3A_141 = arith.constant 1 : i32
    %eq3A_142 = vector.broadcast %eq3A_141 : i32 to vector<256x8xi32>
    %eq3A_143 = arith.cmpi eq, %iota3A, %eq3A_142 : vector<256x8xi32>
    %jit3A_144 = arith.constant 0.000000e+00 : f32
    %broadcast_in_dim3A_145 = vector.shape_cast %broadcast_in_dim3A_137 : vector<256x1xf32> to vector<256x1xf32>
    %broadcast_in_dim3A_146 = vector.broadcast %broadcast_in_dim3A_145 : vector<256x1xf32> to vector<256x8xf32>
    %broadcast_in_dim3A_147 = vector.broadcast %jit3A_144 : f32 to vector<256x8xf32>
    %select_n3A_148 = arith.select %eq3A_143, %broadcast_in_dim3A_146, %broadcast_in_dim3A_147 : vector<256x8xi1>, vector<256x8xf32>
    %broadcast_in_dim3A_149 = vector.shape_cast %broadcast_in_dim3A_131 : vector<256x1xf32> to vector<256x1xf32>
    %broadcast_in_dim3A_150 = vector.broadcast %broadcast_in_dim3A_149 : vector<256x1xf32> to vector<256x8xf32>
    %select_n3A_151 = arith.select %eq3A_140, %broadcast_in_dim3A_150, %select_n3A_148 : vector<256x8xi1>, vector<256x8xf32>
    %swap3A_152 = arith.constant 0 : index
    %swap3A_153 = arith.constant 0 : index
    %swap3A_154 = vector.load %arg10[%swap3A_152, %swap3A_153] : memref<256x8xf32, #tpu.memory_space<vmem>>, vector<256x8xf32>
    tpu.vector_store %arg10[%swap3A_152, %swap3A_153], %select_n3A_151 {strides = array<i32>} : memref<256x8xf32, #tpu.memory_space<vmem>>, vector<256x8xf32>,
    %add3A_155 = arith.addf %convert_element_type3A_109, %convert_element_type3A_113 : vector<256x8xf32>
    %reduce_sum3A_156 = arith.constant dense<0.000000e+00> : vector<8xf32>
    %reduce_sum3A_157 = vector.multi_reduction <add>, %add3A_155, %reduce_sum3A_156 [0] : vector<256x8xf32> to vector<8xf32>
    %broadcast_in_dim3A_158 = vector.shape_cast %reduce_sum3A_157 : vector<8xf32> to vector<1x8xf32>
    %add3A_159 = arith.addf %get3A_125, %broadcast_in_dim3A_158 : vector<1x8xf32>
    %swap3A_160 = arith.constant 0 : index
    %swap3A_161 = arith.constant 0 : index
    %swap3A_162 = vector.load %arg12[%swap3A_160, %swap3A_161] : memref<1x8xf32, #tpu.memory_space<vmem>>, vector<1x8xf32>
    tpu.vector_store %arg12[%swap3A_160, %swap3A_161], %add3A_159 {strides = array<i32>} : memref<1x8xf32, #tpu.memory_space<vmem>>, vector<1x8xf32>,
    %swap3A_163 = arith.constant 0 : index
    %swap3A_164 = arith.constant 0 : index
    %swap3A_165 = vector.load %arg11[%swap3A_163, %swap3A_164] : memref<1x8xf32, #tpu.memory_space<vmem>>, vector<1x8xf32>
    tpu.vector_store %arg11[%swap3A_163, %swap3A_164], %add3A_159 {strides = array<i32>} : memref<1x8xf32, #tpu.memory_space<vmem>>, vector<1x8xf32>,
    return
  }
  func.func @transform_0(%arg0: i32) -> (i32, i32) {
    %c0_i32 = arith.constant 0 : i32
    %c0_i32_0 = arith.constant 0 : i32
    return %arg0, %c0_i32 : i32, i32
  }
  func.func @transform_1(%arg0: i32) -> (i32, i32) {
    %c0_i32 = arith.constant 0 : i32
    %c0_i32_0 = arith.constant 0 : i32
    return %arg0, %c0_i32 : i32, i32
  }
  func.func @transform_2(%arg0: i32) -> (i32, i32) {
    %c0_i32 = arith.constant 0 : i32
    %c0_i32_0 = arith.constant 0 : i32
    %c0_i32_1 = arith.constant 0 : i32
    return %c0_i32, %c0_i32_0 : i32, i32
  }
  func.func @transform_3(%arg0: i32) -> (i32, i32) {
    %c0_i32 = arith.constant 0 : i32
    %c0_i32_0 = arith.constant 0 : i32
    %c0_i32_1 = arith.constant 0 : i32
    return %c0_i32, %c0_i32_0 : i32, i32
  }
  func.func @transform_4(%arg0: i32) -> (i32, i32) {
    %c0_i32 = arith.constant 0 : i32
    %c0_i32_0 = arith.constant 0 : i32
    %c0_i32_1 = arith.constant 0 : i32
    return %c0_i32, %c0_i32_0 : i32, i32
  }
  func.func @transform_5(%arg0: i32) -> (i32, i32) {
    %c0_i32 = arith.constant 0 : i32
    %c0_i32_0 = arith.constant 0 : i32
    return %arg0, %c0_i32 : i32, i32
  }
  func.func @transform_6(%arg0: i32) -> (i32, i32) {
    %c0_i32 = arith.constant 0 : i32
    %c0_i32_0 = arith.constant 0 : i32
    return %arg0, %c0_i32 : i32, i32
  }
  func.func @transform_7(%arg0: i32) -> (i32, i32) {
    %c0_i32 = arith.constant 0 : i32
    %c0_i32_0 = arith.constant 0 : i32
    return %arg0, %c0_i32 : i32, i32
  }
  func.func @transform_8(%arg0: i32) -> (i32, i32) {
    %c0_i32 = arith.constant 0 : i32
    %c0_i32_0 = arith.constant 0 : i32
    return %arg0, %c0_i32 : i32, i32
  }
  func.func @transform_9(%arg0: i32) -> (i32, i32) {
    %c0_i32 = arith.constant 0 : i32
    %c0_i32_0 = arith.constant 0 : i32
    return %arg0, %c0_i32 : i32, i32
  }
  func.func @transform_10(%arg0: i32) -> (i32, i32) {
    %c0_i32 = arith.constant 0 : i32
    %c0_i32_0 = arith.constant 0 : i32
    %c0_i32_1 = arith.constant 0 : i32
    return %c0_i32, %c0_i32_0 : i32, i32
  }
}

module attributes {stable_mosaic.version = 14 : i64} {
  func.func @_gmm_kernel(%arg0: i32, %arg1: memref<24xi32, #tpu.memory_space<smem>>, %arg2: memref<24xi32, #tpu.memory_space<smem>>, %arg3: memref<256x1024xf32, #tpu.memory_space<vmem>>, %arg4: memref<1024x1024xf32, #tpu.memory_space<vmem>>, %arg5: memref<512x1024xf32, #tpu.memory_space<vmem>>, %arg6: memref<256x1024xf32, #tpu.memory_space<vmem>>) attributes {dimension_semantics = [#tpu.dimension_semantics<arbitrary>], iteration_bounds = array<i64: 24>, scalar_prefetch = 2 : i64, scratch_operands = 0 : i64, tpu.core_type = #tpu.core_type<tc>, window_params = [{transform_indices = @transform_0, window_bounds = array<i64: 256, 1024>}, {transform_indices = @transform_1, window_bounds = array<i64: 1024, 1024>}, {transform_indices = @transform_2, window_bounds = array<i64: 512, 1024>}, {transform_indices = @transform_3, window_bounds = array<i64: 256, 1024>}]} {
    %get3A = arith.constant 0 : index
    %get3A_0 = arith.constant 0 : index
    %get3A_1 = vector.load %arg3[%get3A, %get3A_0] : memref<256x1024xf32, #tpu.memory_space<vmem>>, vector<256x1024xf32>
    %convert_element_type3A = arith.truncf %get3A_1 : vector<256x1024xf32> to vector<256x1024xbf16>
    %get3A_2 = arith.constant 0 : index
    %get3A_3 = arith.constant 0 : index
    %get3A_4 = vector.load %arg4[%get3A_2, %get3A_3] : memref<1024x1024xf32, #tpu.memory_space<vmem>>, vector<1024x1024xf32>
    %convert_element_type3A_5 = arith.truncf %get3A_4 : vector<1024x1024xf32> to vector<1024x1024xbf16>
    %dot_general3A = arith.constant dense<0.000000e+00> : vector<256x1024xf32>
    %dot_general3A_6 = tpu.matmul %convert_element_type3A, %convert_element_type3A_5, %dot_general3A {dimension_numbers = #tpu.dot_dimension_numbers<[1], [0], [0], [1], [0, 0, 1, 1], [], []>, transpose_lhs_hint = false} : vector<256x1024xbf16>, vector<1024x1024xbf16>, vector<256x1024xf32> -> vector<256x1024xf32>
    %slice3A = vector.extract_strided_slice %dot_general3A_6 {offsets = [0, 0], sizes = [256, 512], strides = [1, 1]} : vector<256x1024xf32> to vector<256x512xf32>
    %slice3A_7 = vector.extract_strided_slice %dot_general3A_6 {offsets = [0, 512], sizes = [256, 512], strides = [1, 1]} : vector<256x1024xf32> to vector<256x512xf32>
    %neg3A = arith.constant 0.000000e+00 : f32
    %neg3A_8 = vector.broadcast %neg3A : f32 to vector<256x512xf32>
    %neg3A_9 = arith.subf %neg3A_8, %slice3A : vector<256x512xf32>
    %exp3A = math.exp %neg3A_9 : vector<256x512xf32>
    %add3A = arith.constant 1.000000e+00 : f32
    %add3A_10 = vector.broadcast %add3A : f32 to vector<256x512xf32>
    %add3A_11 = arith.addf %add3A_10, %exp3A : vector<256x512xf32>
    %div3A = arith.divf %slice3A, %add3A_11 : vector<256x512xf32>
    %mul3A = arith.mulf %div3A, %slice3A_7 : vector<256x512xf32>
    %convert_element_type3A_12 = arith.truncf %mul3A : vector<256x512xf32> to vector<256x512xbf16>
    %get3A_13 = arith.constant 0 : index
    %get3A_14 = arith.constant 0 : index
    %get3A_15 = vector.load %arg5[%get3A_13, %get3A_14] : memref<512x1024xf32, #tpu.memory_space<vmem>>, vector<512x1024xf32>
    %convert_element_type3A_16 = arith.truncf %get3A_15 : vector<512x1024xf32> to vector<512x1024xbf16>
    %dot_general3A_17 = arith.constant dense<0.000000e+00> : vector<256x1024xf32>
    %dot_general3A_18 = tpu.matmul %convert_element_type3A_12, %convert_element_type3A_16, %dot_general3A_17 {dimension_numbers = #tpu.dot_dimension_numbers<[1], [0], [0], [1], [0, 0, 1, 1], [], []>, transpose_lhs_hint = false} : vector<256x512xbf16>, vector<512x1024xbf16>, vector<256x1024xf32> -> vector<256x1024xf32>
    %iota3A = tpu.iota {dimensions = array<i32: 0>} : vector<256x1xi32>
    %get3A_19 = arith.index_cast %arg0 : i32 to index
    %get3A_20 = memref.load %arg2[%get3A_19] : memref<24xi32, #tpu.memory_space<smem>>
    %lt3A = vector.broadcast %get3A_20 : i32 to vector<256x1xi32>
    %lt3A_21 = arith.cmpi slt, %iota3A, %lt3A : vector<256x1xi32>
    %jit3A = arith.constant 0.000000e+00 : f32
    %broadcast_in_dim3A = vector.shape_cast %lt3A_21 : vector<256x1xi1> to vector<256x1xi1>
    %broadcast_in_dim3A_22 = vector.broadcast %broadcast_in_dim3A : vector<256x1xi1> to vector<256x1024xi1>
    %broadcast_in_dim3A_23 = vector.broadcast %jit3A : f32 to vector<256x1024xf32>
    %select_n3A = arith.select %broadcast_in_dim3A_22, %dot_general3A_18, %broadcast_in_dim3A_23 : vector<256x1024xi1>, vector<256x1024xf32>
    %swap3A = arith.constant 0 : index
    %swap3A_24 = arith.constant 0 : index
    %swap3A_25 = vector.load %arg6[%swap3A, %swap3A_24] : memref<256x1024xf32, #tpu.memory_space<vmem>>, vector<256x1024xf32>
    tpu.vector_store %arg6[%swap3A, %swap3A_24], %select_n3A {strides = array<i32>} : memref<256x1024xf32, #tpu.memory_space<vmem>>, vector<256x1024xf32>,
    return
  }
  func.func @transform_0(%arg0: i32, %arg1: memref<24xi32, #tpu.memory_space<smem>>, %arg2: memref<24xi32, #tpu.memory_space<smem>>) -> (i32, i32) {
    %c0_i32 = arith.constant 0 : i32
    %c0_i32_0 = arith.constant 0 : i32
    return %arg0, %c0_i32 : i32, i32
  }
  func.func @transform_1(%arg0: i32, %arg1: memref<24xi32, #tpu.memory_space<smem>>, %arg2: memref<24xi32, #tpu.memory_space<smem>>) -> (i32, i32) {
    %get3A = arith.index_cast %arg0 : i32 to index
    %get3A_0 = memref.load %arg1[%get3A] : memref<24xi32, #tpu.memory_space<smem>>
    %c0_i32 = arith.constant 0 : i32
    %c0_i32_1 = arith.constant 0 : i32
    return %get3A_0, %c0_i32 : i32, i32
  }
  func.func @transform_2(%arg0: i32, %arg1: memref<24xi32, #tpu.memory_space<smem>>, %arg2: memref<24xi32, #tpu.memory_space<smem>>) -> (i32, i32) {
    %get3A = arith.index_cast %arg0 : i32 to index
    %get3A_0 = memref.load %arg1[%get3A] : memref<24xi32, #tpu.memory_space<smem>>
    %c0_i32 = arith.constant 0 : i32
    %c0_i32_1 = arith.constant 0 : i32
    return %get3A_0, %c0_i32 : i32, i32
  }
  func.func @transform_3(%arg0: i32, %arg1: memref<24xi32, #tpu.memory_space<smem>>, %arg2: memref<24xi32, #tpu.memory_space<smem>>) -> (i32, i32) {
    %c0_i32 = arith.constant 0 : i32
    %c0_i32_0 = arith.constant 0 : i32
    return %arg0, %c0_i32 : i32, i32
  }
}

</mosaic_0001>

<sc_bundles>
// kernel: kernel.11.cloned.1.call-start
scs
__scs_entry_jumppad:
0x0: {  	(pc) =	sbr.rel $0x88, $3  }
0x1: {  	(tag) =	ssettag $0x0;
	lr =	simm.s32 $0x1  }
0x2: {  	[smem:$0x3F99] =	sst lr;
	_ =	strace $0xD0000000  }
0x3: {  	_ = 	snop  }
0x4: {  	_ = 	snop  }
0x5: {  	_ = 	snop  }
0x6: {  	_ = 	snop  }
0x7: {  	_ = 	snop  }
__scs_overlays_trampoline_lowered:
0x8: {  	[smem:$0x3FA8] =	sst s0  }
0x9: {  	[smem:$0x3FA9] =	sst s1  }
0xa: {  	[smem:$0x3FAA] =	sst s2  }
0xb: {  	[smem:$0x3FAB] =	sst s3  }
0xc: {  	[smem:$0x3FAC] =	sst s4  }
0xd: {  	[smem:$0x3FAD] =	sst s5  }
0xe: {  	[smem:$0x3FAE] =	sst s6  }
0xf: {  	[smem:$0x3FAF] =	sst s7  }
0x10: {  	[smem:$0x3FB0] =	sst s8  }
0x11: {  	[smem:$0x3FB1] =	sst s9;
	s0 =	simm.s32 @!p0 $0x0  }
0x12: {  	s1 =	sld [smem:$0x3F97];
	s0 =	simm.s32 @p0 $0x1  }
0x13: {  	[smem:$0x3FB2] =	sst s0;
	s0 =	simm.s32 @!p1 $0x0  }
0x14: {  	s2 =	sld [smem:$0x3F96];
	s0 =	simm.s32 @p1 $0x1  }
0x15: {  	[smem:$0x3FB3] =	sst s0;
	s0 =	simm.s32 @!p2 $0x0  }
0x16: {  	s3 =	sld [smem:$0x3FDB];
	s0 =	simm.s32 @p2 $0x1  }
0x17: {  	s4 =	simm.s32 $0x1BF5;
	[smem:$0x3FB5] =	sst s0  }
0x18: {  	s0 =	sld [smem:$0x3F98];
	_ =	swait.ge [sflag:s4], $0x0  }
0x19: {  	s7 =	sld [smem:$0x3F99]  }
0x1a: {  	s8 =	sadd.s32 $0xFFFFE003, lr  }
0x1b: {  	s9 =	sadd.s32 $0xFFFFFEF7, lr;
	s5 =	simm.s32 $0xFFFFFFFF;
	p2 =	slt.u32 s8, $0xFFFFF086  }
0x1c: {  	p1 =	slt.u32 s9, $0xF7A;
	s5 =	simm.s32 @!p2 $0x0  }
0x1d: {  	s5 =	simm.s32 @p1 $0x1;
	p0 =	seq.s32 s7, s2  }
0x1e: {  	s7 =	smul.u32 @!p0 $0xF7A, s2;
	p2 =	seq.s32 @!p0 s5, $0x0  }
0x1f: {  	s9 =	smul.u32 $0xF7A, s1;
	s8 =	simm.s32 @!p0 $0x1BF5;
	p2 =	por !p2, p0  }
0x20: {  	[sflag:s8] =	ssyncset.s32 @!p0 $0xFFFFF086;
	s6 =	sadd.s32 @!p0 s3, s7;
	s7 =	simm.s32 @!p0 $0x108  }
0x21: {  	s3 =	sadd.s32 s3, s9;
	s6 =	sadd.s32 @!p0 $0x88, s6;
	s7 =	simm.s32 @p2 $0x1082  }
0x22: {  	[simem:s7], [sflag:s8] =	dma.local @!p0 [hbm:s6], $0xF7A  }
0x23: {  	s9 =	sor.u32 $0xD0000000, s2;
	s6 =	simm.s32 $0x108;
	_ =	swait.ge @!p0 [sflag:s8], $0x0  }
0x24: {  	s3 =	sadd.s32 $0x88, s3;
	s6 =	simm.s32 @!p1 $0x1082;
	[sflag:s4] =	ssyncset.s32 $0xFFFFF086  }
0x25: {  	[simem:s6], [sflag:s4] =	dma.local [hbm:s3], $0xF7A  }
0x26: {  	[smem:$0x3F99] =	sst s1;
	(tag) =	ssettag s2;
	_ =	strace s9  }
0x27: {  	s1 =	sld [smem:$0x3FA9]  }
0x28: {  	s2 =	sld [smem:$0x3FAA]  }
0x29: {  	s4 =	sld [smem:$0x3FAC]  }
0x2a: {  	p0 =	seq.s32 s5, $0x0;
	s5 =	sld [smem:$0x3FAD]  }
0x2b: {  	s6 =	sld [smem:$0x3FAE]  }
0x2c: {  	s7 =	sld [smem:$0x3FAF]  }
0x2d: {  	s3 =	simm.s32 $0x108;
	s8 =	sld [smem:$0x3FB0]  }
0x2e: {  	s3 =	simm.s32 @!p0 $0x1082;
	s9 =	sld [smem:$0x3FB1]  }
0x2f: {  	lr =	sadd.s32 s0, s3;
	s0 =	sld [smem:$0x3FA8]  }
0x30: {  	s3 =	sld [smem:$0x3FAB]  }
0x31: {  	[smem:$0x3FB4] =	sst s10  }
0x32: {  	s10 =	sld [smem:$0x3FB2];
	_ =	sdelay $0x3  }
0x33: {  	p0 =	seq.s32 s10, $0x1;
	s10 =	sld [smem:$0x3FB4];
	_ =	sdelay $0x3  }
0x34: {  	[smem:$0x3FB4] =	sst s10  }
0x35: {  	s10 =	sld [smem:$0x3FB3];
	_ =	sdelay $0x3  }
0x36: {  	p1 =	seq.s32 s10, $0x1;
	s10 =	sld [smem:$0x3FB4];
	_ =	sdelay $0x3  }
0x37: {  	[smem:$0x3FB4] =	sst s10  }
0x38: {  	s10 =	sld [smem:$0x3FB5]  }
0x39: {  	_ = 	snop;
	(pc) =	sbr.ind lr, $3  }
0x3a: {  	_ = 	snop  }
0x3b: {  	_ = 	snop  }
0x3c: {  	p2 =	seq.s32 s10, $0x1;
	s10 =	sld [smem:$0x3FB4]  }
0x3d: {  	_ =	shalt  }
0x3e: {  	_ =	shalt  }
0x3f: {  	_ =	shalt  }
0x40: {  	_ =	shalt  }
0x41: {  	_ =	shalt  }
0x42: {  	_ =	shalt  }
0x43: {  	_ =	shalt  }
0x44: {  	_ =	shalt  }
0x45: {  	_ =	shalt  }
0x46: {  	_ =	shalt  }
0x47: {  	_ =	shalt  }
0x48: {  	_ =	shalt  }
0x49: {  	_ =	shalt  }
0x4a: {  	_ =	shalt  }
0x4b: {  	_ =	shalt  }
0x4c: {  	_ =	shalt  }
0x4d: {  	_ =	shalt  }
0x4e: {  	_ =	shalt  }
0x4f: {  	_ =	shalt  }
0x50: {  	_ =	shalt  }
0x51: {  	_ =	shalt  }
0x52: {  	_ =	shalt  }
0x53: {  	_ =	shalt  }
0x54: {  	_ =	shalt  }
0x55: {  	_ =	shalt  }
0x56: {  	_ =	shalt  }
0x57: {  	_ =	shalt  }
0x58: {  	_ =	shalt  }
0x59: {  	_ =	shalt  }
0x5a: {  	_ =	shalt  }
0x5b: {  	_ =	shalt  }
0x5c: {  	_ =	shalt  }
0x5d: {  	_ =	shalt  }
0x5e: {  	_ =	shalt  }
0x5f: {  	_ =	shalt  }
0x60: {  	_ =	shalt  }
0x61: {  	_ =	shalt  }
0x62: {  	_ =	shalt  }
0x63: {  	_ =	shalt  }
0x64: {  	_ =	shalt  }
0x65: {  	_ =	shalt  }
0x66: {  	_ =	shalt  }
0x67: {  	_ =	shalt  }
0x68: {  	_ =	shalt  }
0x69: {  	_ =	shalt  }
0x6a: {  	_ =	shalt  }
0x6b: {  	_ =	shalt  }
0x6c: {  	_ =	shalt  }
0x6d: {  	_ =	shalt  }
0x6e: {  	_ =	shalt  }
0x6f: {  	_ =	shalt  }
0x70: {  	_ =	shalt  }
0x71: {  	_ =	shalt  }
0x72: {  	_ =	shalt  }
0x73: {  	_ =	shalt  }
0x74: {  	_ =	shalt  }
0x75: {  	_ =	shalt  }
0x76: {  	_ =	shalt  }
0x77: {  	_ =	shalt  }
0x78: {  	_ =	shalt  }
0x79: {  	_ =	shalt  }
0x7a: {  	_ =	shalt  }
0x7b: {  	_ =	shalt  }
0x7c: {  	_ =	shalt  }
0x7d: {  	_ =	shalt  }
0x7e: {  	_ =	shalt  }
0x7f: {  	_ =	shalt  }
0x80: {  	_ =	shalt  }
0x81: {  	_ =	shalt  }
0x82: {  	_ =	shalt  }
0x83: {  	_ =	shalt  }
0x84: {  	_ =	shalt  }
0x85: {  	_ =	shalt  }
0x86: {  	_ =	shalt  }
0x87: {  	_ =	shalt  }
.Lfunc_end0:
.L_simem_size_0:
called_computation.1_lowered:
.L_overlay_start_0:
0x88: {  	s2 =	sld [smem:$0x3FD9]  }
0x89: {  	s3 =	sld [smem:$0x3FFE];
	_ =	sdelay $0x1  }
0x8a: {  	s1 =	srdreg.scid  }
0x8b: {  	s0 =	sand.u32 $0x1, s1  }
0x8c: {  	s17 =	sshll.u32 s0, $0xA;
	s2 =	sadd.s32 s3, s2  }
0x8d: {  	s2 =	sadd.s32 s2, s17  }
0x8e: {  	[smem:$0x3FC0] =	sst s2  }
0x8f: {  	_ = 	snop  }
0x90: {  	s2 =	sld [smem:$0x3FD0];
	(tm) =	ssettm $0x1  }
0x91: {  	s18 =	sld [smem:$0x3FFB];
	_ =	sdelay $0x3  }
0x92: {  	_ =	strace s18  }
0x93: {  	s3 =	sld [smem:$0x3FFC];
	_ =	sdelay $0x3  }
0x94: {  	_ =	strace s3  }
0x95: {  	s3 =	sld [smem:$0x3FFD];
	_ =	sdelay $0x3  }
0x96: {  	_ =	strace s3  }
0x97: {  	_ =	strace $0x8FFFFFFF  }
0x98: {  	s19 =	sld [smem:$0x3FDB];
	_ =	sdelay $0x1  }
0x99: {  	s4 =	simm.s32 $_scs_section_size  }
0x9a: {  	s5 =	simm.s32 $_size__tile_overlayer_lowered;
	s6 =	simm.s32 $_tile_overlayer_lowered  }
0x9b: {  	s22 =	simm.s32 $0x1BFF;
	s21 =	sshll.u32 s6, $0x1;
	s3 =	sadd.s32 s4, s19  }
0x9c: {  	s7 =	simm.s32 $0x0;
	s20 =	sshll.u32 s5, $0x1;
	s5 =	sadd.s32 s21, s3  }
0x9d: {  	[timem:s7], [sflag:s22] =	dma.local [hbm:s5], s20  }
0x9e: {  	_ =	swait.ge [sflag:s22], s20  }
0x9f: {  	s4 =	ssub.s32 $0x0, s20;
	[sflag:s22] =	ssyncset.done $0x0  }
0xa0: {  	[sflag:s22] =	ssyncadd.s32 s4;
	_ =	sdelay $0x1  }
0xa1: {  	s23 =	simm.s32 $0x1B8B  }
0xa2: {  	_ =	swait.ge [sflag:s23], $0x1  }
0xa3: {  	[sflag:s23] =	ssyncset.done $0x0  }
0xa4: {  	s25 =	simm.s32 $0x1B8E;
	s24 =	sld [smem:$0x3FFE];
	[sflag:s23] =	ssyncadd.s32 $0xFFFFFFFF  }
0xa5: {  	s26 =	simm.s32 $execute0_lowered;
	[smem:$0x3FD2] =	sst s25  }
0xa6: {  	s5 =	sshll.u32 s26, $0x1;
	_ =	strace $0x80000049;
	[dreg:$0x1] =	wrdreg $0xFFFFFFFF  }
0xa7: {  	s28 =	simm.s32 $_size_execute0_lowered;
	s3 =	sadd.s32 s3, s5;
	[dreg:$0x0] =	wrdreg $0x0  }
0xa8: {  	s5 =	sshll.u32 s28, $0x1;
	[dreg:$0x2] =	wrdreg s3  }
0xa9: {  	[dreg:$0x3] =	wrdreg s5  }
0xaa: {  	[dreg:$0x4] =	wrdreg $0xC0  }
0xab: {  	_ =	task [dreg:s7], $0x5FFFF  }
0xac: {  	[dreg:$0x1] =	wrdreg $0xFFFFFFFF  }
0xad: {  	[dreg:$0x0] =	wrdreg $0x60  }
0xae: {  	[dreg:$0x2] =	wrdreg s24  }
0xaf: {  	[dreg:$0x3] =	wrdreg s2  }
0xb0: {  	[dreg:$0x4] =	wrdreg $0x9  }
0xb1: {  	_ =	task.clear_ibuf [dreg:s7], $0x5FFFF;
	_ =	strace $0x90000049  }
0xb2: {  	s29 =	simm.s32 $0x9;
	_ =	strace $0x8000004B  }
0xb3: {  	_ =	swait.ge [sflag:s29], $0x1  }
0xb4: {  	[sflag:s29] =	ssyncadd.s32 $0xFFFFFFFF  }
0xb5: {  	_ =	strace $0x9000004B  }
0xb6: {  	_ =	sfence  }
0xb7: {  	s30 =	sld [smem:$0x0];
	_ =	sdelay $0x2  }
0xb8: {  	s31 =	sshll.u32 s1, $0xD;
	s1 =	sshrl.u32 s1, $0x2  }
0xb9: {  	s3 =	sand.u32 $0x4000, s31;
	s1 =	sadd.s32 s1, s30  }
0xba: {  	s0 =	sor.u32 s3, s0;
	s1 =	sshll.u32 s1, $0x11  }
0xbb: {  	s0 =	sor.u32 s1, s0  }
0xbc: {  	s0 =	sadd.s32 $0x8F2B, s0  }
0xbd: {  	[sflag:s0] =	ssyncadd.remote.s32 $0x1  }
0xbe: {  	_ =	sfence.sel $0xFFFF  }
0xbf: {  	[dreg:$0x0] =	wrdreg $0xFFFFFFFF;
	(pc) =	sbr.abs _section_cstart, $3  }
0xc0: {  	[dreg:$0x1] =	wrdreg $0xFFFFFFFF  }
0xc1: {  	_ =	task.clear_ibuf [dreg:s7], $0x2FFFF;
	_ =	strace $0x9FFFFFFF  }
0xc2: {  	(tm) =	ssettm $0x7FFFFFFF  }
0xc3: {  	_ =	shalt  }
tec
execute0_lowered:
.L_overlay_start_1:
0x0: {  	(tag) =	ssettag $0x1  }
0x1: {  	s0 =	rddreg [dreg:$0x0]  }
0x2: {  	s2 =	rddreg [dreg:$0x1];
	s1 =	simm.s32 $0x0  }
0x3: {  	s4 =	srdreg.scid;
	s7 =	stileid.u32;
	s28 =	simm.s32 $0xC900  }
0x4: {  	s29 =	simm.s32 $0xD100;
	s30 =	simm.s32 $0xD900;
	s31 =	simm.s32 $0xE900  }
0x5: {  	[smem:$0x7FF] =	sst s1;
	s3 =	sadd.s32 $0x100400, s0;
	s5 =	sadd.s32 $0x40200, s0  }
0x6: {  	s4 =	sand.u32 $0x1, s4;
	s6 =	sadd.s32 $0x40000, s0;
	s7 =	sshll.u32 s7, $0x7  }
0x7: {  	s11 =	sadd.s32 $0x40400, s0;
	s12 =	sadd.s32 $0x48400, s0;
	s8 =	sshll.u32 s4, $0x6  }
0x8: {  	s10 =	sadd.s32 $0x100700, s0;
	s4 =	ssub.s32 $0x2, s4;
	s7 =	sor.u32 s8, s7  }
0x9: {  	_ =	strace $0x8000004A;
	s18 =	sshrl.u32 s4, $0x1;
	s9 =	sshrl.u32 s7, $0x3  }
0xa: {  	s4 =	ssub.s32 s4, s18;
	s20 =	sshll.u32 s7, $0x4;
	s13 =	sor.u32 $0x20, s7  }
0xb: {  	s7 =	sshll.u32 s7, $0x7;
	s19 =	sadd.s32 s5, s9;
	s9 =	sadd.s32 s6, s9  }
0xc: {  	s21 =	sadd.s32 s11, s20;
	s8 =	sadd.s32 s12, s20;
	[dreg:$0x3] =	wrdreg s19  }
0xd: {  	s14 =	sshrl.u32 s13, $0x3;
	s15 =	sadd.s32 s0, s7;
	[dreg:$0x4] =	wrdreg s9  }
0xe: {  	s7 =	sadd.s32 s2, s7;
	s23 =	sshll.u32 s13, $0x4;
	[dreg:$0x5] =	wrdreg s21  }
0xf: {  	s24 =	sshll.u32 s13, $0x7;
	s20 =	simm.s32 $0x2;
	[dreg:$0x6] =	wrdreg s8  }
0x10: {  	s13 =	simm.s32 $0x10100;
	s8 =	sadd.s32 $0x100500, s0;
	[dreg:$0x7] =	wrdreg s15  }
0x11: {  	s9 =	sadd.s32 $0x100600, s0;
	[dreg:$0x8] =	wrdreg s7;
	s5 =	sadd.s32 s5, s14  }
0x12: {  	s22 =	sadd.s32 s6, s14;
	s25 =	sadd.s32 s11, s23;
	s0 =	sadd.s32 s0, s24  }
0x13: {  	s26 =	sadd.s32 s2, s24;
	s19 =	smax.u32 s4, $0x1;
	[dreg:$0x9] =	wrdreg s5  }
0x14: {  	s24 =	simm.s32 $0xB100;
	s11 =	simm.s32 $0xE100;
	[dreg:$0xa] =	wrdreg s22  }
0x15: {  	v0 =	vlaneseq.u32;
	s2 =	simm.s32 $0x10900;
	s14 =	simm.s32 $0x11100;
	[dreg:$0xb] =	wrdreg s25  }
0x16: {  	v1 =	vand.u32 $0x7, v0;
	v63 =	vshrl.u32 v0, $0x3;
	s4 =	simm.s32 $0x11900;
	s21 =	simm.s32 $0x1;
	[dreg:$0xd] =	wrdreg s0  }
0x17: {  	v0 =	vor.u32 $0x8, v0;
	[tilespmem:$0x1FFD0] =	vst v1;
	v1 =	vmul.u32 $0x8, v63;
	s15 =	simm.s32 $0x0;
	s5 =	sadd.s32 s12, s23;
	[dreg:$0xe] =	wrdreg s26  }
0x18: {  	[tilespmem:$0x1FFF0] =	vst v0;
	s25 =	simm.s32 $0xB900;
	s26 =	simm.s32 $0xC100;
	s12 =	simm.s32 $0xF100  }
0x19: {  	vm0 =	vmmov $0xffff;
	[tilespmem:$0x1FFE0] =	vst v1;
	s0 =	simm.s32 $0xF900;
	[dreg:$0xc] =	wrdreg s5;
	s5 =	simm.s32 $0x12100  }
.LBB2_1:
0x1a: {  	s6 =	rddreg [dreg:$0x3]  }
0x1b: {  	[tilespmem:s1], [sflag:$0x2] =	stream.linear.gather [hbm4b:s6+s1], $0x20, $0x38;
	[tilespmem:$0x1A100] =	vst v63  }
0x1c: {  	_ =	swait.ge [sflag:s20], $0x20  }
0x1d: {  	[sflag:s20] =	ssyncset.done $0x0  }
0x1e: {  	s7 =	simm.s32 $0x80;
	s23 =	rddreg [dreg:$0x4];
	[sflag:s20] =	ssyncadd.s32 $0xFFFFFFE0  }
0x1f: {  	[tilespmem:s7], [sflag:$0x2] =	stream.linear.gather [hbm4b:s23+s1], $0x20, $0x38;
	[tilespmem:$0x1A100] =	vst v63  }
0x20: {  	_ =	swait.ge [sflag:s20], $0x20  }
0x21: {  	[sflag:s20] =	ssyncset.done $0x0  }
0x22: {  	s6 =	simm.s32 $0x100;
	s16 =	rddreg [dreg:$0x5];
	[sflag:s20] =	ssyncadd.s32 $0xFFFFFFE0  }
0x23: {  	[tilespmem:s6], [sflag:$0x2] =	stream.linear.gather [hbm4b:s16+s1], $0x1000, $0x38;
	[tilespmem:$0x1A100] =	vst v63  }
0x24: {  	_ =	swait.ge [sflag:s20], $0x1000  }
0x25: {  	[sflag:s20] =	ssyncset.done $0x0  }
0x26: {  	s16 =	simm.s32 $0x1100;
	s17 =	rddreg [dreg:$0x6];
	[sflag:s20] =	ssyncadd.s32 $0xFFFFF000  }
0x27: {  	[tilespmem:s16], [sflag:$0x2] =	stream.linear.gather [hbm4b:s17+s1], $0x1000, $0x38;
	[tilespmem:$0x1A100] =	vst v63  }
0x28: {  	_ =	swait.ge [sflag:s20], $0x1000  }
0x29: {  	[sflag:s20] =	ssyncset.done $0x0  }
0x2a: {  	[sflag:s20] =	ssyncadd.s32 $0xFFFFF000  }
0x2b: {  	v0 =	vld [tilespmem:$0x0];
	_ =	sdelay $0x2  }
0x2c: {  	v2 =	vld [tilespmem:$0x1FFD0];
	_ =	sdelay $0x1  }
0x2d: {  	v3 =	vld [tilespmem:$0x1FFE0];
	v1 =	vshll.u32 v0, $0x3  }
0x2e: {  	v0 =	vand.u32 $0x7, v0;
	v1 =	vand.u32 $0xFFFFFFC0, v1  }
0x2f: {  	v0 =	vor.u32 v0, v1  }
0x30: {  	v1 =	vperm.xlane v0, v2;
	_ =	sdelay $0x1  }
0x31: {  	v1 =	vadd.s32 v3, v1  }
0x32: {  	v4 =	vld [tilespmem:$0x1FFF0];
	_ =	sdelay $0x2  }
0x33: {  	s18 =	simm.s32 $0x2100  }
0x34: {  	[tilespmem:s18], [sflag:$0x1] =	stream.indirect_vreg.gather [hbm4b:s3+s1], $0x80, v1, vm0, $0xb8;
	[tilespmem:$0x1A100] =	vst v63  }
0x35: {  	s22 =	simm.s32 $0x2900;
	v0 =	vperm.xlane v0, v4  }
0x36: {  	[tilespmem:s22], [sflag:$0x1] =	stream.indirect_vreg.gather [hbm4b:s8+s1], $0x80, v1, vm0, $0xb8;
	[tilespmem:$0x1A100] =	vst v63  }
0x37: {  	s23 =	simm.s32 $0x3100;
	v0 =	vadd.s32 v3, v0  }
0x38: {  	[tilespmem:s23], [sflag:$0x1] =	stream.indirect_vreg.gather [hbm4b:s9+s1], $0x80, v1, vm0, $0xb8;
	[tilespmem:$0x1A100] =	vst v63  }
0x39: {  	s17 =	simm.s32 $0x3900  }
0x3a: {  	[tilespmem:s17], [sflag:$0x1] =	stream.indirect_vreg.gather [hbm4b:s10+s1], $0x80, v1, vm0, $0xb8;
	[tilespmem:$0x1A100] =	vst v63  }
0x3b: {  	s18 =	simm.s32 $0x4100  }
0x3c: {  	[tilespmem:s18], [sflag:$0x1] =	stream.indirect_vreg.gather [hbm4b:s3+s1], $0x80, v0, vm0, $0xb8;
	[tilespmem:$0x1A100] =	vst v63  }
0x3d: {  	s22 =	simm.s32 $0x4900  }
0x3e: {  	[tilespmem:s22], [sflag:$0x1] =	stream.indirect_vreg.gather [hbm4b:s8+s1], $0x80, v0, vm0, $0xb8;
	[tilespmem:$0x1A100] =	vst v63  }
0x3f: {  	s23 =	simm.s32 $0x5100  }
0x40: {  	[tilespmem:s23], [sflag:$0x1] =	stream.indirect_vreg.gather [hbm4b:s9+s1], $0x80, v0, vm0, $0xb8;
	[tilespmem:$0x1A100] =	vst v63  }
0x41: {  	s17 =	simm.s32 $0x5900  }
0x42: {  	[tilespmem:s17], [sflag:$0x1] =	stream.indirect_vreg.gather [hbm4b:s10+s1], $0x80, v0, vm0, $0xb8;
	[tilespmem:$0x1A100] =	vst v63  }
0x43: {  	v0 =	vld [tilespmem:$0x10];
	_ =	sdelay $0x4  }
0x44: {  	v61 =	vshll.u32 v0, $0x3  }
0x45: {  	v0 =	vand.u32 $0x7, v0;
	v1 =	vand.u32 $0xFFFFFFC0, v61  }
0x46: {  	v0 =	vor.u32 v0, v1  }
0x47: {  	v1 =	vperm.xlane v0, v2;
	_ =	sdelay $0x1  }
0x48: {  	v1 =	vadd.s32 v3, v1;
	_ =	sdelay $0x3  }
0x49: {  	s18 =	simm.s32 $0x6100  }
0x4a: {  	[tilespmem:s18], [sflag:$0x1] =	stream.indirect_vreg.gather [hbm4b:s3+s1], $0x80, v1, vm0, $0xb8;
	[tilespmem:$0x1A100] =	vst v63  }
0x4b: {  	s22 =	simm.s32 $0x6900;
	v0 =	vperm.xlane v0, v4  }
0x4c: {  	[tilespmem:s22], [sflag:$0x1] =	stream.indirect_vreg.gather [hbm4b:s8+s1], $0x80, v1, vm0, $0xb8;
	[tilespmem:$0x1A100] =	vst v63  }
0x4d: {  	s23 =	simm.s32 $0x7100;
	v0 =	vadd.s32 v3, v0  }
0x4e: {  	[tilespmem:s23], [sflag:$0x1] =	stream.indirect_vreg.gather [hbm4b:s9+s1], $0x80, v1, vm0, $0xb8;
	[tilespmem:$0x1A100] =	vst v63  }
0x4f: {  	s17 =	simm.s32 $0x7900  }
0x50: {  	[tilespmem:s17], [sflag:$0x1] =	stream.indirect_vreg.gather [hbm4b:s10+s1], $0x80, v1, vm0, $0xb8;
	[tilespmem:$0x1A100] =	vst v63  }
0x51: {  	s18 =	simm.s32 $0x8100  }
0x52: {  	[tilespmem:s18], [sflag:$0x1] =	stream.indirect_vreg.gather [hbm4b:s3+s1], $0x80, v0, vm0, $0xb8;
	[tilespmem:$0x1A100] =	vst v63  }
0x53: {  	s22 =	simm.s32 $0x8900  }
0x54: {  	[tilespmem:s22], [sflag:$0x1] =	stream.indirect_vreg.gather [hbm4b:s8+s1], $0x80, v0, vm0, $0xb8;
	[tilespmem:$0x1A100] =	vst v63  }
0x55: {  	s23 =	simm.s32 $0x9100  }
0x56: {  	[tilespmem:s23], [sflag:$0x1] =	stream.indirect_vreg.gather [hbm4b:s9+s1], $0x80, v0, vm0, $0xb8;
	[tilespmem:$0x1A100] =	vst v63  }
0x57: {  	s17 =	simm.s32 $0x9900  }
0x58: {  	[tilespmem:s17], [sflag:$0x1] =	stream.indirect_vreg.gather [hbm4b:s10+s1], $0x80, v0, vm0, $0xb8;
	[tilespmem:$0x1A100] =	vst v63  }
0x59: {  	v0 =	vld [tilespmem:$0x80];
	_ =	sdelay $0x4  }
0x5a: {  	v62 =	vshll.u32 v0, $0x3  }
0x5b: {  	v0 =	vand.u32 $0x7, v0;
	v1 =	vand.u32 $0xFFFFFFC0, v62  }
0x5c: {  	v0 =	vor.u32 v0, v1  }
0x5d: {  	v1 =	vperm.xlane v0, v2;
	_ =	sdelay $0x1  }
0x5e: {  	v1 =	vadd.s32 v3, v1;
	_ =	sdelay $0x3  }
0x5f: {  	s18 =	simm.s32 $0xA100  }
0x60: {  	[tilespmem:s18], [sflag:$0x1] =	stream.indirect_vreg.gather [hbm4b:s3+s1], $0x80, v1, vm0, $0xb8;
	[tilespmem:$0x1A100] =	vst v63  }
0x61: {  	s22 =	simm.s32 $0xA900;
	v0 =	vperm.xlane v0, v4  }
0x62: {  	[tilespmem:s22], [sflag:$0x1] =	stream.indirect_vreg.gather [hbm4b:s8+s1], $0x80, v1, vm0, $0xb8;
	[tilespmem:$0x1A100] =	vst v63  }
0x63: {  	v0 =	vadd.s32 v3, v0  }
0x64: {  	[tilespmem:s24], [sflag:$0x1] =	stream.indirect_vreg.gather [hbm4b:s9+s1], $0x80, v1, vm0, $0xb8;
	[tilespmem:$0x1A100] =	vst v63  }
0x65: {  	_ = 	snop  }
0x66: {  	[tilespmem:s25], [sflag:$0x1] =	stream.indirect_vreg.gather [hbm4b:s10+s1], $0x80, v1, vm0, $0xb8;
	[tilespmem:$0x1A100] =	vst v63  }
0x67: {  	_ = 	snop  }
0x68: {  	[tilespmem:s26], [sflag:$0x1] =	stream.indirect_vreg.gather [hbm4b:s3+s1], $0x80, v0, vm0, $0xb8;
	[tilespmem:$0x1A100] =	vst v63  }
0x69: {  	_ = 	snop  }
0x6a: {  	[tilespmem:s28], [sflag:$0x1] =	stream.indirect_vreg.gather [hbm4b:s8+s1], $0x80, v0, vm0, $0xb8;
	[tilespmem:$0x1A100] =	vst v63  }
0x6b: {  	_ = 	snop  }
0x6c: {  	[tilespmem:s29], [sflag:$0x1] =	stream.indirect_vreg.gather [hbm4b:s9+s1], $0x80, v0, vm0, $0xb8;
	[tilespmem:$0x1A100] =	vst v63  }
0x6d: {  	_ = 	snop  }
0x6e: {  	[tilespmem:s30], [sflag:$0x1] =	stream.indirect_vreg.gather [hbm4b:s10+s1], $0x80, v0, vm0, $0xb8;
	[tilespmem:$0x1A100] =	vst v63  }
0x6f: {  	v0 =	vld [tilespmem:$0x90];
	_ =	sdelay $0x4  }
0x70: {  	v63 =	vshll.u32 v0, $0x3  }
0x71: {  	v0 =	vand.u32 $0x7, v0;
	v1 =	vand.u32 $0xFFFFFFC0, v63  }
0x72: {  	v0 =	vor.u32 v0, v1  }
0x73: {  	v1 =	vperm.xlane v0, v2;
	_ =	sdelay $0x1  }
0x74: {  	v1 =	vadd.s32 v3, v1;
	_ =	sdelay $0x4  }
0x75: {  	[tilespmem:s11], [sflag:$0x1] =	stream.indirect_vreg.gather [hbm4b:s3+s1], $0x80, v1, vm0, $0xb8;
	[tilespmem:$0x1A100] =	vst v63  }
0x76: {  	v0 =	vperm.xlane v0, v4  }
0x77: {  	[tilespmem:s31], [sflag:$0x1] =	stream.indirect_vreg.gather [hbm4b:s8+s1], $0x80, v1, vm0, $0xb8;
	[tilespmem:$0x1A100] =	vst v63  }
0x78: {  	v0 =	vadd.s32 v3, v0  }
0x79: {  	[tilespmem:s12], [sflag:$0x1] =	stream.indirect_vreg.gather [hbm4b:s9+s1], $0x80, v1, vm0, $0xb8;
	[tilespmem:$0x1A100] =	vst v63  }
0x7a: {  	_ = 	snop  }
0x7b: {  	[tilespmem:s0], [sflag:$0x1] =	stream.indirect_vreg.gather [hbm4b:s10+s1], $0x80, v1, vm0, $0xb8;
	[tilespmem:$0x1A100] =	vst v63  }
0x7c: {  	_ = 	snop  }
0x7d: {  	[tilespmem:s13], [sflag:$0x1] =	stream.indirect_vreg.gather [hbm4b:s3+s1], $0x80, v0, vm0, $0xb8;
	[tilespmem:$0x1A100] =	vst v63  }
0x7e: {  	_ = 	snop  }
0x7f: {  	[tilespmem:s2], [sflag:$0x1] =	stream.indirect_vreg.gather [hbm4b:s8+s1], $0x80, v0, vm0, $0xb8;
	[tilespmem:$0x1A100] =	vst v63  }
0x80: {  	_ = 	snop  }
0x81: {  	[tilespmem:s14], [sflag:$0x1] =	stream.indirect_vreg.gather [hbm4b:s9+s1], $0x80, v0, vm0, $0xb8;
	[tilespmem:$0x1A100] =	vst v63  }
0x82: {  	_ = 	snop  }
0x83: {  	[tilespmem:s4], [sflag:$0x1] =	stream.indirect_vreg.gather [hbm4b:s10+s1], $0x80, v0, vm0, $0xb8;
	[tilespmem:$0x1A100] =	vst v63  }
0x84: {  	s23 =	rddreg [dreg:$0x7]  }
0x85: {  	[tilespmem:s5], [sflag:$0x2] =	stream.linear.gather [hbm4b:s23+s1], $0x8000, $0x38;
	[tilespmem:$0x1A100] =	vst v63  }
0x86: {  	_ =	swait.ge [sflag:s20], $0x8000  }
0x87: {  	[sflag:s20] =	ssyncset.done $0x0  }
0x88: {  	[sflag:s20] =	ssyncadd.s32 $0xFFFF8000  }
0x89: {  	_ =	swait.ge [sflag:s21], $0x8000  }
0x8a: {  	[sflag:s21] =	ssyncset.done $0x0  }
0x8b: {  	[sflag:s21] =	ssyncadd.s32 $0xFFFF8000  }
0x8c: {  	_ =	swait.ge [sflag:s21], $0x8000  }
0x8d: {  	s7 =	simm.s32 $0x0;
	[sflag:s21] =	ssyncset.done $0x0  }
0x8e: {  	s17 =	simm.s32 $0x0;
	s22 =	simm.s32 $0x0;
	[sflag:s21] =	ssyncadd.s32 $0xFFFF8000  }
.LBB2_2:
0x8f: {  	v3 =	vld [tilespmem:s6+$0x0];
	s18 =	sand.u32 $0x6000, s17;
	s23 =	sand.u32 $0x380, s7  }
0x90: {  	v4 =	vld [tilespmem:s16+$0x0];
	s18 =	sor.u32 s23, s18  }
0x91: {  	v20 =	vld [tilespmem:s18+$0x12100]  }
0x92: {  	v27 =	vld [tilespmem:s18+$0x2100]  }
0x93: {  	v28 =	vld [tilespmem:s18+$0xA100]  }
0x94: {  	v29 =	vld [tilespmem:s18+$0x12110]  }
0x95: {  	v30 =	vld [tilespmem:s18+$0x2110]  }
0x96: {  	v34 =	vld [tilespmem:s18+$0xA110]  }
0x97: {  	v40 =	vld [tilespmem:s18+$0x12120]  }
0x98: {  	v41 =	vld [tilespmem:s18+$0x2120]  }
0x99: {  	v44 =	vld [tilespmem:s18+$0xA120]  }
0x9a: {  	v49 =	vld [tilespmem:s18+$0x12130]  }
0x9b: {  	v59 =	vld [tilespmem:s18+$0x2130]  }
0x9c: {  	v10 =	vld [tilespmem:s18+$0xA130]  }
0x9d: {  	v5 =	vld [tilespmem:s18+$0x12140]  }
0x9e: {  	v0 =	vld [tilespmem:s18+$0x2140]  }
0x9f: {  	v11 =	vld [tilespmem:s18+$0xA140]  }
0xa0: {  	v7 =	vld [tilespmem:s18+$0x12150]  }
0xa1: {  	v1 =	vld [tilespmem:s18+$0x2150]  }
0xa2: {  	v6 =	vld [tilespmem:s18+$0xA150]  }
0xa3: {  	v18 =	vld [tilespmem:s18+$0x12160]  }
0xa4: {  	v9 =	vld [tilespmem:s18+$0x2160]  }
0xa5: {  	v19 =	vld [tilespmem:s18+$0xA160]  }
0xa6: {  	v13 =	vld [tilespmem:s18+$0x12170]  }
0xa7: {  	v2 =	vld [tilespmem:s18+$0x2170]  }
0xa8: {  	v21 =	vld [tilespmem:s18+$0xA170]  }
0xa9: {  	v15 =	vld [tilespmem:s18+$0x12500]  }
0xaa: {  	v63 =	vld [tilespmem:s18+$0xA960]  }
0xab: {  	v8 =	vld [tilespmem:s18+$0x2500]  }
0xac: {  	v14 =	vld [tilespmem:s18+$0xA500]  }
0xad: {  	v32 =	vld [tilespmem:s18+$0x12510]  }
0xae: {  	v17 =	vld [tilespmem:s18+$0x2510]  }
0xaf: {  	[tilespmem:$0x1FDB0] =	vst v63;
	v63 =	vld [tilespmem:s18+$0x12970]  }
0xb0: {  	v33 =	vld [tilespmem:s18+$0xA510]  }
0xb1: {  	v23 =	vld [tilespmem:s18+$0x12520]  }
0xb2: {  	v12 =	vld [tilespmem:s18+$0x2520]  }
0xb3: {  	v35 =	vld [tilespmem:s18+$0xA520]  }
0xb4: {  	[tilespmem:$0x1FDA0] =	vst v63;
	v63 =	vld [tilespmem:s18+$0x2970]  }
0xb5: {  	v25 =	vld [tilespmem:s18+$0x12530]  }
0xb6: {  	v16 =	vld [tilespmem:s18+$0x2530]  }
0xb7: {  	v24 =	vld [tilespmem:s18+$0xA530]  }
0xb8: {  	v43 =	vld [tilespmem:s18+$0x12540]  }
0xb9: {  	[tilespmem:$0x1FD60] =	vst v63;
	v63 =	vld [tilespmem:s18+$0xA970]  }
0xba: {  	v31 =	vld [tilespmem:s18+$0x2540]  }
0xbb: {  	v45 =	vld [tilespmem:s18+$0xA540]  }
0xbc: {  	v52 =	vld [tilespmem:s18+$0x12550]  }
0xbd: {  	v22 =	vld [tilespmem:s18+$0x2550]  }
0xbe: {  	[tilespmem:$0x1FDC0] =	vst v63;
	v63 =	vld [tilespmem:s18+$0x12D00]  }
0xbf: {  	v58 =	vld [tilespmem:s18+$0xA550]  }
0xc0: {  	v38 =	vld [tilespmem:s18+$0x12560]  }
0xc1: {  	v26 =	vld [tilespmem:s18+$0x2560]  }
0xc2: {  	v39 =	vld [tilespmem:s18+$0xA560]  }
0xc3: {  	[tilespmem:$0x1FE00] =	vst v63;
	v63 =	vld [tilespmem:s18+$0x2D00]  }
0xc4: {  	v56 =	vld [tilespmem:s18+$0x12570]  }
0xc5: {  	v42 =	vld [tilespmem:s18+$0x2570]  }
0xc6: {  	v60 =	vld [tilespmem:s18+$0xA570]  }
0xc7: {  	v46 =	vld [tilespmem:s18+$0x12900]  }
0xc8: {  	[tilespmem:$0x1FDD0] =	vst v63;
	v63 =	vld [tilespmem:s18+$0xAD00]  }
0xc9: {  	v36 =	vld [tilespmem:s18+$0x2900]  }
0xca: {  	v53 =	vld [tilespmem:s18+$0xA900]  }
0xcb: {  	v50 =	vld [tilespmem:s18+$0x12910]  }
0xcc: {  	v37 =	vld [tilespmem:s18+$0x2910]  }
0xcd: {  	[tilespmem:$0x1FE20] =	vst v63;
	v63 =	vld [tilespmem:s18+$0x12D10]  }
0xce: {  	v47 =	vld [tilespmem:s18+$0xA910]  }
0xcf: {  	v48 =	vld [tilespmem:s18+$0x12920]  }
0xd0: {  	v54 =	vld [tilespmem:s18+$0x2920]  }
0xd1: {  	v62 =	vld [tilespmem:s18+$0xA920]  }
0xd2: {  	[tilespmem:$0x1FE10] =	vst v63;
	v63 =	vld [tilespmem:s18+$0x2D10]  }
0xd3: {  	v55 =	vld [tilespmem:s18+$0x12930]  }
0xd4: {  	v51 =	vld [tilespmem:s18+$0xA930]  }
0xd5: {  	v57 =	vld [tilespmem:s18+$0x12940]  }
0xd6: {  	v61 =	vld [tilespmem:s18+$0x12950]  }
0xd7: {  	[tilespmem:$0x1FDE0] =	vst v63;
	v63 =	vld [tilespmem:s18+$0xAD10]  }
0xd8: {  	[tilespmem:$0x1FD20] =	vst v48;
	v48 =	vld [tilespmem:s18+$0x2930]  }
0xd9: {  	[tilespmem:$0x1FD40] =	vst v51;
	v51 =	vld [tilespmem:s18+$0x2940]  }
0xda: {  	[tilespmem:$0x1FD30] =	vst v62;
	v62 =	vld [tilespmem:s18+$0xA940];
	v27 =	vmul.f32 v27, v3;
	v30 =	vmul.f32 v30, v3  }
0xdb: {  	[tilespmem:$0x1FD70] =	vst v61;
	v61 =	vld [tilespmem:s18+$0x2950];
	v41 =	vmul.f32 v41, v3;
	v2 =	vmul.f32 v2, v3  }
0xdc: {  	v20 =	vadd.f32 v27, v20;
	v27 =	vadd.f32 v30, v29;
	v30 =	vmul.f32 v34, v4;
	[tilespmem:$0x1FE40] =	vst v63;
	v63 =	vld [tilespmem:s18+$0x12D20]  }
0xdd: {  	v34 =	vmul.f32 v44, v4;
	v44 =	vmul.f32 v59, v3;
	v59 =	vld [tilespmem:s18+$0x13120]  }
0xde: {  	v1 =	vmul.f32 v1, v3;
	v29 =	vadd.f32 v41, v40;
	v41 =	vmul.f32 v10, v4;
	v10 =	vld [tilespmem:s18+$0x13130]  }
0xdf: {  	v2 =	vadd.f32 v2, v13;
	v13 =	vld [tilespmem:s18+$0xB140]  }
0xe0: {  	v28 =	vmul.f32 v28, v4;
	v1 =	vadd.f32 v1, v7;
	v7 =	vld [tilespmem:s18+$0x3510]  }
0xe1: {  	[tilespmem:$0x1FE30] =	vst v63;
	v63 =	vld [tilespmem:s18+$0x2D20]  }
0xe2: {  	v20 =	vadd.f32 v28, v20;
	v28 =	vld [tilespmem:s18+$0x3120]  }
0xe3: {  	v40 =	vadd.f32 v44, v49;
	v44 =	vld [tilespmem:s18+$0xB120]  }
0xe4: {  	v27 =	vadd.f32 v30, v27;
	v30 =	vadd.f32 v34, v29;
	v29 =	vld [tilespmem:s18+$0xB130]  }
0xe5: {  	v6 =	vmul.f32 v6, v4;
	[tilespmem:$0x1FD50] =	vst v61;
	v61 =	vld [tilespmem:s18+$0xA950]  }
0xe6: {  	v0 =	vmul.f32 v0, v3;
	v49 =	vmul.f32 v11, v4;
	[tilespmem:$0x1FDF0] =	vst v63;
	v63 =	vld [tilespmem:s18+$0xAD20]  }
0xe7: {  	v1 =	vadd.f32 v6, v1;
	v34 =	vmul.f32 v8, v3;
	v11 =	vadd.f32 v41, v40;
	v40 =	vld [tilespmem:s18+$0x3130]  }
0xe8: {  	v0 =	vadd.f32 v0, v5;
	v41 =	vmul.f32 v19, v4;
	v19 =	vmul.f32 v12, v3;
	v12 =	vld [tilespmem:s18+$0x13150]  }
0xe9: {  	[tilespmem:s18+$0x12150] =	vst v1;
	v1 =	vld [tilespmem:s18+$0x13520]  }
0xea: {  	[tilespmem:$0x1FFA0] =	vst v59;
	v59 =	vmul.f32 v9, v3;
	v9 =	vadd.f32 v49, v0;
	v0 =	vadd.f32 v34, v15;
	v34 =	vld [tilespmem:s18+$0x3140]  }
0xeb: {  	v49 =	vmul.f32 v21, v4;
	[tilespmem:$0x1FE50] =	vst v63;
	v63 =	vld [tilespmem:s18+$0x12D30]  }
0xec: {  	[tilespmem:$0x1FFB0] =	vst v44;
	v44 =	vld [tilespmem:s18+$0x13140]  }
0xed: {  	v15 =	vadd.f32 v49, v2;
	v49 =	vld [tilespmem:s18+$0x3150]  }
0xee: {  	v5 =	vadd.f32 v59, v18;
	[tilespmem:s18+$0x12140] =	vst v9;
	v9 =	vld [tilespmem:s18+$0x3520]  }
0xef: {  	v59 =	vmul.f32 v14, v4;
	v18 =	vmul.f32 v17, v3;
	[tilespmem:$0x1FD90] =	vst v61;
	v61 =	vld [tilespmem:s18+$0x12960]  }
0xf0: {  	v21 =	vmul.f32 v16, v3;
	v6 =	vadd.f32 v41, v5;
	[tilespmem:$0x1FE90] =	vst v63;
	v63 =	vld [tilespmem:s18+$0x2D30]  }
0xf1: {  	v8 =	vadd.f32 v59, v0;
	v2 =	vadd.f32 v18, v32;
	v59 =	vmul.f32 v35, v4;
	v41 =	vld [tilespmem:s18+$0xB150]  }
0xf2: {  	v32 =	vadd.f32 v19, v23;
	v23 =	vmul.f32 v31, v3;
	v31 =	vmul.f32 v45, v4;
	v45 =	vld [tilespmem:s18+$0xB170]  }
0xf3: {  	v35 =	vmul.f32 v42, v3;
	v42 =	vmul.f32 v60, v4;
	v60 =	vld [tilespmem:s18+$0xB500]  }
0xf4: {  	v5 =	vld [tilespmem:s18+$0x13510]  }
0xf5: {  	v0 =	vadd.f32 v21, v25;
	v21 =	vmul.f32 v24, v4;
	v24 =	vmul.f32 v22, v3;
	[tilespmem:$0x1FE60] =	vst v63;
	v63 =	vld [tilespmem:s18+$0xAD30]  }
0xf6: {  	v14 =	vadd.f32 v59, v32;
	v59 =	vld [tilespmem:s18+$0x3160]  }
0xf7: {  	v25 =	vmul.f32 v26, v3;
	v26 =	vadd.f32 v24, v52;
	v52 =	vld [tilespmem:s18+$0xB160]  }
0xf8: {  	v32 =	vmul.f32 v58, v4;
	v58 =	vld [tilespmem:s18+$0x3170]  }
0xf9: {  	[tilespmem:s18+$0x12160] =	vst v6;
	v6 =	vld [tilespmem:s18+$0xB520]  }
0xfa: {  	[tilespmem:$0x1FEB0] =	vst v63;
	v63 =	vld [tilespmem:s18+$0x12D40]  }
0xfb: {  	v36 =	vmul.f32 v36, v3;
	[tilespmem:s18+$0x12500] =	vst v8;
	v8 =	vld [tilespmem:s18+$0x13530]  }
0xfc: {  	v16 =	vadd.f32 v21, v0;
	v0 =	vadd.f32 v25, v38;
	v38 =	vmul.f32 v37, v3;
	[tilespmem:$0x1FD80] =	vst v61;
	v61 =	vld [tilespmem:s18+$0x2960]  }
0xfd: {  	[tilespmem:$0x1FFC0] =	vst v44;
	v44 =	vmul.f32 v33, v4;
	v18 =	vadd.f32 v32, v26;
	v32 =	vld [tilespmem:$0x1FD20]  }
0xfe: {  	v33 =	vmul.f32 v39, v4;
	v39 =	vadd.f32 v36, v46;
	v46 =	vadd.f32 v38, v50;
	v38 =	vld [tilespmem:$0x1FD40]  }
0xff: {  	[tilespmem:$0x1FEA0] =	vst v63;
	v63 =	vld [tilespmem:s18+$0x2D40]  }
0x100: {  	v17 =	vadd.f32 v44, v2;
	v44 =	vld [tilespmem:s18+$0x13160]  }
0x101: {  	[tilespmem:s18+$0x12110] =	vst v27;
	v27 =	vmul.f32 v48, v3;
	v2 =	vadd.f32 v23, v43;
	v43 =	vld [tilespmem:s18+$0x13170]  }
0x102: {  	v19 =	vadd.f32 v33, v0;
	v0 =	vld [tilespmem:s18+$0x3500]  }
0x103: {  	v7 =	vmul.f32 v7, v3;
	v33 =	vadd.f32 v27, v55;
	v55 =	vld [tilespmem:$0x1FD80]  }
0x104: {  	v9 =	vmul.f32 v9, v3;
	[tilespmem:$0x1FE70] =	vst v63;
	v63 =	vld [tilespmem:s18+$0xAD40]  }
0x105: {  	v50 =	vmul.f32 v53, v4;
	v53 =	vmul.f32 v47, v4;
	v5 =	vadd.f32 v7, v5;
	v7 =	vld [tilespmem:s18+$0x13930]  }
0x106: {  	v1 =	vadd.f32 v9, v1;
	v9 =	vld [tilespmem:s18+$0x13940]  }
0x107: {  	[tilespmem:s18+$0x12100] =	vst v20;
	v20 =	vadd.f32 v53, v46;
	v46 =	vld [tilespmem:$0x1FD50]  }
0x108: {  	v22 =	vadd.f32 v50, v39;
	v50 =	vld [tilespmem:$0x1FD60]  }
0x109: {  	[tilespmem:$0x1FED0] =	vst v63;
	v63 =	vld [tilespmem:s18+$0x12D50]  }
0x10a: {  	v53 =	vld [tilespmem:$0x1FD70]  }
0x10b: {  	v21 =	vadd.f32 v31, v2;
	v2 =	vadd.f32 v35, v56;
	v56 =	vld [tilespmem:s18+$0x13500]  }
0x10c: {  	v35 =	vld [tilespmem:$0x1FD30]  }
0x10d: {  	v24 =	vadd.f32 v42, v2;
	v2 =	vld [tilespmem:s18+$0xB510]  }
0x10e: {  	v31 =	vmul.f32 v51, v3;
	[tilespmem:$0x1FEC0] =	vst v63;
	v63 =	vld [tilespmem:s18+$0x2D50]  }
0x10f: {  	v26 =	vmul.f32 v54, v3;
	v48 =	vmul.f32 v61, v3;
	v61 =	vld [tilespmem:$0x1FD90]  }
0x110: {  	v37 =	vadd.f32 v31, v57;
	v39 =	vmul.f32 v38, v4;
	v31 =	vld [tilespmem:s18+$0xB530]  }
0x111: {  	[tilespmem:s18+$0x12130] =	vst v11;
	v11 =	vadd.f32 v26, v32;
	v32 =	vld [tilespmem:s18+$0x13540]  }
0x112: {  	v42 =	vmul.f32 v62, v4;
	v23 =	vadd.f32 v39, v33;
	v33 =	vld [tilespmem:$0x1FDA0]  }
0x113: {  	[tilespmem:$0x1FE80] =	vst v63;
	v63 =	vld [tilespmem:s18+$0xAD50]  }
0x114: {  	v0 =	vmul.f32 v0, v3;
	v25 =	vadd.f32 v42, v37;
	v37 =	vld [tilespmem:$0x1FDC0]  }
0x115: {  	v47 =	vmul.f32 v46, v3;
	v36 =	vmul.f32 v35, v4;
	v35 =	vld [tilespmem:$0x1FDB0]  }
0x116: {  	v0 =	vadd.f32 v0, v56;
	v56 =	vld [tilespmem:s18+$0xB960]  }
0x117: {  	v54 =	vadd.f32 v47, v53;
	v47 =	vld [tilespmem:$0x1FE00]  }
0x118: {  	[tilespmem:$0x1FEE0] =	vst v63;
	v63 =	vld [tilespmem:s18+$0x12D60]  }
0x119: {  	v39 =	vld [tilespmem:$0x1FDD0]  }
0x11a: {  	v57 =	vadd.f32 v48, v55;
	v48 =	vld [tilespmem:$0x1FE10]  }
0x11b: {  	v42 =	vld [tilespmem:$0x1FDE0]  }
0x11c: {  	v46 =	vld [tilespmem:$0x1FDF0]  }
0x11d: {  	v51 =	vmul.f32 v50, v3;
	[tilespmem:$0x1FF20] =	vst v63;
	v63 =	vld [tilespmem:s18+$0x2D60]  }
0x11e: {  	[tilespmem:s18+$0x12120] =	vst v30;
	v53 =	vld [tilespmem:$0x1FE40]  }
0x11f: {  	[tilespmem:s18+$0x12170] =	vst v15;
	v62 =	vmul.f32 v61, v4;
	v27 =	vadd.f32 v51, v33;
	v51 =	vld [tilespmem:$0x1FE30]  }
0x120: {  	[tilespmem:s18+$0x12520] =	vst v14;
	v11 =	vadd.f32 v36, v11;
	v38 =	vmul.f32 v37, v4;
	v33 =	vld [tilespmem:s18+$0x3530]  }
0x121: {  	[tilespmem:s18+$0x12510] =	vst v17;
	v15 =	vadd.f32 v62, v54;
	v37 =	vld [tilespmem:s18+$0xB540];
	v36 =	vmul.f32 v35, v4;
	v17 =	vmul.f32 v39, v3  }
0x122: {  	v26 =	vadd.f32 v38, v27;
	v30 =	vmul.f32 v42, v3;
	v27 =	vmul.f32 v46, v3;
	[tilespmem:$0x1FEF0] =	vst v63;
	v63 =	vld [tilespmem:s18+$0xAD60]  }
0x123: {  	[tilespmem:s18+$0x12530] =	vst v16;
	v14 =	vadd.f32 v36, v57;
	v16 =	vadd.f32 v17, v47;
	v54 =	vld [tilespmem:$0x1FE50]  }
0x124: {  	[tilespmem:s18+$0x12540] =	vst v21;
	v36 =	vld [tilespmem:s18+$0x3540];
	v17 =	vadd.f32 v30, v48;
	v21 =	vadd.f32 v27, v51;
	v27 =	vmul.f32 v53, v4  }
0x125: {  	v50 =	vld [tilespmem:$0x1FE20]  }
0x126: {  	v17 =	vadd.f32 v27, v17;
	v27 =	vld [tilespmem:s18+$0x13550]  }
0x127: {  	[tilespmem:$0x1FF30] =	vst v63;
	v63 =	vld [tilespmem:s18+$0x12D70]  }
0x128: {  	v35 =	vmul.f32 v54, v4;
	v57 =	vld [tilespmem:$0x1FE70]  }
0x129: {  	v62 =	vld [tilespmem:$0x1FE90]  }
0x12a: {  	[tilespmem:s18+$0x12560] =	vst v19;
	v19 =	vadd.f32 v35, v21;
	v35 =	vld [tilespmem:$0x1FEA0]  }
0x12b: {  	v30 =	vmul.f32 v50, v4;
	v55 =	vld [tilespmem:$0x1FE60]  }
0x12c: {  	[tilespmem:$0x1FF40] =	vst v63;
	v63 =	vld [tilespmem:s18+$0x2D70]  }
0x12d: {  	v16 =	vadd.f32 v30, v16;
	v38 =	vld [tilespmem:$0x1FEB0];
	v30 =	vmul.f32 v57, v3  }
0x12e: {  	v42 =	vld [tilespmem:$0x1FED0]  }
0x12f: {  	[tilespmem:s18+$0x12570] =	vst v24;
	v24 =	vadd.f32 v30, v35;
	v35 =	vld [tilespmem:s18+$0x3550]  }
0x130: {  	v61 =	vld [tilespmem:$0x1FE80]  }
0x131: {  	[tilespmem:$0x1FF00] =	vst v63;
	v63 =	vld [tilespmem:s18+$0xAD70]  }
0x132: {  	v39 =	vld [tilespmem:$0x1FEC0]  }
0x133: {  	[tilespmem:s18+$0x12900] =	vst v22;
	v22 =	vmul.f32 v42, v4;
	v46 =	vld [tilespmem:$0x1FEE0]  }
0x134: {  	v42 =	vld [tilespmem:s18+$0x13560]  }
0x135: {  	[tilespmem:s18+$0x12920] =	vst v11;
	v11 =	vadd.f32 v22, v24;
	v24 =	vld [tilespmem:s18+$0x3560];
	v21 =	vmul.f32 v61, v3  }
0x136: {  	[tilespmem:$0x1FF50] =	vst v63;
	v63 =	vld [tilespmem:s18+$0x13100]  }
0x137: {  	v21 =	vadd.f32 v21, v39;
	v39 =	vld [tilespmem:s18+$0xB550]  }
0x138: {  	v30 =	vmul.f32 v38, v4;
	v38 =	vmul.f32 v46, v4;
	v51 =	vld [tilespmem:$0x1FF20]  }
0x139: {  	v47 =	vld [tilespmem:$0x1FEF0]  }
0x13a: {  	v21 =	vadd.f32 v38, v21;
	v38 =	vld [tilespmem:s18+$0xB560]  }
0x13b: {  	[tilespmem:$0x1FF60] =	vst v63;
	v63 =	vld [tilespmem:s18+$0x3100]  }
0x13c: {  	v53 =	vld [tilespmem:$0x1FF30]  }
0x13d: {  	[tilespmem:s18+$0x12550] =	vst v18;
	v48 =	vld [tilespmem:$0x1FF00]  }
0x13e: {  	[tilespmem:s18+$0x12910] =	vst v20;
	v18 =	vmul.f32 v55, v3;
	v20 =	vmul.f32 v47, v3;
	v47 =	vld [tilespmem:s18+$0x13570]  }
0x13f: {  	v54 =	vld [tilespmem:$0x1FF40]  }
0x140: {  	v18 =	vadd.f32 v18, v62;
	[tilespmem:$0x1FF10] =	vst v63;
	v63 =	vld [tilespmem:s18+$0xB100]  }
0x141: {  	[tilespmem:s18+$0x12970] =	vst v26;
	v26 =	vld [tilespmem:s18+$0xB910]  }
0x142: {  	v18 =	vadd.f32 v30, v18;
	v30 =	vmul.f32 v48, v3;
	v55 =	vld [tilespmem:$0x1FF50]  }
0x143: {  	v48 =	vmul.f32 v28, v3;
	v28 =	vld [tilespmem:s18+$0x3570]  }
0x144: {  	v30 =	vadd.f32 v30, v54;
	v54 =	vld [tilespmem:$0x1FFA0]  }
0x145: {  	[tilespmem:$0x1FF70] =	vst v63;
	v63 =	vld [tilespmem:s18+$0x13110]  }
0x146: {  	v57 =	vld [tilespmem:$0x1FF60]  }
0x147: {  	[tilespmem:s18+$0x12940] =	vst v25;
	v25 =	vmul.f32 v55, v4;
	v55 =	vld [tilespmem:$0x1FFB0]  }
0x148: {  	[tilespmem:s18+$0x12930] =	vst v23;
	v50 =	vld [tilespmem:$0x1FF10]  }
0x149: {  	[tilespmem:s18+$0x12960] =	vst v14;
	v14 =	vadd.f32 v25, v30;
	v30 =	vld [tilespmem:s18+$0xB570]  }
0x14a: {  	v20 =	vadd.f32 v20, v51;
	v23 =	vmul.f32 v53, v4;
	[tilespmem:$0x1FF90] =	vst v63;
	v63 =	vld [tilespmem:s18+$0x3110]  }
0x14b: {  	v13 =	vmul.f32 v13, v4;
	v6 =	vmul.f32 v6, v4;
	[tilespmem:s18+$0x12950] =	vst v15;
	v61 =	vld [tilespmem:$0x1FF70]  }
0x14c: {  	v2 =	vmul.f32 v2, v4;
	v15 =	vadd.f32 v23, v20;
	[tilespmem:s18+$0x12D00] =	vst v16;
	v23 =	vadd.f32 v48, v54;
	v48 =	vld [tilespmem:$0x1FFC0]  }
0x14d: {  	v54 =	vld [tilespmem:s18+$0x3920];
	[tilespmem:s18+$0x12D10] =	vst v17;
	v22 =	vmul.f32 v50, v3;
	v50 =	vmul.f32 v40, v3  }
0x14e: {  	v1 =	vadd.f32 v6, v1;
	v25 =	vmul.f32 v37, v4;
	v37 =	vld [tilespmem:s18+$0x13950];
	v16 =	vmul.f32 v55, v4;
	[tilespmem:s18+$0x12D20] =	vst v19  }
0x14f: {  	v22 =	vadd.f32 v22, v57;
	v10 =	vadd.f32 v50, v10;
	v57 =	vmul.f32 v29, v4;
	[tilespmem:$0x1FF80] =	vst v63;
	v63 =	vld [tilespmem:s18+$0xB110]  }
0x150: {  	v16 =	vadd.f32 v16, v23;
	v50 =	vmul.f32 v41, v4;
	v46 =	vmul.f32 v61, v4;
	[tilespmem:s18+$0x12D30] =	vst v18;
	v62 =	vld [tilespmem:$0x1FF80]  }
0x151: {  	v23 =	vld [tilespmem:s18+$0x13910];
	v41 =	vmul.f32 v39, v4;
	v10 =	vadd.f32 v57, v10;
	v57 =	vmul.f32 v45, v4;
	[tilespmem:s18+$0x12D40] =	vst v11  }
0x152: {  	v45 =	vmul.f32 v30, v4;
	v51 =	vld [tilespmem:$0x1FF90];
	v22 =	vadd.f32 v46, v22;
	v46 =	vmul.f32 v59, v3;
	[tilespmem:s18+$0x12D50] =	vst v21  }
0x153: {  	v2 =	vadd.f32 v2, v5;
	v40 =	vld [tilespmem:s18+$0x13900];
	v59 =	vmul.f32 v33, v3;
	v33 =	vmul.f32 v24, v3;
	[tilespmem:s18+$0x12D60] =	vst v15  }
0x154: {  	v29 =	vld [tilespmem:s18+$0x3900];
	v19 =	vadd.f32 v46, v44;
	[tilespmem:s18+$0x12D70] =	vst v14;
	v53 =	vmul.f32 v63, v4;
	v63 =	vmul.f32 v49, v3  }
0x155: {  	v24 =	vld [tilespmem:s18+$0xB970];
	[tilespmem:s18+$0x13100] =	vst v22;
	v8 =	vadd.f32 v59, v8;
	v20 =	vmul.f32 v62, v3;
	v62 =	vmul.f32 v34, v3  }
0x156: {  	[tilespmem:s18+$0x13120] =	vst v16;
	v44 =	vmul.f32 v38, v4;
	v49 =	vld [tilespmem:s18+$0x3910];
	v12 =	vadd.f32 v63, v12;
	v63 =	vmul.f32 v31, v4  }
0x157: {  	[tilespmem:s18+$0x13130] =	vst v10;
	v46 =	vld [tilespmem:s18+$0xB950];
	v20 =	vadd.f32 v20, v51;
	v18 =	vadd.f32 v62, v48;
	v51 =	vmul.f32 v52, v4  }
0x158: {  	v21 =	vld [tilespmem:s18+$0x13920];
	[tilespmem:s18+$0x13510] =	vst v2;
	v52 =	vmul.f32 v58, v3;
	v11 =	vadd.f32 v50, v12;
	v8 =	vadd.f32 v63, v8  }
0x159: {  	[tilespmem:s18+$0x13520] =	vst v1;
	v34 =	vld [tilespmem:s18+$0xB900];
	v58 =	vmul.f32 v60, v4;
	v61 =	vadd.f32 v53, v20;
	v13 =	vadd.f32 v13, v18  }
0x15a: {  	v60 =	vld [tilespmem:s18+$0x3930];
	v48 =	vmul.f32 v29, v3;
	v53 =	vadd.f32 v51, v19;
	v55 =	vadd.f32 v52, v43;
	[tilespmem:s18+$0x13150] =	vst v11  }
0x15b: {  	v19 =	vld [tilespmem:s18+$0xB920];
	v0 =	vadd.f32 v58, v0;
	v49 =	vmul.f32 v49, v3;
	v52 =	vmul.f32 v54, v3;
	[tilespmem:s18+$0x13530] =	vst v8  }
0x15c: {  	v62 =	vld [tilespmem:s18+$0xB930];
	v58 =	vmul.f32 v26, v4;
	v11 =	vadd.f32 v33, v42;
	v33 =	vmul.f32 v46, v4;
	[tilespmem:s18+$0x13110] =	vst v61  }
0x15d: {  	v43 =	vld [tilespmem:s18+$0x3950];
	v14 =	vadd.f32 v57, v55;
	v61 =	vmul.f32 v36, v3;
	[tilespmem:s18+$0x13140] =	vst v13;
	v36 =	vmul.f32 v28, v3  }
0x15e: {  	v31 =	vld [tilespmem:s18+$0x3940];
	[tilespmem:s18+$0x13500] =	vst v0;
	v54 =	vadd.f32 v49, v23;
	v57 =	vmul.f32 v34, v4;
	v0 =	vadd.f32 v44, v11  }
0x15f: {  	v59 =	vld [tilespmem:s18+$0x3970];
	[tilespmem:s18+$0x13160] =	vst v53;
	v55 =	vmul.f32 v60, v3;
	v5 =	vadd.f32 v61, v32;
	v32 =	vmul.f32 v35, v3  }
0x160: {  	v53 =	vld [tilespmem:s18+$0x3960];
	[tilespmem:s18+$0x13170] =	vst v14;
	v10 =	vadd.f32 v36, v47;
	v60 =	vmul.f32 v19, v4;
	v19 =	vadd.f32 v58, v54  }
0x161: {  	v35 =	vld [tilespmem:s18+$0xB940];
	v61 =	vmul.f32 v62, v4;
	v7 =	vadd.f32 v55, v7;
	[tilespmem:s18+$0x13560] =	vst v0;
	v5 =	vadd.f32 v25, v5  }
0x162: {  	v50 =	vld [tilespmem:s18+$0x13960];
	v28 =	vmul.f32 v43, v3;
	v6 =	vadd.f32 v32, v27;
	v51 =	vadd.f32 v45, v10;
	[tilespmem:s18+$0x13910] =	vst v19  }
0x163: {  	v23 =	vmul.f32 v31, v3;
	v62 =	vld [tilespmem:s18+$0x13970];
	v10 =	vadd.f32 v52, v21;
	v27 =	vadd.f32 v61, v7;
	[tilespmem:s18+$0x13540] =	vst v5  }
0x164: {  	v34 =	vmul.f32 v59, v3;
	v32 =	vadd.f32 v28, v37;
	v47 =	vadd.f32 v41, v6;
	[tilespmem:s18+$0x13570] =	vst v51  }
0x165: {  	v31 =	vmul.f32 v53, v3;
	v6 =	vadd.f32 v48, v40;
	v26 =	vadd.f32 v60, v10;
	[tilespmem:s18+$0x13930] =	vst v27  }
0x166: {  	v29 =	vadd.f32 v23, v9;
	v30 =	vmul.f32 v35, v4;
	v37 =	vadd.f32 v33, v32;
	[tilespmem:s18+$0x13550] =	vst v47  }
0x167: {  	v36 =	vmul.f32 v56, v4;
	v35 =	vadd.f32 v31, v50;
	v63 =	vadd.f32 v57, v6;
	[tilespmem:s18+$0x13920] =	vst v26  }
0x168: {  	v39 =	vmul.f32 v24, v4;
	v38 =	vadd.f32 v34, v62;
	v0 =	vadd.f32 v30, v29;
	[tilespmem:s18+$0x13950] =	vst v37  }
0x169: {  	s23 =	sand.u32 $0x7, s22;
	v40 =	vadd.f32 v36, v35;
	[tilespmem:s18+$0x13900] =	vst v63  }
0x16a: {  	s23 =	sshll.u32 s23, $0x7;
	v41 =	vadd.f32 v39, v38;
	[tilespmem:s18+$0x13940] =	vst v0  }
0x16b: {  	s23 =	sadd.s32 s23, s17;
	[tilespmem:s18+$0x13960] =	vst v40  }
0x16c: {  	[tilespmem:s18+$0x13970] =	vst v41;
	s18 =	sor.u32 $0x1C00, s23  }
0x16d: {  	v0 =	vld [tilespmem:s18+$0x2100]  }
0x16e: {  	v1 =	vld [tilespmem:s18+$0x12100]  }
0x16f: {  	v2 =	vld [tilespmem:s18+$0xA100];
	_ =	sdelay $0x2  }
0x170: {  	v0 =	vmul.f32 v0, v3;
	_ =	sdelay $0x1  }
0x171: {  	v42 =	vmul.f32 v2, v4;
	v0 =	vadd.f32 v0, v1;
	_ =	sdelay $0x1  }
0x172: {  	v0 =	vadd.f32 v42, v0;
	_ =	sdelay $0x1  }
0x173: {  	[tilespmem:s18+$0x12100] =	vst v0;
	s18 =	sor.u32 $0x1C10, s23  }
0x174: {  	v0 =	vld [tilespmem:s18+$0x2100]  }
0x175: {  	v43 =	vld [tilespmem:s18+$0x12100]  }
0x176: {  	v44 =	vld [tilespmem:s18+$0xA100];
	_ =	sdelay $0x2  }
0x177: {  	v0 =	vmul.f32 v0, v3;
	_ =	sdelay $0x1  }
0x178: {  	v45 =	vmul.f32 v44, v4;
	v0 =	vadd.f32 v0, v43;
	_ =	sdelay $0x1  }
0x179: {  	v0 =	vadd.f32 v45, v0;
	_ =	sdelay $0x1  }
0x17a: {  	[tilespmem:s18+$0x12100] =	vst v0;
	s18 =	sor.u32 $0x1C20, s23  }
0x17b: {  	v0 =	vld [tilespmem:s18+$0x2100]  }
0x17c: {  	v46 =	vld [tilespmem:s18+$0x12100]  }
0x17d: {  	v47 =	vld [tilespmem:s18+$0xA100];
	_ =	sdelay $0x2  }
0x17e: {  	v0 =	vmul.f32 v0, v3;
	_ =	sdelay $0x1  }
0x17f: {  	v48 =	vmul.f32 v47, v4;
	v0 =	vadd.f32 v0, v46;
	_ =	sdelay $0x1  }
0x180: {  	v0 =	vadd.f32 v48, v0;
	_ =	sdelay $0x1  }
0x181: {  	[tilespmem:s18+$0x12100] =	vst v0;
	s18 =	sor.u32 $0x1C30, s23  }
0x182: {  	v0 =	vld [tilespmem:s18+$0x2100]  }
0x183: {  	v49 =	vld [tilespmem:s18+$0x12100]  }
0x184: {  	v50 =	vld [tilespmem:s18+$0xA100];
	_ =	sdelay $0x2  }
0x185: {  	v0 =	vmul.f32 v0, v3;
	_ =	sdelay $0x1  }
0x186: {  	v51 =	vmul.f32 v50, v4;
	v0 =	vadd.f32 v0, v49;
	_ =	sdelay $0x1  }
0x187: {  	v0 =	vadd.f32 v51, v0;
	_ =	sdelay $0x1  }
0x188: {  	[tilespmem:s18+$0x12100] =	vst v0;
	s18 =	sor.u32 $0x1C40, s23  }
0x189: {  	v0 =	vld [tilespmem:s18+$0x2100]  }
0x18a: {  	v52 =	vld [tilespmem:s18+$0x12100]  }
0x18b: {  	v53 =	vld [tilespmem:s18+$0xA100];
	_ =	sdelay $0x2  }
0x18c: {  	v0 =	vmul.f32 v0, v3;
	_ =	sdelay $0x1  }
0x18d: {  	v54 =	vmul.f32 v53, v4;
	v0 =	vadd.f32 v0, v52;
	_ =	sdelay $0x1  }
0x18e: {  	v0 =	vadd.f32 v54, v0;
	_ =	sdelay $0x1  }
0x18f: {  	[tilespmem:s18+$0x12100] =	vst v0;
	s18 =	sor.u32 $0x1C50, s23  }
0x190: {  	v0 =	vld [tilespmem:s18+$0x2100]  }
0x191: {  	v55 =	vld [tilespmem:s18+$0x12100]  }
0x192: {  	v56 =	vld [tilespmem:s18+$0xA100];
	_ =	sdelay $0x2  }
0x193: {  	v0 =	vmul.f32 v0, v3;
	_ =	sdelay $0x1  }
0x194: {  	v57 =	vmul.f32 v56, v4;
	v0 =	vadd.f32 v0, v55;
	_ =	sdelay $0x1  }
0x195: {  	v0 =	vadd.f32 v57, v0;
	_ =	sdelay $0x1  }
0x196: {  	[tilespmem:s18+$0x12100] =	vst v0;
	s18 =	sor.u32 $0x1C60, s23  }
0x197: {  	v0 =	vld [tilespmem:s18+$0x2100]  }
0x198: {  	v58 =	vld [tilespmem:s18+$0x12100]  }
0x199: {  	v59 =	vld [tilespmem:s18+$0xA100];
	_ =	sdelay $0x2  }
0x19a: {  	v0 =	vmul.f32 v0, v3;
	_ =	sdelay $0x1  }
0x19b: {  	v60 =	vmul.f32 v59, v4;
	v0 =	vadd.f32 v0, v58;
	_ =	sdelay $0x1  }
0x19c: {  	v0 =	vadd.f32 v60, v0;
	_ =	sdelay $0x1  }
0x19d: {  	s23 =	sor.u32 $0x1C70, s23;
	[tilespmem:s18+$0x12100] =	vst v0  }
0x19e: {  	v0 =	vld [tilespmem:s23+$0x2100]  }
0x19f: {  	v61 =	vld [tilespmem:s23+$0x12100]  }
0x1a0: {  	v62 =	vld [tilespmem:s23+$0xA100];
	_ =	sdelay $0x2  }
0x1a1: {  	v0 =	vmul.f32 v0, v3  }
0x1a2: {  	p0 =	sne.s32 s7, $0xF80  }
.Ltmp0:
0x1a3: {  	v63 =	vmul.f32 v62, v4;
	v0 =	vadd.f32 v0, v61;
	(pc) =	sbr.rel @p0 .LBB2_2-.Ltmp0, $4  }
0x1a4: {  	_ = 	snop  }
0x1a5: {  	v0 =	vadd.f32 v63, v0  }
0x1a6: {  	s6 =	sadd.s32 $0x80, s6;
	s16 =	sadd.s32 $0x80, s16  }
0x1a7: {  	s7 =	sadd.s32 $0x80, s7;
	s22 =	sadd.s32 $0x1, s22;
	s17 =	sadd.s32 $0x400, s17;
	[tilespmem:s23+$0x12100] =	vst v0  }
0x1a8: {  	s6 =	simm.s32 $0x0;
	s7 =	rddreg [dreg:$0x8]  }
0x1a9: {  	[hbm4b:s7+s6] =	stream.linear.scatter [tilespmem:s5], [sflag:$0x2], $0x8000, $0x38;
	[tilespmem:$0x1A100] =	vst v63  }
0x1aa: {  	_ =	swait.ge [sflag:s20], $0x8000  }
0x1ab: {  	[sflag:s20] =	ssyncset.done $0x0  }
0x1ac: {  	s22 =	rddreg [dreg:$0x9];
	[sflag:s20] =	ssyncadd.s32 $0xFFFF8000  }
0x1ad: {  	[tilespmem:s6], [sflag:$0x2] =	stream.linear.gather [hbm4b:s22+s6], $0x20, $0x38;
	[tilespmem:$0x1A100] =	vst v63  }
0x1ae: {  	_ =	swait.ge [sflag:s20], $0x20  }
0x1af: {  	[sflag:s20] =	ssyncset.done $0x0  }
0x1b0: {  	s16 =	simm.s32 $0x80;
	s23 =	rddreg [dreg:$0xa];
	[sflag:s20] =	ssyncadd.s32 $0xFFFFFFE0  }
0x1b1: {  	[tilespmem:s16], [sflag:$0x2] =	stream.linear.gather [hbm4b:s23+s6], $0x20, $0x38;
	[tilespmem:$0x1A100] =	vst v63  }
0x1b2: {  	_ =	swait.ge [sflag:s20], $0x20  }
0x1b3: {  	[sflag:s20] =	ssyncset.done $0x0  }
0x1b4: {  	s16 =	simm.s32 $0x100;
	s17 =	rddreg [dreg:$0xb];
	[sflag:s20] =	ssyncadd.s32 $0xFFFFFFE0  }
0x1b5: {  	[tilespmem:s16], [sflag:$0x2] =	stream.linear.gather [hbm4b:s17+s6], $0x1000, $0x38;
	[tilespmem:$0x1A100] =	vst v63  }
0x1b6: {  	_ =	swait.ge [sflag:s20], $0x1000  }
0x1b7: {  	[sflag:s20] =	ssyncset.done $0x0  }
0x1b8: {  	s22 =	simm.s32 $0x1100;
	s18 =	rddreg [dreg:$0xc];
	[sflag:s20] =	ssyncadd.s32 $0xFFFFF000  }
0x1b9: {  	[tilespmem:s22], [sflag:$0x2] =	stream.linear.gather [hbm4b:s18+s6], $0x1000, $0x38;
	[tilespmem:$0x1A100] =	vst v63  }
0x1ba: {  	_ =	swait.ge [sflag:s20], $0x1000  }
0x1bb: {  	[sflag:s20] =	ssyncset.done $0x0  }
0x1bc: {  	[sflag:s20] =	ssyncadd.s32 $0xFFFFF000  }
0x1bd: {  	v0 =	vld [tilespmem:$0x0];
	_ =	sdelay $0x2  }
0x1be: {  	v2 =	vld [tilespmem:$0x1FFD0];
	_ =	sdelay $0x1  }
0x1bf: {  	v3 =	vld [tilespmem:$0x1FFE0];
	v1 =	vshll.u32 v0, $0x3  }
0x1c0: {  	v0 =	vand.u32 $0x7, v0;
	v1 =	vand.u32 $0xFFFFFFC0, v1  }
0x1c1: {  	v0 =	vor.u32 v0, v1  }
0x1c2: {  	v1 =	vperm.xlane v0, v2;
	_ =	sdelay $0x1  }
0x1c3: {  	v1 =	vadd.s32 v3, v1  }
0x1c4: {  	v4 =	vld [tilespmem:$0x1FFF0];
	_ =	sdelay $0x2  }
0x1c5: {  	s23 =	simm.s32 $0x2100  }
0x1c6: {  	[tilespmem:s23], [sflag:$0x1] =	stream.indirect_vreg.gather [hbm4b:s3+s6], $0x80, v1, vm0, $0xb8;
	[tilespmem:$0x1A100] =	vst v63  }
0x1c7: {  	s17 =	simm.s32 $0x2900;
	v0 =	vperm.xlane v0, v4  }
0x1c8: {  	[tilespmem:s17], [sflag:$0x1] =	stream.indirect_vreg.gather [hbm4b:s8+s6], $0x80, v1, vm0, $0xb8;
	[tilespmem:$0x1A100] =	vst v63  }
0x1c9: {  	s18 =	simm.s32 $0x3100;
	v0 =	vadd.s32 v3, v0  }
0x1ca: {  	[tilespmem:s18], [sflag:$0x1] =	stream.indirect_vreg.gather [hbm4b:s9+s6], $0x80, v1, vm0, $0xb8;
	[tilespmem:$0x1A100] =	vst v63  }
0x1cb: {  	s23 =	simm.s32 $0x3900  }
0x1cc: {  	[tilespmem:s23], [sflag:$0x1] =	stream.indirect_vreg.gather [hbm4b:s10+s6], $0x80, v1, vm0, $0xb8;
	[tilespmem:$0x1A100] =	vst v63  }
0x1cd: {  	s17 =	simm.s32 $0x4100  }
0x1ce: {  	[tilespmem:s17], [sflag:$0x1] =	stream.indirect_vreg.gather [hbm4b:s3+s6], $0x80, v0, vm0, $0xb8;
	[tilespmem:$0x1A100] =	vst v63  }
0x1cf: {  	s18 =	simm.s32 $0x4900  }
0x1d0: {  	[tilespmem:s18], [sflag:$0x1] =	stream.indirect_vreg.gather [hbm4b:s8+s6], $0x80, v0, vm0, $0xb8;
	[tilespmem:$0x1A100] =	vst v63  }
0x1d1: {  	s23 =	simm.s32 $0x5100  }
0x1d2: {  	[tilespmem:s23], [sflag:$0x1] =	stream.indirect_vreg.gather [hbm4b:s9+s6], $0x80, v0, vm0, $0xb8;
	[tilespmem:$0x1A100] =	vst v63  }
0x1d3: {  	s17 =	simm.s32 $0x5900  }
0x1d4: {  	[tilespmem:s17], [sflag:$0x1] =	stream.indirect_vreg.gather [hbm4b:s10+s6], $0x80, v0, vm0, $0xb8;
	[tilespmem:$0x1A100] =	vst v63  }
0x1d5: {  	v0 =	vld [tilespmem:$0x10];
	_ =	sdelay $0x4  }
0x1d6: {  	v61 =	vshll.u32 v0, $0x3  }
0x1d7: {  	v0 =	vand.u32 $0x7, v0;
	v1 =	vand.u32 $0xFFFFFFC0, v61  }
0x1d8: {  	v0 =	vor.u32 v0, v1  }
0x1d9: {  	v1 =	vperm.xlane v0, v2;
	_ =	sdelay $0x1  }
0x1da: {  	v1 =	vadd.s32 v3, v1;
	_ =	sdelay $0x3  }
0x1db: {  	s18 =	simm.s32 $0x6100  }
0x1dc: {  	[tilespmem:s18], [sflag:$0x1] =	stream.indirect_vreg.gather [hbm4b:s3+s6], $0x80, v1, vm0, $0xb8;
	[tilespmem:$0x1A100] =	vst v63  }
0x1dd: {  	s23 =	simm.s32 $0x6900;
	v0 =	vperm.xlane v0, v4  }
0x1de: {  	[tilespmem:s23], [sflag:$0x1] =	stream.indirect_vreg.gather [hbm4b:s8+s6], $0x80, v1, vm0, $0xb8;
	[tilespmem:$0x1A100] =	vst v63  }
0x1df: {  	s17 =	simm.s32 $0x7100;
	v0 =	vadd.s32 v3, v0  }
0x1e0: {  	[tilespmem:s17], [sflag:$0x1] =	stream.indirect_vreg.gather [hbm4b:s9+s6], $0x80, v1, vm0, $0xb8;
	[tilespmem:$0x1A100] =	vst v63  }
0x1e1: {  	s18 =	simm.s32 $0x7900  }
0x1e2: {  	[tilespmem:s18], [sflag:$0x1] =	stream.indirect_vreg.gather [hbm4b:s10+s6], $0x80, v1, vm0, $0xb8;
	[tilespmem:$0x1A100] =	vst v63  }
0x1e3: {  	s23 =	simm.s32 $0x8100  }
0x1e4: {  	[tilespmem:s23], [sflag:$0x1] =	stream.indirect_vreg.gather [hbm4b:s3+s6], $0x80, v0, vm0, $0xb8;
	[tilespmem:$0x1A100] =	vst v63  }
0x1e5: {  	s17 =	simm.s32 $0x8900  }
0x1e6: {  	[tilespmem:s17], [sflag:$0x1] =	stream.indirect_vreg.gather [hbm4b:s8+s6], $0x80, v0, vm0, $0xb8;
	[tilespmem:$0x1A100] =	vst v63  }
0x1e7: {  	s18 =	simm.s32 $0x9100  }
0x1e8: {  	[tilespmem:s18], [sflag:$0x1] =	stream.indirect_vreg.gather [hbm4b:s9+s6], $0x80, v0, vm0, $0xb8;
	[tilespmem:$0x1A100] =	vst v63  }
0x1e9: {  	s23 =	simm.s32 $0x9900  }
0x1ea: {  	[tilespmem:s23], [sflag:$0x1] =	stream.indirect_vreg.gather [hbm4b:s10+s6], $0x80, v0, vm0, $0xb8;
	[tilespmem:$0x1A100] =	vst v63  }
0x1eb: {  	v0 =	vld [tilespmem:$0x80];
	_ =	sdelay $0x4  }
0x1ec: {  	v62 =	vshll.u32 v0, $0x3  }
0x1ed: {  	v0 =	vand.u32 $0x7, v0;
	v1 =	vand.u32 $0xFFFFFFC0, v62  }
0x1ee: {  	v0 =	vor.u32 v0, v1  }
0x1ef: {  	v1 =	vperm.xlane v0, v2;
	_ =	sdelay $0x1  }
0x1f0: {  	v1 =	vadd.s32 v3, v1;
	_ =	sdelay $0x3  }
0x1f1: {  	s17 =	simm.s32 $0xA100  }
0x1f2: {  	[tilespmem:s17], [sflag:$0x1] =	stream.indirect_vreg.gather [hbm4b:s3+s6], $0x80, v1, vm0, $0xb8;
	[tilespmem:$0x1A100] =	vst v63  }
0x1f3: {  	s18 =	simm.s32 $0xA900;
	v0 =	vperm.xlane v0, v4  }
0x1f4: {  	[tilespmem:s18], [sflag:$0x1] =	stream.indirect_vreg.gather [hbm4b:s8+s6], $0x80, v1, vm0, $0xb8;
	[tilespmem:$0x1A100] =	vst v63  }
0x1f5: {  	v0 =	vadd.s32 v3, v0  }
0x1f6: {  	[tilespmem:s24], [sflag:$0x1] =	stream.indirect_vreg.gather [hbm4b:s9+s6], $0x80, v1, vm0, $0xb8;
	[tilespmem:$0x1A100] =	vst v63  }
0x1f7: {  	_ = 	snop  }
0x1f8: {  	[tilespmem:s25], [sflag:$0x1] =	stream.indirect_vreg.gather [hbm4b:s10+s6], $0x80, v1, vm0, $0xb8;
	[tilespmem:$0x1A100] =	vst v63  }
0x1f9: {  	_ = 	snop  }
0x1fa: {  	[tilespmem:s26], [sflag:$0x1] =	stream.indirect_vreg.gather [hbm4b:s3+s6], $0x80, v0, vm0, $0xb8;
	[tilespmem:$0x1A100] =	vst v63  }
0x1fb: {  	_ = 	snop  }
0x1fc: {  	[tilespmem:s28], [sflag:$0x1] =	stream.indirect_vreg.gather [hbm4b:s8+s6], $0x80, v0, vm0, $0xb8;
	[tilespmem:$0x1A100] =	vst v63  }
0x1fd: {  	_ = 	snop  }
0x1fe: {  	[tilespmem:s29], [sflag:$0x1] =	stream.indirect_vreg.gather [hbm4b:s9+s6], $0x80, v0, vm0, $0xb8;
	[tilespmem:$0x1A100] =	vst v63  }
0x1ff: {  	_ = 	snop  }
0x200: {  	[tilespmem:s30], [sflag:$0x1] =	stream.indirect_vreg.gather [hbm4b:s10+s6], $0x80, v0, vm0, $0xb8;
	[tilespmem:$0x1A100] =	vst v63  }
0x201: {  	v0 =	vld [tilespmem:$0x90];
	_ =	sdelay $0x4  }
0x202: {  	v63 =	vshll.u32 v0, $0x3  }
0x203: {  	v0 =	vand.u32 $0x7, v0;
	v1 =	vand.u32 $0xFFFFFFC0, v63  }
0x204: {  	v0 =	vor.u32 v0, v1  }
0x205: {  	v1 =	vperm.xlane v0, v2;
	_ =	sdelay $0x1  }
0x206: {  	v1 =	vadd.s32 v3, v1;
	_ =	sdelay $0x4  }
0x207: {  	[tilespmem:s11], [sflag:$0x1] =	stream.indirect_vreg.gather [hbm4b:s3+s6], $0x80, v1, vm0, $0xb8;
	[tilespmem:$0x1A100] =	vst v63  }
0x208: {  	v0 =	vperm.xlane v0, v4  }
0x209: {  	[tilespmem:s31], [sflag:$0x1] =	stream.indirect_vreg.gather [hbm4b:s8+s6], $0x80, v1, vm0, $0xb8;
	[tilespmem:$0x1A100] =	vst v63  }
0x20a: {  	v0 =	vadd.s32 v3, v0  }
0x20b: {  	[tilespmem:s12], [sflag:$0x1] =	stream.indirect_vreg.gather [hbm4b:s9+s6], $0x80, v1, vm0, $0xb8;
	[tilespmem:$0x1A100] =	vst v63  }
0x20c: {  	_ = 	snop  }
0x20d: {  	[tilespmem:s0], [sflag:$0x1] =	stream.indirect_vreg.gather [hbm4b:s10+s6], $0x80, v1, vm0, $0xb8;
	[tilespmem:$0x1A100] =	vst v63  }
0x20e: {  	_ = 	snop  }
0x20f: {  	[tilespmem:s13], [sflag:$0x1] =	stream.indirect_vreg.gather [hbm4b:s3+s6], $0x80, v0, vm0, $0xb8;
	[tilespmem:$0x1A100] =	vst v63  }
0x210: {  	_ = 	snop  }
0x211: {  	[tilespmem:s2], [sflag:$0x1] =	stream.indirect_vreg.gather [hbm4b:s8+s6], $0x80, v0, vm0, $0xb8;
	[tilespmem:$0x1A100] =	vst v63  }
0x212: {  	_ = 	snop  }
0x213: {  	[tilespmem:s14], [sflag:$0x1] =	stream.indirect_vreg.gather [hbm4b:s9+s6], $0x80, v0, vm0, $0xb8;
	[tilespmem:$0x1A100] =	vst v63  }
0x214: {  	_ = 	snop  }
0x215: {  	[tilespmem:s4], [sflag:$0x1] =	stream.indirect_vreg.gather [hbm4b:s10+s6], $0x80, v0, vm0, $0xb8;
	[tilespmem:$0x1A100] =	vst v63  }
0x216: {  	s23 =	rddreg [dreg:$0xd]  }
0x217: {  	[tilespmem:s5], [sflag:$0x2] =	stream.linear.gather [hbm4b:s23+s6], $0x8000, $0x38;
	[tilespmem:$0x1A100] =	vst v63  }
0x218: {  	_ =	swait.ge [sflag:s20], $0x8000  }
0x219: {  	[sflag:s20] =	ssyncset.done $0x0  }
0x21a: {  	[sflag:s20] =	ssyncadd.s32 $0xFFFF8000  }
0x21b: {  	_ =	swait.ge [sflag:s21], $0x8000  }
0x21c: {  	[sflag:s21] =	ssyncset.done $0x0  }
0x21d: {  	[sflag:s21] =	ssyncadd.s32 $0xFFFF8000  }
0x21e: {  	_ =	swait.ge [sflag:s21], $0x8000  }
0x21f: {  	[sflag:s21] =	ssyncset.done $0x0  }
0x220: {  	s7 =	simm.s32 $0x0;
	s17 =	simm.s32 $0x0;
	[sflag:s21] =	ssyncadd.s32 $0xFFFF8000  }
.LBB2_4:
0x221: {  	v3 =	vld [tilespmem:s16+$0x0];
	s18 =	sand.u32 $0x6000, s17;
	s23 =	sand.u32 $0x380, s7  }
0x222: {  	v4 =	vld [tilespmem:s22+$0x0];
	s18 =	sor.u32 s23, s18  }
0x223: {  	v20 =	vld [tilespmem:s18+$0x12100]  }
0x224: {  	v27 =	vld [tilespmem:s18+$0x2100]  }
0x225: {  	v28 =	vld [tilespmem:s18+$0xA100]  }
0x226: {  	v29 =	vld [tilespmem:s18+$0x12110]  }
0x227: {  	v30 =	vld [tilespmem:s18+$0x2110]  }
0x228: {  	v34 =	vld [tilespmem:s18+$0xA110]  }
0x229: {  	v40 =	vld [tilespmem:s18+$0x12120]  }
0x22a: {  	v41 =	vld [tilespmem:s18+$0x2120]  }
0x22b: {  	v44 =	vld [tilespmem:s18+$0xA120]  }
0x22c: {  	v49 =	vld [tilespmem:s18+$0x12130]  }
0x22d: {  	v59 =	vld [tilespmem:s18+$0x2130]  }
0x22e: {  	v10 =	vld [tilespmem:s18+$0xA130]  }
0x22f: {  	v5 =	vld [tilespmem:s18+$0x12140]  }
0x230: {  	v0 =	vld [tilespmem:s18+$0x2140]  }
0x231: {  	v11 =	vld [tilespmem:s18+$0xA140]  }
0x232: {  	v7 =	vld [tilespmem:s18+$0x12150]  }
0x233: {  	v1 =	vld [tilespmem:s18+$0x2150]  }
0x234: {  	v6 =	vld [tilespmem:s18+$0xA150]  }
0x235: {  	v18 =	vld [tilespmem:s18+$0x12160]  }
0x236: {  	v9 =	vld [tilespmem:s18+$0x2160]  }
0x237: {  	v19 =	vld [tilespmem:s18+$0xA160]  }
0x238: {  	v13 =	vld [tilespmem:s18+$0x12170]  }
0x239: {  	v2 =	vld [tilespmem:s18+$0x2170]  }
0x23a: {  	v21 =	vld [tilespmem:s18+$0xA170]  }
0x23b: {  	v15 =	vld [tilespmem:s18+$0x12500]  }
0x23c: {  	v63 =	vld [tilespmem:s18+$0xA960]  }
0x23d: {  	v8 =	vld [tilespmem:s18+$0x2500]  }
0x23e: {  	v14 =	vld [tilespmem:s18+$0xA500]  }
0x23f: {  	v32 =	vld [tilespmem:s18+$0x12510]  }
0x240: {  	v17 =	vld [tilespmem:s18+$0x2510]  }
0x241: {  	[tilespmem:$0x1FB00] =	vst v63;
	v63 =	vld [tilespmem:s18+$0x12970]  }
0x242: {  	v33 =	vld [tilespmem:s18+$0xA510]  }
0x243: {  	v23 =	vld [tilespmem:s18+$0x12520]  }
0x244: {  	v12 =	vld [tilespmem:s18+$0x2520]  }
0x245: {  	v35 =	vld [tilespmem:s18+$0xA520]  }
0x246: {  	[tilespmem:$0x1FAF0] =	vst v63;
	v63 =	vld [tilespmem:s18+$0x2970]  }
0x247: {  	v25 =	vld [tilespmem:s18+$0x12530]  }
0x248: {  	v16 =	vld [tilespmem:s18+$0x2530]  }
0x249: {  	v24 =	vld [tilespmem:s18+$0xA530]  }
0x24a: {  	v43 =	vld [tilespmem:s18+$0x12540]  }
0x24b: {  	[tilespmem:$0x1FAB0] =	vst v63;
	v63 =	vld [tilespmem:s18+$0xA970]  }
0x24c: {  	v31 =	vld [tilespmem:s18+$0x2540]  }
0x24d: {  	v45 =	vld [tilespmem:s18+$0xA540]  }
0x24e: {  	v52 =	vld [tilespmem:s18+$0x12550]  }
0x24f: {  	v22 =	vld [tilespmem:s18+$0x2550]  }
0x250: {  	[tilespmem:$0x1FB10] =	vst v63;
	v63 =	vld [tilespmem:s18+$0x12D00]  }
0x251: {  	v58 =	vld [tilespmem:s18+$0xA550]  }
0x252: {  	v38 =	vld [tilespmem:s18+$0x12560]  }
0x253: {  	v26 =	vld [tilespmem:s18+$0x2560]  }
0x254: {  	v39 =	vld [tilespmem:s18+$0xA560]  }
0x255: {  	[tilespmem:$0x1FB50] =	vst v63;
	v63 =	vld [tilespmem:s18+$0x2D00]  }
0x256: {  	v56 =	vld [tilespmem:s18+$0x12570]  }
0x257: {  	v42 =	vld [tilespmem:s18+$0x2570]  }
0x258: {  	v60 =	vld [tilespmem:s18+$0xA570]  }
0x259: {  	v46 =	vld [tilespmem:s18+$0x12900]  }
0x25a: {  	[tilespmem:$0x1FB20] =	vst v63;
	v63 =	vld [tilespmem:s18+$0xAD00]  }
0x25b: {  	v36 =	vld [tilespmem:s18+$0x2900]  }
0x25c: {  	v53 =	vld [tilespmem:s18+$0xA900]  }
0x25d: {  	v50 =	vld [tilespmem:s18+$0x12910]  }
0x25e: {  	v37 =	vld [tilespmem:s18+$0x2910]  }
0x25f: {  	[tilespmem:$0x1FB70] =	vst v63;
	v63 =	vld [tilespmem:s18+$0x12D10]  }
0x260: {  	v47 =	vld [tilespmem:s18+$0xA910]  }
0x261: {  	v48 =	vld [tilespmem:s18+$0x12920]  }
0x262: {  	v54 =	vld [tilespmem:s18+$0x2920]  }
0x263: {  	v62 =	vld [tilespmem:s18+$0xA920]  }
0x264: {  	[tilespmem:$0x1FB60] =	vst v63;
	v63 =	vld [tilespmem:s18+$0x2D10]  }
0x265: {  	v55 =	vld [tilespmem:s18+$0x12930]  }
0x266: {  	v51 =	vld [tilespmem:s18+$0xA930]  }
0x267: {  	v57 =	vld [tilespmem:s18+$0x12940]  }
0x268: {  	v61 =	vld [tilespmem:s18+$0x12950]  }
0x269: {  	[tilespmem:$0x1FB30] =	vst v63;
	v63 =	vld [tilespmem:s18+$0xAD10]  }
0x26a: {  	[tilespmem:$0x1FA70] =	vst v48;
	v48 =	vld [tilespmem:s18+$0x2930]  }
0x26b: {  	[tilespmem:$0x1FA90] =	vst v51;
	v51 =	vld [tilespmem:s18+$0x2940]  }
0x26c: {  	[tilespmem:$0x1FA80] =	vst v62;
	v62 =	vld [tilespmem:s18+$0xA940];
	v27 =	vmul.f32 v27, v3;
	v30 =	vmul.f32 v30, v3  }
0x26d: {  	[tilespmem:$0x1FAC0] =	vst v61;
	v61 =	vld [tilespmem:s18+$0x2950];
	v41 =	vmul.f32 v41, v3;
	v2 =	vmul.f32 v2, v3  }
0x26e: {  	v20 =	vadd.f32 v27, v20;
	v27 =	vadd.f32 v30, v29;
	v30 =	vmul.f32 v34, v4;
	[tilespmem:$0x1FB90] =	vst v63;
	v63 =	vld [tilespmem:s18+$0x12D20]  }
0x26f: {  	v34 =	vmul.f32 v44, v4;
	v44 =	vmul.f32 v59, v3;
	v59 =	vld [tilespmem:s18+$0x13120]  }
0x270: {  	v1 =	vmul.f32 v1, v3;
	v29 =	vadd.f32 v41, v40;
	v41 =	vmul.f32 v10, v4;
	v10 =	vld [tilespmem:s18+$0x13130]  }
0x271: {  	v2 =	vadd.f32 v2, v13;
	v13 =	vld [tilespmem:s18+$0xB140]  }
0x272: {  	v28 =	vmul.f32 v28, v4;
	v1 =	vadd.f32 v1, v7;
	v7 =	vld [tilespmem:s18+$0x3510]  }
0x273: {  	[tilespmem:$0x1FB80] =	vst v63;
	v63 =	vld [tilespmem:s18+$0x2D20]  }
0x274: {  	v20 =	vadd.f32 v28, v20;
	v28 =	vld [tilespmem:s18+$0x3120]  }
0x275: {  	v40 =	vadd.f32 v44, v49;
	v44 =	vld [tilespmem:s18+$0xB120]  }
0x276: {  	v27 =	vadd.f32 v30, v27;
	v30 =	vadd.f32 v34, v29;
	v29 =	vld [tilespmem:s18+$0xB130]  }
0x277: {  	v6 =	vmul.f32 v6, v4;
	[tilespmem:$0x1FAA0] =	vst v61;
	v61 =	vld [tilespmem:s18+$0xA950]  }
0x278: {  	v0 =	vmul.f32 v0, v3;
	v49 =	vmul.f32 v11, v4;
	[tilespmem:$0x1FB40] =	vst v63;
	v63 =	vld [tilespmem:s18+$0xAD20]  }
0x279: {  	v1 =	vadd.f32 v6, v1;
	v34 =	vmul.f32 v8, v3;
	v11 =	vadd.f32 v41, v40;
	v40 =	vld [tilespmem:s18+$0x3130]  }
0x27a: {  	v0 =	vadd.f32 v0, v5;
	v41 =	vmul.f32 v19, v4;
	v19 =	vmul.f32 v12, v3;
	v12 =	vld [tilespmem:s18+$0x13150]  }
0x27b: {  	[tilespmem:s18+$0x12150] =	vst v1;
	v1 =	vld [tilespmem:s18+$0x13520]  }
0x27c: {  	[tilespmem:$0x1FCF0] =	vst v59;
	v59 =	vmul.f32 v9, v3;
	v9 =	vadd.f32 v49, v0;
	v0 =	vadd.f32 v34, v15;
	v34 =	vld [tilespmem:s18+$0x3140]  }
0x27d: {  	v49 =	vmul.f32 v21, v4;
	[tilespmem:$0x1FBA0] =	vst v63;
	v63 =	vld [tilespmem:s18+$0x12D30]  }
0x27e: {  	[tilespmem:$0x1FD00] =	vst v44;
	v44 =	vld [tilespmem:s18+$0x13140]  }
0x27f: {  	v15 =	vadd.f32 v49, v2;
	v49 =	vld [tilespmem:s18+$0x3150]  }
0x280: {  	v5 =	vadd.f32 v59, v18;
	[tilespmem:s18+$0x12140] =	vst v9;
	v9 =	vld [tilespmem:s18+$0x3520]  }
0x281: {  	v59 =	vmul.f32 v14, v4;
	v18 =	vmul.f32 v17, v3;
	[tilespmem:$0x1FAE0] =	vst v61;
	v61 =	vld [tilespmem:s18+$0x12960]  }
0x282: {  	v21 =	vmul.f32 v16, v3;
	v6 =	vadd.f32 v41, v5;
	[tilespmem:$0x1FBE0] =	vst v63;
	v63 =	vld [tilespmem:s18+$0x2D30]  }
0x283: {  	v8 =	vadd.f32 v59, v0;
	v2 =	vadd.f32 v18, v32;
	v59 =	vmul.f32 v35, v4;
	v41 =	vld [tilespmem:s18+$0xB150]  }
0x284: {  	v32 =	vadd.f32 v19, v23;
	v23 =	vmul.f32 v31, v3;
	v31 =	vmul.f32 v45, v4;
	v45 =	vld [tilespmem:s18+$0xB170]  }
0x285: {  	v35 =	vmul.f32 v42, v3;
	v42 =	vmul.f32 v60, v4;
	v60 =	vld [tilespmem:s18+$0xB500]  }
0x286: {  	v5 =	vld [tilespmem:s18+$0x13510]  }
0x287: {  	v0 =	vadd.f32 v21, v25;
	v21 =	vmul.f32 v24, v4;
	v24 =	vmul.f32 v22, v3;
	[tilespmem:$0x1FBB0] =	vst v63;
	v63 =	vld [tilespmem:s18+$0xAD30]  }
0x288: {  	v14 =	vadd.f32 v59, v32;
	v59 =	vld [tilespmem:s18+$0x3160]  }
0x289: {  	v25 =	vmul.f32 v26, v3;
	v26 =	vadd.f32 v24, v52;
	v52 =	vld [tilespmem:s18+$0xB160]  }
0x28a: {  	v32 =	vmul.f32 v58, v4;
	v58 =	vld [tilespmem:s18+$0x3170]  }
0x28b: {  	[tilespmem:s18+$0x12160] =	vst v6;
	v6 =	vld [tilespmem:s18+$0xB520]  }
0x28c: {  	[tilespmem:$0x1FC00] =	vst v63;
	v63 =	vld [tilespmem:s18+$0x12D40]  }
0x28d: {  	v36 =	vmul.f32 v36, v3;
	[tilespmem:s18+$0x12500] =	vst v8;
	v8 =	vld [tilespmem:s18+$0x13530]  }
0x28e: {  	v16 =	vadd.f32 v21, v0;
	v0 =	vadd.f32 v25, v38;
	v38 =	vmul.f32 v37, v3;
	[tilespmem:$0x1FAD0] =	vst v61;
	v61 =	vld [tilespmem:s18+$0x2960]  }
0x28f: {  	[tilespmem:$0x1FD10] =	vst v44;
	v44 =	vmul.f32 v33, v4;
	v18 =	vadd.f32 v32, v26;
	v32 =	vld [tilespmem:$0x1FA70]  }
0x290: {  	v33 =	vmul.f32 v39, v4;
	v39 =	vadd.f32 v36, v46;
	v46 =	vadd.f32 v38, v50;
	v38 =	vld [tilespmem:$0x1FA90]  }
0x291: {  	[tilespmem:$0x1FBF0] =	vst v63;
	v63 =	vld [tilespmem:s18+$0x2D40]  }
0x292: {  	v17 =	vadd.f32 v44, v2;
	v44 =	vld [tilespmem:s18+$0x13160]  }
0x293: {  	[tilespmem:s18+$0x12110] =	vst v27;
	v27 =	vmul.f32 v48, v3;
	v2 =	vadd.f32 v23, v43;
	v43 =	vld [tilespmem:s18+$0x13170]  }
0x294: {  	v19 =	vadd.f32 v33, v0;
	v0 =	vld [tilespmem:s18+$0x3500]  }
0x295: {  	v7 =	vmul.f32 v7, v3;
	v33 =	vadd.f32 v27, v55;
	v55 =	vld [tilespmem:$0x1FAD0]  }
0x296: {  	v9 =	vmul.f32 v9, v3;
	[tilespmem:$0x1FBC0] =	vst v63;
	v63 =	vld [tilespmem:s18+$0xAD40]  }
0x297: {  	v50 =	vmul.f32 v53, v4;
	v53 =	vmul.f32 v47, v4;
	v5 =	vadd.f32 v7, v5;
	v7 =	vld [tilespmem:s18+$0x13930]  }
0x298: {  	v1 =	vadd.f32 v9, v1;
	v9 =	vld [tilespmem:s18+$0x13940]  }
0x299: {  	[tilespmem:s18+$0x12100] =	vst v20;
	v20 =	vadd.f32 v53, v46;
	v46 =	vld [tilespmem:$0x1FAA0]  }
0x29a: {  	v22 =	vadd.f32 v50, v39;
	v50 =	vld [tilespmem:$0x1FAB0]  }
0x29b: {  	[tilespmem:$0x1FC20] =	vst v63;
	v63 =	vld [tilespmem:s18+$0x12D50]  }
0x29c: {  	v53 =	vld [tilespmem:$0x1FAC0]  }
0x29d: {  	v21 =	vadd.f32 v31, v2;
	v2 =	vadd.f32 v35, v56;
	v56 =	vld [tilespmem:s18+$0x13500]  }
0x29e: {  	v35 =	vld [tilespmem:$0x1FA80]  }
0x29f: {  	v24 =	vadd.f32 v42, v2;
	v2 =	vld [tilespmem:s18+$0xB510]  }
0x2a0: {  	v31 =	vmul.f32 v51, v3;
	[tilespmem:$0x1FC10] =	vst v63;
	v63 =	vld [tilespmem:s18+$0x2D50]  }
0x2a1: {  	v26 =	vmul.f32 v54, v3;
	v48 =	vmul.f32 v61, v3;
	v61 =	vld [tilespmem:$0x1FAE0]  }
0x2a2: {  	v37 =	vadd.f32 v31, v57;
	v39 =	vmul.f32 v38, v4;
	v31 =	vld [tilespmem:s18+$0xB530]  }
0x2a3: {  	[tilespmem:s18+$0x12130] =	vst v11;
	v11 =	vadd.f32 v26, v32;
	v32 =	vld [tilespmem:s18+$0x13540]  }
0x2a4: {  	v42 =	vmul.f32 v62, v4;
	v23 =	vadd.f32 v39, v33;
	v33 =	vld [tilespmem:$0x1FAF0]  }
0x2a5: {  	[tilespmem:$0x1FBD0] =	vst v63;
	v63 =	vld [tilespmem:s18+$0xAD50]  }
0x2a6: {  	v0 =	vmul.f32 v0, v3;
	v25 =	vadd.f32 v42, v37;
	v37 =	vld [tilespmem:$0x1FB10]  }
0x2a7: {  	v47 =	vmul.f32 v46, v3;
	v36 =	vmul.f32 v35, v4;
	v35 =	vld [tilespmem:$0x1FB00]  }
0x2a8: {  	v0 =	vadd.f32 v0, v56;
	v56 =	vld [tilespmem:s18+$0xB960]  }
0x2a9: {  	v54 =	vadd.f32 v47, v53;
	v47 =	vld [tilespmem:$0x1FB50]  }
0x2aa: {  	[tilespmem:$0x1FC30] =	vst v63;
	v63 =	vld [tilespmem:s18+$0x12D60]  }
0x2ab: {  	v39 =	vld [tilespmem:$0x1FB20]  }
0x2ac: {  	v57 =	vadd.f32 v48, v55;
	v48 =	vld [tilespmem:$0x1FB60]  }
0x2ad: {  	v42 =	vld [tilespmem:$0x1FB30]  }
0x2ae: {  	v46 =	vld [tilespmem:$0x1FB40]  }
0x2af: {  	v51 =	vmul.f32 v50, v3;
	[tilespmem:$0x1FC70] =	vst v63;
	v63 =	vld [tilespmem:s18+$0x2D60]  }
0x2b0: {  	[tilespmem:s18+$0x12120] =	vst v30;
	v53 =	vld [tilespmem:$0x1FB90]  }
0x2b1: {  	[tilespmem:s18+$0x12170] =	vst v15;
	v62 =	vmul.f32 v61, v4;
	v27 =	vadd.f32 v51, v33;
	v51 =	vld [tilespmem:$0x1FB80]  }
0x2b2: {  	[tilespmem:s18+$0x12520] =	vst v14;
	v11 =	vadd.f32 v36, v11;
	v38 =	vmul.f32 v37, v4;
	v33 =	vld [tilespmem:s18+$0x3530]  }
0x2b3: {  	[tilespmem:s18+$0x12510] =	vst v17;
	v15 =	vadd.f32 v62, v54;
	v37 =	vld [tilespmem:s18+$0xB540];
	v36 =	vmul.f32 v35, v4;
	v17 =	vmul.f32 v39, v3  }
0x2b4: {  	v26 =	vadd.f32 v38, v27;
	v30 =	vmul.f32 v42, v3;
	v27 =	vmul.f32 v46, v3;
	[tilespmem:$0x1FC40] =	vst v63;
	v63 =	vld [tilespmem:s18+$0xAD60]  }
0x2b5: {  	[tilespmem:s18+$0x12530] =	vst v16;
	v14 =	vadd.f32 v36, v57;
	v16 =	vadd.f32 v17, v47;
	v54 =	vld [tilespmem:$0x1FBA0]  }
0x2b6: {  	[tilespmem:s18+$0x12540] =	vst v21;
	v36 =	vld [tilespmem:s18+$0x3540];
	v17 =	vadd.f32 v30, v48;
	v21 =	vadd.f32 v27, v51;
	v27 =	vmul.f32 v53, v4  }
0x2b7: {  	v50 =	vld [tilespmem:$0x1FB70]  }
0x2b8: {  	v17 =	vadd.f32 v27, v17;
	v27 =	vld [tilespmem:s18+$0x13550]  }
0x2b9: {  	[tilespmem:$0x1FC80] =	vst v63;
	v63 =	vld [tilespmem:s18+$0x12D70]  }
0x2ba: {  	v35 =	vmul.f32 v54, v4;
	v57 =	vld [tilespmem:$0x1FBC0]  }
0x2bb: {  	v62 =	vld [tilespmem:$0x1FBE0]  }
0x2bc: {  	[tilespmem:s18+$0x12560] =	vst v19;
	v19 =	vadd.f32 v35, v21;
	v35 =	vld [tilespmem:$0x1FBF0]  }
0x2bd: {  	v30 =	vmul.f32 v50, v4;
	v55 =	vld [tilespmem:$0x1FBB0]  }
0x2be: {  	[tilespmem:$0x1FC90] =	vst v63;
	v63 =	vld [tilespmem:s18+$0x2D70]  }
0x2bf: {  	v16 =	vadd.f32 v30, v16;
	v38 =	vld [tilespmem:$0x1FC00];
	v30 =	vmul.f32 v57, v3  }
0x2c0: {  	v42 =	vld [tilespmem:$0x1FC20]  }
0x2c1: {  	[tilespmem:s18+$0x12570] =	vst v24;
	v24 =	vadd.f32 v30, v35;
	v35 =	vld [tilespmem:s18+$0x3550]  }
0x2c2: {  	v61 =	vld [tilespmem:$0x1FBD0]  }
0x2c3: {  	[tilespmem:$0x1FC50] =	vst v63;
	v63 =	vld [tilespmem:s18+$0xAD70]  }
0x2c4: {  	v39 =	vld [tilespmem:$0x1FC10]  }
0x2c5: {  	[tilespmem:s18+$0x12900] =	vst v22;
	v22 =	vmul.f32 v42, v4;
	v46 =	vld [tilespmem:$0x1FC30]  }
0x2c6: {  	v42 =	vld [tilespmem:s18+$0x13560]  }
0x2c7: {  	[tilespmem:s18+$0x12920] =	vst v11;
	v11 =	vadd.f32 v22, v24;
	v24 =	vld [tilespmem:s18+$0x3560];
	v21 =	vmul.f32 v61, v3  }
0x2c8: {  	[tilespmem:$0x1FCA0] =	vst v63;
	v63 =	vld [tilespmem:s18+$0x13100]  }
0x2c9: {  	v21 =	vadd.f32 v21, v39;
	v39 =	vld [tilespmem:s18+$0xB550]  }
0x2ca: {  	v30 =	vmul.f32 v38, v4;
	v38 =	vmul.f32 v46, v4;
	v51 =	vld [tilespmem:$0x1FC70]  }
0x2cb: {  	v47 =	vld [tilespmem:$0x1FC40]  }
0x2cc: {  	v21 =	vadd.f32 v38, v21;
	v38 =	vld [tilespmem:s18+$0xB560]  }
0x2cd: {  	[tilespmem:$0x1FCB0] =	vst v63;
	v63 =	vld [tilespmem:s18+$0x3100]  }
0x2ce: {  	v53 =	vld [tilespmem:$0x1FC80]  }
0x2cf: {  	[tilespmem:s18+$0x12550] =	vst v18;
	v48 =	vld [tilespmem:$0x1FC50]  }
0x2d0: {  	[tilespmem:s18+$0x12910] =	vst v20;
	v18 =	vmul.f32 v55, v3;
	v20 =	vmul.f32 v47, v3;
	v47 =	vld [tilespmem:s18+$0x13570]  }
0x2d1: {  	v54 =	vld [tilespmem:$0x1FC90]  }
0x2d2: {  	v18 =	vadd.f32 v18, v62;
	[tilespmem:$0x1FC60] =	vst v63;
	v63 =	vld [tilespmem:s18+$0xB100]  }
0x2d3: {  	[tilespmem:s18+$0x12970] =	vst v26;
	v26 =	vld [tilespmem:s18+$0xB910]  }
0x2d4: {  	v18 =	vadd.f32 v30, v18;
	v30 =	vmul.f32 v48, v3;
	v55 =	vld [tilespmem:$0x1FCA0]  }
0x2d5: {  	v48 =	vmul.f32 v28, v3;
	v28 =	vld [tilespmem:s18+$0x3570]  }
0x2d6: {  	v30 =	vadd.f32 v30, v54;
	v54 =	vld [tilespmem:$0x1FCF0]  }
0x2d7: {  	[tilespmem:$0x1FCC0] =	vst v63;
	v63 =	vld [tilespmem:s18+$0x13110]  }
0x2d8: {  	v57 =	vld [tilespmem:$0x1FCB0]  }
0x2d9: {  	[tilespmem:s18+$0x12940] =	vst v25;
	v25 =	vmul.f32 v55, v4;
	v55 =	vld [tilespmem:$0x1FD00]  }
0x2da: {  	[tilespmem:s18+$0x12930] =	vst v23;
	v50 =	vld [tilespmem:$0x1FC60]  }
0x2db: {  	[tilespmem:s18+$0x12960] =	vst v14;
	v14 =	vadd.f32 v25, v30;
	v30 =	vld [tilespmem:s18+$0xB570]  }
0x2dc: {  	v20 =	vadd.f32 v20, v51;
	v23 =	vmul.f32 v53, v4;
	[tilespmem:$0x1FCE0] =	vst v63;
	v63 =	vld [tilespmem:s18+$0x3110]  }
0x2dd: {  	v13 =	vmul.f32 v13, v4;
	v6 =	vmul.f32 v6, v4;
	[tilespmem:s18+$0x12950] =	vst v15;
	v61 =	vld [tilespmem:$0x1FCC0]  }
0x2de: {  	v2 =	vmul.f32 v2, v4;
	v15 =	vadd.f32 v23, v20;
	[tilespmem:s18+$0x12D00] =	vst v16;
	v23 =	vadd.f32 v48, v54;
	v48 =	vld [tilespmem:$0x1FD10]  }
0x2df: {  	v54 =	vld [tilespmem:s18+$0x3920];
	[tilespmem:s18+$0x12D10] =	vst v17;
	v22 =	vmul.f32 v50, v3;
	v50 =	vmul.f32 v40, v3  }
0x2e0: {  	v1 =	vadd.f32 v6, v1;
	v25 =	vmul.f32 v37, v4;
	v37 =	vld [tilespmem:s18+$0x13950];
	v16 =	vmul.f32 v55, v4;
	[tilespmem:s18+$0x12D20] =	vst v19  }
0x2e1: {  	v22 =	vadd.f32 v22, v57;
	v10 =	vadd.f32 v50, v10;
	v57 =	vmul.f32 v29, v4;
	[tilespmem:$0x1FCD0] =	vst v63;
	v63 =	vld [tilespmem:s18+$0xB110]  }
0x2e2: {  	v16 =	vadd.f32 v16, v23;
	v50 =	vmul.f32 v41, v4;
	v46 =	vmul.f32 v61, v4;
	[tilespmem:s18+$0x12D30] =	vst v18;
	v62 =	vld [tilespmem:$0x1FCD0]  }
0x2e3: {  	v23 =	vld [tilespmem:s18+$0x13910];
	v41 =	vmul.f32 v39, v4;
	v10 =	vadd.f32 v57, v10;
	v57 =	vmul.f32 v45, v4;
	[tilespmem:s18+$0x12D40] =	vst v11  }
0x2e4: {  	v45 =	vmul.f32 v30, v4;
	v51 =	vld [tilespmem:$0x1FCE0];
	v22 =	vadd.f32 v46, v22;
	v46 =	vmul.f32 v59, v3;
	[tilespmem:s18+$0x12D50] =	vst v21  }
0x2e5: {  	v2 =	vadd.f32 v2, v5;
	v40 =	vld [tilespmem:s18+$0x13900];
	v59 =	vmul.f32 v33, v3;
	v33 =	vmul.f32 v24, v3;
	[tilespmem:s18+$0x12D60] =	vst v15  }
0x2e6: {  	v29 =	vld [tilespmem:s18+$0x3900];
	v19 =	vadd.f32 v46, v44;
	[tilespmem:s18+$0x12D70] =	vst v14;
	v53 =	vmul.f32 v63, v4;
	v63 =	vmul.f32 v49, v3  }
0x2e7: {  	v24 =	vld [tilespmem:s18+$0xB970];
	[tilespmem:s18+$0x13100] =	vst v22;
	v8 =	vadd.f32 v59, v8;
	v20 =	vmul.f32 v62, v3;
	v62 =	vmul.f32 v34, v3  }
0x2e8: {  	[tilespmem:s18+$0x13120] =	vst v16;
	v44 =	vmul.f32 v38, v4;
	v49 =	vld [tilespmem:s18+$0x3910];
	v12 =	vadd.f32 v63, v12;
	v63 =	vmul.f32 v31, v4  }
0x2e9: {  	[tilespmem:s18+$0x13130] =	vst v10;
	v46 =	vld [tilespmem:s18+$0xB950];
	v20 =	vadd.f32 v20, v51;
	v18 =	vadd.f32 v62, v48;
	v51 =	vmul.f32 v52, v4  }
0x2ea: {  	v21 =	vld [tilespmem:s18+$0x13920];
	[tilespmem:s18+$0x13510] =	vst v2;
	v52 =	vmul.f32 v58, v3;
	v11 =	vadd.f32 v50, v12;
	v8 =	vadd.f32 v63, v8  }
0x2eb: {  	[tilespmem:s18+$0x13520] =	vst v1;
	v34 =	vld [tilespmem:s18+$0xB900];
	v58 =	vmul.f32 v60, v4;
	v61 =	vadd.f32 v53, v20;
	v13 =	vadd.f32 v13, v18  }
0x2ec: {  	v60 =	vld [tilespmem:s18+$0x3930];
	v48 =	vmul.f32 v29, v3;
	v53 =	vadd.f32 v51, v19;
	v55 =	vadd.f32 v52, v43;
	[tilespmem:s18+$0x13150] =	vst v11  }
0x2ed: {  	v19 =	vld [tilespmem:s18+$0xB920];
	v0 =	vadd.f32 v58, v0;
	v49 =	vmul.f32 v49, v3;
	v52 =	vmul.f32 v54, v3;
	[tilespmem:s18+$0x13530] =	vst v8  }
0x2ee: {  	v62 =	vld [tilespmem:s18+$0xB930];
	v58 =	vmul.f32 v26, v4;
	v11 =	vadd.f32 v33, v42;
	v33 =	vmul.f32 v46, v4;
	[tilespmem:s18+$0x13110] =	vst v61  }
0x2ef: {  	v43 =	vld [tilespmem:s18+$0x3950];
	v14 =	vadd.f32 v57, v55;
	v61 =	vmul.f32 v36, v3;
	[tilespmem:s18+$0x13140] =	vst v13;
	v36 =	vmul.f32 v28, v3  }
0x2f0: {  	v31 =	vld [tilespmem:s18+$0x3940];
	[tilespmem:s18+$0x13500] =	vst v0;
	v54 =	vadd.f32 v49, v23;
	v57 =	vmul.f32 v34, v4;
	v0 =	vadd.f32 v44, v11  }
0x2f1: {  	v59 =	vld [tilespmem:s18+$0x3970];
	[tilespmem:s18+$0x13160] =	vst v53;
	v55 =	vmul.f32 v60, v3;
	v5 =	vadd.f32 v61, v32;
	v32 =	vmul.f32 v35, v3  }
0x2f2: {  	v53 =	vld [tilespmem:s18+$0x3960];
	[tilespmem:s18+$0x13170] =	vst v14;
	v10 =	vadd.f32 v36, v47;
	v60 =	vmul.f32 v19, v4;
	v19 =	vadd.f32 v58, v54  }
0x2f3: {  	v35 =	vld [tilespmem:s18+$0xB940];
	v61 =	vmul.f32 v62, v4;
	v7 =	vadd.f32 v55, v7;
	[tilespmem:s18+$0x13560] =	vst v0;
	v5 =	vadd.f32 v25, v5  }
0x2f4: {  	v50 =	vld [tilespmem:s18+$0x13960];
	v28 =	vmul.f32 v43, v3;
	v6 =	vadd.f32 v32, v27;
	v51 =	vadd.f32 v45, v10;
	[tilespmem:s18+$0x13910] =	vst v19  }
0x2f5: {  	v23 =	vmul.f32 v31, v3;
	v62 =	vld [tilespmem:s18+$0x13970];
	v10 =	vadd.f32 v52, v21;
	v27 =	vadd.f32 v61, v7;
	[tilespmem:s18+$0x13540] =	vst v5  }
0x2f6: {  	v34 =	vmul.f32 v59, v3;
	v32 =	vadd.f32 v28, v37;
	v47 =	vadd.f32 v41, v6;
	[tilespmem:s18+$0x13570] =	vst v51  }
0x2f7: {  	v31 =	vmul.f32 v53, v3;
	v6 =	vadd.f32 v48, v40;
	v26 =	vadd.f32 v60, v10;
	[tilespmem:s18+$0x13930] =	vst v27  }
0x2f8: {  	v29 =	vadd.f32 v23, v9;
	v30 =	vmul.f32 v35, v4;
	v37 =	vadd.f32 v33, v32;
	[tilespmem:s18+$0x13550] =	vst v47  }
0x2f9: {  	v36 =	vmul.f32 v56, v4;
	v35 =	vadd.f32 v31, v50;
	v63 =	vadd.f32 v57, v6;
	[tilespmem:s18+$0x13920] =	vst v26  }
0x2fa: {  	v39 =	vmul.f32 v24, v4;
	v38 =	vadd.f32 v34, v62;
	v0 =	vadd.f32 v30, v29;
	[tilespmem:s18+$0x13950] =	vst v37  }
0x2fb: {  	s23 =	sand.u32 $0x7, s6;
	v40 =	vadd.f32 v36, v35;
	[tilespmem:s18+$0x13900] =	vst v63  }
0x2fc: {  	s23 =	sshll.u32 s23, $0x7;
	v41 =	vadd.f32 v39, v38;
	[tilespmem:s18+$0x13940] =	vst v0  }
0x2fd: {  	s23 =	sadd.s32 s23, s17;
	[tilespmem:s18+$0x13960] =	vst v40  }
0x2fe: {  	[tilespmem:s18+$0x13970] =	vst v41;
	s18 =	sor.u32 $0x1C00, s23  }
0x2ff: {  	v0 =	vld [tilespmem:s18+$0x2100]  }
0x300: {  	v1 =	vld [tilespmem:s18+$0x12100]  }
0x301: {  	v2 =	vld [tilespmem:s18+$0xA100];
	_ =	sdelay $0x2  }
0x302: {  	v0 =	vmul.f32 v0, v3;
	_ =	sdelay $0x1  }
0x303: {  	v42 =	vmul.f32 v2, v4;
	v0 =	vadd.f32 v0, v1;
	_ =	sdelay $0x1  }
0x304: {  	v0 =	vadd.f32 v42, v0;
	_ =	sdelay $0x1  }
0x305: {  	[tilespmem:s18+$0x12100] =	vst v0;
	s18 =	sor.u32 $0x1C10, s23  }
0x306: {  	v0 =	vld [tilespmem:s18+$0x2100]  }
0x307: {  	v43 =	vld [tilespmem:s18+$0x12100]  }
0x308: {  	v44 =	vld [tilespmem:s18+$0xA100];
	_ =	sdelay $0x2  }
0x309: {  	v0 =	vmul.f32 v0, v3;
	_ =	sdelay $0x1  }
0x30a: {  	v45 =	vmul.f32 v44, v4;
	v0 =	vadd.f32 v0, v43;
	_ =	sdelay $0x1  }
0x30b: {  	v0 =	vadd.f32 v45, v0;
	_ =	sdelay $0x1  }
0x30c: {  	[tilespmem:s18+$0x12100] =	vst v0;
	s18 =	sor.u32 $0x1C20, s23  }
0x30d: {  	v0 =	vld [tilespmem:s18+$0x2100]  }
0x30e: {  	v46 =	vld [tilespmem:s18+$0x12100]  }
0x30f: {  	v47 =	vld [tilespmem:s18+$0xA100];
	_ =	sdelay $0x2  }
0x310: {  	v0 =	vmul.f32 v0, v3;
	_ =	sdelay $0x1  }
0x311: {  	v48 =	vmul.f32 v47, v4;
	v0 =	vadd.f32 v0, v46;
	_ =	sdelay $0x1  }
0x312: {  	v0 =	vadd.f32 v48, v0;
	_ =	sdelay $0x1  }
0x313: {  	[tilespmem:s18+$0x12100] =	vst v0;
	s18 =	sor.u32 $0x1C30, s23  }
0x314: {  	v0 =	vld [tilespmem:s18+$0x2100]  }
0x315: {  	v49 =	vld [tilespmem:s18+$0x12100]  }
0x316: {  	v50 =	vld [tilespmem:s18+$0xA100];
	_ =	sdelay $0x2  }
0x317: {  	v0 =	vmul.f32 v0, v3;
	_ =	sdelay $0x1  }
0x318: {  	v51 =	vmul.f32 v50, v4;
	v0 =	vadd.f32 v0, v49;
	_ =	sdelay $0x1  }
0x319: {  	v0 =	vadd.f32 v51, v0;
	_ =	sdelay $0x1  }
0x31a: {  	[tilespmem:s18+$0x12100] =	vst v0;
	s18 =	sor.u32 $0x1C40, s23  }
0x31b: {  	v0 =	vld [tilespmem:s18+$0x2100]  }
0x31c: {  	v52 =	vld [tilespmem:s18+$0x12100]  }
0x31d: {  	v53 =	vld [tilespmem:s18+$0xA100];
	_ =	sdelay $0x2  }
0x31e: {  	v0 =	vmul.f32 v0, v3;
	_ =	sdelay $0x1  }
0x31f: {  	v54 =	vmul.f32 v53, v4;
	v0 =	vadd.f32 v0, v52;
	_ =	sdelay $0x1  }
0x320: {  	v0 =	vadd.f32 v54, v0;
	_ =	sdelay $0x1  }
0x321: {  	[tilespmem:s18+$0x12100] =	vst v0;
	s18 =	sor.u32 $0x1C50, s23  }
0x322: {  	v0 =	vld [tilespmem:s18+$0x2100]  }
0x323: {  	v55 =	vld [tilespmem:s18+$0x12100]  }
0x324: {  	v56 =	vld [tilespmem:s18+$0xA100];
	_ =	sdelay $0x2  }
0x325: {  	v0 =	vmul.f32 v0, v3;
	_ =	sdelay $0x1  }
0x326: {  	v57 =	vmul.f32 v56, v4;
	v0 =	vadd.f32 v0, v55;
	_ =	sdelay $0x1  }
0x327: {  	v0 =	vadd.f32 v57, v0;
	_ =	sdelay $0x1  }
0x328: {  	[tilespmem:s18+$0x12100] =	vst v0;
	s18 =	sor.u32 $0x1C60, s23  }
0x329: {  	v0 =	vld [tilespmem:s18+$0x2100]  }
0x32a: {  	v58 =	vld [tilespmem:s18+$0x12100]  }
0x32b: {  	v59 =	vld [tilespmem:s18+$0xA100];
	_ =	sdelay $0x2  }
0x32c: {  	v0 =	vmul.f32 v0, v3;
	_ =	sdelay $0x1  }
0x32d: {  	v60 =	vmul.f32 v59, v4;
	v0 =	vadd.f32 v0, v58;
	_ =	sdelay $0x1  }
0x32e: {  	v0 =	vadd.f32 v60, v0;
	_ =	sdelay $0x1  }
0x32f: {  	s23 =	sor.u32 $0x1C70, s23;
	[tilespmem:s18+$0x12100] =	vst v0  }
0x330: {  	v0 =	vld [tilespmem:s23+$0x2100]  }
0x331: {  	v61 =	vld [tilespmem:s23+$0x12100]  }
0x332: {  	v62 =	vld [tilespmem:s23+$0xA100];
	_ =	sdelay $0x2  }
0x333: {  	v0 =	vmul.f32 v0, v3  }
0x334: {  	p0 =	sne.s32 s7, $0xF80  }
.Ltmp1:
0x335: {  	v63 =	vmul.f32 v62, v4;
	v0 =	vadd.f32 v0, v61;
	(pc) =	sbr.rel @p0 .LBB2_4-.Ltmp1, $4  }
0x336: {  	_ = 	snop  }
0x337: {  	v0 =	vadd.f32 v63, v0  }
0x338: {  	s16 =	sadd.s32 $0x80, s16;
	s22 =	sadd.s32 $0x80, s22  }
0x339: {  	s7 =	sadd.s32 $0x80, s7;
	s6 =	sadd.s32 $0x1, s6;
	s17 =	sadd.s32 $0x400, s17;
	[tilespmem:s23+$0x12100] =	vst v0  }
0x33a: {  	s15 =	sadd.s32 $0x1, s15  }
0x33b: {  	p0 =	sne.s32 s15, s19  }
.Ltmp2:
0x33c: {  	s6 =	rddreg [dreg:$0xe];
	(pc) =	sbr.rel @p0 .LBB2_1-.Ltmp2, $4  }
0x33d: {  	[hbm4b:s6+s1] =	stream.linear.scatter [tilespmem:s5], [sflag:$0x2], $0x8000, $0x38;
	[tilespmem:$0x1A100] =	vst v63  }
0x33e: {  	_ =	swait.ge [sflag:s20], $0x8000  }
0x33f: {  	[sflag:s20] =	ssyncset.done $0x0  }
0x340: {  	[sflag:s20] =	ssyncadd.s32 $0xFFFF8000  }
0x341: {  	_ =	sfence.sel $0x180000  }
0x342: {  	[bflag:$0x0] =	sbarrier.arrive $0xFFFF  }
0x343: {  	_ =	strace $0x9000004A  }
0x344: {  	s0 =	stileid.u32;
	[bflag:$0x2] =	sbarrier.arrive $0xFFFF  }
0x345: {  	p0 =	sne.s32 s0, $0x0;
	s0 =	rddreg [dreg:$0x2]  }
0x346: {  	s0 =	sadd.s32 @!p0 $0x100000, s0  }
0x347: {  	[sflag:s0] =	ssyncadd.tile.s32 @!p0 $0x1;
	_ =	shalt  }
.Lfunc_end2:
_tile_overlayer_lowered:
.L_overlay_start_2:
0x348: {  	(tag) =	ssettag $0x2  }
0x349: {  	s0 =	rddreg [dreg:$0x0];
	s2 =	stileid.u32  }
0x34a: {  	s1 =	rddreg [dreg:$0x1];
	p0 =	sne.s32 s2, $0x0  }
0x34b: {  	s3 =	rddreg [dreg:$0x2];
	[bflag:$0x3] =	sbarrier.arrive $0xFFFF;
	s2 =	simm.s32 @!p0 $0x1C02  }
0x34c: {  	[timem:s3], [sflag:s2] =	dma.local @!p0 [hbm:s0], s1  }
0x34d: {  	s0 =	simm.s32 @!p0 $0x2  }
0x34e: {  	_ =	swait.ge @!p0 [sflag:s0], s1  }
0x34f: {  	s1 =	ssub.s32 @!p0 $0x0, s1;
	[sflag:s0] =	ssyncset.done @!p0 $0x0  }
0x350: {  	[sflag:s0] =	ssyncadd.s32 @!p0 s1  }
0x351: {  	[bflag:$0x3] =	sbarrier.arrive $0xFFFF  }
0x352: {  	_ =	shalt  }

// kernel: kernel.8.cloned.1.call-start
scs
__scs_entry_jumppad:
0x0: {  	(pc) =	sbr.rel $0x88, $3  }
0x1: {  	(tag) =	ssettag $0x0;
	lr =	simm.s32 $0x1  }
0x2: {  	[smem:$0x3F99] =	sst lr;
	_ =	strace $0xD0000000  }
0x3: {  	_ = 	snop  }
0x4: {  	_ = 	snop  }
0x5: {  	_ = 	snop  }
0x6: {  	_ = 	snop  }
0x7: {  	_ = 	snop  }
__scs_overlays_trampoline_lowered:
0x8: {  	[smem:$0x3FA8] =	sst s0  }
0x9: {  	[smem:$0x3FA9] =	sst s1  }
0xa: {  	[smem:$0x3FAA] =	sst s2  }
0xb: {  	[smem:$0x3FAB] =	sst s3  }
0xc: {  	[smem:$0x3FAC] =	sst s4  }
0xd: {  	[smem:$0x3FAD] =	sst s5  }
0xe: {  	[smem:$0x3FAE] =	sst s6  }
0xf: {  	[smem:$0x3FAF] =	sst s7  }
0x10: {  	[smem:$0x3FB0] =	sst s8  }
0x11: {  	[smem:$0x3FB1] =	sst s9;
	s0 =	simm.s32 @!p0 $0x0  }
0x12: {  	s1 =	sld [smem:$0x3F97];
	s0 =	simm.s32 @p0 $0x1  }
0x13: {  	[smem:$0x3FB2] =	sst s0;
	s0 =	simm.s32 @!p1 $0x0  }
0x14: {  	s2 =	sld [smem:$0x3F96];
	s0 =	simm.s32 @p1 $0x1  }
0x15: {  	[smem:$0x3FB3] =	sst s0;
	s0 =	simm.s32 @!p2 $0x0  }
0x16: {  	s3 =	sld [smem:$0x3FDB];
	s0 =	simm.s32 @p2 $0x1  }
0x17: {  	s4 =	simm.s32 $0x1BF5;
	[smem:$0x3FB5] =	sst s0  }
0x18: {  	s0 =	sld [smem:$0x3F98];
	_ =	swait.ge [sflag:s4], $0x0  }
0x19: {  	s7 =	sld [smem:$0x3F99]  }
0x1a: {  	s8 =	sadd.s32 $0xFFFFE003, lr  }
0x1b: {  	s9 =	sadd.s32 $0xFFFFFEF7, lr;
	s5 =	simm.s32 $0xFFFFFFFF;
	p2 =	slt.u32 s8, $0xFFFFF086  }
0x1c: {  	p1 =	slt.u32 s9, $0xF7A;
	s5 =	simm.s32 @!p2 $0x0  }
0x1d: {  	s5 =	simm.s32 @p1 $0x1;
	p0 =	seq.s32 s7, s2  }
0x1e: {  	s7 =	smul.u32 @!p0 $0xF7A, s2;
	p2 =	seq.s32 @!p0 s5, $0x0  }
0x1f: {  	s9 =	smul.u32 $0xF7A, s1;
	s8 =	simm.s32 @!p0 $0x1BF5;
	p2 =	por !p2, p0  }
0x20: {  	[sflag:s8] =	ssyncset.s32 @!p0 $0xFFFFF086;
	s6 =	sadd.s32 @!p0 s3, s7;
	s7 =	simm.s32 @!p0 $0x108  }
0x21: {  	s3 =	sadd.s32 s3, s9;
	s6 =	sadd.s32 @!p0 $0x88, s6;
	s7 =	simm.s32 @p2 $0x1082  }
0x22: {  	[simem:s7], [sflag:s8] =	dma.local @!p0 [hbm:s6], $0xF7A  }
0x23: {  	s9 =	sor.u32 $0xD0000000, s2;
	s6 =	simm.s32 $0x108;
	_ =	swait.ge @!p0 [sflag:s8], $0x0  }
0x24: {  	s3 =	sadd.s32 $0x88, s3;
	s6 =	simm.s32 @!p1 $0x1082;
	[sflag:s4] =	ssyncset.s32 $0xFFFFF086  }
0x25: {  	[simem:s6], [sflag:s4] =	dma.local [hbm:s3], $0xF7A  }
0x26: {  	[smem:$0x3F99] =	sst s1;
	(tag) =	ssettag s2;
	_ =	strace s9  }
0x27: {  	s1 =	sld [smem:$0x3FA9]  }
0x28: {  	s2 =	sld [smem:$0x3FAA]  }
0x29: {  	s4 =	sld [smem:$0x3FAC]  }
0x2a: {  	p0 =	seq.s32 s5, $0x0;
	s5 =	sld [smem:$0x3FAD]  }
0x2b: {  	s6 =	sld [smem:$0x3FAE]  }
0x2c: {  	s7 =	sld [smem:$0x3FAF]  }
0x2d: {  	s3 =	simm.s32 $0x108;
	s8 =	sld [smem:$0x3FB0]  }
0x2e: {  	s3 =	simm.s32 @!p0 $0x1082;
	s9 =	sld [smem:$0x3FB1]  }
0x2f: {  	lr =	sadd.s32 s0, s3;
	s0 =	sld [smem:$0x3FA8]  }
0x30: {  	s3 =	sld [smem:$0x3FAB]  }
0x31: {  	[smem:$0x3FB4] =	sst s10  }
0x32: {  	s10 =	sld [smem:$0x3FB2];
	_ =	sdelay $0x3  }
0x33: {  	p0 =	seq.s32 s10, $0x1;
	s10 =	sld [smem:$0x3FB4];
	_ =	sdelay $0x3  }
0x34: {  	[smem:$0x3FB4] =	sst s10  }
0x35: {  	s10 =	sld [smem:$0x3FB3];
	_ =	sdelay $0x3  }
0x36: {  	p1 =	seq.s32 s10, $0x1;
	s10 =	sld [smem:$0x3FB4];
	_ =	sdelay $0x3  }
0x37: {  	[smem:$0x3FB4] =	sst s10  }
0x38: {  	s10 =	sld [smem:$0x3FB5]  }
0x39: {  	_ = 	snop;
	(pc) =	sbr.ind lr, $3  }
0x3a: {  	_ = 	snop  }
0x3b: {  	_ = 	snop  }
0x3c: {  	p2 =	seq.s32 s10, $0x1;
	s10 =	sld [smem:$0x3FB4]  }
0x3d: {  	_ =	shalt  }
0x3e: {  	_ =	shalt  }
0x3f: {  	_ =	shalt  }
0x40: {  	_ =	shalt  }
0x41: {  	_ =	shalt  }
0x42: {  	_ =	shalt  }
0x43: {  	_ =	shalt  }
0x44: {  	_ =	shalt  }
0x45: {  	_ =	shalt  }
0x46: {  	_ =	shalt  }
0x47: {  	_ =	shalt  }
0x48: {  	_ =	shalt  }
0x49: {  	_ =	shalt  }
0x4a: {  	_ =	shalt  }
0x4b: {  	_ =	shalt  }
0x4c: {  	_ =	shalt  }
0x4d: {  	_ =	shalt  }
0x4e: {  	_ =	shalt  }
0x4f: {  	_ =	shalt  }
0x50: {  	_ =	shalt  }
0x51: {  	_ =	shalt  }
0x52: {  	_ =	shalt  }
0x53: {  	_ =	shalt  }
0x54: {  	_ =	shalt  }
0x55: {  	_ =	shalt  }
0x56: {  	_ =	shalt  }
0x57: {  	_ =	shalt  }
0x58: {  	_ =	shalt  }
0x59: {  	_ =	shalt  }
0x5a: {  	_ =	shalt  }
0x5b: {  	_ =	shalt  }
0x5c: {  	_ =	shalt  }
0x5d: {  	_ =	shalt  }
0x5e: {  	_ =	shalt  }
0x5f: {  	_ =	shalt  }
0x60: {  	_ =	shalt  }
0x61: {  	_ =	shalt  }
0x62: {  	_ =	shalt  }
0x63: {  	_ =	shalt  }
0x64: {  	_ =	shalt  }
0x65: {  	_ =	shalt  }
0x66: {  	_ =	shalt  }
0x67: {  	_ =	shalt  }
0x68: {  	_ =	shalt  }
0x69: {  	_ =	shalt  }
0x6a: {  	_ =	shalt  }
0x6b: {  	_ =	shalt  }
0x6c: {  	_ =	shalt  }
0x6d: {  	_ =	shalt  }
0x6e: {  	_ =	shalt  }
0x6f: {  	_ =	shalt  }
0x70: {  	_ =	shalt  }
0x71: {  	_ =	shalt  }
0x72: {  	_ =	shalt  }
0x73: {  	_ =	shalt  }
0x74: {  	_ =	shalt  }
0x75: {  	_ =	shalt  }
0x76: {  	_ =	shalt  }
0x77: {  	_ =	shalt  }
0x78: {  	_ =	shalt  }
0x79: {  	_ =	shalt  }
0x7a: {  	_ =	shalt  }
0x7b: {  	_ =	shalt  }
0x7c: {  	_ =	shalt  }
0x7d: {  	_ =	shalt  }
0x7e: {  	_ =	shalt  }
0x7f: {  	_ =	shalt  }
0x80: {  	_ =	shalt  }
0x81: {  	_ =	shalt  }
0x82: {  	_ =	shalt  }
0x83: {  	_ =	shalt  }
0x84: {  	_ =	shalt  }
0x85: {  	_ =	shalt  }
0x86: {  	_ =	shalt  }
0x87: {  	_ =	shalt  }
.Lfunc_end0:
.L_simem_size_0:
called_computation_lowered:
.L_overlay_start_0:
0x88: {  	s2 =	sld [smem:$0x3FD9]  }
0x89: {  	s3 =	sld [smem:$0x3FFE];
	_ =	sdelay $0x1  }
0x8a: {  	s1 =	srdreg.scid  }
0x8b: {  	s0 =	sand.u32 $0x1, s1  }
0x8c: {  	s17 =	sshll.u32 s0, $0xA;
	s2 =	sadd.s32 s3, s2  }
0x8d: {  	s2 =	sadd.s32 s2, s17  }
0x8e: {  	[smem:$0x3FC0] =	sst s2  }
0x8f: {  	_ = 	snop  }
0x90: {  	s2 =	sld [smem:$0x3FD0];
	(tm) =	ssettm $0x1  }
0x91: {  	s18 =	sld [smem:$0x3FFB];
	_ =	sdelay $0x3  }
0x92: {  	_ =	strace s18  }
0x93: {  	s3 =	sld [smem:$0x3FFC];
	_ =	sdelay $0x3  }
0x94: {  	_ =	strace s3  }
0x95: {  	s3 =	sld [smem:$0x3FFD];
	_ =	sdelay $0x3  }
0x96: {  	_ =	strace s3  }
0x97: {  	_ =	strace $0x8FFFFFFF  }
0x98: {  	s19 =	sld [smem:$0x3FDB];
	_ =	sdelay $0x1  }
0x99: {  	s4 =	simm.s32 $_scs_section_size  }
0x9a: {  	s5 =	simm.s32 $_size__tile_overlayer_lowered;
	s6 =	simm.s32 $_tile_overlayer_lowered  }
0x9b: {  	s22 =	simm.s32 $0x1BFF;
	s21 =	sshll.u32 s6, $0x1;
	s3 =	sadd.s32 s4, s19  }
0x9c: {  	s7 =	simm.s32 $0x0;
	s20 =	sshll.u32 s5, $0x1;
	s5 =	sadd.s32 s21, s3  }
0x9d: {  	[timem:s7], [sflag:s22] =	dma.local [hbm:s5], s20  }
0x9e: {  	_ =	swait.ge [sflag:s22], s20  }
0x9f: {  	s4 =	ssub.s32 $0x0, s20;
	[sflag:s22] =	ssyncset.done $0x0  }
0xa0: {  	[sflag:s22] =	ssyncadd.s32 s4;
	_ =	sdelay $0x1  }
0xa1: {  	s23 =	simm.s32 $0x1B8B  }
0xa2: {  	_ =	swait.ge [sflag:s23], $0x1  }
0xa3: {  	[sflag:s23] =	ssyncset.done $0x0  }
0xa4: {  	s25 =	simm.s32 $0x1B8E;
	s24 =	sld [smem:$0x3FFE];
	[sflag:s23] =	ssyncadd.s32 $0xFFFFFFFF  }
0xa5: {  	s26 =	simm.s32 $execute0_lowered;
	[smem:$0x3FD2] =	sst s25  }
0xa6: {  	s5 =	sshll.u32 s26, $0x1;
	_ =	strace $0x80000046;
	[dreg:$0x1] =	wrdreg $0xFFFFFFFF  }
0xa7: {  	s28 =	simm.s32 $_size_execute0_lowered;
	s3 =	sadd.s32 s3, s5;
	[dreg:$0x0] =	wrdreg $0x0  }
0xa8: {  	s5 =	sshll.u32 s28, $0x1;
	[dreg:$0x2] =	wrdreg s3  }
0xa9: {  	[dreg:$0x3] =	wrdreg s5  }
0xaa: {  	[dreg:$0x4] =	wrdreg $0xC0  }
0xab: {  	_ =	task [dreg:s7], $0x5FFFF  }
0xac: {  	[dreg:$0x1] =	wrdreg $0xFFFFFFFF  }
0xad: {  	[dreg:$0x0] =	wrdreg $0x60  }
0xae: {  	[dreg:$0x2] =	wrdreg s2  }
0xaf: {  	[dreg:$0x3] =	wrdreg s24  }
0xb0: {  	[dreg:$0x4] =	wrdreg $0x9  }
0xb1: {  	_ =	task.clear_ibuf [dreg:s7], $0x5FFFF;
	_ =	strace $0x90000046  }
0xb2: {  	s29 =	simm.s32 $0x9;
	_ =	strace $0x80000048  }
0xb3: {  	_ =	swait.ge [sflag:s29], $0x1  }
0xb4: {  	[sflag:s29] =	ssyncadd.s32 $0xFFFFFFFF  }
0xb5: {  	_ =	strace $0x90000048  }
0xb6: {  	_ =	sfence  }
0xb7: {  	s30 =	sld [smem:$0x0];
	_ =	sdelay $0x2  }
0xb8: {  	s31 =	sshll.u32 s1, $0xD;
	s1 =	sshrl.u32 s1, $0x2  }
0xb9: {  	s3 =	sand.u32 $0x4000, s31;
	s1 =	sadd.s32 s1, s30  }
0xba: {  	s0 =	sor.u32 s3, s0;
	s1 =	sshll.u32 s1, $0x11  }
0xbb: {  	s0 =	sor.u32 s1, s0  }
0xbc: {  	s0 =	sadd.s32 $0x8F2B, s0  }
0xbd: {  	[sflag:s0] =	ssyncadd.remote.s32 $0x1  }
0xbe: {  	_ =	sfence.sel $0xFFFF  }
0xbf: {  	[dreg:$0x0] =	wrdreg $0xFFFFFFFF;
	(pc) =	sbr.abs _section_cstart, $3  }
0xc0: {  	[dreg:$0x1] =	wrdreg $0xFFFFFFFF  }
0xc1: {  	_ =	task.clear_ibuf [dreg:s7], $0x2FFFF;
	_ =	strace $0x9FFFFFFF  }
0xc2: {  	(tm) =	ssettm $0x7FFFFFFF  }
0xc3: {  	_ =	shalt  }
tec
execute0_lowered:
.L_overlay_start_1:
0x0: {  	(tag) =	ssettag $0x1  }
0x1: {  	s0 =	srdreg.scid  }
0x2: {  	s1 =	rddreg [dreg:$0x0];
	s2 =	stileid.u32  }
0x3: {  	s6 =	rddreg [dreg:$0x1];
	s26 =	simm.s32 $0x80;
	s8 =	simm.s32 $0x2  }
0x4: {  	s18 =	simm.s32 $0x100;
	s21 =	simm.s32 $0x1900;
	s22 =	simm.s32 $0x2100  }
0x5: {  	s23 =	simm.s32 $0x2900;
	s24 =	simm.s32 $0x3100;
	s28 =	simm.s32 $0x4900  }
0x6: {  	s29 =	simm.s32 $0x5100;
	s30 =	simm.s32 $0x5900;
	s31 =	simm.s32 $0x6100  }
0x7: {  	s10 =	simm.s32 $0x7900;
	s11 =	simm.s32 $0x8100;
	s12 =	simm.s32 $0x8900  }
0x8: {  	s13 =	simm.s32 $0x9100;
	s14 =	simm.s32 $0x9900;
	s15 =	simm.s32 $0xA100  }
0x9: {  	s16 =	simm.s32 $0xA900;
	s17 =	simm.s32 $0xB100;
	s9 =	simm.s32 $0xB900  }
0xa: {  	s0 =	sand.u32 $0x1, s0;
	s3 =	sshll.u32 s2, $0x7;
	s2 =	simm.s32 $0x0  }
0xb: {  	s4 =	sshll.u32 s0, $0x6;
	[smem:$0x7FF] =	sst s2;
	s0 =	ssub.s32 $0x2, s0  }
0xc: {  	s4 =	sor.u32 s4, s3;
	_ =	strace $0x80000047;
	s25 =	sshrl.u32 s0, $0x1  }
0xd: {  	[dreg:$0x6] =	wrdreg s26;
	s3 =	sshrl.u32 s4, $0x3;
	s4 =	sshll.u32 s4, $0x7  }
0xe: {  	s26 =	simm.s32 $0x4100;
	s5 =	sadd.s32 s3, s6;
	s1 =	sadd.s32 s1, s4  }
0xf: {  	s0 =	ssub.s32 s0, s25;
	s7 =	sadd.s32 $0x40200, s5;
	[dreg:$0x5] =	wrdreg s1  }
0x10: {  	v2 =	vlaneseq.u32;
	s25 =	simm.s32 $0x3900;
	s5 =	sadd.s32 $0x40000, s5;
	[dreg:$0x3] =	wrdreg s7  }
0x11: {  	vm0 =	vmmov $0xffff;
	v1 =	vshrl.u32 v2, $0x3;
	s3 =	sadd.s32 $0x40400, s6;
	s4 =	sadd.s32 $0x40500, s6;
	[dreg:$0x4] =	wrdreg s5  }
0x12: {  	v0 =	vand.u32 $0x7, v2;
	v2 =	vor.u32 $0x8, v2;
	v1 =	vmul.u32 $0x8, v1;
	s5 =	sadd.s32 $0x40600, s6;
	s6 =	sadd.s32 $0x40700, s6;
	s7 =	smax.u32 s0, $0x1  }
.LBB2_1:
0x13: {  	s19 =	rddreg [dreg:$0x3]  }
0x14: {  	[tilespmem:s2], [sflag:$0x2] =	stream.linear.gather [hbm4b:s19+s2], $0x40, $0x38;
	[tilespmem:$0x10100] =	vst v63  }
0x15: {  	_ =	swait.ge [sflag:s8], $0x40  }
0x16: {  	s0 =	rddreg [dreg:$0x4];
	[sflag:s8] =	ssyncset.done $0x0  }
0x17: {  	s20 =	rddreg [dreg:$0x6];
	[sflag:s8] =	ssyncadd.s32 $0xFFFFFFC0  }
0x18: {  	[tilespmem:s20], [sflag:$0x2] =	stream.linear.gather [hbm4b:s0+s2], $0x40, $0x38;
	[tilespmem:$0x10100] =	vst v63  }
0x19: {  	_ =	swait.ge [sflag:s8], $0x40  }
0x1a: {  	[sflag:s8] =	ssyncset.done $0x0  }
0x1b: {  	s1 =	rddreg [dreg:$0x5];
	[sflag:s8] =	ssyncadd.s32 $0xFFFFFFC0  }
0x1c: {  	[tilespmem:s18], [sflag:$0x2] =	stream.linear.gather [hbm4b:s1+s2], $0x10000, $0x38;
	[tilespmem:$0x10100] =	vst v63  }
0x1d: {  	_ =	swait.ge [sflag:s8], $0x10000  }
0x1e: {  	[sflag:s8] =	ssyncset.done $0x0  }
0x1f: {  	[sflag:s8] =	ssyncadd.s32 $0xFFFF0000  }
0x20: {  	v3 =	vld [tilespmem:$0x0];
	_ =	sdelay $0x4  }
0x21: {  	v4 =	vshll.u32 v3, $0x3  }
0x22: {  	v3 =	vand.u32 $0x7, v3;
	v4 =	vand.u32 $0xFFFFFFC0, v4  }
0x23: {  	v3 =	vor.u32 v3, v4  }
0x24: {  	v4 =	vperm.xlane v3, v0;
	_ =	sdelay $0x1  }
0x25: {  	v4 =	vadd.s32 v1, v4;
	_ =	sdelay $0x4  }
0x26: {  	[hbm4b:s3+s2] =	stream.indirect_vreg.scatter [tilespmem:s18], [sflag:$0x1], $0x80, v4, vm0, $0xb8;
	[tilespmem:$0x10100] =	vst v63  }
0x27: {  	s19 =	simm.s32 $0x900;
	v3 =	vperm.xlane v3, v2  }
0x28: {  	[hbm4b:s4+s2] =	stream.indirect_vreg.scatter [tilespmem:s19], [sflag:$0x1], $0x80, v4, vm0, $0xb8;
	[tilespmem:$0x10100] =	vst v63  }
0x29: {  	s20 =	simm.s32 $0x1100;
	v3 =	vadd.s32 v1, v3  }
0x2a: {  	[hbm4b:s5+s2] =	stream.indirect_vreg.scatter [tilespmem:s20], [sflag:$0x1], $0x80, v4, vm0, $0xb8;
	[tilespmem:$0x10100] =	vst v63  }
0x2b: {  	_ = 	snop  }
0x2c: {  	[hbm4b:s6+s2] =	stream.indirect_vreg.scatter [tilespmem:s21], [sflag:$0x1], $0x80, v4, vm0, $0xb8;
	[tilespmem:$0x10100] =	vst v63  }
0x2d: {  	_ = 	snop  }
0x2e: {  	[hbm4b:s3+s2] =	stream.indirect_vreg.scatter [tilespmem:s22], [sflag:$0x1], $0x80, v3, vm0, $0xb8;
	[tilespmem:$0x10100] =	vst v63  }
0x2f: {  	_ = 	snop  }
0x30: {  	[hbm4b:s4+s2] =	stream.indirect_vreg.scatter [tilespmem:s23], [sflag:$0x1], $0x80, v3, vm0, $0xb8;
	[tilespmem:$0x10100] =	vst v63  }
0x31: {  	_ = 	snop  }
0x32: {  	[hbm4b:s5+s2] =	stream.indirect_vreg.scatter [tilespmem:s24], [sflag:$0x1], $0x80, v3, vm0, $0xb8;
	[tilespmem:$0x10100] =	vst v63  }
0x33: {  	_ = 	snop  }
0x34: {  	[hbm4b:s6+s2] =	stream.indirect_vreg.scatter [tilespmem:s25], [sflag:$0x1], $0x80, v3, vm0, $0xb8;
	[tilespmem:$0x10100] =	vst v63  }
0x35: {  	v3 =	vld [tilespmem:$0x10];
	_ =	sdelay $0x4  }
0x36: {  	v57 =	vshll.u32 v3, $0x3  }
0x37: {  	v3 =	vand.u32 $0x7, v3;
	v4 =	vand.u32 $0xFFFFFFC0, v57  }
0x38: {  	v3 =	vor.u32 v3, v4  }
0x39: {  	v4 =	vperm.xlane v3, v0;
	_ =	sdelay $0x1  }
0x3a: {  	v4 =	vadd.s32 v1, v4;
	_ =	sdelay $0x4  }
0x3b: {  	[hbm4b:s3+s2] =	stream.indirect_vreg.scatter [tilespmem:s26], [sflag:$0x1], $0x80, v4, vm0, $0xb8;
	[tilespmem:$0x10100] =	vst v63  }
0x3c: {  	v3 =	vperm.xlane v3, v2  }
0x3d: {  	[hbm4b:s4+s2] =	stream.indirect_vreg.scatter [tilespmem:s28], [sflag:$0x1], $0x80, v4, vm0, $0xb8;
	[tilespmem:$0x10100] =	vst v63  }
0x3e: {  	v3 =	vadd.s32 v1, v3  }
0x3f: {  	[hbm4b:s5+s2] =	stream.indirect_vreg.scatter [tilespmem:s29], [sflag:$0x1], $0x80, v4, vm0, $0xb8;
	[tilespmem:$0x10100] =	vst v63  }
0x40: {  	_ = 	snop  }
0x41: {  	[hbm4b:s6+s2] =	stream.indirect_vreg.scatter [tilespmem:s30], [sflag:$0x1], $0x80, v4, vm0, $0xb8;
	[tilespmem:$0x10100] =	vst v63  }
0x42: {  	_ = 	snop  }
0x43: {  	[hbm4b:s3+s2] =	stream.indirect_vreg.scatter [tilespmem:s31], [sflag:$0x1], $0x80, v3, vm0, $0xb8;
	[tilespmem:$0x10100] =	vst v63  }
0x44: {  	s1 =	simm.s32 $0x6900  }
0x45: {  	[hbm4b:s4+s2] =	stream.indirect_vreg.scatter [tilespmem:s1], [sflag:$0x1], $0x80, v3, vm0, $0xb8;
	[tilespmem:$0x10100] =	vst v63  }
0x46: {  	s0 =	simm.s32 $0x7100  }
0x47: {  	[hbm4b:s5+s2] =	stream.indirect_vreg.scatter [tilespmem:s0], [sflag:$0x1], $0x80, v3, vm0, $0xb8;
	[tilespmem:$0x10100] =	vst v63  }
0x48: {  	_ = 	snop  }
0x49: {  	[hbm4b:s6+s2] =	stream.indirect_vreg.scatter [tilespmem:s10], [sflag:$0x1], $0x80, v3, vm0, $0xb8;
	[tilespmem:$0x10100] =	vst v63  }
0x4a: {  	v3 =	vld [tilespmem:$0x20];
	_ =	sdelay $0x4  }
0x4b: {  	v58 =	vshll.u32 v3, $0x3  }
0x4c: {  	v3 =	vand.u32 $0x7, v3;
	v4 =	vand.u32 $0xFFFFFFC0, v58  }
0x4d: {  	v3 =	vor.u32 v3, v4  }
0x4e: {  	v4 =	vperm.xlane v3, v0;
	_ =	sdelay $0x1  }
0x4f: {  	v4 =	vadd.s32 v1, v4;
	_ =	sdelay $0x4  }
0x50: {  	[hbm4b:s3+s2] =	stream.indirect_vreg.scatter [tilespmem:s11], [sflag:$0x1], $0x80, v4, vm0, $0xb8;
	[tilespmem:$0x10100] =	vst v63  }
0x51: {  	v3 =	vperm.xlane v3, v2  }
0x52: {  	[hbm4b:s4+s2] =	stream.indirect_vreg.scatter [tilespmem:s12], [sflag:$0x1], $0x80, v4, vm0, $0xb8;
	[tilespmem:$0x10100] =	vst v63  }
0x53: {  	v3 =	vadd.s32 v1, v3  }
0x54: {  	[hbm4b:s5+s2] =	stream.indirect_vreg.scatter [tilespmem:s13], [sflag:$0x1], $0x80, v4, vm0, $0xb8;
	[tilespmem:$0x10100] =	vst v63  }
0x55: {  	_ = 	snop  }
0x56: {  	[hbm4b:s6+s2] =	stream.indirect_vreg.scatter [tilespmem:s14], [sflag:$0x1], $0x80, v4, vm0, $0xb8;
	[tilespmem:$0x10100] =	vst v63  }
0x57: {  	_ = 	snop  }
0x58: {  	[hbm4b:s3+s2] =	stream.indirect_vreg.scatter [tilespmem:s15], [sflag:$0x1], $0x80, v3, vm0, $0xb8;
	[tilespmem:$0x10100] =	vst v63  }
0x59: {  	_ = 	snop  }
0x5a: {  	[hbm4b:s4+s2] =	stream.indirect_vreg.scatter [tilespmem:s16], [sflag:$0x1], $0x80, v3, vm0, $0xb8;
	[tilespmem:$0x10100] =	vst v63  }
0x5b: {  	_ = 	snop  }
0x5c: {  	[hbm4b:s5+s2] =	stream.indirect_vreg.scatter [tilespmem:s17], [sflag:$0x1], $0x80, v3, vm0, $0xb8;
	[tilespmem:$0x10100] =	vst v63  }
0x5d: {  	_ = 	snop  }
0x5e: {  	[hbm4b:s6+s2] =	stream.indirect_vreg.scatter [tilespmem:s9], [sflag:$0x1], $0x80, v3, vm0, $0xb8;
	[tilespmem:$0x10100] =	vst v63  }
0x5f: {  	v3 =	vld [tilespmem:$0x30];
	_ =	sdelay $0x4  }
0x60: {  	v59 =	vshll.u32 v3, $0x3  }
0x61: {  	v3 =	vand.u32 $0x7, v3;
	v4 =	vand.u32 $0xFFFFFFC0, v59  }
0x62: {  	v3 =	vor.u32 v3, v4  }
0x63: {  	v4 =	vperm.xlane v3, v0;
	_ =	sdelay $0x1  }
0x64: {  	v4 =	vadd.s32 v1, v4;
	_ =	sdelay $0x3  }
0x65: {  	s0 =	simm.s32 $0xC100  }
0x66: {  	[hbm4b:s3+s2] =	stream.indirect_vreg.scatter [tilespmem:s0], [sflag:$0x1], $0x80, v4, vm0, $0xb8;
	[tilespmem:$0x10100] =	vst v63  }
0x67: {  	v3 =	vperm.xlane v3, v2;
	s0 =	simm.s32 $0xC900  }
0x68: {  	[hbm4b:s4+s2] =	stream.indirect_vreg.scatter [tilespmem:s0], [sflag:$0x1], $0x80, v4, vm0, $0xb8;
	[tilespmem:$0x10100] =	vst v63  }
0x69: {  	v3 =	vadd.s32 v1, v3;
	s0 =	simm.s32 $0xD100  }
0x6a: {  	[hbm4b:s5+s2] =	stream.indirect_vreg.scatter [tilespmem:s0], [sflag:$0x1], $0x80, v4, vm0, $0xb8;
	[tilespmem:$0x10100] =	vst v63  }
0x6b: {  	s0 =	simm.s32 $0xD900  }
0x6c: {  	[hbm4b:s6+s2] =	stream.indirect_vreg.scatter [tilespmem:s0], [sflag:$0x1], $0x80, v4, vm0, $0xb8;
	[tilespmem:$0x10100] =	vst v63  }
0x6d: {  	s0 =	simm.s32 $0xE100  }
0x6e: {  	[hbm4b:s3+s2] =	stream.indirect_vreg.scatter [tilespmem:s0], [sflag:$0x1], $0x80, v3, vm0, $0xb8;
	[tilespmem:$0x10100] =	vst v63  }
0x6f: {  	s0 =	simm.s32 $0xE900  }
0x70: {  	[hbm4b:s4+s2] =	stream.indirect_vreg.scatter [tilespmem:s0], [sflag:$0x1], $0x80, v3, vm0, $0xb8;
	[tilespmem:$0x10100] =	vst v63  }
0x71: {  	s0 =	simm.s32 $0xF100  }
0x72: {  	[hbm4b:s5+s2] =	stream.indirect_vreg.scatter [tilespmem:s0], [sflag:$0x1], $0x80, v3, vm0, $0xb8;
	[tilespmem:$0x10100] =	vst v63  }
0x73: {  	s0 =	simm.s32 $0xF900  }
0x74: {  	[hbm4b:s6+s2] =	stream.indirect_vreg.scatter [tilespmem:s0], [sflag:$0x1], $0x80, v3, vm0, $0xb8;
	[tilespmem:$0x10100] =	vst v63  }
0x75: {  	v3 =	vld [tilespmem:$0x80];
	_ =	sdelay $0x4  }
0x76: {  	v60 =	vshll.u32 v3, $0x3  }
0x77: {  	v3 =	vand.u32 $0x7, v3;
	v4 =	vand.u32 $0xFFFFFFC0, v60  }
0x78: {  	v3 =	vor.u32 v3, v4  }
0x79: {  	v4 =	vperm.xlane v3, v0;
	_ =	sdelay $0x1  }
0x7a: {  	v4 =	vadd.s32 v1, v4;
	_ =	sdelay $0x4  }
0x7b: {  	[hbm4b:s3+s2] =	stream.indirect_vreg.scatter [tilespmem:s18], [sflag:$0x1], $0x80, v4, vm0, $0xb8;
	[tilespmem:$0x10100] =	vst v63  }
0x7c: {  	v3 =	vperm.xlane v3, v2  }
0x7d: {  	[hbm4b:s4+s2] =	stream.indirect_vreg.scatter [tilespmem:s19], [sflag:$0x1], $0x80, v4, vm0, $0xb8;
	[tilespmem:$0x10100] =	vst v63  }
0x7e: {  	v3 =	vadd.s32 v1, v3  }
0x7f: {  	[hbm4b:s5+s2] =	stream.indirect_vreg.scatter [tilespmem:s20], [sflag:$0x1], $0x80, v4, vm0, $0xb8;
	[tilespmem:$0x10100] =	vst v63  }
0x80: {  	_ = 	snop  }
0x81: {  	[hbm4b:s6+s2] =	stream.indirect_vreg.scatter [tilespmem:s21], [sflag:$0x1], $0x80, v4, vm0, $0xb8;
	[tilespmem:$0x10100] =	vst v63  }
0x82: {  	_ = 	snop  }
0x83: {  	[hbm4b:s3+s2] =	stream.indirect_vreg.scatter [tilespmem:s22], [sflag:$0x1], $0x80, v3, vm0, $0xb8;
	[tilespmem:$0x10100] =	vst v63  }
0x84: {  	_ = 	snop  }
0x85: {  	[hbm4b:s4+s2] =	stream.indirect_vreg.scatter [tilespmem:s23], [sflag:$0x1], $0x80, v3, vm0, $0xb8;
	[tilespmem:$0x10100] =	vst v63  }
0x86: {  	_ = 	snop  }
0x87: {  	[hbm4b:s5+s2] =	stream.indirect_vreg.scatter [tilespmem:s24], [sflag:$0x1], $0x80, v3, vm0, $0xb8;
	[tilespmem:$0x10100] =	vst v63  }
0x88: {  	_ = 	snop  }
0x89: {  	[hbm4b:s6+s2] =	stream.indirect_vreg.scatter [tilespmem:s25], [sflag:$0x1], $0x80, v3, vm0, $0xb8;
	[tilespmem:$0x10100] =	vst v63  }
0x8a: {  	v3 =	vld [tilespmem:$0x90];
	_ =	sdelay $0x4  }
0x8b: {  	v61 =	vshll.u32 v3, $0x3  }
0x8c: {  	v3 =	vand.u32 $0x7, v3;
	v4 =	vand.u32 $0xFFFFFFC0, v61  }
0x8d: {  	v3 =	vor.u32 v3, v4  }
0x8e: {  	v4 =	vperm.xlane v3, v0;
	_ =	sdelay $0x1  }
0x8f: {  	v4 =	vadd.s32 v1, v4;
	_ =	sdelay $0x4  }
0x90: {  	[hbm4b:s3+s2] =	stream.indirect_vreg.scatter [tilespmem:s26], [sflag:$0x1], $0x80, v4, vm0, $0xb8;
	[tilespmem:$0x10100] =	vst v63  }
0x91: {  	v3 =	vperm.xlane v3, v2  }
0x92: {  	[hbm4b:s4+s2] =	stream.indirect_vreg.scatter [tilespmem:s28], [sflag:$0x1], $0x80, v4, vm0, $0xb8;
	[tilespmem:$0x10100] =	vst v63  }
0x93: {  	v3 =	vadd.s32 v1, v3  }
0x94: {  	[hbm4b:s5+s2] =	stream.indirect_vreg.scatter [tilespmem:s29], [sflag:$0x1], $0x80, v4, vm0, $0xb8;
	[tilespmem:$0x10100] =	vst v63  }
0x95: {  	_ = 	snop  }
0x96: {  	[hbm4b:s6+s2] =	stream.indirect_vreg.scatter [tilespmem:s30], [sflag:$0x1], $0x80, v4, vm0, $0xb8;
	[tilespmem:$0x10100] =	vst v63  }
0x97: {  	_ = 	snop  }
0x98: {  	[hbm4b:s3+s2] =	stream.indirect_vreg.scatter [tilespmem:s31], [sflag:$0x1], $0x80, v3, vm0, $0xb8;
	[tilespmem:$0x10100] =	vst v63  }
0x99: {  	_ = 	snop  }
0x9a: {  	[hbm4b:s4+s2] =	stream.indirect_vreg.scatter [tilespmem:s1], [sflag:$0x1], $0x80, v3, vm0, $0xb8;
	[tilespmem:$0x10100] =	vst v63  }
0x9b: {  	s20 =	simm.s32 $0x7100  }
0x9c: {  	[hbm4b:s5+s2] =	stream.indirect_vreg.scatter [tilespmem:s20], [sflag:$0x1], $0x80, v3, vm0, $0xb8;
	[tilespmem:$0x10100] =	vst v63  }
0x9d: {  	_ = 	snop  }
0x9e: {  	[hbm4b:s6+s2] =	stream.indirect_vreg.scatter [tilespmem:s10], [sflag:$0x1], $0x80, v3, vm0, $0xb8;
	[tilespmem:$0x10100] =	vst v63  }
0x9f: {  	v3 =	vld [tilespmem:$0xA0];
	_ =	sdelay $0x4  }
0xa0: {  	v62 =	vshll.u32 v3, $0x3  }
0xa1: {  	v3 =	vand.u32 $0x7, v3;
	v4 =	vand.u32 $0xFFFFFFC0, v62  }
0xa2: {  	v3 =	vor.u32 v3, v4  }
0xa3: {  	v4 =	vperm.xlane v3, v0;
	_ =	sdelay $0x1  }
0xa4: {  	v4 =	vadd.s32 v1, v4;
	_ =	sdelay $0x4  }
0xa5: {  	[hbm4b:s3+s2] =	stream.indirect_vreg.scatter [tilespmem:s11], [sflag:$0x1], $0x80, v4, vm0, $0xb8;
	[tilespmem:$0x10100] =	vst v63  }
0xa6: {  	v3 =	vperm.xlane v3, v2  }
0xa7: {  	[hbm4b:s4+s2] =	stream.indirect_vreg.scatter [tilespmem:s12], [sflag:$0x1], $0x80, v4, vm0, $0xb8;
	[tilespmem:$0x10100] =	vst v63  }
0xa8: {  	v3 =	vadd.s32 v1, v3  }
0xa9: {  	[hbm4b:s5+s2] =	stream.indirect_vreg.scatter [tilespmem:s13], [sflag:$0x1], $0x80, v4, vm0, $0xb8;
	[tilespmem:$0x10100] =	vst v63  }
0xaa: {  	_ = 	snop  }
0xab: {  	[hbm4b:s6+s2] =	stream.indirect_vreg.scatter [tilespmem:s14], [sflag:$0x1], $0x80, v4, vm0, $0xb8;
	[tilespmem:$0x10100] =	vst v63  }
0xac: {  	_ = 	snop  }
0xad: {  	[hbm4b:s3+s2] =	stream.indirect_vreg.scatter [tilespmem:s15], [sflag:$0x1], $0x80, v3, vm0, $0xb8;
	[tilespmem:$0x10100] =	vst v63  }
0xae: {  	_ = 	snop  }
0xaf: {  	[hbm4b:s4+s2] =	stream.indirect_vreg.scatter [tilespmem:s16], [sflag:$0x1], $0x80, v3, vm0, $0xb8;
	[tilespmem:$0x10100] =	vst v63  }
0xb0: {  	_ = 	snop  }
0xb1: {  	[hbm4b:s5+s2] =	stream.indirect_vreg.scatter [tilespmem:s17], [sflag:$0x1], $0x80, v3, vm0, $0xb8;
	[tilespmem:$0x10100] =	vst v63  }
0xb2: {  	_ = 	snop  }
0xb3: {  	[hbm4b:s6+s2] =	stream.indirect_vreg.scatter [tilespmem:s9], [sflag:$0x1], $0x80, v3, vm0, $0xb8;
	[tilespmem:$0x10100] =	vst v63  }
0xb4: {  	v3 =	vld [tilespmem:$0xB0];
	_ =	sdelay $0x4  }
0xb5: {  	v63 =	vshll.u32 v3, $0x3  }
0xb6: {  	v3 =	vand.u32 $0x7, v3;
	v4 =	vand.u32 $0xFFFFFFC0, v63  }
0xb7: {  	v3 =	vor.u32 v3, v4  }
0xb8: {  	v4 =	vperm.xlane v3, v0;
	_ =	sdelay $0x1  }
0xb9: {  	v4 =	vadd.s32 v1, v4;
	_ =	sdelay $0x3  }
0xba: {  	s19 =	simm.s32 $0xC100  }
0xbb: {  	[hbm4b:s3+s2] =	stream.indirect_vreg.scatter [tilespmem:s19], [sflag:$0x1], $0x80, v4, vm0, $0xb8;
	[tilespmem:$0x10100] =	vst v63  }
0xbc: {  	s20 =	simm.s32 $0xC900;
	v3 =	vperm.xlane v3, v2  }
0xbd: {  	[hbm4b:s4+s2] =	stream.indirect_vreg.scatter [tilespmem:s20], [sflag:$0x1], $0x80, v4, vm0, $0xb8;
	[tilespmem:$0x10100] =	vst v63  }
0xbe: {  	v3 =	vadd.s32 v1, v3;
	s19 =	simm.s32 $0xD100  }
0xbf: {  	[hbm4b:s5+s2] =	stream.indirect_vreg.scatter [tilespmem:s19], [sflag:$0x1], $0x80, v4, vm0, $0xb8;
	[tilespmem:$0x10100] =	vst v63  }
0xc0: {  	s20 =	simm.s32 $0xD900  }
0xc1: {  	[hbm4b:s6+s2] =	stream.indirect_vreg.scatter [tilespmem:s20], [sflag:$0x1], $0x80, v4, vm0, $0xb8;
	[tilespmem:$0x10100] =	vst v63  }
0xc2: {  	s19 =	simm.s32 $0xE100  }
0xc3: {  	[hbm4b:s3+s2] =	stream.indirect_vreg.scatter [tilespmem:s19], [sflag:$0x1], $0x80, v3, vm0, $0xb8;
	[tilespmem:$0x10100] =	vst v63  }
0xc4: {  	s20 =	simm.s32 $0xE900  }
0xc5: {  	[hbm4b:s4+s2] =	stream.indirect_vreg.scatter [tilespmem:s20], [sflag:$0x1], $0x80, v3, vm0, $0xb8;
	[tilespmem:$0x10100] =	vst v63  }
0xc6: {  	s19 =	simm.s32 $0xF100  }
0xc7: {  	[hbm4b:s5+s2] =	stream.indirect_vreg.scatter [tilespmem:s19], [sflag:$0x1], $0x80, v3, vm0, $0xb8;
	[tilespmem:$0x10100] =	vst v63  }
0xc8: {  	s20 =	simm.s32 $0x1  }
0xc9: {  	[hbm4b:s6+s2] =	stream.indirect_vreg.scatter [tilespmem:s0], [sflag:$0x1], $0x80, v3, vm0, $0xb8;
	[tilespmem:$0x10100] =	vst v63  }
0xca: {  	p0 =	sne.s32 s7, $0x1;
	_ =	swait.ge [sflag:s20], $0x10000  }
.Ltmp0:
0xcb: {  	[sflag:s20] =	ssyncset.done $0x0;
	(pc) =	sbr.rel @p0 .LBB2_1-.Ltmp0, $4  }
0xcc: {  	[sflag:s20] =	ssyncadd.s32 $0xFFFF0000  }
0xcd: {  	_ =	swait.ge [sflag:s20], $0x10000  }
0xce: {  	[sflag:s20] =	ssyncset.done $0x0  }
0xcf: {  	s7 =	sadd.s32 $0xFFFFFFFF, s7;
	[sflag:s20] =	ssyncadd.s32 $0xFFFF0000  }
0xd0: {  	_ =	sfence.sel $0x180000  }
0xd1: {  	[bflag:$0x0] =	sbarrier.arrive $0xFFFF  }
0xd2: {  	_ =	strace $0x90000047  }
0xd3: {  	s0 =	stileid.u32;
	[bflag:$0x2] =	sbarrier.arrive $0xFFFF  }
0xd4: {  	p0 =	sne.s32 s0, $0x0;
	s0 =	rddreg [dreg:$0x2]  }
0xd5: {  	s0 =	sadd.s32 @!p0 $0x100000, s0  }
0xd6: {  	[sflag:s0] =	ssyncadd.tile.s32 @!p0 $0x1;
	_ =	shalt  }
.Lfunc_end2:
_tile_overlayer_lowered:
.L_overlay_start_2:
0xd7: {  	(tag) =	ssettag $0x2  }
0xd8: {  	s0 =	rddreg [dreg:$0x0];
	s2 =	stileid.u32  }
0xd9: {  	s1 =	rddreg [dreg:$0x1];
	p0 =	sne.s32 s2, $0x0  }
0xda: {  	s3 =	rddreg [dreg:$0x2];
	[bflag:$0x3] =	sbarrier.arrive $0xFFFF;
	s2 =	simm.s32 @!p0 $0x1C02  }
0xdb: {  	[timem:s3], [sflag:s2] =	dma.local @!p0 [hbm:s0], s1  }
0xdc: {  	s0 =	simm.s32 @!p0 $0x2  }
0xdd: {  	_ =	swait.ge @!p0 [sflag:s0], s1  }
0xde: {  	s1 =	ssub.s32 @!p0 $0x0, s1;
	[sflag:s0] =	ssyncset.done @!p0 $0x0  }
0xdf: {  	[sflag:s0] =	ssyncadd.s32 @!p0 s1  }
0xe0: {  	[bflag:$0x3] =	sbarrier.arrive $0xFFFF  }
0xe1: {  	_ =	shalt  }

</sc_bundles>
